<compile_context>
chip_gen: v7x
topology: tpu7x:2x2x1
jax: 0.10.2.dev20260603
libtpu: 0.0.44.dev20260713+nightly
codegen_flags: <defaults>
</compile_context>

<pallas_src>
import functools

import jax
import jax.numpy as jnp
from jax import lax
from jax.experimental import pallas as pl
from jax.experimental.pallas import tpu as pltpu
from jax.experimental.pallas import tpu_sc as plsc

N_ROWS = 16384
ROW_W = 3200
D_IDX = 200
EMBED = 16

NC = 2
NS = 16
NW = NC * NS

N_CHUNK = 2
CH_ROWS = N_ROWS // N_CHUNK
N_G = CH_ROWS * D_IDX
G_PER_W = N_G // NW
BLK = 1600
N_BLK = G_PER_W // BLK
CHUNK = 128
N_FULL = BLK // CHUNK
TAIL = BLK - N_FULL * CHUNK
NBUF = 4
PREF = 2


def _sc_body(p_hbm, tab_hbm, pe_hbm, idx_v, pe_v, sem_ld, sem_st, sem_g):
    wid = lax.axis_index("s") * NC + lax.axis_index("c")
    g0 = wid * G_PER_W

    def start_load(blk_i, j):
        base = g0 + blk_i * BLK
        pltpu.async_copy(p_hbm.at[pl.ds(base, BLK)], idx_v.at[j],
                         sem_ld.at[j])

    def wait_load(blk_i, j):
        base = g0 + blk_i * BLK
        pltpu.make_async_copy(p_hbm.at[pl.ds(base, BLK)], idx_v.at[j],
                              sem_ld.at[j]).wait()

    def start_store(blk_i, j):
        base = g0 + blk_i * BLK
        pltpu.async_copy(pe_v.at[j], pe_hbm.at[pl.ds(base, BLK), :],
                         sem_st.at[j])

    def wait_store(blk_i, j):
        base = g0 + blk_i * BLK
        pltpu.make_async_copy(pe_v.at[j], pe_hbm.at[pl.ds(base, BLK), :],
                              sem_st.at[j]).wait()

    def gather_block(j):
        copies = []
        for c in range(N_FULL):
            copies.append(pltpu.async_copy(
                tab_hbm.at[idx_v.at[j, pl.ds(c * CHUNK, CHUNK)]],
                pe_v.at[j, pl.ds(c * CHUNK, CHUNK), :],
                sem_g,
            ))
        copies.append(pltpu.async_copy(
            tab_hbm.at[idx_v.at[j, pl.ds(N_FULL * CHUNK, TAIL)]],
            pe_v.at[j, pl.ds(N_FULL * CHUNK, TAIL), :],
            sem_g,
        ))
        for cp in copies:
            cp.wait()

    for j in range(PREF):
        start_load(j, j)

    @pl.loop(0, N_BLK, step=NBUF)
    def blk_loop(b0):
        for j in range(NBUF):
            b = b0 + j
            nb = b + PREF
            jn = (j + PREF) % NBUF

            @pl.when(nb < N_BLK)
            def _prefetch():
                @pl.when(b >= PREF)
                def _drain_store():
                    wait_store(b - PREF, jn)
                start_load(nb, jn)

            wait_load(b, j)
            gather_block(j)
            start_store(b, j)

    for b in range(N_BLK - NBUF, N_BLK):
        wait_store(b, b % NBUF)


def _sc_gather(pf, tab):
    mesh = plsc.VectorSubcoreMesh(
        core_axis_name="c", subcore_axis_name="s", num_cores=NC,
        num_subcores=NS,
    )
    return pl.kernel(
        _sc_body,
        out_type=jax.ShapeDtypeStruct((N_G, EMBED), jnp.float32),
        mesh=mesh,
        scratch_types=[
            pltpu.VMEM((NBUF, BLK), jnp.int32),
            pltpu.VMEM((NBUF, BLK, EMBED), jnp.float32),
            pltpu.SemaphoreType.DMA((NBUF,)),
            pltpu.SemaphoreType.DMA((NBUF,)),
            pltpu.SemaphoreType.DMA,
        ],
        compiler_params=pltpu.CompilerParams(use_tc_tiling_on_sc=False),
    )(pf, tab)


@functools.partial(jax.jit, static_argnames=())
def _run(x, p, tab):
    outs = []
    for k in range(N_CHUNK):
        pk = p[k * CH_ROWS:(k + 1) * CH_ROWS].reshape(N_G)
        pe = _sc_gather(pk, tab)
        xk = x[k * CH_ROWS:(k + 1) * CH_ROWS]
        outs.append(xk + pe.reshape(CH_ROWS, ROW_W))
    return jnp.concatenate(outs, axis=0)


def kernel(x, p, pos_table):
    return _run(x, p.astype(jnp.int32), pos_table)

# --- scband reference (transcript-rebuilt; emitter-appended) ---
"""Pipeline reference for scband-sane-chunkwise-positional-embedding-26079041421363 (READ-ONLY COPY).

The authoritative reference and input builder live on the scoring server;
editing this copy changes nothing except your own understanding.
"""

import jax, jax.numpy as jnp
import numpy as np

MAX_POSITIONS = 8192
EMBED_DIM = 16
CHUNK_SIZE = 1

def setup_inputs(seed: int = 0) -> dict:
    key = jax.random.key(seed)
    k1, k2, k3 = jax.random.split(key, 3)
    x = jax.random.normal(k1, (16384, 3200), dtype=jnp.float32)
    p = jax.random.randint(k2, (16384, 200), 0, MAX_POSITIONS, dtype=jnp.int64 if jax.config.jax_enable_x64 else jnp.int32)
    pos_table = jax.random.normal(k3, (MAX_POSITIONS, EMBED_DIM), dtype=jnp.float32) * 0.02
    return {"x": x, "p": p, "pos_table": pos_table}

def reference(x, p, pos_table):
    D = p.shape[-1]
    orig_shape = tuple(p.shape[:-1])
    n_chunks = D // CHUNK_SIZE
    p_flat = p.reshape(-1, n_chunks, CHUNK_SIZE)
    # embedding lookup: gather rows of pos_table
    pe = jnp.take(pos_table, p_flat, axis=0)  # (-1, n_chunks, chunk_size, embed_dim)
    pe = pe.reshape(orig_shape + (EMBED_DIM * n_chunks,))
    return x + pe

if __name__ == "__main__":
    import jax
    _d = setup_inputs()
    print(jax.jit(kernel)(*tuple(_d.values())))

</pallas_src>

<mosaic_0001>
#map = affine_map<(d0, d1) -> (0)>
#map1 = affine_map<(d0, d1) -> (0, 0)>
module attributes {stable_mosaic.version = 14 : i64} {
  func.func @_sc_body(%arg0: i32, %arg1: i32, %arg2: memref<1638400xi32, #tpu.memory_space<hbm>>, %arg3: memref<8192x16xf32, #tpu.memory_space<hbm>>, %arg4: memref<1638400x16xf32, #tpu.memory_space<hbm>>, %arg5: memref<4x1600xi32, #tpu.memory_space<vmem>>, %arg6: memref<4x1600x16xf32, #tpu.memory_space<vmem>>, %arg7: memref<4x!tpu.dma_semaphore, #tpu.memory_space<semaphore_mem>>, %arg8: memref<4x!tpu.dma_semaphore, #tpu.memory_space<semaphore_mem>>, %arg9: memref<!tpu.dma_semaphore, #tpu.memory_space<semaphore_mem>>) attributes {dimension_semantics = [#tpu.dimension_semantics<core_parallel>, #tpu.dimension_semantics<subcore_parallel>], iteration_bounds = array<i64: 2, 16>, scalar_prefetch = 0 : i64, scratch_operands = 5 : i64, tpu.core_type = #tpu.core_type<sc_vector_subcore>, window_params = [{transform_indices = #map}, {transform_indices = #map1}, {transform_indices = #map1}]} {
    %mul3A = arith.constant 2 : i32
    %mul3A_0 = arith.muli %arg1, %mul3A : i32
    %add3A = arith.addi %mul3A_0, %arg0 : i32
    %mul3A_1 = arith.constant 51200 : i32
    %mul3A_2 = arith.muli %add3A, %mul3A_1 : i32
    %add3A_3 = arith.constant 0 : i32
    %add3A_4 = arith.addi %mul3A_2, %add3A_3 : i32
    %dma_start3A = arith.constant 0 : i32
    %dma_start3A_5 = arith.constant 0 : i32
    %dma_start3A_6 = arith.constant 0 : i32
    %dma_start3A_7 = tpu.memref_slice %arg5[%dma_start3A, %dma_start3A_6] : memref<4x1600xi32, #tpu.memory_space<vmem>> -> memref<1x1600xi32, #tpu.memory_space<vmem>>
    %dma_start3A_8 = tpu.memref_squeeze %dma_start3A_7 : memref<1x1600xi32, #tpu.memory_space<vmem>> -> memref<1600xi32, #tpu.memory_space<vmem>>
    %dma_start3A_9 = tpu.memref_slice %arg2[%add3A_4] : memref<1638400xi32, #tpu.memory_space<hbm>> -> memref<1600xi32, #tpu.memory_space<hbm>>
    %dma_start3A_10 = tpu.memref_slice %arg7[%dma_start3A_5] : memref<4x!tpu.dma_semaphore, #tpu.memory_space<semaphore_mem>> -> memref<1x!tpu.dma_semaphore, #tpu.memory_space<semaphore_mem>>
    %dma_start3A_11 = tpu.memref_squeeze %dma_start3A_10 : memref<1x!tpu.dma_semaphore, #tpu.memory_space<semaphore_mem>> -> memref<!tpu.dma_semaphore, #tpu.memory_space<semaphore_mem>>
    %dma_start3A_12 = arith.constant 0 : i32
    %dma_start3A_13 = tpu.memref_slice %arg5[%dma_start3A, %dma_start3A_12] : memref<4x1600xi32, #tpu.memory_space<vmem>> -> memref<1x1600xi32, #tpu.memory_space<vmem>>
    %dma_start3A_14 = tpu.memref_squeeze %dma_start3A_13 : memref<1x1600xi32, #tpu.memory_space<vmem>> -> memref<1600xi32, #tpu.memory_space<vmem>>
    %dma_start3A_15 = tpu.memref_slice %arg2[%add3A_4] : memref<1638400xi32, #tpu.memory_space<hbm>> -> memref<1600xi32, #tpu.memory_space<hbm>>
    tpu.enqueue_dma source(%dma_start3A_15 : memref<1600xi32, #tpu.memory_space<hbm>>) target(%dma_start3A_14 : memref<1600xi32, #tpu.memory_space<vmem>>) target_semaphore(%dma_start3A_11 : memref<!tpu.dma_semaphore, #tpu.memory_space<semaphore_mem>>)
    %add3A_16 = arith.constant 1600 : i32
    %add3A_17 = arith.addi %mul3A_2, %add3A_16 : i32
    %dma_start3A_18 = arith.constant 1 : i32
    %dma_start3A_19 = arith.constant 1 : i32
    %dma_start3A_20 = arith.constant 0 : i32
    %dma_start3A_21 = tpu.memref_slice %arg5[%dma_start3A_18, %dma_start3A_20] : memref<4x1600xi32, #tpu.memory_space<vmem>> -> memref<1x1600xi32, #tpu.memory_space<vmem>>
    %dma_start3A_22 = tpu.memref_squeeze %dma_start3A_21 : memref<1x1600xi32, #tpu.memory_space<vmem>> -> memref<1600xi32, #tpu.memory_space<vmem>>
    %dma_start3A_23 = tpu.memref_slice %arg2[%add3A_17] : memref<1638400xi32, #tpu.memory_space<hbm>> -> memref<1600xi32, #tpu.memory_space<hbm>>
    %dma_start3A_24 = tpu.memref_slice %arg7[%dma_start3A_19] : memref<4x!tpu.dma_semaphore, #tpu.memory_space<semaphore_mem>> -> memref<1x!tpu.dma_semaphore, #tpu.memory_space<semaphore_mem>>
    %dma_start3A_25 = tpu.memref_squeeze %dma_start3A_24 : memref<1x!tpu.dma_semaphore, #tpu.memory_space<semaphore_mem>> -> memref<!tpu.dma_semaphore, #tpu.memory_space<semaphore_mem>>
    %dma_start3A_26 = arith.constant 0 : i32
    %dma_start3A_27 = tpu.memref_slice %arg5[%dma_start3A_18, %dma_start3A_26] : memref<4x1600xi32, #tpu.memory_space<vmem>> -> memref<1x1600xi32, #tpu.memory_space<vmem>>
    %dma_start3A_28 = tpu.memref_squeeze %dma_start3A_27 : memref<1x1600xi32, #tpu.memory_space<vmem>> -> memref<1600xi32, #tpu.memory_space<vmem>>
    %dma_start3A_29 = tpu.memref_slice %arg2[%add3A_17] : memref<1638400xi32, #tpu.memory_space<hbm>> -> memref<1600xi32, #tpu.memory_space<hbm>>
    tpu.enqueue_dma source(%dma_start3A_29 : memref<1600xi32, #tpu.memory_space<hbm>>) target(%dma_start3A_28 : memref<1600xi32, #tpu.memory_space<vmem>>) target_semaphore(%dma_start3A_25 : memref<!tpu.dma_semaphore, #tpu.memory_space<semaphore_mem>>)
    %scan3A = arith.constant 0 : i32
    %scan3A_30 = arith.constant 8 : i32
    %scan3A_31 = arith.addi %scan3A, %scan3A_30 : i32
    %scan3A_32 = arith.constant 1 : i32
    scf.for %scan3A_105 = %scan3A to %scan3A_31 step %scan3A_32  : i32 {
      %mul3A_106 = arith.constant 4 : i32
      %mul3A_107 = arith.muli %scan3A_105, %mul3A_106 : i32
      %add3A_108 = arith.constant 0 : i32
      %add3A_109 = arith.addi %add3A_108, %mul3A_107 : i32
      %add3A_110 = arith.constant 0 : i32
      %add3A_111 = arith.addi %add3A_109, %add3A_110 : i32
      %add3A_112 = arith.constant 2 : i32
      %add3A_113 = arith.addi %add3A_111, %add3A_112 : i32
      %lt3A = arith.constant 32 : i32
      %lt3A_114 = arith.cmpi slt, %add3A_113, %lt3A : i32
      %convert_element_type3A = arith.extui %lt3A_114 : i1 to i32
      %cond3A = arith.constant 0 : i32
      %cond3A_115 = arith.cmpi ne, %convert_element_type3A, %cond3A : i32
      scf.if %cond3A_115 {
        %ge3A = arith.constant 2 : i32
        %ge3A_1527 = arith.cmpi sge, %add3A_111, %ge3A : i32
        %convert_element_type3A_1528 = arith.extui %ge3A_1527 : i1 to i32
        %cond3A_1529 = arith.constant 0 : i32
        %cond3A_1530 = arith.cmpi ne, %convert_element_type3A_1528, %cond3A_1529 : i32
        scf.if %cond3A_1530 {
          %sub3A = arith.constant 2 : i32
          %sub3A_1546 = arith.subi %add3A_111, %sub3A : i32
          %mul3A_1547 = arith.constant 1600 : i32
          %mul3A_1548 = arith.muli %sub3A_1546, %mul3A_1547 : i32
          %add3A_1549 = arith.addi %mul3A_2, %mul3A_1548 : i32
          %dma_wait3A_1550 = arith.constant 2 : i32
          %dma_wait3A_1551 = arith.constant 2 : i32
          %dma_wait3A_1552 = arith.constant 0 : i32
          %dma_wait3A_1553 = arith.constant 0 : i32
          %dma_wait3A_1554 = tpu.memref_slice %arg6[%dma_wait3A_1550, %dma_wait3A_1552, %dma_wait3A_1553] : memref<4x1600x16xf32, #tpu.memory_space<vmem>> -> memref<1x1600x16xf32, #tpu.memory_space<vmem>>
          %dma_wait3A_1555 = tpu.memref_squeeze %dma_wait3A_1554 : memref<1x1600x16xf32, #tpu.memory_space<vmem>> -> memref<1600x16xf32, #tpu.memory_space<vmem>>
          %dma_wait3A_1556 = arith.constant 0 : i32
          %dma_wait3A_1557 = tpu.memref_slice %arg4[%add3A_1549, %dma_wait3A_1556] : memref<1638400x16xf32, #tpu.memory_space<hbm>> -> memref<1600x16xf32, #tpu.memory_space<hbm>>
          %dma_wait3A_1558 = tpu.memref_slice %arg8[%dma_wait3A_1551] : memref<4x!tpu.dma_semaphore, #tpu.memory_space<semaphore_mem>> -> memref<1x!tpu.dma_semaphore, #tpu.memory_space<semaphore_mem>>
          %dma_wait3A_1559 = tpu.memref_squeeze %dma_wait3A_1558 : memref<1x!tpu.dma_semaphore, #tpu.memory_space<semaphore_mem>> -> memref<!tpu.dma_semaphore, #tpu.memory_space<semaphore_mem>>
          %dma_wait3A_1560 = arith.constant 0 : i32
          %dma_wait3A_1561 = tpu.memref_slice %arg4[%add3A_1549, %dma_wait3A_1560] : memref<1638400x16xf32, #tpu.memory_space<hbm>> -> memref<1600x16xf32, #tpu.memory_space<hbm>>
          %dma_wait3A_1562 = arith.constant 0 : i32
          %dma_wait3A_1563 = arith.constant 0 : i32
          %dma_wait3A_1564 = tpu.memref_slice %arg6[%dma_wait3A_1550, %dma_wait3A_1562, %dma_wait3A_1563] : memref<4x1600x16xf32, #tpu.memory_space<vmem>> -> memref<1x1600x16xf32, #tpu.memory_space<vmem>>
          %dma_wait3A_1565 = tpu.memref_squeeze %dma_wait3A_1564 : memref<1x1600x16xf32, #tpu.memory_space<vmem>> -> memref<1600x16xf32, #tpu.memory_space<vmem>>
          tpu.wait_dma2 semaphore(%dma_wait3A_1559 : memref<!tpu.dma_semaphore, #tpu.memory_space<semaphore_mem>>) src(%dma_wait3A_1565 : memref<1600x16xf32, #tpu.memory_space<vmem>>) dst(%dma_wait3A_1561 : memref<1600x16xf32, #tpu.memory_space<hbm>>)
        } else {
        }
        %mul3A_1531 = arith.constant 1600 : i32
        %mul3A_1532 = arith.muli %add3A_113, %mul3A_1531 : i32
        %add3A_1533 = arith.addi %mul3A_2, %mul3A_1532 : i32
        %dma_start3A_1534 = arith.constant 2 : i32
        %dma_start3A_1535 = arith.constant 2 : i32
        %dma_start3A_1536 = arith.constant 0 : i32
        %dma_start3A_1537 = tpu.memref_slice %arg5[%dma_start3A_1534, %dma_start3A_1536] : memref<4x1600xi32, #tpu.memory_space<vmem>> -> memref<1x1600xi32, #tpu.memory_space<vmem>>
        %dma_start3A_1538 = tpu.memref_squeeze %dma_start3A_1537 : memref<1x1600xi32, #tpu.memory_space<vmem>> -> memref<1600xi32, #tpu.memory_space<vmem>>
        %dma_start3A_1539 = tpu.memref_slice %arg2[%add3A_1533] : memref<1638400xi32, #tpu.memory_space<hbm>> -> memref<1600xi32, #tpu.memory_space<hbm>>
        %dma_start3A_1540 = tpu.memref_slice %arg7[%dma_start3A_1535] : memref<4x!tpu.dma_semaphore, #tpu.memory_space<semaphore_mem>> -> memref<1x!tpu.dma_semaphore, #tpu.memory_space<semaphore_mem>>
        %dma_start3A_1541 = tpu.memref_squeeze %dma_start3A_1540 : memref<1x!tpu.dma_semaphore, #tpu.memory_space<semaphore_mem>> -> memref<!tpu.dma_semaphore, #tpu.memory_space<semaphore_mem>>
        %dma_start3A_1542 = arith.constant 0 : i32
        %dma_start3A_1543 = tpu.memref_slice %arg5[%dma_start3A_1534, %dma_start3A_1542] : memref<4x1600xi32, #tpu.memory_space<vmem>> -> memref<1x1600xi32, #tpu.memory_space<vmem>>
        %dma_start3A_1544 = tpu.memref_squeeze %dma_start3A_1543 : memref<1x1600xi32, #tpu.memory_space<vmem>> -> memref<1600xi32, #tpu.memory_space<vmem>>
        %dma_start3A_1545 = tpu.memref_slice %arg2[%add3A_1533] : memref<1638400xi32, #tpu.memory_space<hbm>> -> memref<1600xi32, #tpu.memory_space<hbm>>
        tpu.enqueue_dma source(%dma_start3A_1545 : memref<1600xi32, #tpu.memory_space<hbm>>) target(%dma_start3A_1544 : memref<1600xi32, #tpu.memory_space<vmem>>) target_semaphore(%dma_start3A_1541 : memref<!tpu.dma_semaphore, #tpu.memory_space<semaphore_mem>>)
      } else {
      }
      %mul3A_116 = arith.constant 1600 : i32
      %mul3A_117 = arith.muli %add3A_111, %mul3A_116 : i32
      %add3A_118 = arith.addi %mul3A_2, %mul3A_117 : i32
      %dma_wait3A_119 = arith.constant 0 : i32
      %dma_wait3A_120 = arith.constant 0 : i32
      %dma_wait3A_121 = arith.constant 0 : i32
      %dma_wait3A_122 = tpu.memref_slice %arg5[%dma_wait3A_119, %dma_wait3A_121] : memref<4x1600xi32, #tpu.memory_space<vmem>> -> memref<1x1600xi32, #tpu.memory_space<vmem>>
      %dma_wait3A_123 = tpu.memref_squeeze %dma_wait3A_122 : memref<1x1600xi32, #tpu.memory_space<vmem>> -> memref<1600xi32, #tpu.memory_space<vmem>>
      %dma_wait3A_124 = tpu.memref_slice %arg2[%add3A_118] : memref<1638400xi32, #tpu.memory_space<hbm>> -> memref<1600xi32, #tpu.memory_space<hbm>>
      %dma_wait3A_125 = tpu.memref_slice %arg7[%dma_wait3A_120] : memref<4x!tpu.dma_semaphore, #tpu.memory_space<semaphore_mem>> -> memref<1x!tpu.dma_semaphore, #tpu.memory_space<semaphore_mem>>
      %dma_wait3A_126 = tpu.memref_squeeze %dma_wait3A_125 : memref<1x!tpu.dma_semaphore, #tpu.memory_space<semaphore_mem>> -> memref<!tpu.dma_semaphore, #tpu.memory_space<semaphore_mem>>
      %dma_wait3A_127 = arith.constant 0 : i32
      %dma_wait3A_128 = tpu.memref_slice %arg5[%dma_wait3A_119, %dma_wait3A_127] : memref<4x1600xi32, #tpu.memory_space<vmem>> -> memref<1x1600xi32, #tpu.memory_space<vmem>>
      %dma_wait3A_129 = tpu.memref_squeeze %dma_wait3A_128 : memref<1x1600xi32, #tpu.memory_space<vmem>> -> memref<1600xi32, #tpu.memory_space<vmem>>
      %dma_wait3A_130 = tpu.memref_slice %arg2[%add3A_118] : memref<1638400xi32, #tpu.memory_space<hbm>> -> memref<1600xi32, #tpu.memory_space<hbm>>
      tpu.wait_dma2 semaphore(%dma_wait3A_126 : memref<!tpu.dma_semaphore, #tpu.memory_space<semaphore_mem>>) src(%dma_wait3A_130 : memref<1600xi32, #tpu.memory_space<hbm>>) dst(%dma_wait3A_129 : memref<1600xi32, #tpu.memory_space<vmem>>)
      %dma_start3A_131 = arith.constant 0 : i32
      %dma_start3A_132 = arith.constant 0 : i32
      %dma_start3A_133 = arith.constant 0 : i32
      %dma_start3A_134 = arith.constant 0 : i32
      %dma_start3A_135 = tpu.memref_slice %arg6[%dma_start3A_132, %dma_start3A_133, %dma_start3A_134] : memref<4x1600x16xf32, #tpu.memory_space<vmem>> -> memref<1x128x16xf32, #tpu.memory_space<vmem>>
      %dma_start3A_136 = tpu.memref_squeeze %dma_start3A_135 : memref<1x128x16xf32, #tpu.memory_space<vmem>> -> memref<128x16xf32, #tpu.memory_space<vmem>>
      %dma_start3A_137 = arith.constant 0 : i32
      %dma_start3A_138 = tpu.memref_slice %arg5[%dma_start3A_131, %dma_start3A_137] : memref<4x1600xi32, #tpu.memory_space<vmem>> -> memref<1x128xi32, #tpu.memory_space<vmem>>
      %dma_start3A_139 = tpu.memref_squeeze %dma_start3A_138 : memref<1x128xi32, #tpu.memory_space<vmem>> -> memref<128xi32, #tpu.memory_space<vmem>>
      %dma_start3A_140 = arith.constant 0 : i32
      %dma_start3A_141 = arith.constant 0 : i32
      %dma_start3A_142 = tpu.memref_slice %arg3[%dma_start3A_140, %dma_start3A_141] : memref<8192x16xf32, #tpu.memory_space<hbm>> -> memref<8192x16xf32, #tpu.memory_space<hbm>>
      tpu.enqueue_indirect_dma source(%dma_start3A_142 : memref<8192x16xf32, #tpu.memory_space<hbm>>) target(%dma_start3A_136 : memref<128x16xf32, #tpu.memory_space<vmem>>) offsets(%dma_start3A_139 : memref<128xi32, #tpu.memory_space<vmem>>) semaphore(%arg9 : memref<!tpu.dma_semaphore, #tpu.memory_space<semaphore_mem>>)
      %dma_start3A_143 = arith.constant 0 : i32
      %dma_start3A_144 = arith.constant 0 : i32
      %dma_start3A_145 = arith.constant 128 : i32
      %dma_start3A_146 = arith.constant 0 : i32
      %dma_start3A_147 = tpu.memref_slice %arg6[%dma_start3A_144, %dma_start3A_145, %dma_start3A_146] : memref<4x1600x16xf32, #tpu.memory_space<vmem>> -> memref<1x128x16xf32, #tpu.memory_space<vmem>>
      %dma_start3A_148 = tpu.memref_squeeze %dma_start3A_147 : memref<1x128x16xf32, #tpu.memory_space<vmem>> -> memref<128x16xf32, #tpu.memory_space<vmem>>
      %dma_start3A_149 = arith.constant 128 : i32
      %dma_start3A_150 = tpu.memref_slice %arg5[%dma_start3A_143, %dma_start3A_149] : memref<4x1600xi32, #tpu.memory_space<vmem>> -> memref<1x128xi32, #tpu.memory_space<vmem>>
      %dma_start3A_151 = tpu.memref_squeeze %dma_start3A_150 : memref<1x128xi32, #tpu.memory_space<vmem>> -> memref<128xi32, #tpu.memory_space<vmem>>
      %dma_start3A_152 = arith.constant 0 : i32
      %dma_start3A_153 = arith.constant 0 : i32
      %dma_start3A_154 = tpu.memref_slice %arg3[%dma_start3A_152, %dma_start3A_153] : memref<8192x16xf32, #tpu.memory_space<hbm>> -> memref<8192x16xf32, #tpu.memory_space<hbm>>
      tpu.enqueue_indirect_dma source(%dma_start3A_154 : memref<8192x16xf32, #tpu.memory_space<hbm>>) target(%dma_start3A_148 : memref<128x16xf32, #tpu.memory_space<vmem>>) offsets(%dma_start3A_151 : memref<128xi32, #tpu.memory_space<vmem>>) semaphore(%arg9 : memref<!tpu.dma_semaphore, #tpu.memory_space<semaphore_mem>>)
      %dma_start3A_155 = arith.constant 0 : i32
      %dma_start3A_156 = arith.constant 0 : i32
      %dma_start3A_157 = arith.constant 256 : i32
      %dma_start3A_158 = arith.constant 0 : i32
      %dma_start3A_159 = tpu.memref_slice %arg6[%dma_start3A_156, %dma_start3A_157, %dma_start3A_158] : memref<4x1600x16xf32, #tpu.memory_space<vmem>> -> memref<1x128x16xf32, #tpu.memory_space<vmem>>
      %dma_start3A_160 = tpu.memref_squeeze %dma_start3A_159 : memref<1x128x16xf32, #tpu.memory_space<vmem>> -> memref<128x16xf32, #tpu.memory_space<vmem>>
      %dma_start3A_161 = arith.constant 256 : i32
      %dma_start3A_162 = tpu.memref_slice %arg5[%dma_start3A_155, %dma_start3A_161] : memref<4x1600xi32, #tpu.memory_space<vmem>> -> memref<1x128xi32, #tpu.memory_space<vmem>>
      %dma_start3A_163 = tpu.memref_squeeze %dma_start3A_162 : memref<1x128xi32, #tpu.memory_space<vmem>> -> memref<128xi32, #tpu.memory_space<vmem>>
      %dma_start3A_164 = arith.constant 0 : i32
      %dma_start3A_165 = arith.constant 0 : i32
      %dma_start3A_166 = tpu.memref_slice %arg3[%dma_start3A_164, %dma_start3A_165] : memref<8192x16xf32, #tpu.memory_space<hbm>> -> memref<8192x16xf32, #tpu.memory_space<hbm>>
      tpu.enqueue_indirect_dma source(%dma_start3A_166 : memref<8192x16xf32, #tpu.memory_space<hbm>>) target(%dma_start3A_160 : memref<128x16xf32, #tpu.memory_space<vmem>>) offsets(%dma_start3A_163 : memref<128xi32, #tpu.memory_space<vmem>>) semaphore(%arg9 : memref<!tpu.dma_semaphore, #tpu.memory_space<semaphore_mem>>)
      %dma_start3A_167 = arith.constant 0 : i32
      %dma_start3A_168 = arith.constant 0 : i32
      %dma_start3A_169 = arith.constant 384 : i32
      %dma_start3A_170 = arith.constant 0 : i32
      %dma_start3A_171 = tpu.memref_slice %arg6[%dma_start3A_168, %dma_start3A_169, %dma_start3A_170] : memref<4x1600x16xf32, #tpu.memory_space<vmem>> -> memref<1x128x16xf32, #tpu.memory_space<vmem>>
      %dma_start3A_172 = tpu.memref_squeeze %dma_start3A_171 : memref<1x128x16xf32, #tpu.memory_space<vmem>> -> memref<128x16xf32, #tpu.memory_space<vmem>>
      %dma_start3A_173 = arith.constant 384 : i32
      %dma_start3A_174 = tpu.memref_slice %arg5[%dma_start3A_167, %dma_start3A_173] : memref<4x1600xi32, #tpu.memory_space<vmem>> -> memref<1x128xi32, #tpu.memory_space<vmem>>
      %dma_start3A_175 = tpu.memref_squeeze %dma_start3A_174 : memref<1x128xi32, #tpu.memory_space<vmem>> -> memref<128xi32, #tpu.memory_space<vmem>>
      %dma_start3A_176 = arith.constant 0 : i32
      %dma_start3A_177 = arith.constant 0 : i32
      %dma_start3A_178 = tpu.memref_slice %arg3[%dma_start3A_176, %dma_start3A_177] : memref<8192x16xf32, #tpu.memory_space<hbm>> -> memref<8192x16xf32, #tpu.memory_space<hbm>>
      tpu.enqueue_indirect_dma source(%dma_start3A_178 : memref<8192x16xf32, #tpu.memory_space<hbm>>) target(%dma_start3A_172 : memref<128x16xf32, #tpu.memory_space<vmem>>) offsets(%dma_start3A_175 : memref<128xi32, #tpu.memory_space<vmem>>) semaphore(%arg9 : memref<!tpu.dma_semaphore, #tpu.memory_space<semaphore_mem>>)
      %dma_start3A_179 = arith.constant 0 : i32
      %dma_start3A_180 = arith.constant 0 : i32
      %dma_start3A_181 = arith.constant 512 : i32
      %dma_start3A_182 = arith.constant 0 : i32
      %dma_start3A_183 = tpu.memref_slice %arg6[%dma_start3A_180, %dma_start3A_181, %dma_start3A_182] : memref<4x1600x16xf32, #tpu.memory_space<vmem>> -> memref<1x128x16xf32, #tpu.memory_space<vmem>>
      %dma_start3A_184 = tpu.memref_squeeze %dma_start3A_183 : memref<1x128x16xf32, #tpu.memory_space<vmem>> -> memref<128x16xf32, #tpu.memory_space<vmem>>
      %dma_start3A_185 = arith.constant 512 : i32
      %dma_start3A_186 = tpu.memref_slice %arg5[%dma_start3A_179, %dma_start3A_185] : memref<4x1600xi32, #tpu.memory_space<vmem>> -> memref<1x128xi32, #tpu.memory_space<vmem>>
      %dma_start3A_187 = tpu.memref_squeeze %dma_start3A_186 : memref<1x128xi32, #tpu.memory_space<vmem>> -> memref<128xi32, #tpu.memory_space<vmem>>
      %dma_start3A_188 = arith.constant 0 : i32
      %dma_start3A_189 = arith.constant 0 : i32
      %dma_start3A_190 = tpu.memref_slice %arg3[%dma_start3A_188, %dma_start3A_189] : memref<8192x16xf32, #tpu.memory_space<hbm>> -> memref<8192x16xf32, #tpu.memory_space<hbm>>
      tpu.enqueue_indirect_dma source(%dma_start3A_190 : memref<8192x16xf32, #tpu.memory_space<hbm>>) target(%dma_start3A_184 : memref<128x16xf32, #tpu.memory_space<vmem>>) offsets(%dma_start3A_187 : memref<128xi32, #tpu.memory_space<vmem>>) semaphore(%arg9 : memref<!tpu.dma_semaphore, #tpu.memory_space<semaphore_mem>>)
      %dma_start3A_191 = arith.constant 0 : i32
      %dma_start3A_192 = arith.constant 0 : i32
      %dma_start3A_193 = arith.constant 640 : i32
      %dma_start3A_194 = arith.constant 0 : i32
      %dma_start3A_195 = tpu.memref_slice %arg6[%dma_start3A_192, %dma_start3A_193, %dma_start3A_194] : memref<4x1600x16xf32, #tpu.memory_space<vmem>> -> memref<1x128x16xf32, #tpu.memory_space<vmem>>
      %dma_start3A_196 = tpu.memref_squeeze %dma_start3A_195 : memref<1x128x16xf32, #tpu.memory_space<vmem>> -> memref<128x16xf32, #tpu.memory_space<vmem>>
      %dma_start3A_197 = arith.constant 640 : i32
      %dma_start3A_198 = tpu.memref_slice %arg5[%dma_start3A_191, %dma_start3A_197] : memref<4x1600xi32, #tpu.memory_space<vmem>> -> memref<1x128xi32, #tpu.memory_space<vmem>>
      %dma_start3A_199 = tpu.memref_squeeze %dma_start3A_198 : memref<1x128xi32, #tpu.memory_space<vmem>> -> memref<128xi32, #tpu.memory_space<vmem>>
      %dma_start3A_200 = arith.constant 0 : i32
      %dma_start3A_201 = arith.constant 0 : i32
      %dma_start3A_202 = tpu.memref_slice %arg3[%dma_start3A_200, %dma_start3A_201] : memref<8192x16xf32, #tpu.memory_space<hbm>> -> memref<8192x16xf32, #tpu.memory_space<hbm>>
      tpu.enqueue_indirect_dma source(%dma_start3A_202 : memref<8192x16xf32, #tpu.memory_space<hbm>>) target(%dma_start3A_196 : memref<128x16xf32, #tpu.memory_space<vmem>>) offsets(%dma_start3A_199 : memref<128xi32, #tpu.memory_space<vmem>>) semaphore(%arg9 : memref<!tpu.dma_semaphore, #tpu.memory_space<semaphore_mem>>)
      %dma_start3A_203 = arith.constant 0 : i32
      %dma_start3A_204 = arith.constant 0 : i32
      %dma_start3A_205 = arith.constant 768 : i32
      %dma_start3A_206 = arith.constant 0 : i32
      %dma_start3A_207 = tpu.memref_slice %arg6[%dma_start3A_204, %dma_start3A_205, %dma_start3A_206] : memref<4x1600x16xf32, #tpu.memory_space<vmem>> -> memref<1x128x16xf32, #tpu.memory_space<vmem>>
      %dma_start3A_208 = tpu.memref_squeeze %dma_start3A_207 : memref<1x128x16xf32, #tpu.memory_space<vmem>> -> memref<128x16xf32, #tpu.memory_space<vmem>>
      %dma_start3A_209 = arith.constant 768 : i32
      %dma_start3A_210 = tpu.memref_slice %arg5[%dma_start3A_203, %dma_start3A_209] : memref<4x1600xi32, #tpu.memory_space<vmem>> -> memref<1x128xi32, #tpu.memory_space<vmem>>
      %dma_start3A_211 = tpu.memref_squeeze %dma_start3A_210 : memref<1x128xi32, #tpu.memory_space<vmem>> -> memref<128xi32, #tpu.memory_space<vmem>>
      %dma_start3A_212 = arith.constant 0 : i32
      %dma_start3A_213 = arith.constant 0 : i32
      %dma_start3A_214 = tpu.memref_slice %arg3[%dma_start3A_212, %dma_start3A_213] : memref<8192x16xf32, #tpu.memory_space<hbm>> -> memref<8192x16xf32, #tpu.memory_space<hbm>>
      tpu.enqueue_indirect_dma source(%dma_start3A_214 : memref<8192x16xf32, #tpu.memory_space<hbm>>) target(%dma_start3A_208 : memref<128x16xf32, #tpu.memory_space<vmem>>) offsets(%dma_start3A_211 : memref<128xi32, #tpu.memory_space<vmem>>) semaphore(%arg9 : memref<!tpu.dma_semaphore, #tpu.memory_space<semaphore_mem>>)
      %dma_start3A_215 = arith.constant 0 : i32
      %dma_start3A_216 = arith.constant 0 : i32
      %dma_start3A_217 = arith.constant 896 : i32
      %dma_start3A_218 = arith.constant 0 : i32
      %dma_start3A_219 = tpu.memref_slice %arg6[%dma_start3A_216, %dma_start3A_217, %dma_start3A_218] : memref<4x1600x16xf32, #tpu.memory_space<vmem>> -> memref<1x128x16xf32, #tpu.memory_space<vmem>>
      %dma_start3A_220 = tpu.memref_squeeze %dma_start3A_219 : memref<1x128x16xf32, #tpu.memory_space<vmem>> -> memref<128x16xf32, #tpu.memory_space<vmem>>
      %dma_start3A_221 = arith.constant 896 : i32
      %dma_start3A_222 = tpu.memref_slice %arg5[%dma_start3A_215, %dma_start3A_221] : memref<4x1600xi32, #tpu.memory_space<vmem>> -> memref<1x128xi32, #tpu.memory_space<vmem>>
      %dma_start3A_223 = tpu.memref_squeeze %dma_start3A_222 : memref<1x128xi32, #tpu.memory_space<vmem>> -> memref<128xi32, #tpu.memory_space<vmem>>
      %dma_start3A_224 = arith.constant 0 : i32
      %dma_start3A_225 = arith.constant 0 : i32
      %dma_start3A_226 = tpu.memref_slice %arg3[%dma_start3A_224, %dma_start3A_225] : memref<8192x16xf32, #tpu.memory_space<hbm>> -> memref<8192x16xf32, #tpu.memory_space<hbm>>
      tpu.enqueue_indirect_dma source(%dma_start3A_226 : memref<8192x16xf32, #tpu.memory_space<hbm>>) target(%dma_start3A_220 : memref<128x16xf32, #tpu.memory_space<vmem>>) offsets(%dma_start3A_223 : memref<128xi32, #tpu.memory_space<vmem>>) semaphore(%arg9 : memref<!tpu.dma_semaphore, #tpu.memory_space<semaphore_mem>>)
      %dma_start3A_227 = arith.constant 0 : i32
      %dma_start3A_228 = arith.constant 0 : i32
      %dma_start3A_229 = arith.constant 1024 : i32
      %dma_start3A_230 = arith.constant 0 : i32
      %dma_start3A_231 = tpu.memref_slice %arg6[%dma_start3A_228, %dma_start3A_229, %dma_start3A_230] : memref<4x1600x16xf32, #tpu.memory_space<vmem>> -> memref<1x128x16xf32, #tpu.memory_space<vmem>>
      %dma_start3A_232 = tpu.memref_squeeze %dma_start3A_231 : memref<1x128x16xf32, #tpu.memory_space<vmem>> -> memref<128x16xf32, #tpu.memory_space<vmem>>
      %dma_start3A_233 = arith.constant 1024 : i32
      %dma_start3A_234 = tpu.memref_slice %arg5[%dma_start3A_227, %dma_start3A_233] : memref<4x1600xi32, #tpu.memory_space<vmem>> -> memref<1x128xi32, #tpu.memory_space<vmem>>
      %dma_start3A_235 = tpu.memref_squeeze %dma_start3A_234 : memref<1x128xi32, #tpu.memory_space<vmem>> -> memref<128xi32, #tpu.memory_space<vmem>>
      %dma_start3A_236 = arith.constant 0 : i32
      %dma_start3A_237 = arith.constant 0 : i32
      %dma_start3A_238 = tpu.memref_slice %arg3[%dma_start3A_236, %dma_start3A_237] : memref<8192x16xf32, #tpu.memory_space<hbm>> -> memref<8192x16xf32, #tpu.memory_space<hbm>>
      tpu.enqueue_indirect_dma source(%dma_start3A_238 : memref<8192x16xf32, #tpu.memory_space<hbm>>) target(%dma_start3A_232 : memref<128x16xf32, #tpu.memory_space<vmem>>) offsets(%dma_start3A_235 : memref<128xi32, #tpu.memory_space<vmem>>) semaphore(%arg9 : memref<!tpu.dma_semaphore, #tpu.memory_space<semaphore_mem>>)
      %dma_start3A_239 = arith.constant 0 : i32
      %dma_start3A_240 = arith.constant 0 : i32
      %dma_start3A_241 = arith.constant 1152 : i32
      %dma_start3A_242 = arith.constant 0 : i32
      %dma_start3A_243 = tpu.memref_slice %arg6[%dma_start3A_240, %dma_start3A_241, %dma_start3A_242] : memref<4x1600x16xf32, #tpu.memory_space<vmem>> -> memref<1x128x16xf32, #tpu.memory_space<vmem>>
      %dma_start3A_244 = tpu.memref_squeeze %dma_start3A_243 : memref<1x128x16xf32, #tpu.memory_space<vmem>> -> memref<128x16xf32, #tpu.memory_space<vmem>>
      %dma_start3A_245 = arith.constant 1152 : i32
      %dma_start3A_246 = tpu.memref_slice %arg5[%dma_start3A_239, %dma_start3A_245] : memref<4x1600xi32, #tpu.memory_space<vmem>> -> memref<1x128xi32, #tpu.memory_space<vmem>>
      %dma_start3A_247 = tpu.memref_squeeze %dma_start3A_246 : memref<1x128xi32, #tpu.memory_space<vmem>> -> memref<128xi32, #tpu.memory_space<vmem>>
      %dma_start3A_248 = arith.constant 0 : i32
      %dma_start3A_249 = arith.constant 0 : i32
      %dma_start3A_250 = tpu.memref_slice %arg3[%dma_start3A_248, %dma_start3A_249] : memref<8192x16xf32, #tpu.memory_space<hbm>> -> memref<8192x16xf32, #tpu.memory_space<hbm>>
      tpu.enqueue_indirect_dma source(%dma_start3A_250 : memref<8192x16xf32, #tpu.memory_space<hbm>>) target(%dma_start3A_244 : memref<128x16xf32, #tpu.memory_space<vmem>>) offsets(%dma_start3A_247 : memref<128xi32, #tpu.memory_space<vmem>>) semaphore(%arg9 : memref<!tpu.dma_semaphore, #tpu.memory_space<semaphore_mem>>)
      %dma_start3A_251 = arith.constant 0 : i32
      %dma_start3A_252 = arith.constant 0 : i32
      %dma_start3A_253 = arith.constant 1280 : i32
      %dma_start3A_254 = arith.constant 0 : i32
      %dma_start3A_255 = tpu.memref_slice %arg6[%dma_start3A_252, %dma_start3A_253, %dma_start3A_254] : memref<4x1600x16xf32, #tpu.memory_space<vmem>> -> memref<1x128x16xf32, #tpu.memory_space<vmem>>
      %dma_start3A_256 = tpu.memref_squeeze %dma_start3A_255 : memref<1x128x16xf32, #tpu.memory_space<vmem>> -> memref<128x16xf32, #tpu.memory_space<vmem>>
      %dma_start3A_257 = arith.constant 1280 : i32
      %dma_start3A_258 = tpu.memref_slice %arg5[%dma_start3A_251, %dma_start3A_257] : memref<4x1600xi32, #tpu.memory_space<vmem>> -> memref<1x128xi32, #tpu.memory_space<vmem>>
      %dma_start3A_259 = tpu.memref_squeeze %dma_start3A_258 : memref<1x128xi32, #tpu.memory_space<vmem>> -> memref<128xi32, #tpu.memory_space<vmem>>
      %dma_start3A_260 = arith.constant 0 : i32
      %dma_start3A_261 = arith.constant 0 : i32
      %dma_start3A_262 = tpu.memref_slice %arg3[%dma_start3A_260, %dma_start3A_261] : memref<8192x16xf32, #tpu.memory_space<hbm>> -> memref<8192x16xf32, #tpu.memory_space<hbm>>
      tpu.enqueue_indirect_dma source(%dma_start3A_262 : memref<8192x16xf32, #tpu.memory_space<hbm>>) target(%dma_start3A_256 : memref<128x16xf32, #tpu.memory_space<vmem>>) offsets(%dma_start3A_259 : memref<128xi32, #tpu.memory_space<vmem>>) semaphore(%arg9 : memref<!tpu.dma_semaphore, #tpu.memory_space<semaphore_mem>>)
      %dma_start3A_263 = arith.constant 0 : i32
      %dma_start3A_264 = arith.constant 0 : i32
      %dma_start3A_265 = arith.constant 1408 : i32
      %dma_start3A_266 = arith.constant 0 : i32
      %dma_start3A_267 = tpu.memref_slice %arg6[%dma_start3A_264, %dma_start3A_265, %dma_start3A_266] : memref<4x1600x16xf32, #tpu.memory_space<vmem>> -> memref<1x128x16xf32, #tpu.memory_space<vmem>>
      %dma_start3A_268 = tpu.memref_squeeze %dma_start3A_267 : memref<1x128x16xf32, #tpu.memory_space<vmem>> -> memref<128x16xf32, #tpu.memory_space<vmem>>
      %dma_start3A_269 = arith.constant 1408 : i32
      %dma_start3A_270 = tpu.memref_slice %arg5[%dma_start3A_263, %dma_start3A_269] : memref<4x1600xi32, #tpu.memory_space<vmem>> -> memref<1x128xi32, #tpu.memory_space<vmem>>
      %dma_start3A_271 = tpu.memref_squeeze %dma_start3A_270 : memref<1x128xi32, #tpu.memory_space<vmem>> -> memref<128xi32, #tpu.memory_space<vmem>>
      %dma_start3A_272 = arith.constant 0 : i32
      %dma_start3A_273 = arith.constant 0 : i32
      %dma_start3A_274 = tpu.memref_slice %arg3[%dma_start3A_272, %dma_start3A_273] : memref<8192x16xf32, #tpu.memory_space<hbm>> -> memref<8192x16xf32, #tpu.memory_space<hbm>>
      tpu.enqueue_indirect_dma source(%dma_start3A_274 : memref<8192x16xf32, #tpu.memory_space<hbm>>) target(%dma_start3A_268 : memref<128x16xf32, #tpu.memory_space<vmem>>) offsets(%dma_start3A_271 : memref<128xi32, #tpu.memory_space<vmem>>) semaphore(%arg9 : memref<!tpu.dma_semaphore, #tpu.memory_space<semaphore_mem>>)
      %dma_start3A_275 = arith.constant 0 : i32
      %dma_start3A_276 = arith.constant 0 : i32
      %dma_start3A_277 = arith.constant 1536 : i32
      %dma_start3A_278 = arith.constant 0 : i32
      %dma_start3A_279 = tpu.memref_slice %arg6[%dma_start3A_276, %dma_start3A_277, %dma_start3A_278] : memref<4x1600x16xf32, #tpu.memory_space<vmem>> -> memref<1x64x16xf32, #tpu.memory_space<vmem>>
      %dma_start3A_280 = tpu.memref_squeeze %dma_start3A_279 : memref<1x64x16xf32, #tpu.memory_space<vmem>> -> memref<64x16xf32, #tpu.memory_space<vmem>>
      %dma_start3A_281 = arith.constant 1536 : i32
      %dma_start3A_282 = tpu.memref_slice %arg5[%dma_start3A_275, %dma_start3A_281] : memref<4x1600xi32, #tpu.memory_space<vmem>> -> memref<1x64xi32, #tpu.memory_space<vmem>>
      %dma_start3A_283 = tpu.memref_squeeze %dma_start3A_282 : memref<1x64xi32, #tpu.memory_space<vmem>> -> memref<64xi32, #tpu.memory_space<vmem>>
      %dma_start3A_284 = arith.constant 0 : i32
      %dma_start3A_285 = arith.constant 0 : i32
      %dma_start3A_286 = tpu.memref_slice %arg3[%dma_start3A_284, %dma_start3A_285] : memref<8192x16xf32, #tpu.memory_space<hbm>> -> memref<8192x16xf32, #tpu.memory_space<hbm>>
      tpu.enqueue_indirect_dma source(%dma_start3A_286 : memref<8192x16xf32, #tpu.memory_space<hbm>>) target(%dma_start3A_280 : memref<64x16xf32, #tpu.memory_space<vmem>>) offsets(%dma_start3A_283 : memref<64xi32, #tpu.memory_space<vmem>>) semaphore(%arg9 : memref<!tpu.dma_semaphore, #tpu.memory_space<semaphore_mem>>)
      %dma_wait3A_287 = arith.constant 0 : i32
      %dma_wait3A_288 = arith.constant 0 : i32
      %dma_wait3A_289 = arith.constant 0 : i32
      %dma_wait3A_290 = arith.constant 0 : i32
      %dma_wait3A_291 = tpu.memref_slice %arg6[%dma_wait3A_288, %dma_wait3A_289, %dma_wait3A_290] : memref<4x1600x16xf32, #tpu.memory_space<vmem>> -> memref<1x128x16xf32, #tpu.memory_space<vmem>>
      %dma_wait3A_292 = tpu.memref_squeeze %dma_wait3A_291 : memref<1x128x16xf32, #tpu.memory_space<vmem>> -> memref<128x16xf32, #tpu.memory_space<vmem>>
      %dma_wait3A_293 = arith.constant 0 : i32
      %dma_wait3A_294 = tpu.memref_slice %arg5[%dma_wait3A_287, %dma_wait3A_293] : memref<4x1600xi32, #tpu.memory_space<vmem>> -> memref<1x128xi32, #tpu.memory_space<vmem>>
      %dma_wait3A_295 = tpu.memref_squeeze %dma_wait3A_294 : memref<1x128xi32, #tpu.memory_space<vmem>> -> memref<128xi32, #tpu.memory_space<vmem>>
      %dma_wait3A_296 = arith.constant 0 : i32
      %dma_wait3A_297 = arith.constant 0 : i32
      %dma_wait3A_298 = tpu.memref_slice %arg3[%dma_wait3A_296, %dma_wait3A_297] : memref<8192x16xf32, #tpu.memory_space<hbm>> -> memref<8192x16xf32, #tpu.memory_space<hbm>>
      tpu.wait_indirect_dma semaphore(%arg9 : memref<!tpu.dma_semaphore, #tpu.memory_space<semaphore_mem>>) src(%dma_wait3A_298 : memref<8192x16xf32, #tpu.memory_space<hbm>>) dst(%dma_wait3A_292 : memref<128x16xf32, #tpu.memory_space<vmem>>)
      %dma_wait3A_299 = arith.constant 0 : i32
      %dma_wait3A_300 = arith.constant 0 : i32
      %dma_wait3A_301 = arith.constant 128 : i32
      %dma_wait3A_302 = arith.constant 0 : i32
      %dma_wait3A_303 = tpu.memref_slice %arg6[%dma_wait3A_300, %dma_wait3A_301, %dma_wait3A_302] : memref<4x1600x16xf32, #tpu.memory_space<vmem>> -> memref<1x128x16xf32, #tpu.memory_space<vmem>>
      %dma_wait3A_304 = tpu.memref_squeeze %dma_wait3A_303 : memref<1x128x16xf32, #tpu.memory_space<vmem>> -> memref<128x16xf32, #tpu.memory_space<vmem>>
      %dma_wait3A_305 = arith.constant 128 : i32
      %dma_wait3A_306 = tpu.memref_slice %arg5[%dma_wait3A_299, %dma_wait3A_305] : memref<4x1600xi32, #tpu.memory_space<vmem>> -> memref<1x128xi32, #tpu.memory_space<vmem>>
      %dma_wait3A_307 = tpu.memref_squeeze %dma_wait3A_306 : memref<1x128xi32, #tpu.memory_space<vmem>> -> memref<128xi32, #tpu.memory_space<vmem>>
      %dma_wait3A_308 = arith.constant 0 : i32
      %dma_wait3A_309 = arith.constant 0 : i32
      %dma_wait3A_310 = tpu.memref_slice %arg3[%dma_wait3A_308, %dma_wait3A_309] : memref<8192x16xf32, #tpu.memory_space<hbm>> -> memref<8192x16xf32, #tpu.memory_space<hbm>>
      tpu.wait_indirect_dma semaphore(%arg9 : memref<!tpu.dma_semaphore, #tpu.memory_space<semaphore_mem>>) src(%dma_wait3A_310 : memref<8192x16xf32, #tpu.memory_space<hbm>>) dst(%dma_wait3A_304 : memref<128x16xf32, #tpu.memory_space<vmem>>)
      %dma_wait3A_311 = arith.constant 0 : i32
      %dma_wait3A_312 = arith.constant 0 : i32
      %dma_wait3A_313 = arith.constant 256 : i32
      %dma_wait3A_314 = arith.constant 0 : i32
      %dma_wait3A_315 = tpu.memref_slice %arg6[%dma_wait3A_312, %dma_wait3A_313, %dma_wait3A_314] : memref<4x1600x16xf32, #tpu.memory_space<vmem>> -> memref<1x128x16xf32, #tpu.memory_space<vmem>>
      %dma_wait3A_316 = tpu.memref_squeeze %dma_wait3A_315 : memref<1x128x16xf32, #tpu.memory_space<vmem>> -> memref<128x16xf32, #tpu.memory_space<vmem>>
      %dma_wait3A_317 = arith.constant 256 : i32
      %dma_wait3A_318 = tpu.memref_slice %arg5[%dma_wait3A_311, %dma_wait3A_317] : memref<4x1600xi32, #tpu.memory_space<vmem>> -> memref<1x128xi32, #tpu.memory_space<vmem>>
      %dma_wait3A_319 = tpu.memref_squeeze %dma_wait3A_318 : memref<1x128xi32, #tpu.memory_space<vmem>> -> memref<128xi32, #tpu.memory_space<vmem>>
      %dma_wait3A_320 = arith.constant 0 : i32
      %dma_wait3A_321 = arith.constant 0 : i32
      %dma_wait3A_322 = tpu.memref_slice %arg3[%dma_wait3A_320, %dma_wait3A_321] : memref<8192x16xf32, #tpu.memory_space<hbm>> -> memref<8192x16xf32, #tpu.memory_space<hbm>>
      tpu.wait_indirect_dma semaphore(%arg9 : memref<!tpu.dma_semaphore, #tpu.memory_space<semaphore_mem>>) src(%dma_wait3A_322 : memref<8192x16xf32, #tpu.memory_space<hbm>>) dst(%dma_wait3A_316 : memref<128x16xf32, #tpu.memory_space<vmem>>)
      %dma_wait3A_323 = arith.constant 0 : i32
      %dma_wait3A_324 = arith.constant 0 : i32
      %dma_wait3A_325 = arith.constant 384 : i32
      %dma_wait3A_326 = arith.constant 0 : i32
      %dma_wait3A_327 = tpu.memref_slice %arg6[%dma_wait3A_324, %dma_wait3A_325, %dma_wait3A_326] : memref<4x1600x16xf32, #tpu.memory_space<vmem>> -> memref<1x128x16xf32, #tpu.memory_space<vmem>>
      %dma_wait3A_328 = tpu.memref_squeeze %dma_wait3A_327 : memref<1x128x16xf32, #tpu.memory_space<vmem>> -> memref<128x16xf32, #tpu.memory_space<vmem>>
      %dma_wait3A_329 = arith.constant 384 : i32
      %dma_wait3A_330 = tpu.memref_slice %arg5[%dma_wait3A_323, %dma_wait3A_329] : memref<4x1600xi32, #tpu.memory_space<vmem>> -> memref<1x128xi32, #tpu.memory_space<vmem>>
      %dma_wait3A_331 = tpu.memref_squeeze %dma_wait3A_330 : memref<1x128xi32, #tpu.memory_space<vmem>> -> memref<128xi32, #tpu.memory_space<vmem>>
      %dma_wait3A_332 = arith.constant 0 : i32
      %dma_wait3A_333 = arith.constant 0 : i32
      %dma_wait3A_334 = tpu.memref_slice %arg3[%dma_wait3A_332, %dma_wait3A_333] : memref<8192x16xf32, #tpu.memory_space<hbm>> -> memref<8192x16xf32, #tpu.memory_space<hbm>>
      tpu.wait_indirect_dma semaphore(%arg9 : memref<!tpu.dma_semaphore, #tpu.memory_space<semaphore_mem>>) src(%dma_wait3A_334 : memref<8192x16xf32, #tpu.memory_space<hbm>>) dst(%dma_wait3A_328 : memref<128x16xf32, #tpu.memory_space<vmem>>)
      %dma_wait3A_335 = arith.constant 0 : i32
      %dma_wait3A_336 = arith.constant 0 : i32
      %dma_wait3A_337 = arith.constant 512 : i32
      %dma_wait3A_338 = arith.constant 0 : i32
      %dma_wait3A_339 = tpu.memref_slice %arg6[%dma_wait3A_336, %dma_wait3A_337, %dma_wait3A_338] : memref<4x1600x16xf32, #tpu.memory_space<vmem>> -> memref<1x128x16xf32, #tpu.memory_space<vmem>>
      %dma_wait3A_340 = tpu.memref_squeeze %dma_wait3A_339 : memref<1x128x16xf32, #tpu.memory_space<vmem>> -> memref<128x16xf32, #tpu.memory_space<vmem>>
      %dma_wait3A_341 = arith.constant 512 : i32
      %dma_wait3A_342 = tpu.memref_slice %arg5[%dma_wait3A_335, %dma_wait3A_341] : memref<4x1600xi32, #tpu.memory_space<vmem>> -> memref<1x128xi32, #tpu.memory_space<vmem>>
      %dma_wait3A_343 = tpu.memref_squeeze %dma_wait3A_342 : memref<1x128xi32, #tpu.memory_space<vmem>> -> memref<128xi32, #tpu.memory_space<vmem>>
      %dma_wait3A_344 = arith.constant 0 : i32
      %dma_wait3A_345 = arith.constant 0 : i32
      %dma_wait3A_346 = tpu.memref_slice %arg3[%dma_wait3A_344, %dma_wait3A_345] : memref<8192x16xf32, #tpu.memory_space<hbm>> -> memref<8192x16xf32, #tpu.memory_space<hbm>>
      tpu.wait_indirect_dma semaphore(%arg9 : memref<!tpu.dma_semaphore, #tpu.memory_space<semaphore_mem>>) src(%dma_wait3A_346 : memref<8192x16xf32, #tpu.memory_space<hbm>>) dst(%dma_wait3A_340 : memref<128x16xf32, #tpu.memory_space<vmem>>)
      %dma_wait3A_347 = arith.constant 0 : i32
      %dma_wait3A_348 = arith.constant 0 : i32
      %dma_wait3A_349 = arith.constant 640 : i32
      %dma_wait3A_350 = arith.constant 0 : i32
      %dma_wait3A_351 = tpu.memref_slice %arg6[%dma_wait3A_348, %dma_wait3A_349, %dma_wait3A_350] : memref<4x1600x16xf32, #tpu.memory_space<vmem>> -> memref<1x128x16xf32, #tpu.memory_space<vmem>>
      %dma_wait3A_352 = tpu.memref_squeeze %dma_wait3A_351 : memref<1x128x16xf32, #tpu.memory_space<vmem>> -> memref<128x16xf32, #tpu.memory_space<vmem>>
      %dma_wait3A_353 = arith.constant 640 : i32
      %dma_wait3A_354 = tpu.memref_slice %arg5[%dma_wait3A_347, %dma_wait3A_353] : memref<4x1600xi32, #tpu.memory_space<vmem>> -> memref<1x128xi32, #tpu.memory_space<vmem>>
      %dma_wait3A_355 = tpu.memref_squeeze %dma_wait3A_354 : memref<1x128xi32, #tpu.memory_space<vmem>> -> memref<128xi32, #tpu.memory_space<vmem>>
      %dma_wait3A_356 = arith.constant 0 : i32
      %dma_wait3A_357 = arith.constant 0 : i32
      %dma_wait3A_358 = tpu.memref_slice %arg3[%dma_wait3A_356, %dma_wait3A_357] : memref<8192x16xf32, #tpu.memory_space<hbm>> -> memref<8192x16xf32, #tpu.memory_space<hbm>>
      tpu.wait_indirect_dma semaphore(%arg9 : memref<!tpu.dma_semaphore, #tpu.memory_space<semaphore_mem>>) src(%dma_wait3A_358 : memref<8192x16xf32, #tpu.memory_space<hbm>>) dst(%dma_wait3A_352 : memref<128x16xf32, #tpu.memory_space<vmem>>)
      %dma_wait3A_359 = arith.constant 0 : i32
      %dma_wait3A_360 = arith.constant 0 : i32
      %dma_wait3A_361 = arith.constant 768 : i32
      %dma_wait3A_362 = arith.constant 0 : i32
      %dma_wait3A_363 = tpu.memref_slice %arg6[%dma_wait3A_360, %dma_wait3A_361, %dma_wait3A_362] : memref<4x1600x16xf32, #tpu.memory_space<vmem>> -> memref<1x128x16xf32, #tpu.memory_space<vmem>>
      %dma_wait3A_364 = tpu.memref_squeeze %dma_wait3A_363 : memref<1x128x16xf32, #tpu.memory_space<vmem>> -> memref<128x16xf32, #tpu.memory_space<vmem>>
      %dma_wait3A_365 = arith.constant 768 : i32
      %dma_wait3A_366 = tpu.memref_slice %arg5[%dma_wait3A_359, %dma_wait3A_365] : memref<4x1600xi32, #tpu.memory_space<vmem>> -> memref<1x128xi32, #tpu.memory_space<vmem>>
      %dma_wait3A_367 = tpu.memref_squeeze %dma_wait3A_366 : memref<1x128xi32, #tpu.memory_space<vmem>> -> memref<128xi32, #tpu.memory_space<vmem>>
      %dma_wait3A_368 = arith.constant 0 : i32
      %dma_wait3A_369 = arith.constant 0 : i32
      %dma_wait3A_370 = tpu.memref_slice %arg3[%dma_wait3A_368, %dma_wait3A_369] : memref<8192x16xf32, #tpu.memory_space<hbm>> -> memref<8192x16xf32, #tpu.memory_space<hbm>>
      tpu.wait_indirect_dma semaphore(%arg9 : memref<!tpu.dma_semaphore, #tpu.memory_space<semaphore_mem>>) src(%dma_wait3A_370 : memref<8192x16xf32, #tpu.memory_space<hbm>>) dst(%dma_wait3A_364 : memref<128x16xf32, #tpu.memory_space<vmem>>)
      %dma_wait3A_371 = arith.constant 0 : i32
      %dma_wait3A_372 = arith.constant 0 : i32
      %dma_wait3A_373 = arith.constant 896 : i32
      %dma_wait3A_374 = arith.constant 0 : i32
      %dma_wait3A_375 = tpu.memref_slice %arg6[%dma_wait3A_372, %dma_wait3A_373, %dma_wait3A_374] : memref<4x1600x16xf32, #tpu.memory_space<vmem>> -> memref<1x128x16xf32, #tpu.memory_space<vmem>>
      %dma_wait3A_376 = tpu.memref_squeeze %dma_wait3A_375 : memref<1x128x16xf32, #tpu.memory_space<vmem>> -> memref<128x16xf32, #tpu.memory_space<vmem>>
      %dma_wait3A_377 = arith.constant 896 : i32
      %dma_wait3A_378 = tpu.memref_slice %arg5[%dma_wait3A_371, %dma_wait3A_377] : memref<4x1600xi32, #tpu.memory_space<vmem>> -> memref<1x128xi32, #tpu.memory_space<vmem>>
      %dma_wait3A_379 = tpu.memref_squeeze %dma_wait3A_378 : memref<1x128xi32, #tpu.memory_space<vmem>> -> memref<128xi32, #tpu.memory_space<vmem>>
      %dma_wait3A_380 = arith.constant 0 : i32
      %dma_wait3A_381 = arith.constant 0 : i32
      %dma_wait3A_382 = tpu.memref_slice %arg3[%dma_wait3A_380, %dma_wait3A_381] : memref<8192x16xf32, #tpu.memory_space<hbm>> -> memref<8192x16xf32, #tpu.memory_space<hbm>>
      tpu.wait_indirect_dma semaphore(%arg9 : memref<!tpu.dma_semaphore, #tpu.memory_space<semaphore_mem>>) src(%dma_wait3A_382 : memref<8192x16xf32, #tpu.memory_space<hbm>>) dst(%dma_wait3A_376 : memref<128x16xf32, #tpu.memory_space<vmem>>)
      %dma_wait3A_383 = arith.constant 0 : i32
      %dma_wait3A_384 = arith.constant 0 : i32
      %dma_wait3A_385 = arith.constant 1024 : i32
      %dma_wait3A_386 = arith.constant 0 : i32
      %dma_wait3A_387 = tpu.memref_slice %arg6[%dma_wait3A_384, %dma_wait3A_385, %dma_wait3A_386] : memref<4x1600x16xf32, #tpu.memory_space<vmem>> -> memref<1x128x16xf32, #tpu.memory_space<vmem>>
      %dma_wait3A_388 = tpu.memref_squeeze %dma_wait3A_387 : memref<1x128x16xf32, #tpu.memory_space<vmem>> -> memref<128x16xf32, #tpu.memory_space<vmem>>
      %dma_wait3A_389 = arith.constant 1024 : i32
      %dma_wait3A_390 = tpu.memref_slice %arg5[%dma_wait3A_383, %dma_wait3A_389] : memref<4x1600xi32, #tpu.memory_space<vmem>> -> memref<1x128xi32, #tpu.memory_space<vmem>>
      %dma_wait3A_391 = tpu.memref_squeeze %dma_wait3A_390 : memref<1x128xi32, #tpu.memory_space<vmem>> -> memref<128xi32, #tpu.memory_space<vmem>>
      %dma_wait3A_392 = arith.constant 0 : i32
      %dma_wait3A_393 = arith.constant 0 : i32
      %dma_wait3A_394 = tpu.memref_slice %arg3[%dma_wait3A_392, %dma_wait3A_393] : memref<8192x16xf32, #tpu.memory_space<hbm>> -> memref<8192x16xf32, #tpu.memory_space<hbm>>
      tpu.wait_indirect_dma semaphore(%arg9 : memref<!tpu.dma_semaphore, #tpu.memory_space<semaphore_mem>>) src(%dma_wait3A_394 : memref<8192x16xf32, #tpu.memory_space<hbm>>) dst(%dma_wait3A_388 : memref<128x16xf32, #tpu.memory_space<vmem>>)
      %dma_wait3A_395 = arith.constant 0 : i32
      %dma_wait3A_396 = arith.constant 0 : i32
      %dma_wait3A_397 = arith.constant 1152 : i32
      %dma_wait3A_398 = arith.constant 0 : i32
      %dma_wait3A_399 = tpu.memref_slice %arg6[%dma_wait3A_396, %dma_wait3A_397, %dma_wait3A_398] : memref<4x1600x16xf32, #tpu.memory_space<vmem>> -> memref<1x128x16xf32, #tpu.memory_space<vmem>>
      %dma_wait3A_400 = tpu.memref_squeeze %dma_wait3A_399 : memref<1x128x16xf32, #tpu.memory_space<vmem>> -> memref<128x16xf32, #tpu.memory_space<vmem>>
      %dma_wait3A_401 = arith.constant 1152 : i32
      %dma_wait3A_402 = tpu.memref_slice %arg5[%dma_wait3A_395, %dma_wait3A_401] : memref<4x1600xi32, #tpu.memory_space<vmem>> -> memref<1x128xi32, #tpu.memory_space<vmem>>
      %dma_wait3A_403 = tpu.memref_squeeze %dma_wait3A_402 : memref<1x128xi32, #tpu.memory_space<vmem>> -> memref<128xi32, #tpu.memory_space<vmem>>
      %dma_wait3A_404 = arith.constant 0 : i32
      %dma_wait3A_405 = arith.constant 0 : i32
      %dma_wait3A_406 = tpu.memref_slice %arg3[%dma_wait3A_404, %dma_wait3A_405] : memref<8192x16xf32, #tpu.memory_space<hbm>> -> memref<8192x16xf32, #tpu.memory_space<hbm>>
      tpu.wait_indirect_dma semaphore(%arg9 : memref<!tpu.dma_semaphore, #tpu.memory_space<semaphore_mem>>) src(%dma_wait3A_406 : memref<8192x16xf32, #tpu.memory_space<hbm>>) dst(%dma_wait3A_400 : memref<128x16xf32, #tpu.memory_space<vmem>>)
      %dma_wait3A_407 = arith.constant 0 : i32
      %dma_wait3A_408 = arith.constant 0 : i32
      %dma_wait3A_409 = arith.constant 1280 : i32
      %dma_wait3A_410 = arith.constant 0 : i32
      %dma_wait3A_411 = tpu.memref_slice %arg6[%dma_wait3A_408, %dma_wait3A_409, %dma_wait3A_410] : memref<4x1600x16xf32, #tpu.memory_space<vmem>> -> memref<1x128x16xf32, #tpu.memory_space<vmem>>
      %dma_wait3A_412 = tpu.memref_squeeze %dma_wait3A_411 : memref<1x128x16xf32, #tpu.memory_space<vmem>> -> memref<128x16xf32, #tpu.memory_space<vmem>>
      %dma_wait3A_413 = arith.constant 1280 : i32
      %dma_wait3A_414 = tpu.memref_slice %arg5[%dma_wait3A_407, %dma_wait3A_413] : memref<4x1600xi32, #tpu.memory_space<vmem>> -> memref<1x128xi32, #tpu.memory_space<vmem>>
      %dma_wait3A_415 = tpu.memref_squeeze %dma_wait3A_414 : memref<1x128xi32, #tpu.memory_space<vmem>> -> memref<128xi32, #tpu.memory_space<vmem>>
      %dma_wait3A_416 = arith.constant 0 : i32
      %dma_wait3A_417 = arith.constant 0 : i32
      %dma_wait3A_418 = tpu.memref_slice %arg3[%dma_wait3A_416, %dma_wait3A_417] : memref<8192x16xf32, #tpu.memory_space<hbm>> -> memref<8192x16xf32, #tpu.memory_space<hbm>>
      tpu.wait_indirect_dma semaphore(%arg9 : memref<!tpu.dma_semaphore, #tpu.memory_space<semaphore_mem>>) src(%dma_wait3A_418 : memref<8192x16xf32, #tpu.memory_space<hbm>>) dst(%dma_wait3A_412 : memref<128x16xf32, #tpu.memory_space<vmem>>)
      %dma_wait3A_419 = arith.constant 0 : i32
      %dma_wait3A_420 = arith.constant 0 : i32
      %dma_wait3A_421 = arith.constant 1408 : i32
      %dma_wait3A_422 = arith.constant 0 : i32
      %dma_wait3A_423 = tpu.memref_slice %arg6[%dma_wait3A_420, %dma_wait3A_421, %dma_wait3A_422] : memref<4x1600x16xf32, #tpu.memory_space<vmem>> -> memref<1x128x16xf32, #tpu.memory_space<vmem>>
      %dma_wait3A_424 = tpu.memref_squeeze %dma_wait3A_423 : memref<1x128x16xf32, #tpu.memory_space<vmem>> -> memref<128x16xf32, #tpu.memory_space<vmem>>
      %dma_wait3A_425 = arith.constant 1408 : i32
      %dma_wait3A_426 = tpu.memref_slice %arg5[%dma_wait3A_419, %dma_wait3A_425] : memref<4x1600xi32, #tpu.memory_space<vmem>> -> memref<1x128xi32, #tpu.memory_space<vmem>>
      %dma_wait3A_427 = tpu.memref_squeeze %dma_wait3A_426 : memref<1x128xi32, #tpu.memory_space<vmem>> -> memref<128xi32, #tpu.memory_space<vmem>>
      %dma_wait3A_428 = arith.constant 0 : i32
      %dma_wait3A_429 = arith.constant 0 : i32
      %dma_wait3A_430 = tpu.memref_slice %arg3[%dma_wait3A_428, %dma_wait3A_429] : memref<8192x16xf32, #tpu.memory_space<hbm>> -> memref<8192x16xf32, #tpu.memory_space<hbm>>
      tpu.wait_indirect_dma semaphore(%arg9 : memref<!tpu.dma_semaphore, #tpu.memory_space<semaphore_mem>>) src(%dma_wait3A_430 : memref<8192x16xf32, #tpu.memory_space<hbm>>) dst(%dma_wait3A_424 : memref<128x16xf32, #tpu.memory_space<vmem>>)
      %dma_wait3A_431 = arith.constant 0 : i32
      %dma_wait3A_432 = arith.constant 0 : i32
      %dma_wait3A_433 = arith.constant 1536 : i32
      %dma_wait3A_434 = arith.constant 0 : i32
      %dma_wait3A_435 = tpu.memref_slice %arg6[%dma_wait3A_432, %dma_wait3A_433, %dma_wait3A_434] : memref<4x1600x16xf32, #tpu.memory_space<vmem>> -> memref<1x64x16xf32, #tpu.memory_space<vmem>>
      %dma_wait3A_436 = tpu.memref_squeeze %dma_wait3A_435 : memref<1x64x16xf32, #tpu.memory_space<vmem>> -> memref<64x16xf32, #tpu.memory_space<vmem>>
      %dma_wait3A_437 = arith.constant 1536 : i32
      %dma_wait3A_438 = tpu.memref_slice %arg5[%dma_wait3A_431, %dma_wait3A_437] : memref<4x1600xi32, #tpu.memory_space<vmem>> -> memref<1x64xi32, #tpu.memory_space<vmem>>
      %dma_wait3A_439 = tpu.memref_squeeze %dma_wait3A_438 : memref<1x64xi32, #tpu.memory_space<vmem>> -> memref<64xi32, #tpu.memory_space<vmem>>
      %dma_wait3A_440 = arith.constant 0 : i32
      %dma_wait3A_441 = arith.constant 0 : i32
      %dma_wait3A_442 = tpu.memref_slice %arg3[%dma_wait3A_440, %dma_wait3A_441] : memref<8192x16xf32, #tpu.memory_space<hbm>> -> memref<8192x16xf32, #tpu.memory_space<hbm>>
      tpu.wait_indirect_dma semaphore(%arg9 : memref<!tpu.dma_semaphore, #tpu.memory_space<semaphore_mem>>) src(%dma_wait3A_442 : memref<8192x16xf32, #tpu.memory_space<hbm>>) dst(%dma_wait3A_436 : memref<64x16xf32, #tpu.memory_space<vmem>>)
      %mul3A_443 = arith.constant 1600 : i32
      %mul3A_444 = arith.muli %add3A_111, %mul3A_443 : i32
      %add3A_445 = arith.addi %mul3A_2, %mul3A_444 : i32
      %dma_start3A_446 = arith.constant 0 : i32
      %dma_start3A_447 = arith.constant 0 : i32
      %dma_start3A_448 = arith.constant 0 : i32
      %dma_start3A_449 = arith.constant 0 : i32
      %dma_start3A_450 = tpu.memref_slice %arg6[%dma_start3A_446, %dma_start3A_448, %dma_start3A_449] : memref<4x1600x16xf32, #tpu.memory_space<vmem>> -> memref<1x1600x16xf32, #tpu.memory_space<vmem>>
      %dma_start3A_451 = tpu.memref_squeeze %dma_start3A_450 : memref<1x1600x16xf32, #tpu.memory_space<vmem>> -> memref<1600x16xf32, #tpu.memory_space<vmem>>
      %dma_start3A_452 = arith.constant 0 : i32
      %dma_start3A_453 = tpu.memref_slice %arg4[%add3A_445, %dma_start3A_452] : memref<1638400x16xf32, #tpu.memory_space<hbm>> -> memref<1600x16xf32, #tpu.memory_space<hbm>>
      %dma_start3A_454 = tpu.memref_slice %arg8[%dma_start3A_447] : memref<4x!tpu.dma_semaphore, #tpu.memory_space<semaphore_mem>> -> memref<1x!tpu.dma_semaphore, #tpu.memory_space<semaphore_mem>>
      %dma_start3A_455 = tpu.memref_squeeze %dma_start3A_454 : memref<1x!tpu.dma_semaphore, #tpu.memory_space<semaphore_mem>> -> memref<!tpu.dma_semaphore, #tpu.memory_space<semaphore_mem>>
      %dma_start3A_456 = arith.constant 0 : i32
      %dma_start3A_457 = tpu.memref_slice %arg4[%add3A_445, %dma_start3A_456] : memref<1638400x16xf32, #tpu.memory_space<hbm>> -> memref<1600x16xf32, #tpu.memory_space<hbm>>
      %dma_start3A_458 = arith.constant 0 : i32
      %dma_start3A_459 = arith.constant 0 : i32
      %dma_start3A_460 = tpu.memref_slice %arg6[%dma_start3A_446, %dma_start3A_458, %dma_start3A_459] : memref<4x1600x16xf32, #tpu.memory_space<vmem>> -> memref<1x1600x16xf32, #tpu.memory_space<vmem>>
      %dma_start3A_461 = tpu.memref_squeeze %dma_start3A_460 : memref<1x1600x16xf32, #tpu.memory_space<vmem>> -> memref<1600x16xf32, #tpu.memory_space<vmem>>
      tpu.enqueue_dma source(%dma_start3A_461 : memref<1600x16xf32, #tpu.memory_space<vmem>>) target(%dma_start3A_457 : memref<1600x16xf32, #tpu.memory_space<hbm>>) target_semaphore(%dma_start3A_455 : memref<!tpu.dma_semaphore, #tpu.memory_space<semaphore_mem>>)
      %add3A_462 = arith.constant 1 : i32
      %add3A_463 = arith.addi %add3A_109, %add3A_462 : i32
      %add3A_464 = arith.constant 2 : i32
      %add3A_465 = arith.addi %add3A_463, %add3A_464 : i32
      %lt3A_466 = arith.constant 32 : i32
      %lt3A_467 = arith.cmpi slt, %add3A_465, %lt3A_466 : i32
      %convert_element_type3A_468 = arith.extui %lt3A_467 : i1 to i32
      %cond3A_469 = arith.constant 0 : i32
      %cond3A_470 = arith.cmpi ne, %convert_element_type3A_468, %cond3A_469 : i32
      scf.if %cond3A_470 {
        %ge3A = arith.constant 2 : i32
        %ge3A_1527 = arith.cmpi sge, %add3A_463, %ge3A : i32
        %convert_element_type3A_1528 = arith.extui %ge3A_1527 : i1 to i32
        %cond3A_1529 = arith.constant 0 : i32
        %cond3A_1530 = arith.cmpi ne, %convert_element_type3A_1528, %cond3A_1529 : i32
        scf.if %cond3A_1530 {
          %sub3A = arith.constant 2 : i32
          %sub3A_1546 = arith.subi %add3A_463, %sub3A : i32
          %mul3A_1547 = arith.constant 1600 : i32
          %mul3A_1548 = arith.muli %sub3A_1546, %mul3A_1547 : i32
          %add3A_1549 = arith.addi %mul3A_2, %mul3A_1548 : i32
          %dma_wait3A_1550 = arith.constant 3 : i32
          %dma_wait3A_1551 = arith.constant 3 : i32
          %dma_wait3A_1552 = arith.constant 0 : i32
          %dma_wait3A_1553 = arith.constant 0 : i32
          %dma_wait3A_1554 = tpu.memref_slice %arg6[%dma_wait3A_1550, %dma_wait3A_1552, %dma_wait3A_1553] : memref<4x1600x16xf32, #tpu.memory_space<vmem>> -> memref<1x1600x16xf32, #tpu.memory_space<vmem>>
          %dma_wait3A_1555 = tpu.memref_squeeze %dma_wait3A_1554 : memref<1x1600x16xf32, #tpu.memory_space<vmem>> -> memref<1600x16xf32, #tpu.memory_space<vmem>>
          %dma_wait3A_1556 = arith.constant 0 : i32
          %dma_wait3A_1557 = tpu.memref_slice %arg4[%add3A_1549, %dma_wait3A_1556] : memref<1638400x16xf32, #tpu.memory_space<hbm>> -> memref<1600x16xf32, #tpu.memory_space<hbm>>
          %dma_wait3A_1558 = tpu.memref_slice %arg8[%dma_wait3A_1551] : memref<4x!tpu.dma_semaphore, #tpu.memory_space<semaphore_mem>> -> memref<1x!tpu.dma_semaphore, #tpu.memory_space<semaphore_mem>>
          %dma_wait3A_1559 = tpu.memref_squeeze %dma_wait3A_1558 : memref<1x!tpu.dma_semaphore, #tpu.memory_space<semaphore_mem>> -> memref<!tpu.dma_semaphore, #tpu.memory_space<semaphore_mem>>
          %dma_wait3A_1560 = arith.constant 0 : i32
          %dma_wait3A_1561 = tpu.memref_slice %arg4[%add3A_1549, %dma_wait3A_1560] : memref<1638400x16xf32, #tpu.memory_space<hbm>> -> memref<1600x16xf32, #tpu.memory_space<hbm>>
          %dma_wait3A_1562 = arith.constant 0 : i32
          %dma_wait3A_1563 = arith.constant 0 : i32
          %dma_wait3A_1564 = tpu.memref_slice %arg6[%dma_wait3A_1550, %dma_wait3A_1562, %dma_wait3A_1563] : memref<4x1600x16xf32, #tpu.memory_space<vmem>> -> memref<1x1600x16xf32, #tpu.memory_space<vmem>>
          %dma_wait3A_1565 = tpu.memref_squeeze %dma_wait3A_1564 : memref<1x1600x16xf32, #tpu.memory_space<vmem>> -> memref<1600x16xf32, #tpu.memory_space<vmem>>
          tpu.wait_dma2 semaphore(%dma_wait3A_1559 : memref<!tpu.dma_semaphore, #tpu.memory_space<semaphore_mem>>) src(%dma_wait3A_1565 : memref<1600x16xf32, #tpu.memory_space<vmem>>) dst(%dma_wait3A_1561 : memref<1600x16xf32, #tpu.memory_space<hbm>>)
        } else {
        }
        %mul3A_1531 = arith.constant 1600 : i32
        %mul3A_1532 = arith.muli %add3A_465, %mul3A_1531 : i32
        %add3A_1533 = arith.addi %mul3A_2, %mul3A_1532 : i32
        %dma_start3A_1534 = arith.constant 3 : i32
        %dma_start3A_1535 = arith.constant 3 : i32
        %dma_start3A_1536 = arith.constant 0 : i32
        %dma_start3A_1537 = tpu.memref_slice %arg5[%dma_start3A_1534, %dma_start3A_1536] : memref<4x1600xi32, #tpu.memory_space<vmem>> -> memref<1x1600xi32, #tpu.memory_space<vmem>>
        %dma_start3A_1538 = tpu.memref_squeeze %dma_start3A_1537 : memref<1x1600xi32, #tpu.memory_space<vmem>> -> memref<1600xi32, #tpu.memory_space<vmem>>
        %dma_start3A_1539 = tpu.memref_slice %arg2[%add3A_1533] : memref<1638400xi32, #tpu.memory_space<hbm>> -> memref<1600xi32, #tpu.memory_space<hbm>>
        %dma_start3A_1540 = tpu.memref_slice %arg7[%dma_start3A_1535] : memref<4x!tpu.dma_semaphore, #tpu.memory_space<semaphore_mem>> -> memref<1x!tpu.dma_semaphore, #tpu.memory_space<semaphore_mem>>
        %dma_start3A_1541 = tpu.memref_squeeze %dma_start3A_1540 : memref<1x!tpu.dma_semaphore, #tpu.memory_space<semaphore_mem>> -> memref<!tpu.dma_semaphore, #tpu.memory_space<semaphore_mem>>
        %dma_start3A_1542 = arith.constant 0 : i32
        %dma_start3A_1543 = tpu.memref_slice %arg5[%dma_start3A_1534, %dma_start3A_1542] : memref<4x1600xi32, #tpu.memory_space<vmem>> -> memref<1x1600xi32, #tpu.memory_space<vmem>>
        %dma_start3A_1544 = tpu.memref_squeeze %dma_start3A_1543 : memref<1x1600xi32, #tpu.memory_space<vmem>> -> memref<1600xi32, #tpu.memory_space<vmem>>
        %dma_start3A_1545 = tpu.memref_slice %arg2[%add3A_1533] : memref<1638400xi32, #tpu.memory_space<hbm>> -> memref<1600xi32, #tpu.memory_space<hbm>>
        tpu.enqueue_dma source(%dma_start3A_1545 : memref<1600xi32, #tpu.memory_space<hbm>>) target(%dma_start3A_1544 : memref<1600xi32, #tpu.memory_space<vmem>>) target_semaphore(%dma_start3A_1541 : memref<!tpu.dma_semaphore, #tpu.memory_space<semaphore_mem>>)
      } else {
      }
      %mul3A_471 = arith.constant 1600 : i32
      %mul3A_472 = arith.muli %add3A_463, %mul3A_471 : i32
      %add3A_473 = arith.addi %mul3A_2, %mul3A_472 : i32
      %dma_wait3A_474 = arith.constant 1 : i32
      %dma_wait3A_475 = arith.constant 1 : i32
      %dma_wait3A_476 = arith.constant 0 : i32
      %dma_wait3A_477 = tpu.memref_slice %arg5[%dma_wait3A_474, %dma_wait3A_476] : memref<4x1600xi32, #tpu.memory_space<vmem>> -> memref<1x1600xi32, #tpu.memory_space<vmem>>
      %dma_wait3A_478 = tpu.memref_squeeze %dma_wait3A_477 : memref<1x1600xi32, #tpu.memory_space<vmem>> -> memref<1600xi32, #tpu.memory_space<vmem>>
      %dma_wait3A_479 = tpu.memref_slice %arg2[%add3A_473] : memref<1638400xi32, #tpu.memory_space<hbm>> -> memref<1600xi32, #tpu.memory_space<hbm>>
      %dma_wait3A_480 = tpu.memref_slice %arg7[%dma_wait3A_475] : memref<4x!tpu.dma_semaphore, #tpu.memory_space<semaphore_mem>> -> memref<1x!tpu.dma_semaphore, #tpu.memory_space<semaphore_mem>>
      %dma_wait3A_481 = tpu.memref_squeeze %dma_wait3A_480 : memref<1x!tpu.dma_semaphore, #tpu.memory_space<semaphore_mem>> -> memref<!tpu.dma_semaphore, #tpu.memory_space<semaphore_mem>>
      %dma_wait3A_482 = arith.constant 0 : i32
      %dma_wait3A_483 = tpu.memref_slice %arg5[%dma_wait3A_474, %dma_wait3A_482] : memref<4x1600xi32, #tpu.memory_space<vmem>> -> memref<1x1600xi32, #tpu.memory_space<vmem>>
      %dma_wait3A_484 = tpu.memref_squeeze %dma_wait3A_483 : memref<1x1600xi32, #tpu.memory_space<vmem>> -> memref<1600xi32, #tpu.memory_space<vmem>>
      %dma_wait3A_485 = tpu.memref_slice %arg2[%add3A_473] : memref<1638400xi32, #tpu.memory_space<hbm>> -> memref<1600xi32, #tpu.memory_space<hbm>>
      tpu.wait_dma2 semaphore(%dma_wait3A_481 : memref<!tpu.dma_semaphore, #tpu.memory_space<semaphore_mem>>) src(%dma_wait3A_485 : memref<1600xi32, #tpu.memory_space<hbm>>) dst(%dma_wait3A_484 : memref<1600xi32, #tpu.memory_space<vmem>>)
      %dma_start3A_486 = arith.constant 1 : i32
      %dma_start3A_487 = arith.constant 1 : i32
      %dma_start3A_488 = arith.constant 0 : i32
      %dma_start3A_489 = arith.constant 0 : i32
      %dma_start3A_490 = tpu.memref_slice %arg6[%dma_start3A_487, %dma_start3A_488, %dma_start3A_489] : memref<4x1600x16xf32, #tpu.memory_space<vmem>> -> memref<1x128x16xf32, #tpu.memory_space<vmem>>
      %dma_start3A_491 = tpu.memref_squeeze %dma_start3A_490 : memref<1x128x16xf32, #tpu.memory_space<vmem>> -> memref<128x16xf32, #tpu.memory_space<vmem>>
      %dma_start3A_492 = arith.constant 0 : i32
      %dma_start3A_493 = tpu.memref_slice %arg5[%dma_start3A_486, %dma_start3A_492] : memref<4x1600xi32, #tpu.memory_space<vmem>> -> memref<1x128xi32, #tpu.memory_space<vmem>>
      %dma_start3A_494 = tpu.memref_squeeze %dma_start3A_493 : memref<1x128xi32, #tpu.memory_space<vmem>> -> memref<128xi32, #tpu.memory_space<vmem>>
      %dma_start3A_495 = arith.constant 0 : i32
      %dma_start3A_496 = arith.constant 0 : i32
      %dma_start3A_497 = tpu.memref_slice %arg3[%dma_start3A_495, %dma_start3A_496] : memref<8192x16xf32, #tpu.memory_space<hbm>> -> memref<8192x16xf32, #tpu.memory_space<hbm>>
      tpu.enqueue_indirect_dma source(%dma_start3A_497 : memref<8192x16xf32, #tpu.memory_space<hbm>>) target(%dma_start3A_491 : memref<128x16xf32, #tpu.memory_space<vmem>>) offsets(%dma_start3A_494 : memref<128xi32, #tpu.memory_space<vmem>>) semaphore(%arg9 : memref<!tpu.dma_semaphore, #tpu.memory_space<semaphore_mem>>)
      %dma_start3A_498 = arith.constant 1 : i32
      %dma_start3A_499 = arith.constant 1 : i32
      %dma_start3A_500 = arith.constant 128 : i32
      %dma_start3A_501 = arith.constant 0 : i32
      %dma_start3A_502 = tpu.memref_slice %arg6[%dma_start3A_499, %dma_start3A_500, %dma_start3A_501] : memref<4x1600x16xf32, #tpu.memory_space<vmem>> -> memref<1x128x16xf32, #tpu.memory_space<vmem>>
      %dma_start3A_503 = tpu.memref_squeeze %dma_start3A_502 : memref<1x128x16xf32, #tpu.memory_space<vmem>> -> memref<128x16xf32, #tpu.memory_space<vmem>>
      %dma_start3A_504 = arith.constant 128 : i32
      %dma_start3A_505 = tpu.memref_slice %arg5[%dma_start3A_498, %dma_start3A_504] : memref<4x1600xi32, #tpu.memory_space<vmem>> -> memref<1x128xi32, #tpu.memory_space<vmem>>
      %dma_start3A_506 = tpu.memref_squeeze %dma_start3A_505 : memref<1x128xi32, #tpu.memory_space<vmem>> -> memref<128xi32, #tpu.memory_space<vmem>>
      %dma_start3A_507 = arith.constant 0 : i32
      %dma_start3A_508 = arith.constant 0 : i32
      %dma_start3A_509 = tpu.memref_slice %arg3[%dma_start3A_507, %dma_start3A_508] : memref<8192x16xf32, #tpu.memory_space<hbm>> -> memref<8192x16xf32, #tpu.memory_space<hbm>>
      tpu.enqueue_indirect_dma source(%dma_start3A_509 : memref<8192x16xf32, #tpu.memory_space<hbm>>) target(%dma_start3A_503 : memref<128x16xf32, #tpu.memory_space<vmem>>) offsets(%dma_start3A_506 : memref<128xi32, #tpu.memory_space<vmem>>) semaphore(%arg9 : memref<!tpu.dma_semaphore, #tpu.memory_space<semaphore_mem>>)
      %dma_start3A_510 = arith.constant 1 : i32
      %dma_start3A_511 = arith.constant 1 : i32
      %dma_start3A_512 = arith.constant 256 : i32
      %dma_start3A_513 = arith.constant 0 : i32
      %dma_start3A_514 = tpu.memref_slice %arg6[%dma_start3A_511, %dma_start3A_512, %dma_start3A_513] : memref<4x1600x16xf32, #tpu.memory_space<vmem>> -> memref<1x128x16xf32, #tpu.memory_space<vmem>>
      %dma_start3A_515 = tpu.memref_squeeze %dma_start3A_514 : memref<1x128x16xf32, #tpu.memory_space<vmem>> -> memref<128x16xf32, #tpu.memory_space<vmem>>
      %dma_start3A_516 = arith.constant 256 : i32
      %dma_start3A_517 = tpu.memref_slice %arg5[%dma_start3A_510, %dma_start3A_516] : memref<4x1600xi32, #tpu.memory_space<vmem>> -> memref<1x128xi32, #tpu.memory_space<vmem>>
      %dma_start3A_518 = tpu.memref_squeeze %dma_start3A_517 : memref<1x128xi32, #tpu.memory_space<vmem>> -> memref<128xi32, #tpu.memory_space<vmem>>
      %dma_start3A_519 = arith.constant 0 : i32
      %dma_start3A_520 = arith.constant 0 : i32
      %dma_start3A_521 = tpu.memref_slice %arg3[%dma_start3A_519, %dma_start3A_520] : memref<8192x16xf32, #tpu.memory_space<hbm>> -> memref<8192x16xf32, #tpu.memory_space<hbm>>
      tpu.enqueue_indirect_dma source(%dma_start3A_521 : memref<8192x16xf32, #tpu.memory_space<hbm>>) target(%dma_start3A_515 : memref<128x16xf32, #tpu.memory_space<vmem>>) offsets(%dma_start3A_518 : memref<128xi32, #tpu.memory_space<vmem>>) semaphore(%arg9 : memref<!tpu.dma_semaphore, #tpu.memory_space<semaphore_mem>>)
      %dma_start3A_522 = arith.constant 1 : i32
      %dma_start3A_523 = arith.constant 1 : i32
      %dma_start3A_524 = arith.constant 384 : i32
      %dma_start3A_525 = arith.constant 0 : i32
      %dma_start3A_526 = tpu.memref_slice %arg6[%dma_start3A_523, %dma_start3A_524, %dma_start3A_525] : memref<4x1600x16xf32, #tpu.memory_space<vmem>> -> memref<1x128x16xf32, #tpu.memory_space<vmem>>
      %dma_start3A_527 = tpu.memref_squeeze %dma_start3A_526 : memref<1x128x16xf32, #tpu.memory_space<vmem>> -> memref<128x16xf32, #tpu.memory_space<vmem>>
      %dma_start3A_528 = arith.constant 384 : i32
      %dma_start3A_529 = tpu.memref_slice %arg5[%dma_start3A_522, %dma_start3A_528] : memref<4x1600xi32, #tpu.memory_space<vmem>> -> memref<1x128xi32, #tpu.memory_space<vmem>>
      %dma_start3A_530 = tpu.memref_squeeze %dma_start3A_529 : memref<1x128xi32, #tpu.memory_space<vmem>> -> memref<128xi32, #tpu.memory_space<vmem>>
      %dma_start3A_531 = arith.constant 0 : i32
      %dma_start3A_532 = arith.constant 0 : i32
      %dma_start3A_533 = tpu.memref_slice %arg3[%dma_start3A_531, %dma_start3A_532] : memref<8192x16xf32, #tpu.memory_space<hbm>> -> memref<8192x16xf32, #tpu.memory_space<hbm>>
      tpu.enqueue_indirect_dma source(%dma_start3A_533 : memref<8192x16xf32, #tpu.memory_space<hbm>>) target(%dma_start3A_527 : memref<128x16xf32, #tpu.memory_space<vmem>>) offsets(%dma_start3A_530 : memref<128xi32, #tpu.memory_space<vmem>>) semaphore(%arg9 : memref<!tpu.dma_semaphore, #tpu.memory_space<semaphore_mem>>)
      %dma_start3A_534 = arith.constant 1 : i32
      %dma_start3A_535 = arith.constant 1 : i32
      %dma_start3A_536 = arith.constant 512 : i32
      %dma_start3A_537 = arith.constant 0 : i32
      %dma_start3A_538 = tpu.memref_slice %arg6[%dma_start3A_535, %dma_start3A_536, %dma_start3A_537] : memref<4x1600x16xf32, #tpu.memory_space<vmem>> -> memref<1x128x16xf32, #tpu.memory_space<vmem>>
      %dma_start3A_539 = tpu.memref_squeeze %dma_start3A_538 : memref<1x128x16xf32, #tpu.memory_space<vmem>> -> memref<128x16xf32, #tpu.memory_space<vmem>>
      %dma_start3A_540 = arith.constant 512 : i32
      %dma_start3A_541 = tpu.memref_slice %arg5[%dma_start3A_534, %dma_start3A_540] : memref<4x1600xi32, #tpu.memory_space<vmem>> -> memref<1x128xi32, #tpu.memory_space<vmem>>
      %dma_start3A_542 = tpu.memref_squeeze %dma_start3A_541 : memref<1x128xi32, #tpu.memory_space<vmem>> -> memref<128xi32, #tpu.memory_space<vmem>>
      %dma_start3A_543 = arith.constant 0 : i32
      %dma_start3A_544 = arith.constant 0 : i32
      %dma_start3A_545 = tpu.memref_slice %arg3[%dma_start3A_543, %dma_start3A_544] : memref<8192x16xf32, #tpu.memory_space<hbm>> -> memref<8192x16xf32, #tpu.memory_space<hbm>>
      tpu.enqueue_indirect_dma source(%dma_start3A_545 : memref<8192x16xf32, #tpu.memory_space<hbm>>) target(%dma_start3A_539 : memref<128x16xf32, #tpu.memory_space<vmem>>) offsets(%dma_start3A_542 : memref<128xi32, #tpu.memory_space<vmem>>) semaphore(%arg9 : memref<!tpu.dma_semaphore, #tpu.memory_space<semaphore_mem>>)
      %dma_start3A_546 = arith.constant 1 : i32
      %dma_start3A_547 = arith.constant 1 : i32
      %dma_start3A_548 = arith.constant 640 : i32
      %dma_start3A_549 = arith.constant 0 : i32
      %dma_start3A_550 = tpu.memref_slice %arg6[%dma_start3A_547, %dma_start3A_548, %dma_start3A_549] : memref<4x1600x16xf32, #tpu.memory_space<vmem>> -> memref<1x128x16xf32, #tpu.memory_space<vmem>>
      %dma_start3A_551 = tpu.memref_squeeze %dma_start3A_550 : memref<1x128x16xf32, #tpu.memory_space<vmem>> -> memref<128x16xf32, #tpu.memory_space<vmem>>
      %dma_start3A_552 = arith.constant 640 : i32
      %dma_start3A_553 = tpu.memref_slice %arg5[%dma_start3A_546, %dma_start3A_552] : memref<4x1600xi32, #tpu.memory_space<vmem>> -> memref<1x128xi32, #tpu.memory_space<vmem>>
      %dma_start3A_554 = tpu.memref_squeeze %dma_start3A_553 : memref<1x128xi32, #tpu.memory_space<vmem>> -> memref<128xi32, #tpu.memory_space<vmem>>
      %dma_start3A_555 = arith.constant 0 : i32
      %dma_start3A_556 = arith.constant 0 : i32
      %dma_start3A_557 = tpu.memref_slice %arg3[%dma_start3A_555, %dma_start3A_556] : memref<8192x16xf32, #tpu.memory_space<hbm>> -> memref<8192x16xf32, #tpu.memory_space<hbm>>
      tpu.enqueue_indirect_dma source(%dma_start3A_557 : memref<8192x16xf32, #tpu.memory_space<hbm>>) target(%dma_start3A_551 : memref<128x16xf32, #tpu.memory_space<vmem>>) offsets(%dma_start3A_554 : memref<128xi32, #tpu.memory_space<vmem>>) semaphore(%arg9 : memref<!tpu.dma_semaphore, #tpu.memory_space<semaphore_mem>>)
      %dma_start3A_558 = arith.constant 1 : i32
      %dma_start3A_559 = arith.constant 1 : i32
      %dma_start3A_560 = arith.constant 768 : i32
      %dma_start3A_561 = arith.constant 0 : i32
      %dma_start3A_562 = tpu.memref_slice %arg6[%dma_start3A_559, %dma_start3A_560, %dma_start3A_561] : memref<4x1600x16xf32, #tpu.memory_space<vmem>> -> memref<1x128x16xf32, #tpu.memory_space<vmem>>
      %dma_start3A_563 = tpu.memref_squeeze %dma_start3A_562 : memref<1x128x16xf32, #tpu.memory_space<vmem>> -> memref<128x16xf32, #tpu.memory_space<vmem>>
      %dma_start3A_564 = arith.constant 768 : i32
      %dma_start3A_565 = tpu.memref_slice %arg5[%dma_start3A_558, %dma_start3A_564] : memref<4x1600xi32, #tpu.memory_space<vmem>> -> memref<1x128xi32, #tpu.memory_space<vmem>>
      %dma_start3A_566 = tpu.memref_squeeze %dma_start3A_565 : memref<1x128xi32, #tpu.memory_space<vmem>> -> memref<128xi32, #tpu.memory_space<vmem>>
      %dma_start3A_567 = arith.constant 0 : i32
      %dma_start3A_568 = arith.constant 0 : i32
      %dma_start3A_569 = tpu.memref_slice %arg3[%dma_start3A_567, %dma_start3A_568] : memref<8192x16xf32, #tpu.memory_space<hbm>> -> memref<8192x16xf32, #tpu.memory_space<hbm>>
      tpu.enqueue_indirect_dma source(%dma_start3A_569 : memref<8192x16xf32, #tpu.memory_space<hbm>>) target(%dma_start3A_563 : memref<128x16xf32, #tpu.memory_space<vmem>>) offsets(%dma_start3A_566 : memref<128xi32, #tpu.memory_space<vmem>>) semaphore(%arg9 : memref<!tpu.dma_semaphore, #tpu.memory_space<semaphore_mem>>)
      %dma_start3A_570 = arith.constant 1 : i32
      %dma_start3A_571 = arith.constant 1 : i32
      %dma_start3A_572 = arith.constant 896 : i32
      %dma_start3A_573 = arith.constant 0 : i32
      %dma_start3A_574 = tpu.memref_slice %arg6[%dma_start3A_571, %dma_start3A_572, %dma_start3A_573] : memref<4x1600x16xf32, #tpu.memory_space<vmem>> -> memref<1x128x16xf32, #tpu.memory_space<vmem>>
      %dma_start3A_575 = tpu.memref_squeeze %dma_start3A_574 : memref<1x128x16xf32, #tpu.memory_space<vmem>> -> memref<128x16xf32, #tpu.memory_space<vmem>>
      %dma_start3A_576 = arith.constant 896 : i32
      %dma_start3A_577 = tpu.memref_slice %arg5[%dma_start3A_570, %dma_start3A_576] : memref<4x1600xi32, #tpu.memory_space<vmem>> -> memref<1x128xi32, #tpu.memory_space<vmem>>
      %dma_start3A_578 = tpu.memref_squeeze %dma_start3A_577 : memref<1x128xi32, #tpu.memory_space<vmem>> -> memref<128xi32, #tpu.memory_space<vmem>>
      %dma_start3A_579 = arith.constant 0 : i32
      %dma_start3A_580 = arith.constant 0 : i32
      %dma_start3A_581 = tpu.memref_slice %arg3[%dma_start3A_579, %dma_start3A_580] : memref<8192x16xf32, #tpu.memory_space<hbm>> -> memref<8192x16xf32, #tpu.memory_space<hbm>>
      tpu.enqueue_indirect_dma source(%dma_start3A_581 : memref<8192x16xf32, #tpu.memory_space<hbm>>) target(%dma_start3A_575 : memref<128x16xf32, #tpu.memory_space<vmem>>) offsets(%dma_start3A_578 : memref<128xi32, #tpu.memory_space<vmem>>) semaphore(%arg9 : memref<!tpu.dma_semaphore, #tpu.memory_space<semaphore_mem>>)
      %dma_start3A_582 = arith.constant 1 : i32
      %dma_start3A_583 = arith.constant 1 : i32
      %dma_start3A_584 = arith.constant 1024 : i32
      %dma_start3A_585 = arith.constant 0 : i32
      %dma_start3A_586 = tpu.memref_slice %arg6[%dma_start3A_583, %dma_start3A_584, %dma_start3A_585] : memref<4x1600x16xf32, #tpu.memory_space<vmem>> -> memref<1x128x16xf32, #tpu.memory_space<vmem>>
      %dma_start3A_587 = tpu.memref_squeeze %dma_start3A_586 : memref<1x128x16xf32, #tpu.memory_space<vmem>> -> memref<128x16xf32, #tpu.memory_space<vmem>>
      %dma_start3A_588 = arith.constant 1024 : i32
      %dma_start3A_589 = tpu.memref_slice %arg5[%dma_start3A_582, %dma_start3A_588] : memref<4x1600xi32, #tpu.memory_space<vmem>> -> memref<1x128xi32, #tpu.memory_space<vmem>>
      %dma_start3A_590 = tpu.memref_squeeze %dma_start3A_589 : memref<1x128xi32, #tpu.memory_space<vmem>> -> memref<128xi32, #tpu.memory_space<vmem>>
      %dma_start3A_591 = arith.constant 0 : i32
      %dma_start3A_592 = arith.constant 0 : i32
      %dma_start3A_593 = tpu.memref_slice %arg3[%dma_start3A_591, %dma_start3A_592] : memref<8192x16xf32, #tpu.memory_space<hbm>> -> memref<8192x16xf32, #tpu.memory_space<hbm>>
      tpu.enqueue_indirect_dma source(%dma_start3A_593 : memref<8192x16xf32, #tpu.memory_space<hbm>>) target(%dma_start3A_587 : memref<128x16xf32, #tpu.memory_space<vmem>>) offsets(%dma_start3A_590 : memref<128xi32, #tpu.memory_space<vmem>>) semaphore(%arg9 : memref<!tpu.dma_semaphore, #tpu.memory_space<semaphore_mem>>)
      %dma_start3A_594 = arith.constant 1 : i32
      %dma_start3A_595 = arith.constant 1 : i32
      %dma_start3A_596 = arith.constant 1152 : i32
      %dma_start3A_597 = arith.constant 0 : i32
      %dma_start3A_598 = tpu.memref_slice %arg6[%dma_start3A_595, %dma_start3A_596, %dma_start3A_597] : memref<4x1600x16xf32, #tpu.memory_space<vmem>> -> memref<1x128x16xf32, #tpu.memory_space<vmem>>
      %dma_start3A_599 = tpu.memref_squeeze %dma_start3A_598 : memref<1x128x16xf32, #tpu.memory_space<vmem>> -> memref<128x16xf32, #tpu.memory_space<vmem>>
      %dma_start3A_600 = arith.constant 1152 : i32
      %dma_start3A_601 = tpu.memref_slice %arg5[%dma_start3A_594, %dma_start3A_600] : memref<4x1600xi32, #tpu.memory_space<vmem>> -> memref<1x128xi32, #tpu.memory_space<vmem>>
      %dma_start3A_602 = tpu.memref_squeeze %dma_start3A_601 : memref<1x128xi32, #tpu.memory_space<vmem>> -> memref<128xi32, #tpu.memory_space<vmem>>
      %dma_start3A_603 = arith.constant 0 : i32
      %dma_start3A_604 = arith.constant 0 : i32
      %dma_start3A_605 = tpu.memref_slice %arg3[%dma_start3A_603, %dma_start3A_604] : memref<8192x16xf32, #tpu.memory_space<hbm>> -> memref<8192x16xf32, #tpu.memory_space<hbm>>
      tpu.enqueue_indirect_dma source(%dma_start3A_605 : memref<8192x16xf32, #tpu.memory_space<hbm>>) target(%dma_start3A_599 : memref<128x16xf32, #tpu.memory_space<vmem>>) offsets(%dma_start3A_602 : memref<128xi32, #tpu.memory_space<vmem>>) semaphore(%arg9 : memref<!tpu.dma_semaphore, #tpu.memory_space<semaphore_mem>>)
      %dma_start3A_606 = arith.constant 1 : i32
      %dma_start3A_607 = arith.constant 1 : i32
      %dma_start3A_608 = arith.constant 1280 : i32
      %dma_start3A_609 = arith.constant 0 : i32
      %dma_start3A_610 = tpu.memref_slice %arg6[%dma_start3A_607, %dma_start3A_608, %dma_start3A_609] : memref<4x1600x16xf32, #tpu.memory_space<vmem>> -> memref<1x128x16xf32, #tpu.memory_space<vmem>>
      %dma_start3A_611 = tpu.memref_squeeze %dma_start3A_610 : memref<1x128x16xf32, #tpu.memory_space<vmem>> -> memref<128x16xf32, #tpu.memory_space<vmem>>
      %dma_start3A_612 = arith.constant 1280 : i32
      %dma_start3A_613 = tpu.memref_slice %arg5[%dma_start3A_606, %dma_start3A_612] : memref<4x1600xi32, #tpu.memory_space<vmem>> -> memref<1x128xi32, #tpu.memory_space<vmem>>
      %dma_start3A_614 = tpu.memref_squeeze %dma_start3A_613 : memref<1x128xi32, #tpu.memory_space<vmem>> -> memref<128xi32, #tpu.memory_space<vmem>>
      %dma_start3A_615 = arith.constant 0 : i32
      %dma_start3A_616 = arith.constant 0 : i32
      %dma_start3A_617 = tpu.memref_slice %arg3[%dma_start3A_615, %dma_start3A_616] : memref<8192x16xf32, #tpu.memory_space<hbm>> -> memref<8192x16xf32, #tpu.memory_space<hbm>>
      tpu.enqueue_indirect_dma source(%dma_start3A_617 : memref<8192x16xf32, #tpu.memory_space<hbm>>) target(%dma_start3A_611 : memref<128x16xf32, #tpu.memory_space<vmem>>) offsets(%dma_start3A_614 : memref<128xi32, #tpu.memory_space<vmem>>) semaphore(%arg9 : memref<!tpu.dma_semaphore, #tpu.memory_space<semaphore_mem>>)
      %dma_start3A_618 = arith.constant 1 : i32
      %dma_start3A_619 = arith.constant 1 : i32
      %dma_start3A_620 = arith.constant 1408 : i32
      %dma_start3A_621 = arith.constant 0 : i32
      %dma_start3A_622 = tpu.memref_slice %arg6[%dma_start3A_619, %dma_start3A_620, %dma_start3A_621] : memref<4x1600x16xf32, #tpu.memory_space<vmem>> -> memref<1x128x16xf32, #tpu.memory_space<vmem>>
      %dma_start3A_623 = tpu.memref_squeeze %dma_start3A_622 : memref<1x128x16xf32, #tpu.memory_space<vmem>> -> memref<128x16xf32, #tpu.memory_space<vmem>>
      %dma_start3A_624 = arith.constant 1408 : i32
      %dma_start3A_625 = tpu.memref_slice %arg5[%dma_start3A_618, %dma_start3A_624] : memref<4x1600xi32, #tpu.memory_space<vmem>> -> memref<1x128xi32, #tpu.memory_space<vmem>>
      %dma_start3A_626 = tpu.memref_squeeze %dma_start3A_625 : memref<1x128xi32, #tpu.memory_space<vmem>> -> memref<128xi32, #tpu.memory_space<vmem>>
      %dma_start3A_627 = arith.constant 0 : i32
      %dma_start3A_628 = arith.constant 0 : i32
      %dma_start3A_629 = tpu.memref_slice %arg3[%dma_start3A_627, %dma_start3A_628] : memref<8192x16xf32, #tpu.memory_space<hbm>> -> memref<8192x16xf32, #tpu.memory_space<hbm>>
      tpu.enqueue_indirect_dma source(%dma_start3A_629 : memref<8192x16xf32, #tpu.memory_space<hbm>>) target(%dma_start3A_623 : memref<128x16xf32, #tpu.memory_space<vmem>>) offsets(%dma_start3A_626 : memref<128xi32, #tpu.memory_space<vmem>>) semaphore(%arg9 : memref<!tpu.dma_semaphore, #tpu.memory_space<semaphore_mem>>)
      %dma_start3A_630 = arith.constant 1 : i32
      %dma_start3A_631 = arith.constant 1 : i32
      %dma_start3A_632 = arith.constant 1536 : i32
      %dma_start3A_633 = arith.constant 0 : i32
      %dma_start3A_634 = tpu.memref_slice %arg6[%dma_start3A_631, %dma_start3A_632, %dma_start3A_633] : memref<4x1600x16xf32, #tpu.memory_space<vmem>> -> memref<1x64x16xf32, #tpu.memory_space<vmem>>
      %dma_start3A_635 = tpu.memref_squeeze %dma_start3A_634 : memref<1x64x16xf32, #tpu.memory_space<vmem>> -> memref<64x16xf32, #tpu.memory_space<vmem>>
      %dma_start3A_636 = arith.constant 1536 : i32
      %dma_start3A_637 = tpu.memref_slice %arg5[%dma_start3A_630, %dma_start3A_636] : memref<4x1600xi32, #tpu.memory_space<vmem>> -> memref<1x64xi32, #tpu.memory_space<vmem>>
      %dma_start3A_638 = tpu.memref_squeeze %dma_start3A_637 : memref<1x64xi32, #tpu.memory_space<vmem>> -> memref<64xi32, #tpu.memory_space<vmem>>
      %dma_start3A_639 = arith.constant 0 : i32
      %dma_start3A_640 = arith.constant 0 : i32
      %dma_start3A_641 = tpu.memref_slice %arg3[%dma_start3A_639, %dma_start3A_640] : memref<8192x16xf32, #tpu.memory_space<hbm>> -> memref<8192x16xf32, #tpu.memory_space<hbm>>
      tpu.enqueue_indirect_dma source(%dma_start3A_641 : memref<8192x16xf32, #tpu.memory_space<hbm>>) target(%dma_start3A_635 : memref<64x16xf32, #tpu.memory_space<vmem>>) offsets(%dma_start3A_638 : memref<64xi32, #tpu.memory_space<vmem>>) semaphore(%arg9 : memref<!tpu.dma_semaphore, #tpu.memory_space<semaphore_mem>>)
      %dma_wait3A_642 = arith.constant 1 : i32
      %dma_wait3A_643 = arith.constant 1 : i32
      %dma_wait3A_644 = arith.constant 0 : i32
      %dma_wait3A_645 = arith.constant 0 : i32
      %dma_wait3A_646 = tpu.memref_slice %arg6[%dma_wait3A_643, %dma_wait3A_644, %dma_wait3A_645] : memref<4x1600x16xf32, #tpu.memory_space<vmem>> -> memref<1x128x16xf32, #tpu.memory_space<vmem>>
      %dma_wait3A_647 = tpu.memref_squeeze %dma_wait3A_646 : memref<1x128x16xf32, #tpu.memory_space<vmem>> -> memref<128x16xf32, #tpu.memory_space<vmem>>
      %dma_wait3A_648 = arith.constant 0 : i32
      %dma_wait3A_649 = tpu.memref_slice %arg5[%dma_wait3A_642, %dma_wait3A_648] : memref<4x1600xi32, #tpu.memory_space<vmem>> -> memref<1x128xi32, #tpu.memory_space<vmem>>
      %dma_wait3A_650 = tpu.memref_squeeze %dma_wait3A_649 : memref<1x128xi32, #tpu.memory_space<vmem>> -> memref<128xi32, #tpu.memory_space<vmem>>
      %dma_wait3A_651 = arith.constant 0 : i32
      %dma_wait3A_652 = arith.constant 0 : i32
      %dma_wait3A_653 = tpu.memref_slice %arg3[%dma_wait3A_651, %dma_wait3A_652] : memref<8192x16xf32, #tpu.memory_space<hbm>> -> memref<8192x16xf32, #tpu.memory_space<hbm>>
      tpu.wait_indirect_dma semaphore(%arg9 : memref<!tpu.dma_semaphore, #tpu.memory_space<semaphore_mem>>) src(%dma_wait3A_653 : memref<8192x16xf32, #tpu.memory_space<hbm>>) dst(%dma_wait3A_647 : memref<128x16xf32, #tpu.memory_space<vmem>>)
      %dma_wait3A_654 = arith.constant 1 : i32
      %dma_wait3A_655 = arith.constant 1 : i32
      %dma_wait3A_656 = arith.constant 128 : i32
      %dma_wait3A_657 = arith.constant 0 : i32
      %dma_wait3A_658 = tpu.memref_slice %arg6[%dma_wait3A_655, %dma_wait3A_656, %dma_wait3A_657] : memref<4x1600x16xf32, #tpu.memory_space<vmem>> -> memref<1x128x16xf32, #tpu.memory_space<vmem>>
      %dma_wait3A_659 = tpu.memref_squeeze %dma_wait3A_658 : memref<1x128x16xf32, #tpu.memory_space<vmem>> -> memref<128x16xf32, #tpu.memory_space<vmem>>
      %dma_wait3A_660 = arith.constant 128 : i32
      %dma_wait3A_661 = tpu.memref_slice %arg5[%dma_wait3A_654, %dma_wait3A_660] : memref<4x1600xi32, #tpu.memory_space<vmem>> -> memref<1x128xi32, #tpu.memory_space<vmem>>
      %dma_wait3A_662 = tpu.memref_squeeze %dma_wait3A_661 : memref<1x128xi32, #tpu.memory_space<vmem>> -> memref<128xi32, #tpu.memory_space<vmem>>
      %dma_wait3A_663 = arith.constant 0 : i32
      %dma_wait3A_664 = arith.constant 0 : i32
      %dma_wait3A_665 = tpu.memref_slice %arg3[%dma_wait3A_663, %dma_wait3A_664] : memref<8192x16xf32, #tpu.memory_space<hbm>> -> memref<8192x16xf32, #tpu.memory_space<hbm>>
      tpu.wait_indirect_dma semaphore(%arg9 : memref<!tpu.dma_semaphore, #tpu.memory_space<semaphore_mem>>) src(%dma_wait3A_665 : memref<8192x16xf32, #tpu.memory_space<hbm>>) dst(%dma_wait3A_659 : memref<128x16xf32, #tpu.memory_space<vmem>>)
      %dma_wait3A_666 = arith.constant 1 : i32
      %dma_wait3A_667 = arith.constant 1 : i32
      %dma_wait3A_668 = arith.constant 256 : i32
      %dma_wait3A_669 = arith.constant 0 : i32
      %dma_wait3A_670 = tpu.memref_slice %arg6[%dma_wait3A_667, %dma_wait3A_668, %dma_wait3A_669] : memref<4x1600x16xf32, #tpu.memory_space<vmem>> -> memref<1x128x16xf32, #tpu.memory_space<vmem>>
      %dma_wait3A_671 = tpu.memref_squeeze %dma_wait3A_670 : memref<1x128x16xf32, #tpu.memory_space<vmem>> -> memref<128x16xf32, #tpu.memory_space<vmem>>
      %dma_wait3A_672 = arith.constant 256 : i32
      %dma_wait3A_673 = tpu.memref_slice %arg5[%dma_wait3A_666, %dma_wait3A_672] : memref<4x1600xi32, #tpu.memory_space<vmem>> -> memref<1x128xi32, #tpu.memory_space<vmem>>
      %dma_wait3A_674 = tpu.memref_squeeze %dma_wait3A_673 : memref<1x128xi32, #tpu.memory_space<vmem>> -> memref<128xi32, #tpu.memory_space<vmem>>
      %dma_wait3A_675 = arith.constant 0 : i32
      %dma_wait3A_676 = arith.constant 0 : i32
      %dma_wait3A_677 = tpu.memref_slice %arg3[%dma_wait3A_675, %dma_wait3A_676] : memref<8192x16xf32, #tpu.memory_space<hbm>> -> memref<8192x16xf32, #tpu.memory_space<hbm>>
      tpu.wait_indirect_dma semaphore(%arg9 : memref<!tpu.dma_semaphore, #tpu.memory_space<semaphore_mem>>) src(%dma_wait3A_677 : memref<8192x16xf32, #tpu.memory_space<hbm>>) dst(%dma_wait3A_671 : memref<128x16xf32, #tpu.memory_space<vmem>>)
      %dma_wait3A_678 = arith.constant 1 : i32
      %dma_wait3A_679 = arith.constant 1 : i32
      %dma_wait3A_680 = arith.constant 384 : i32
      %dma_wait3A_681 = arith.constant 0 : i32
      %dma_wait3A_682 = tpu.memref_slice %arg6[%dma_wait3A_679, %dma_wait3A_680, %dma_wait3A_681] : memref<4x1600x16xf32, #tpu.memory_space<vmem>> -> memref<1x128x16xf32, #tpu.memory_space<vmem>>
      %dma_wait3A_683 = tpu.memref_squeeze %dma_wait3A_682 : memref<1x128x16xf32, #tpu.memory_space<vmem>> -> memref<128x16xf32, #tpu.memory_space<vmem>>
      %dma_wait3A_684 = arith.constant 384 : i32
      %dma_wait3A_685 = tpu.memref_slice %arg5[%dma_wait3A_678, %dma_wait3A_684] : memref<4x1600xi32, #tpu.memory_space<vmem>> -> memref<1x128xi32, #tpu.memory_space<vmem>>
      %dma_wait3A_686 = tpu.memref_squeeze %dma_wait3A_685 : memref<1x128xi32, #tpu.memory_space<vmem>> -> memref<128xi32, #tpu.memory_space<vmem>>
      %dma_wait3A_687 = arith.constant 0 : i32
      %dma_wait3A_688 = arith.constant 0 : i32
      %dma_wait3A_689 = tpu.memref_slice %arg3[%dma_wait3A_687, %dma_wait3A_688] : memref<8192x16xf32, #tpu.memory_space<hbm>> -> memref<8192x16xf32, #tpu.memory_space<hbm>>
      tpu.wait_indirect_dma semaphore(%arg9 : memref<!tpu.dma_semaphore, #tpu.memory_space<semaphore_mem>>) src(%dma_wait3A_689 : memref<8192x16xf32, #tpu.memory_space<hbm>>) dst(%dma_wait3A_683 : memref<128x16xf32, #tpu.memory_space<vmem>>)
      %dma_wait3A_690 = arith.constant 1 : i32
      %dma_wait3A_691 = arith.constant 1 : i32
      %dma_wait3A_692 = arith.constant 512 : i32
      %dma_wait3A_693 = arith.constant 0 : i32
      %dma_wait3A_694 = tpu.memref_slice %arg6[%dma_wait3A_691, %dma_wait3A_692, %dma_wait3A_693] : memref<4x1600x16xf32, #tpu.memory_space<vmem>> -> memref<1x128x16xf32, #tpu.memory_space<vmem>>
      %dma_wait3A_695 = tpu.memref_squeeze %dma_wait3A_694 : memref<1x128x16xf32, #tpu.memory_space<vmem>> -> memref<128x16xf32, #tpu.memory_space<vmem>>
      %dma_wait3A_696 = arith.constant 512 : i32
      %dma_wait3A_697 = tpu.memref_slice %arg5[%dma_wait3A_690, %dma_wait3A_696] : memref<4x1600xi32, #tpu.memory_space<vmem>> -> memref<1x128xi32, #tpu.memory_space<vmem>>
      %dma_wait3A_698 = tpu.memref_squeeze %dma_wait3A_697 : memref<1x128xi32, #tpu.memory_space<vmem>> -> memref<128xi32, #tpu.memory_space<vmem>>
      %dma_wait3A_699 = arith.constant 0 : i32
      %dma_wait3A_700 = arith.constant 0 : i32
      %dma_wait3A_701 = tpu.memref_slice %arg3[%dma_wait3A_699, %dma_wait3A_700] : memref<8192x16xf32, #tpu.memory_space<hbm>> -> memref<8192x16xf32, #tpu.memory_space<hbm>>
      tpu.wait_indirect_dma semaphore(%arg9 : memref<!tpu.dma_semaphore, #tpu.memory_space<semaphore_mem>>) src(%dma_wait3A_701 : memref<8192x16xf32, #tpu.memory_space<hbm>>) dst(%dma_wait3A_695 : memref<128x16xf32, #tpu.memory_space<vmem>>)
      %dma_wait3A_702 = arith.constant 1 : i32
      %dma_wait3A_703 = arith.constant 1 : i32
      %dma_wait3A_704 = arith.constant 640 : i32
      %dma_wait3A_705 = arith.constant 0 : i32
      %dma_wait3A_706 = tpu.memref_slice %arg6[%dma_wait3A_703, %dma_wait3A_704, %dma_wait3A_705] : memref<4x1600x16xf32, #tpu.memory_space<vmem>> -> memref<1x128x16xf32, #tpu.memory_space<vmem>>
      %dma_wait3A_707 = tpu.memref_squeeze %dma_wait3A_706 : memref<1x128x16xf32, #tpu.memory_space<vmem>> -> memref<128x16xf32, #tpu.memory_space<vmem>>
      %dma_wait3A_708 = arith.constant 640 : i32
      %dma_wait3A_709 = tpu.memref_slice %arg5[%dma_wait3A_702, %dma_wait3A_708] : memref<4x1600xi32, #tpu.memory_space<vmem>> -> memref<1x128xi32, #tpu.memory_space<vmem>>
      %dma_wait3A_710 = tpu.memref_squeeze %dma_wait3A_709 : memref<1x128xi32, #tpu.memory_space<vmem>> -> memref<128xi32, #tpu.memory_space<vmem>>
      %dma_wait3A_711 = arith.constant 0 : i32
      %dma_wait3A_712 = arith.constant 0 : i32
      %dma_wait3A_713 = tpu.memref_slice %arg3[%dma_wait3A_711, %dma_wait3A_712] : memref<8192x16xf32, #tpu.memory_space<hbm>> -> memref<8192x16xf32, #tpu.memory_space<hbm>>
      tpu.wait_indirect_dma semaphore(%arg9 : memref<!tpu.dma_semaphore, #tpu.memory_space<semaphore_mem>>) src(%dma_wait3A_713 : memref<8192x16xf32, #tpu.memory_space<hbm>>) dst(%dma_wait3A_707 : memref<128x16xf32, #tpu.memory_space<vmem>>)
      %dma_wait3A_714 = arith.constant 1 : i32
      %dma_wait3A_715 = arith.constant 1 : i32
      %dma_wait3A_716 = arith.constant 768 : i32
      %dma_wait3A_717 = arith.constant 0 : i32
      %dma_wait3A_718 = tpu.memref_slice %arg6[%dma_wait3A_715, %dma_wait3A_716, %dma_wait3A_717] : memref<4x1600x16xf32, #tpu.memory_space<vmem>> -> memref<1x128x16xf32, #tpu.memory_space<vmem>>
      %dma_wait3A_719 = tpu.memref_squeeze %dma_wait3A_718 : memref<1x128x16xf32, #tpu.memory_space<vmem>> -> memref<128x16xf32, #tpu.memory_space<vmem>>
      %dma_wait3A_720 = arith.constant 768 : i32
      %dma_wait3A_721 = tpu.memref_slice %arg5[%dma_wait3A_714, %dma_wait3A_720] : memref<4x1600xi32, #tpu.memory_space<vmem>> -> memref<1x128xi32, #tpu.memory_space<vmem>>
      %dma_wait3A_722 = tpu.memref_squeeze %dma_wait3A_721 : memref<1x128xi32, #tpu.memory_space<vmem>> -> memref<128xi32, #tpu.memory_space<vmem>>
      %dma_wait3A_723 = arith.constant 0 : i32
      %dma_wait3A_724 = arith.constant 0 : i32
      %dma_wait3A_725 = tpu.memref_slice %arg3[%dma_wait3A_723, %dma_wait3A_724] : memref<8192x16xf32, #tpu.memory_space<hbm>> -> memref<8192x16xf32, #tpu.memory_space<hbm>>
      tpu.wait_indirect_dma semaphore(%arg9 : memref<!tpu.dma_semaphore, #tpu.memory_space<semaphore_mem>>) src(%dma_wait3A_725 : memref<8192x16xf32, #tpu.memory_space<hbm>>) dst(%dma_wait3A_719 : memref<128x16xf32, #tpu.memory_space<vmem>>)
      %dma_wait3A_726 = arith.constant 1 : i32
      %dma_wait3A_727 = arith.constant 1 : i32
      %dma_wait3A_728 = arith.constant 896 : i32
      %dma_wait3A_729 = arith.constant 0 : i32
      %dma_wait3A_730 = tpu.memref_slice %arg6[%dma_wait3A_727, %dma_wait3A_728, %dma_wait3A_729] : memref<4x1600x16xf32, #tpu.memory_space<vmem>> -> memref<1x128x16xf32, #tpu.memory_space<vmem>>
      %dma_wait3A_731 = tpu.memref_squeeze %dma_wait3A_730 : memref<1x128x16xf32, #tpu.memory_space<vmem>> -> memref<128x16xf32, #tpu.memory_space<vmem>>
      %dma_wait3A_732 = arith.constant 896 : i32
      %dma_wait3A_733 = tpu.memref_slice %arg5[%dma_wait3A_726, %dma_wait3A_732] : memref<4x1600xi32, #tpu.memory_space<vmem>> -> memref<1x128xi32, #tpu.memory_space<vmem>>
      %dma_wait3A_734 = tpu.memref_squeeze %dma_wait3A_733 : memref<1x128xi32, #tpu.memory_space<vmem>> -> memref<128xi32, #tpu.memory_space<vmem>>
      %dma_wait3A_735 = arith.constant 0 : i32
      %dma_wait3A_736 = arith.constant 0 : i32
      %dma_wait3A_737 = tpu.memref_slice %arg3[%dma_wait3A_735, %dma_wait3A_736] : memref<8192x16xf32, #tpu.memory_space<hbm>> -> memref<8192x16xf32, #tpu.memory_space<hbm>>
      tpu.wait_indirect_dma semaphore(%arg9 : memref<!tpu.dma_semaphore, #tpu.memory_space<semaphore_mem>>) src(%dma_wait3A_737 : memref<8192x16xf32, #tpu.memory_space<hbm>>) dst(%dma_wait3A_731 : memref<128x16xf32, #tpu.memory_space<vmem>>)
      %dma_wait3A_738 = arith.constant 1 : i32
      %dma_wait3A_739 = arith.constant 1 : i32
      %dma_wait3A_740 = arith.constant 1024 : i32
      %dma_wait3A_741 = arith.constant 0 : i32
      %dma_wait3A_742 = tpu.memref_slice %arg6[%dma_wait3A_739, %dma_wait3A_740, %dma_wait3A_741] : memref<4x1600x16xf32, #tpu.memory_space<vmem>> -> memref<1x128x16xf32, #tpu.memory_space<vmem>>
      %dma_wait3A_743 = tpu.memref_squeeze %dma_wait3A_742 : memref<1x128x16xf32, #tpu.memory_space<vmem>> -> memref<128x16xf32, #tpu.memory_space<vmem>>
      %dma_wait3A_744 = arith.constant 1024 : i32
      %dma_wait3A_745 = tpu.memref_slice %arg5[%dma_wait3A_738, %dma_wait3A_744] : memref<4x1600xi32, #tpu.memory_space<vmem>> -> memref<1x128xi32, #tpu.memory_space<vmem>>
      %dma_wait3A_746 = tpu.memref_squeeze %dma_wait3A_745 : memref<1x128xi32, #tpu.memory_space<vmem>> -> memref<128xi32, #tpu.memory_space<vmem>>
      %dma_wait3A_747 = arith.constant 0 : i32
      %dma_wait3A_748 = arith.constant 0 : i32
      %dma_wait3A_749 = tpu.memref_slice %arg3[%dma_wait3A_747, %dma_wait3A_748] : memref<8192x16xf32, #tpu.memory_space<hbm>> -> memref<8192x16xf32, #tpu.memory_space<hbm>>
      tpu.wait_indirect_dma semaphore(%arg9 : memref<!tpu.dma_semaphore, #tpu.memory_space<semaphore_mem>>) src(%dma_wait3A_749 : memref<8192x16xf32, #tpu.memory_space<hbm>>) dst(%dma_wait3A_743 : memref<128x16xf32, #tpu.memory_space<vmem>>)
      %dma_wait3A_750 = arith.constant 1 : i32
      %dma_wait3A_751 = arith.constant 1 : i32
      %dma_wait3A_752 = arith.constant 1152 : i32
      %dma_wait3A_753 = arith.constant 0 : i32
      %dma_wait3A_754 = tpu.memref_slice %arg6[%dma_wait3A_751, %dma_wait3A_752, %dma_wait3A_753] : memref<4x1600x16xf32, #tpu.memory_space<vmem>> -> memref<1x128x16xf32, #tpu.memory_space<vmem>>
      %dma_wait3A_755 = tpu.memref_squeeze %dma_wait3A_754 : memref<1x128x16xf32, #tpu.memory_space<vmem>> -> memref<128x16xf32, #tpu.memory_space<vmem>>
      %dma_wait3A_756 = arith.constant 1152 : i32
      %dma_wait3A_757 = tpu.memref_slice %arg5[%dma_wait3A_750, %dma_wait3A_756] : memref<4x1600xi32, #tpu.memory_space<vmem>> -> memref<1x128xi32, #tpu.memory_space<vmem>>
      %dma_wait3A_758 = tpu.memref_squeeze %dma_wait3A_757 : memref<1x128xi32, #tpu.memory_space<vmem>> -> memref<128xi32, #tpu.memory_space<vmem>>
      %dma_wait3A_759 = arith.constant 0 : i32
      %dma_wait3A_760 = arith.constant 0 : i32
      %dma_wait3A_761 = tpu.memref_slice %arg3[%dma_wait3A_759, %dma_wait3A_760] : memref<8192x16xf32, #tpu.memory_space<hbm>> -> memref<8192x16xf32, #tpu.memory_space<hbm>>
      tpu.wait_indirect_dma semaphore(%arg9 : memref<!tpu.dma_semaphore, #tpu.memory_space<semaphore_mem>>) src(%dma_wait3A_761 : memref<8192x16xf32, #tpu.memory_space<hbm>>) dst(%dma_wait3A_755 : memref<128x16xf32, #tpu.memory_space<vmem>>)
      %dma_wait3A_762 = arith.constant 1 : i32
      %dma_wait3A_763 = arith.constant 1 : i32
      %dma_wait3A_764 = arith.constant 1280 : i32
      %dma_wait3A_765 = arith.constant 0 : i32
      %dma_wait3A_766 = tpu.memref_slice %arg6[%dma_wait3A_763, %dma_wait3A_764, %dma_wait3A_765] : memref<4x1600x16xf32, #tpu.memory_space<vmem>> -> memref<1x128x16xf32, #tpu.memory_space<vmem>>
      %dma_wait3A_767 = tpu.memref_squeeze %dma_wait3A_766 : memref<1x128x16xf32, #tpu.memory_space<vmem>> -> memref<128x16xf32, #tpu.memory_space<vmem>>
      %dma_wait3A_768 = arith.constant 1280 : i32
      %dma_wait3A_769 = tpu.memref_slice %arg5[%dma_wait3A_762, %dma_wait3A_768] : memref<4x1600xi32, #tpu.memory_space<vmem>> -> memref<1x128xi32, #tpu.memory_space<vmem>>
      %dma_wait3A_770 = tpu.memref_squeeze %dma_wait3A_769 : memref<1x128xi32, #tpu.memory_space<vmem>> -> memref<128xi32, #tpu.memory_space<vmem>>
      %dma_wait3A_771 = arith.constant 0 : i32
      %dma_wait3A_772 = arith.constant 0 : i32
      %dma_wait3A_773 = tpu.memref_slice %arg3[%dma_wait3A_771, %dma_wait3A_772] : memref<8192x16xf32, #tpu.memory_space<hbm>> -> memref<8192x16xf32, #tpu.memory_space<hbm>>
      tpu.wait_indirect_dma semaphore(%arg9 : memref<!tpu.dma_semaphore, #tpu.memory_space<semaphore_mem>>) src(%dma_wait3A_773 : memref<8192x16xf32, #tpu.memory_space<hbm>>) dst(%dma_wait3A_767 : memref<128x16xf32, #tpu.memory_space<vmem>>)
      %dma_wait3A_774 = arith.constant 1 : i32
      %dma_wait3A_775 = arith.constant 1 : i32
      %dma_wait3A_776 = arith.constant 1408 : i32
      %dma_wait3A_777 = arith.constant 0 : i32
      %dma_wait3A_778 = tpu.memref_slice %arg6[%dma_wait3A_775, %dma_wait3A_776, %dma_wait3A_777] : memref<4x1600x16xf32, #tpu.memory_space<vmem>> -> memref<1x128x16xf32, #tpu.memory_space<vmem>>
      %dma_wait3A_779 = tpu.memref_squeeze %dma_wait3A_778 : memref<1x128x16xf32, #tpu.memory_space<vmem>> -> memref<128x16xf32, #tpu.memory_space<vmem>>
      %dma_wait3A_780 = arith.constant 1408 : i32
      %dma_wait3A_781 = tpu.memref_slice %arg5[%dma_wait3A_774, %dma_wait3A_780] : memref<4x1600xi32, #tpu.memory_space<vmem>> -> memref<1x128xi32, #tpu.memory_space<vmem>>
      %dma_wait3A_782 = tpu.memref_squeeze %dma_wait3A_781 : memref<1x128xi32, #tpu.memory_space<vmem>> -> memref<128xi32, #tpu.memory_space<vmem>>
      %dma_wait3A_783 = arith.constant 0 : i32
      %dma_wait3A_784 = arith.constant 0 : i32
      %dma_wait3A_785 = tpu.memref_slice %arg3[%dma_wait3A_783, %dma_wait3A_784] : memref<8192x16xf32, #tpu.memory_space<hbm>> -> memref<8192x16xf32, #tpu.memory_space<hbm>>
      tpu.wait_indirect_dma semaphore(%arg9 : memref<!tpu.dma_semaphore, #tpu.memory_space<semaphore_mem>>) src(%dma_wait3A_785 : memref<8192x16xf32, #tpu.memory_space<hbm>>) dst(%dma_wait3A_779 : memref<128x16xf32, #tpu.memory_space<vmem>>)
      %dma_wait3A_786 = arith.constant 1 : i32
      %dma_wait3A_787 = arith.constant 1 : i32
      %dma_wait3A_788 = arith.constant 1536 : i32
      %dma_wait3A_789 = arith.constant 0 : i32
      %dma_wait3A_790 = tpu.memref_slice %arg6[%dma_wait3A_787, %dma_wait3A_788, %dma_wait3A_789] : memref<4x1600x16xf32, #tpu.memory_space<vmem>> -> memref<1x64x16xf32, #tpu.memory_space<vmem>>
      %dma_wait3A_791 = tpu.memref_squeeze %dma_wait3A_790 : memref<1x64x16xf32, #tpu.memory_space<vmem>> -> memref<64x16xf32, #tpu.memory_space<vmem>>
      %dma_wait3A_792 = arith.constant 1536 : i32
      %dma_wait3A_793 = tpu.memref_slice %arg5[%dma_wait3A_786, %dma_wait3A_792] : memref<4x1600xi32, #tpu.memory_space<vmem>> -> memref<1x64xi32, #tpu.memory_space<vmem>>
      %dma_wait3A_794 = tpu.memref_squeeze %dma_wait3A_793 : memref<1x64xi32, #tpu.memory_space<vmem>> -> memref<64xi32, #tpu.memory_space<vmem>>
      %dma_wait3A_795 = arith.constant 0 : i32
      %dma_wait3A_796 = arith.constant 0 : i32
      %dma_wait3A_797 = tpu.memref_slice %arg3[%dma_wait3A_795, %dma_wait3A_796] : memref<8192x16xf32, #tpu.memory_space<hbm>> -> memref<8192x16xf32, #tpu.memory_space<hbm>>
      tpu.wait_indirect_dma semaphore(%arg9 : memref<!tpu.dma_semaphore, #tpu.memory_space<semaphore_mem>>) src(%dma_wait3A_797 : memref<8192x16xf32, #tpu.memory_space<hbm>>) dst(%dma_wait3A_791 : memref<64x16xf32, #tpu.memory_space<vmem>>)
      %mul3A_798 = arith.constant 1600 : i32
      %mul3A_799 = arith.muli %add3A_463, %mul3A_798 : i32
      %add3A_800 = arith.addi %mul3A_2, %mul3A_799 : i32
      %dma_start3A_801 = arith.constant 1 : i32
      %dma_start3A_802 = arith.constant 1 : i32
      %dma_start3A_803 = arith.constant 0 : i32
      %dma_start3A_804 = arith.constant 0 : i32
      %dma_start3A_805 = tpu.memref_slice %arg6[%dma_start3A_801, %dma_start3A_803, %dma_start3A_804] : memref<4x1600x16xf32, #tpu.memory_space<vmem>> -> memref<1x1600x16xf32, #tpu.memory_space<vmem>>
      %dma_start3A_806 = tpu.memref_squeeze %dma_start3A_805 : memref<1x1600x16xf32, #tpu.memory_space<vmem>> -> memref<1600x16xf32, #tpu.memory_space<vmem>>
      %dma_start3A_807 = arith.constant 0 : i32
      %dma_start3A_808 = tpu.memref_slice %arg4[%add3A_800, %dma_start3A_807] : memref<1638400x16xf32, #tpu.memory_space<hbm>> -> memref<1600x16xf32, #tpu.memory_space<hbm>>
      %dma_start3A_809 = tpu.memref_slice %arg8[%dma_start3A_802] : memref<4x!tpu.dma_semaphore, #tpu.memory_space<semaphore_mem>> -> memref<1x!tpu.dma_semaphore, #tpu.memory_space<semaphore_mem>>
      %dma_start3A_810 = tpu.memref_squeeze %dma_start3A_809 : memref<1x!tpu.dma_semaphore, #tpu.memory_space<semaphore_mem>> -> memref<!tpu.dma_semaphore, #tpu.memory_space<semaphore_mem>>
      %dma_start3A_811 = arith.constant 0 : i32
      %dma_start3A_812 = tpu.memref_slice %arg4[%add3A_800, %dma_start3A_811] : memref<1638400x16xf32, #tpu.memory_space<hbm>> -> memref<1600x16xf32, #tpu.memory_space<hbm>>
      %dma_start3A_813 = arith.constant 0 : i32
      %dma_start3A_814 = arith.constant 0 : i32
      %dma_start3A_815 = tpu.memref_slice %arg6[%dma_start3A_801, %dma_start3A_813, %dma_start3A_814] : memref<4x1600x16xf32, #tpu.memory_space<vmem>> -> memref<1x1600x16xf32, #tpu.memory_space<vmem>>
      %dma_start3A_816 = tpu.memref_squeeze %dma_start3A_815 : memref<1x1600x16xf32, #tpu.memory_space<vmem>> -> memref<1600x16xf32, #tpu.memory_space<vmem>>
      tpu.enqueue_dma source(%dma_start3A_816 : memref<1600x16xf32, #tpu.memory_space<vmem>>) target(%dma_start3A_812 : memref<1600x16xf32, #tpu.memory_space<hbm>>) target_semaphore(%dma_start3A_810 : memref<!tpu.dma_semaphore, #tpu.memory_space<semaphore_mem>>)
      %add3A_817 = arith.constant 2 : i32
      %add3A_818 = arith.addi %add3A_109, %add3A_817 : i32
      %add3A_819 = arith.constant 2 : i32
      %add3A_820 = arith.addi %add3A_818, %add3A_819 : i32
      %lt3A_821 = arith.constant 32 : i32
      %lt3A_822 = arith.cmpi slt, %add3A_820, %lt3A_821 : i32
      %convert_element_type3A_823 = arith.extui %lt3A_822 : i1 to i32
      %cond3A_824 = arith.constant 0 : i32
      %cond3A_825 = arith.cmpi ne, %convert_element_type3A_823, %cond3A_824 : i32
      scf.if %cond3A_825 {
        %ge3A = arith.constant 2 : i32
        %ge3A_1527 = arith.cmpi sge, %add3A_818, %ge3A : i32
        %convert_element_type3A_1528 = arith.extui %ge3A_1527 : i1 to i32
        %cond3A_1529 = arith.constant 0 : i32
        %cond3A_1530 = arith.cmpi ne, %convert_element_type3A_1528, %cond3A_1529 : i32
        scf.if %cond3A_1530 {
          %sub3A = arith.constant 2 : i32
          %sub3A_1546 = arith.subi %add3A_818, %sub3A : i32
          %mul3A_1547 = arith.constant 1600 : i32
          %mul3A_1548 = arith.muli %sub3A_1546, %mul3A_1547 : i32
          %add3A_1549 = arith.addi %mul3A_2, %mul3A_1548 : i32
          %dma_wait3A_1550 = arith.constant 0 : i32
          %dma_wait3A_1551 = arith.constant 0 : i32
          %dma_wait3A_1552 = arith.constant 0 : i32
          %dma_wait3A_1553 = arith.constant 0 : i32
          %dma_wait3A_1554 = tpu.memref_slice %arg6[%dma_wait3A_1550, %dma_wait3A_1552, %dma_wait3A_1553] : memref<4x1600x16xf32, #tpu.memory_space<vmem>> -> memref<1x1600x16xf32, #tpu.memory_space<vmem>>
          %dma_wait3A_1555 = tpu.memref_squeeze %dma_wait3A_1554 : memref<1x1600x16xf32, #tpu.memory_space<vmem>> -> memref<1600x16xf32, #tpu.memory_space<vmem>>
          %dma_wait3A_1556 = arith.constant 0 : i32
          %dma_wait3A_1557 = tpu.memref_slice %arg4[%add3A_1549, %dma_wait3A_1556] : memref<1638400x16xf32, #tpu.memory_space<hbm>> -> memref<1600x16xf32, #tpu.memory_space<hbm>>
          %dma_wait3A_1558 = tpu.memref_slice %arg8[%dma_wait3A_1551] : memref<4x!tpu.dma_semaphore, #tpu.memory_space<semaphore_mem>> -> memref<1x!tpu.dma_semaphore, #tpu.memory_space<semaphore_mem>>
          %dma_wait3A_1559 = tpu.memref_squeeze %dma_wait3A_1558 : memref<1x!tpu.dma_semaphore, #tpu.memory_space<semaphore_mem>> -> memref<!tpu.dma_semaphore, #tpu.memory_space<semaphore_mem>>
          %dma_wait3A_1560 = arith.constant 0 : i32
          %dma_wait3A_1561 = tpu.memref_slice %arg4[%add3A_1549, %dma_wait3A_1560] : memref<1638400x16xf32, #tpu.memory_space<hbm>> -> memref<1600x16xf32, #tpu.memory_space<hbm>>
          %dma_wait3A_1562 = arith.constant 0 : i32
          %dma_wait3A_1563 = arith.constant 0 : i32
          %dma_wait3A_1564 = tpu.memref_slice %arg6[%dma_wait3A_1550, %dma_wait3A_1562, %dma_wait3A_1563] : memref<4x1600x16xf32, #tpu.memory_space<vmem>> -> memref<1x1600x16xf32, #tpu.memory_space<vmem>>
          %dma_wait3A_1565 = tpu.memref_squeeze %dma_wait3A_1564 : memref<1x1600x16xf32, #tpu.memory_space<vmem>> -> memref<1600x16xf32, #tpu.memory_space<vmem>>
          tpu.wait_dma2 semaphore(%dma_wait3A_1559 : memref<!tpu.dma_semaphore, #tpu.memory_space<semaphore_mem>>) src(%dma_wait3A_1565 : memref<1600x16xf32, #tpu.memory_space<vmem>>) dst(%dma_wait3A_1561 : memref<1600x16xf32, #tpu.memory_space<hbm>>)
        } else {
        }
        %mul3A_1531 = arith.constant 1600 : i32
        %mul3A_1532 = arith.muli %add3A_820, %mul3A_1531 : i32
        %add3A_1533 = arith.addi %mul3A_2, %mul3A_1532 : i32
        %dma_start3A_1534 = arith.constant 0 : i32
        %dma_start3A_1535 = arith.constant 0 : i32
        %dma_start3A_1536 = arith.constant 0 : i32
        %dma_start3A_1537 = tpu.memref_slice %arg5[%dma_start3A_1534, %dma_start3A_1536] : memref<4x1600xi32, #tpu.memory_space<vmem>> -> memref<1x1600xi32, #tpu.memory_space<vmem>>
        %dma_start3A_1538 = tpu.memref_squeeze %dma_start3A_1537 : memref<1x1600xi32, #tpu.memory_space<vmem>> -> memref<1600xi32, #tpu.memory_space<vmem>>
        %dma_start3A_1539 = tpu.memref_slice %arg2[%add3A_1533] : memref<1638400xi32, #tpu.memory_space<hbm>> -> memref<1600xi32, #tpu.memory_space<hbm>>
        %dma_start3A_1540 = tpu.memref_slice %arg7[%dma_start3A_1535] : memref<4x!tpu.dma_semaphore, #tpu.memory_space<semaphore_mem>> -> memref<1x!tpu.dma_semaphore, #tpu.memory_space<semaphore_mem>>
        %dma_start3A_1541 = tpu.memref_squeeze %dma_start3A_1540 : memref<1x!tpu.dma_semaphore, #tpu.memory_space<semaphore_mem>> -> memref<!tpu.dma_semaphore, #tpu.memory_space<semaphore_mem>>
        %dma_start3A_1542 = arith.constant 0 : i32
        %dma_start3A_1543 = tpu.memref_slice %arg5[%dma_start3A_1534, %dma_start3A_1542] : memref<4x1600xi32, #tpu.memory_space<vmem>> -> memref<1x1600xi32, #tpu.memory_space<vmem>>
        %dma_start3A_1544 = tpu.memref_squeeze %dma_start3A_1543 : memref<1x1600xi32, #tpu.memory_space<vmem>> -> memref<1600xi32, #tpu.memory_space<vmem>>
        %dma_start3A_1545 = tpu.memref_slice %arg2[%add3A_1533] : memref<1638400xi32, #tpu.memory_space<hbm>> -> memref<1600xi32, #tpu.memory_space<hbm>>
        tpu.enqueue_dma source(%dma_start3A_1545 : memref<1600xi32, #tpu.memory_space<hbm>>) target(%dma_start3A_1544 : memref<1600xi32, #tpu.memory_space<vmem>>) target_semaphore(%dma_start3A_1541 : memref<!tpu.dma_semaphore, #tpu.memory_space<semaphore_mem>>)
      } else {
      }
      %mul3A_826 = arith.constant 1600 : i32
      %mul3A_827 = arith.muli %add3A_818, %mul3A_826 : i32
      %add3A_828 = arith.addi %mul3A_2, %mul3A_827 : i32
      %dma_wait3A_829 = arith.constant 2 : i32
      %dma_wait3A_830 = arith.constant 2 : i32
      %dma_wait3A_831 = arith.constant 0 : i32
      %dma_wait3A_832 = tpu.memref_slice %arg5[%dma_wait3A_829, %dma_wait3A_831] : memref<4x1600xi32, #tpu.memory_space<vmem>> -> memref<1x1600xi32, #tpu.memory_space<vmem>>
      %dma_wait3A_833 = tpu.memref_squeeze %dma_wait3A_832 : memref<1x1600xi32, #tpu.memory_space<vmem>> -> memref<1600xi32, #tpu.memory_space<vmem>>
      %dma_wait3A_834 = tpu.memref_slice %arg2[%add3A_828] : memref<1638400xi32, #tpu.memory_space<hbm>> -> memref<1600xi32, #tpu.memory_space<hbm>>
      %dma_wait3A_835 = tpu.memref_slice %arg7[%dma_wait3A_830] : memref<4x!tpu.dma_semaphore, #tpu.memory_space<semaphore_mem>> -> memref<1x!tpu.dma_semaphore, #tpu.memory_space<semaphore_mem>>
      %dma_wait3A_836 = tpu.memref_squeeze %dma_wait3A_835 : memref<1x!tpu.dma_semaphore, #tpu.memory_space<semaphore_mem>> -> memref<!tpu.dma_semaphore, #tpu.memory_space<semaphore_mem>>
      %dma_wait3A_837 = arith.constant 0 : i32
      %dma_wait3A_838 = tpu.memref_slice %arg5[%dma_wait3A_829, %dma_wait3A_837] : memref<4x1600xi32, #tpu.memory_space<vmem>> -> memref<1x1600xi32, #tpu.memory_space<vmem>>
      %dma_wait3A_839 = tpu.memref_squeeze %dma_wait3A_838 : memref<1x1600xi32, #tpu.memory_space<vmem>> -> memref<1600xi32, #tpu.memory_space<vmem>>
      %dma_wait3A_840 = tpu.memref_slice %arg2[%add3A_828] : memref<1638400xi32, #tpu.memory_space<hbm>> -> memref<1600xi32, #tpu.memory_space<hbm>>
      tpu.wait_dma2 semaphore(%dma_wait3A_836 : memref<!tpu.dma_semaphore, #tpu.memory_space<semaphore_mem>>) src(%dma_wait3A_840 : memref<1600xi32, #tpu.memory_space<hbm>>) dst(%dma_wait3A_839 : memref<1600xi32, #tpu.memory_space<vmem>>)
      %dma_start3A_841 = arith.constant 2 : i32
      %dma_start3A_842 = arith.constant 2 : i32
      %dma_start3A_843 = arith.constant 0 : i32
      %dma_start3A_844 = arith.constant 0 : i32
      %dma_start3A_845 = tpu.memref_slice %arg6[%dma_start3A_842, %dma_start3A_843, %dma_start3A_844] : memref<4x1600x16xf32, #tpu.memory_space<vmem>> -> memref<1x128x16xf32, #tpu.memory_space<vmem>>
      %dma_start3A_846 = tpu.memref_squeeze %dma_start3A_845 : memref<1x128x16xf32, #tpu.memory_space<vmem>> -> memref<128x16xf32, #tpu.memory_space<vmem>>
      %dma_start3A_847 = arith.constant 0 : i32
      %dma_start3A_848 = tpu.memref_slice %arg5[%dma_start3A_841, %dma_start3A_847] : memref<4x1600xi32, #tpu.memory_space<vmem>> -> memref<1x128xi32, #tpu.memory_space<vmem>>
      %dma_start3A_849 = tpu.memref_squeeze %dma_start3A_848 : memref<1x128xi32, #tpu.memory_space<vmem>> -> memref<128xi32, #tpu.memory_space<vmem>>
      %dma_start3A_850 = arith.constant 0 : i32
      %dma_start3A_851 = arith.constant 0 : i32
      %dma_start3A_852 = tpu.memref_slice %arg3[%dma_start3A_850, %dma_start3A_851] : memref<8192x16xf32, #tpu.memory_space<hbm>> -> memref<8192x16xf32, #tpu.memory_space<hbm>>
      tpu.enqueue_indirect_dma source(%dma_start3A_852 : memref<8192x16xf32, #tpu.memory_space<hbm>>) target(%dma_start3A_846 : memref<128x16xf32, #tpu.memory_space<vmem>>) offsets(%dma_start3A_849 : memref<128xi32, #tpu.memory_space<vmem>>) semaphore(%arg9 : memref<!tpu.dma_semaphore, #tpu.memory_space<semaphore_mem>>)
      %dma_start3A_853 = arith.constant 2 : i32
      %dma_start3A_854 = arith.constant 2 : i32
      %dma_start3A_855 = arith.constant 128 : i32
      %dma_start3A_856 = arith.constant 0 : i32
      %dma_start3A_857 = tpu.memref_slice %arg6[%dma_start3A_854, %dma_start3A_855, %dma_start3A_856] : memref<4x1600x16xf32, #tpu.memory_space<vmem>> -> memref<1x128x16xf32, #tpu.memory_space<vmem>>
      %dma_start3A_858 = tpu.memref_squeeze %dma_start3A_857 : memref<1x128x16xf32, #tpu.memory_space<vmem>> -> memref<128x16xf32, #tpu.memory_space<vmem>>
      %dma_start3A_859 = arith.constant 128 : i32
      %dma_start3A_860 = tpu.memref_slice %arg5[%dma_start3A_853, %dma_start3A_859] : memref<4x1600xi32, #tpu.memory_space<vmem>> -> memref<1x128xi32, #tpu.memory_space<vmem>>
      %dma_start3A_861 = tpu.memref_squeeze %dma_start3A_860 : memref<1x128xi32, #tpu.memory_space<vmem>> -> memref<128xi32, #tpu.memory_space<vmem>>
      %dma_start3A_862 = arith.constant 0 : i32
      %dma_start3A_863 = arith.constant 0 : i32
      %dma_start3A_864 = tpu.memref_slice %arg3[%dma_start3A_862, %dma_start3A_863] : memref<8192x16xf32, #tpu.memory_space<hbm>> -> memref<8192x16xf32, #tpu.memory_space<hbm>>
      tpu.enqueue_indirect_dma source(%dma_start3A_864 : memref<8192x16xf32, #tpu.memory_space<hbm>>) target(%dma_start3A_858 : memref<128x16xf32, #tpu.memory_space<vmem>>) offsets(%dma_start3A_861 : memref<128xi32, #tpu.memory_space<vmem>>) semaphore(%arg9 : memref<!tpu.dma_semaphore, #tpu.memory_space<semaphore_mem>>)
      %dma_start3A_865 = arith.constant 2 : i32
      %dma_start3A_866 = arith.constant 2 : i32
      %dma_start3A_867 = arith.constant 256 : i32
      %dma_start3A_868 = arith.constant 0 : i32
      %dma_start3A_869 = tpu.memref_slice %arg6[%dma_start3A_866, %dma_start3A_867, %dma_start3A_868] : memref<4x1600x16xf32, #tpu.memory_space<vmem>> -> memref<1x128x16xf32, #tpu.memory_space<vmem>>
      %dma_start3A_870 = tpu.memref_squeeze %dma_start3A_869 : memref<1x128x16xf32, #tpu.memory_space<vmem>> -> memref<128x16xf32, #tpu.memory_space<vmem>>
      %dma_start3A_871 = arith.constant 256 : i32
      %dma_start3A_872 = tpu.memref_slice %arg5[%dma_start3A_865, %dma_start3A_871] : memref<4x1600xi32, #tpu.memory_space<vmem>> -> memref<1x128xi32, #tpu.memory_space<vmem>>
      %dma_start3A_873 = tpu.memref_squeeze %dma_start3A_872 : memref<1x128xi32, #tpu.memory_space<vmem>> -> memref<128xi32, #tpu.memory_space<vmem>>
      %dma_start3A_874 = arith.constant 0 : i32
      %dma_start3A_875 = arith.constant 0 : i32
      %dma_start3A_876 = tpu.memref_slice %arg3[%dma_start3A_874, %dma_start3A_875] : memref<8192x16xf32, #tpu.memory_space<hbm>> -> memref<8192x16xf32, #tpu.memory_space<hbm>>
      tpu.enqueue_indirect_dma source(%dma_start3A_876 : memref<8192x16xf32, #tpu.memory_space<hbm>>) target(%dma_start3A_870 : memref<128x16xf32, #tpu.memory_space<vmem>>) offsets(%dma_start3A_873 : memref<128xi32, #tpu.memory_space<vmem>>) semaphore(%arg9 : memref<!tpu.dma_semaphore, #tpu.memory_space<semaphore_mem>>)
      %dma_start3A_877 = arith.constant 2 : i32
      %dma_start3A_878 = arith.constant 2 : i32
      %dma_start3A_879 = arith.constant 384 : i32
      %dma_start3A_880 = arith.constant 0 : i32
      %dma_start3A_881 = tpu.memref_slice %arg6[%dma_start3A_878, %dma_start3A_879, %dma_start3A_880] : memref<4x1600x16xf32, #tpu.memory_space<vmem>> -> memref<1x128x16xf32, #tpu.memory_space<vmem>>
      %dma_start3A_882 = tpu.memref_squeeze %dma_start3A_881 : memref<1x128x16xf32, #tpu.memory_space<vmem>> -> memref<128x16xf32, #tpu.memory_space<vmem>>
      %dma_start3A_883 = arith.constant 384 : i32
      %dma_start3A_884 = tpu.memref_slice %arg5[%dma_start3A_877, %dma_start3A_883] : memref<4x1600xi32, #tpu.memory_space<vmem>> -> memref<1x128xi32, #tpu.memory_space<vmem>>
      %dma_start3A_885 = tpu.memref_squeeze %dma_start3A_884 : memref<1x128xi32, #tpu.memory_space<vmem>> -> memref<128xi32, #tpu.memory_space<vmem>>
      %dma_start3A_886 = arith.constant 0 : i32
      %dma_start3A_887 = arith.constant 0 : i32
      %dma_start3A_888 = tpu.memref_slice %arg3[%dma_start3A_886, %dma_start3A_887] : memref<8192x16xf32, #tpu.memory_space<hbm>> -> memref<8192x16xf32, #tpu.memory_space<hbm>>
      tpu.enqueue_indirect_dma source(%dma_start3A_888 : memref<8192x16xf32, #tpu.memory_space<hbm>>) target(%dma_start3A_882 : memref<128x16xf32, #tpu.memory_space<vmem>>) offsets(%dma_start3A_885 : memref<128xi32, #tpu.memory_space<vmem>>) semaphore(%arg9 : memref<!tpu.dma_semaphore, #tpu.memory_space<semaphore_mem>>)
      %dma_start3A_889 = arith.constant 2 : i32
      %dma_start3A_890 = arith.constant 2 : i32
      %dma_start3A_891 = arith.constant 512 : i32
      %dma_start3A_892 = arith.constant 0 : i32
      %dma_start3A_893 = tpu.memref_slice %arg6[%dma_start3A_890, %dma_start3A_891, %dma_start3A_892] : memref<4x1600x16xf32, #tpu.memory_space<vmem>> -> memref<1x128x16xf32, #tpu.memory_space<vmem>>
      %dma_start3A_894 = tpu.memref_squeeze %dma_start3A_893 : memref<1x128x16xf32, #tpu.memory_space<vmem>> -> memref<128x16xf32, #tpu.memory_space<vmem>>
      %dma_start3A_895 = arith.constant 512 : i32
      %dma_start3A_896 = tpu.memref_slice %arg5[%dma_start3A_889, %dma_start3A_895] : memref<4x1600xi32, #tpu.memory_space<vmem>> -> memref<1x128xi32, #tpu.memory_space<vmem>>
      %dma_start3A_897 = tpu.memref_squeeze %dma_start3A_896 : memref<1x128xi32, #tpu.memory_space<vmem>> -> memref<128xi32, #tpu.memory_space<vmem>>
      %dma_start3A_898 = arith.constant 0 : i32
      %dma_start3A_899 = arith.constant 0 : i32
      %dma_start3A_900 = tpu.memref_slice %arg3[%dma_start3A_898, %dma_start3A_899] : memref<8192x16xf32, #tpu.memory_space<hbm>> -> memref<8192x16xf32, #tpu.memory_space<hbm>>
      tpu.enqueue_indirect_dma source(%dma_start3A_900 : memref<8192x16xf32, #tpu.memory_space<hbm>>) target(%dma_start3A_894 : memref<128x16xf32, #tpu.memory_space<vmem>>) offsets(%dma_start3A_897 : memref<128xi32, #tpu.memory_space<vmem>>) semaphore(%arg9 : memref<!tpu.dma_semaphore, #tpu.memory_space<semaphore_mem>>)
      %dma_start3A_901 = arith.constant 2 : i32
      %dma_start3A_902 = arith.constant 2 : i32
      %dma_start3A_903 = arith.constant 640 : i32
      %dma_start3A_904 = arith.constant 0 : i32
      %dma_start3A_905 = tpu.memref_slice %arg6[%dma_start3A_902, %dma_start3A_903, %dma_start3A_904] : memref<4x1600x16xf32, #tpu.memory_space<vmem>> -> memref<1x128x16xf32, #tpu.memory_space<vmem>>
      %dma_start3A_906 = tpu.memref_squeeze %dma_start3A_905 : memref<1x128x16xf32, #tpu.memory_space<vmem>> -> memref<128x16xf32, #tpu.memory_space<vmem>>
      %dma_start3A_907 = arith.constant 640 : i32
      %dma_start3A_908 = tpu.memref_slice %arg5[%dma_start3A_901, %dma_start3A_907] : memref<4x1600xi32, #tpu.memory_space<vmem>> -> memref<1x128xi32, #tpu.memory_space<vmem>>
      %dma_start3A_909 = tpu.memref_squeeze %dma_start3A_908 : memref<1x128xi32, #tpu.memory_space<vmem>> -> memref<128xi32, #tpu.memory_space<vmem>>
      %dma_start3A_910 = arith.constant 0 : i32
      %dma_start3A_911 = arith.constant 0 : i32
      %dma_start3A_912 = tpu.memref_slice %arg3[%dma_start3A_910, %dma_start3A_911] : memref<8192x16xf32, #tpu.memory_space<hbm>> -> memref<8192x16xf32, #tpu.memory_space<hbm>>
      tpu.enqueue_indirect_dma source(%dma_start3A_912 : memref<8192x16xf32, #tpu.memory_space<hbm>>) target(%dma_start3A_906 : memref<128x16xf32, #tpu.memory_space<vmem>>) offsets(%dma_start3A_909 : memref<128xi32, #tpu.memory_space<vmem>>) semaphore(%arg9 : memref<!tpu.dma_semaphore, #tpu.memory_space<semaphore_mem>>)
      %dma_start3A_913 = arith.constant 2 : i32
      %dma_start3A_914 = arith.constant 2 : i32
      %dma_start3A_915 = arith.constant 768 : i32
      %dma_start3A_916 = arith.constant 0 : i32
      %dma_start3A_917 = tpu.memref_slice %arg6[%dma_start3A_914, %dma_start3A_915, %dma_start3A_916] : memref<4x1600x16xf32, #tpu.memory_space<vmem>> -> memref<1x128x16xf32, #tpu.memory_space<vmem>>
      %dma_start3A_918 = tpu.memref_squeeze %dma_start3A_917 : memref<1x128x16xf32, #tpu.memory_space<vmem>> -> memref<128x16xf32, #tpu.memory_space<vmem>>
      %dma_start3A_919 = arith.constant 768 : i32
      %dma_start3A_920 = tpu.memref_slice %arg5[%dma_start3A_913, %dma_start3A_919] : memref<4x1600xi32, #tpu.memory_space<vmem>> -> memref<1x128xi32, #tpu.memory_space<vmem>>
      %dma_start3A_921 = tpu.memref_squeeze %dma_start3A_920 : memref<1x128xi32, #tpu.memory_space<vmem>> -> memref<128xi32, #tpu.memory_space<vmem>>
      %dma_start3A_922 = arith.constant 0 : i32
      %dma_start3A_923 = arith.constant 0 : i32
      %dma_start3A_924 = tpu.memref_slice %arg3[%dma_start3A_922, %dma_start3A_923] : memref<8192x16xf32, #tpu.memory_space<hbm>> -> memref<8192x16xf32, #tpu.memory_space<hbm>>
      tpu.enqueue_indirect_dma source(%dma_start3A_924 : memref<8192x16xf32, #tpu.memory_space<hbm>>) target(%dma_start3A_918 : memref<128x16xf32, #tpu.memory_space<vmem>>) offsets(%dma_start3A_921 : memref<128xi32, #tpu.memory_space<vmem>>) semaphore(%arg9 : memref<!tpu.dma_semaphore, #tpu.memory_space<semaphore_mem>>)
      %dma_start3A_925 = arith.constant 2 : i32
      %dma_start3A_926 = arith.constant 2 : i32
      %dma_start3A_927 = arith.constant 896 : i32
      %dma_start3A_928 = arith.constant 0 : i32
      %dma_start3A_929 = tpu.memref_slice %arg6[%dma_start3A_926, %dma_start3A_927, %dma_start3A_928] : memref<4x1600x16xf32, #tpu.memory_space<vmem>> -> memref<1x128x16xf32, #tpu.memory_space<vmem>>
      %dma_start3A_930 = tpu.memref_squeeze %dma_start3A_929 : memref<1x128x16xf32, #tpu.memory_space<vmem>> -> memref<128x16xf32, #tpu.memory_space<vmem>>
      %dma_start3A_931 = arith.constant 896 : i32
      %dma_start3A_932 = tpu.memref_slice %arg5[%dma_start3A_925, %dma_start3A_931] : memref<4x1600xi32, #tpu.memory_space<vmem>> -> memref<1x128xi32, #tpu.memory_space<vmem>>
      %dma_start3A_933 = tpu.memref_squeeze %dma_start3A_932 : memref<1x128xi32, #tpu.memory_space<vmem>> -> memref<128xi32, #tpu.memory_space<vmem>>
      %dma_start3A_934 = arith.constant 0 : i32
      %dma_start3A_935 = arith.constant 0 : i32
      %dma_start3A_936 = tpu.memref_slice %arg3[%dma_start3A_934, %dma_start3A_935] : memref<8192x16xf32, #tpu.memory_space<hbm>> -> memref<8192x16xf32, #tpu.memory_space<hbm>>
      tpu.enqueue_indirect_dma source(%dma_start3A_936 : memref<8192x16xf32, #tpu.memory_space<hbm>>) target(%dma_start3A_930 : memref<128x16xf32, #tpu.memory_space<vmem>>) offsets(%dma_start3A_933 : memref<128xi32, #tpu.memory_space<vmem>>) semaphore(%arg9 : memref<!tpu.dma_semaphore, #tpu.memory_space<semaphore_mem>>)
      %dma_start3A_937 = arith.constant 2 : i32
      %dma_start3A_938 = arith.constant 2 : i32
      %dma_start3A_939 = arith.constant 1024 : i32
      %dma_start3A_940 = arith.constant 0 : i32
      %dma_start3A_941 = tpu.memref_slice %arg6[%dma_start3A_938, %dma_start3A_939, %dma_start3A_940] : memref<4x1600x16xf32, #tpu.memory_space<vmem>> -> memref<1x128x16xf32, #tpu.memory_space<vmem>>
      %dma_start3A_942 = tpu.memref_squeeze %dma_start3A_941 : memref<1x128x16xf32, #tpu.memory_space<vmem>> -> memref<128x16xf32, #tpu.memory_space<vmem>>
      %dma_start3A_943 = arith.constant 1024 : i32
      %dma_start3A_944 = tpu.memref_slice %arg5[%dma_start3A_937, %dma_start3A_943] : memref<4x1600xi32, #tpu.memory_space<vmem>> -> memref<1x128xi32, #tpu.memory_space<vmem>>
      %dma_start3A_945 = tpu.memref_squeeze %dma_start3A_944 : memref<1x128xi32, #tpu.memory_space<vmem>> -> memref<128xi32, #tpu.memory_space<vmem>>
      %dma_start3A_946 = arith.constant 0 : i32
      %dma_start3A_947 = arith.constant 0 : i32
      %dma_start3A_948 = tpu.memref_slice %arg3[%dma_start3A_946, %dma_start3A_947] : memref<8192x16xf32, #tpu.memory_space<hbm>> -> memref<8192x16xf32, #tpu.memory_space<hbm>>
      tpu.enqueue_indirect_dma source(%dma_start3A_948 : memref<8192x16xf32, #tpu.memory_space<hbm>>) target(%dma_start3A_942 : memref<128x16xf32, #tpu.memory_space<vmem>>) offsets(%dma_start3A_945 : memref<128xi32, #tpu.memory_space<vmem>>) semaphore(%arg9 : memref<!tpu.dma_semaphore, #tpu.memory_space<semaphore_mem>>)
      %dma_start3A_949 = arith.constant 2 : i32
      %dma_start3A_950 = arith.constant 2 : i32
      %dma_start3A_951 = arith.constant 1152 : i32
      %dma_start3A_952 = arith.constant 0 : i32
      %dma_start3A_953 = tpu.memref_slice %arg6[%dma_start3A_950, %dma_start3A_951, %dma_start3A_952] : memref<4x1600x16xf32, #tpu.memory_space<vmem>> -> memref<1x128x16xf32, #tpu.memory_space<vmem>>
      %dma_start3A_954 = tpu.memref_squeeze %dma_start3A_953 : memref<1x128x16xf32, #tpu.memory_space<vmem>> -> memref<128x16xf32, #tpu.memory_space<vmem>>
      %dma_start3A_955 = arith.constant 1152 : i32
      %dma_start3A_956 = tpu.memref_slice %arg5[%dma_start3A_949, %dma_start3A_955] : memref<4x1600xi32, #tpu.memory_space<vmem>> -> memref<1x128xi32, #tpu.memory_space<vmem>>
      %dma_start3A_957 = tpu.memref_squeeze %dma_start3A_956 : memref<1x128xi32, #tpu.memory_space<vmem>> -> memref<128xi32, #tpu.memory_space<vmem>>
      %dma_start3A_958 = arith.constant 0 : i32
      %dma_start3A_959 = arith.constant 0 : i32
      %dma_start3A_960 = tpu.memref_slice %arg3[%dma_start3A_958, %dma_start3A_959] : memref<8192x16xf32, #tpu.memory_space<hbm>> -> memref<8192x16xf32, #tpu.memory_space<hbm>>
      tpu.enqueue_indirect_dma source(%dma_start3A_960 : memref<8192x16xf32, #tpu.memory_space<hbm>>) target(%dma_start3A_954 : memref<128x16xf32, #tpu.memory_space<vmem>>) offsets(%dma_start3A_957 : memref<128xi32, #tpu.memory_space<vmem>>) semaphore(%arg9 : memref<!tpu.dma_semaphore, #tpu.memory_space<semaphore_mem>>)
      %dma_start3A_961 = arith.constant 2 : i32
      %dma_start3A_962 = arith.constant 2 : i32
      %dma_start3A_963 = arith.constant 1280 : i32
      %dma_start3A_964 = arith.constant 0 : i32
      %dma_start3A_965 = tpu.memref_slice %arg6[%dma_start3A_962, %dma_start3A_963, %dma_start3A_964] : memref<4x1600x16xf32, #tpu.memory_space<vmem>> -> memref<1x128x16xf32, #tpu.memory_space<vmem>>
      %dma_start3A_966 = tpu.memref_squeeze %dma_start3A_965 : memref<1x128x16xf32, #tpu.memory_space<vmem>> -> memref<128x16xf32, #tpu.memory_space<vmem>>
      %dma_start3A_967 = arith.constant 1280 : i32
      %dma_start3A_968 = tpu.memref_slice %arg5[%dma_start3A_961, %dma_start3A_967] : memref<4x1600xi32, #tpu.memory_space<vmem>> -> memref<1x128xi32, #tpu.memory_space<vmem>>
      %dma_start3A_969 = tpu.memref_squeeze %dma_start3A_968 : memref<1x128xi32, #tpu.memory_space<vmem>> -> memref<128xi32, #tpu.memory_space<vmem>>
      %dma_start3A_970 = arith.constant 0 : i32
      %dma_start3A_971 = arith.constant 0 : i32
      %dma_start3A_972 = tpu.memref_slice %arg3[%dma_start3A_970, %dma_start3A_971] : memref<8192x16xf32, #tpu.memory_space<hbm>> -> memref<8192x16xf32, #tpu.memory_space<hbm>>
      tpu.enqueue_indirect_dma source(%dma_start3A_972 : memref<8192x16xf32, #tpu.memory_space<hbm>>) target(%dma_start3A_966 : memref<128x16xf32, #tpu.memory_space<vmem>>) offsets(%dma_start3A_969 : memref<128xi32, #tpu.memory_space<vmem>>) semaphore(%arg9 : memref<!tpu.dma_semaphore, #tpu.memory_space<semaphore_mem>>)
      %dma_start3A_973 = arith.constant 2 : i32
      %dma_start3A_974 = arith.constant 2 : i32
      %dma_start3A_975 = arith.constant 1408 : i32
      %dma_start3A_976 = arith.constant 0 : i32
      %dma_start3A_977 = tpu.memref_slice %arg6[%dma_start3A_974, %dma_start3A_975, %dma_start3A_976] : memref<4x1600x16xf32, #tpu.memory_space<vmem>> -> memref<1x128x16xf32, #tpu.memory_space<vmem>>
      %dma_start3A_978 = tpu.memref_squeeze %dma_start3A_977 : memref<1x128x16xf32, #tpu.memory_space<vmem>> -> memref<128x16xf32, #tpu.memory_space<vmem>>
      %dma_start3A_979 = arith.constant 1408 : i32
      %dma_start3A_980 = tpu.memref_slice %arg5[%dma_start3A_973, %dma_start3A_979] : memref<4x1600xi32, #tpu.memory_space<vmem>> -> memref<1x128xi32, #tpu.memory_space<vmem>>
      %dma_start3A_981 = tpu.memref_squeeze %dma_start3A_980 : memref<1x128xi32, #tpu.memory_space<vmem>> -> memref<128xi32, #tpu.memory_space<vmem>>
      %dma_start3A_982 = arith.constant 0 : i32
      %dma_start3A_983 = arith.constant 0 : i32
      %dma_start3A_984 = tpu.memref_slice %arg3[%dma_start3A_982, %dma_start3A_983] : memref<8192x16xf32, #tpu.memory_space<hbm>> -> memref<8192x16xf32, #tpu.memory_space<hbm>>
      tpu.enqueue_indirect_dma source(%dma_start3A_984 : memref<8192x16xf32, #tpu.memory_space<hbm>>) target(%dma_start3A_978 : memref<128x16xf32, #tpu.memory_space<vmem>>) offsets(%dma_start3A_981 : memref<128xi32, #tpu.memory_space<vmem>>) semaphore(%arg9 : memref<!tpu.dma_semaphore, #tpu.memory_space<semaphore_mem>>)
      %dma_start3A_985 = arith.constant 2 : i32
      %dma_start3A_986 = arith.constant 2 : i32
      %dma_start3A_987 = arith.constant 1536 : i32
      %dma_start3A_988 = arith.constant 0 : i32
      %dma_start3A_989 = tpu.memref_slice %arg6[%dma_start3A_986, %dma_start3A_987, %dma_start3A_988] : memref<4x1600x16xf32, #tpu.memory_space<vmem>> -> memref<1x64x16xf32, #tpu.memory_space<vmem>>
      %dma_start3A_990 = tpu.memref_squeeze %dma_start3A_989 : memref<1x64x16xf32, #tpu.memory_space<vmem>> -> memref<64x16xf32, #tpu.memory_space<vmem>>
      %dma_start3A_991 = arith.constant 1536 : i32
      %dma_start3A_992 = tpu.memref_slice %arg5[%dma_start3A_985, %dma_start3A_991] : memref<4x1600xi32, #tpu.memory_space<vmem>> -> memref<1x64xi32, #tpu.memory_space<vmem>>
      %dma_start3A_993 = tpu.memref_squeeze %dma_start3A_992 : memref<1x64xi32, #tpu.memory_space<vmem>> -> memref<64xi32, #tpu.memory_space<vmem>>
      %dma_start3A_994 = arith.constant 0 : i32
      %dma_start3A_995 = arith.constant 0 : i32
      %dma_start3A_996 = tpu.memref_slice %arg3[%dma_start3A_994, %dma_start3A_995] : memref<8192x16xf32, #tpu.memory_space<hbm>> -> memref<8192x16xf32, #tpu.memory_space<hbm>>
      tpu.enqueue_indirect_dma source(%dma_start3A_996 : memref<8192x16xf32, #tpu.memory_space<hbm>>) target(%dma_start3A_990 : memref<64x16xf32, #tpu.memory_space<vmem>>) offsets(%dma_start3A_993 : memref<64xi32, #tpu.memory_space<vmem>>) semaphore(%arg9 : memref<!tpu.dma_semaphore, #tpu.memory_space<semaphore_mem>>)
      %dma_wait3A_997 = arith.constant 2 : i32
      %dma_wait3A_998 = arith.constant 2 : i32
      %dma_wait3A_999 = arith.constant 0 : i32
      %dma_wait3A_1000 = arith.constant 0 : i32
      %dma_wait3A_1001 = tpu.memref_slice %arg6[%dma_wait3A_998, %dma_wait3A_999, %dma_wait3A_1000] : memref<4x1600x16xf32, #tpu.memory_space<vmem>> -> memref<1x128x16xf32, #tpu.memory_space<vmem>>
      %dma_wait3A_1002 = tpu.memref_squeeze %dma_wait3A_1001 : memref<1x128x16xf32, #tpu.memory_space<vmem>> -> memref<128x16xf32, #tpu.memory_space<vmem>>
      %dma_wait3A_1003 = arith.constant 0 : i32
      %dma_wait3A_1004 = tpu.memref_slice %arg5[%dma_wait3A_997, %dma_wait3A_1003] : memref<4x1600xi32, #tpu.memory_space<vmem>> -> memref<1x128xi32, #tpu.memory_space<vmem>>
      %dma_wait3A_1005 = tpu.memref_squeeze %dma_wait3A_1004 : memref<1x128xi32, #tpu.memory_space<vmem>> -> memref<128xi32, #tpu.memory_space<vmem>>
      %dma_wait3A_1006 = arith.constant 0 : i32
      %dma_wait3A_1007 = arith.constant 0 : i32
      %dma_wait3A_1008 = tpu.memref_slice %arg3[%dma_wait3A_1006, %dma_wait3A_1007] : memref<8192x16xf32, #tpu.memory_space<hbm>> -> memref<8192x16xf32, #tpu.memory_space<hbm>>
      tpu.wait_indirect_dma semaphore(%arg9 : memref<!tpu.dma_semaphore, #tpu.memory_space<semaphore_mem>>) src(%dma_wait3A_1008 : memref<8192x16xf32, #tpu.memory_space<hbm>>) dst(%dma_wait3A_1002 : memref<128x16xf32, #tpu.memory_space<vmem>>)
      %dma_wait3A_1009 = arith.constant 2 : i32
      %dma_wait3A_1010 = arith.constant 2 : i32
      %dma_wait3A_1011 = arith.constant 128 : i32
      %dma_wait3A_1012 = arith.constant 0 : i32
      %dma_wait3A_1013 = tpu.memref_slice %arg6[%dma_wait3A_1010, %dma_wait3A_1011, %dma_wait3A_1012] : memref<4x1600x16xf32, #tpu.memory_space<vmem>> -> memref<1x128x16xf32, #tpu.memory_space<vmem>>
      %dma_wait3A_1014 = tpu.memref_squeeze %dma_wait3A_1013 : memref<1x128x16xf32, #tpu.memory_space<vmem>> -> memref<128x16xf32, #tpu.memory_space<vmem>>
      %dma_wait3A_1015 = arith.constant 128 : i32
      %dma_wait3A_1016 = tpu.memref_slice %arg5[%dma_wait3A_1009, %dma_wait3A_1015] : memref<4x1600xi32, #tpu.memory_space<vmem>> -> memref<1x128xi32, #tpu.memory_space<vmem>>
      %dma_wait3A_1017 = tpu.memref_squeeze %dma_wait3A_1016 : memref<1x128xi32, #tpu.memory_space<vmem>> -> memref<128xi32, #tpu.memory_space<vmem>>
      %dma_wait3A_1018 = arith.constant 0 : i32
      %dma_wait3A_1019 = arith.constant 0 : i32
      %dma_wait3A_1020 = tpu.memref_slice %arg3[%dma_wait3A_1018, %dma_wait3A_1019] : memref<8192x16xf32, #tpu.memory_space<hbm>> -> memref<8192x16xf32, #tpu.memory_space<hbm>>
      tpu.wait_indirect_dma semaphore(%arg9 : memref<!tpu.dma_semaphore, #tpu.memory_space<semaphore_mem>>) src(%dma_wait3A_1020 : memref<8192x16xf32, #tpu.memory_space<hbm>>) dst(%dma_wait3A_1014 : memref<128x16xf32, #tpu.memory_space<vmem>>)
      %dma_wait3A_1021 = arith.constant 2 : i32
      %dma_wait3A_1022 = arith.constant 2 : i32
      %dma_wait3A_1023 = arith.constant 256 : i32
      %dma_wait3A_1024 = arith.constant 0 : i32
      %dma_wait3A_1025 = tpu.memref_slice %arg6[%dma_wait3A_1022, %dma_wait3A_1023, %dma_wait3A_1024] : memref<4x1600x16xf32, #tpu.memory_space<vmem>> -> memref<1x128x16xf32, #tpu.memory_space<vmem>>
      %dma_wait3A_1026 = tpu.memref_squeeze %dma_wait3A_1025 : memref<1x128x16xf32, #tpu.memory_space<vmem>> -> memref<128x16xf32, #tpu.memory_space<vmem>>
      %dma_wait3A_1027 = arith.constant 256 : i32
      %dma_wait3A_1028 = tpu.memref_slice %arg5[%dma_wait3A_1021, %dma_wait3A_1027] : memref<4x1600xi32, #tpu.memory_space<vmem>> -> memref<1x128xi32, #tpu.memory_space<vmem>>
      %dma_wait3A_1029 = tpu.memref_squeeze %dma_wait3A_1028 : memref<1x128xi32, #tpu.memory_space<vmem>> -> memref<128xi32, #tpu.memory_space<vmem>>
      %dma_wait3A_1030 = arith.constant 0 : i32
      %dma_wait3A_1031 = arith.constant 0 : i32
      %dma_wait3A_1032 = tpu.memref_slice %arg3[%dma_wait3A_1030, %dma_wait3A_1031] : memref<8192x16xf32, #tpu.memory_space<hbm>> -> memref<8192x16xf32, #tpu.memory_space<hbm>>
      tpu.wait_indirect_dma semaphore(%arg9 : memref<!tpu.dma_semaphore, #tpu.memory_space<semaphore_mem>>) src(%dma_wait3A_1032 : memref<8192x16xf32, #tpu.memory_space<hbm>>) dst(%dma_wait3A_1026 : memref<128x16xf32, #tpu.memory_space<vmem>>)
      %dma_wait3A_1033 = arith.constant 2 : i32
      %dma_wait3A_1034 = arith.constant 2 : i32
      %dma_wait3A_1035 = arith.constant 384 : i32
      %dma_wait3A_1036 = arith.constant 0 : i32
      %dma_wait3A_1037 = tpu.memref_slice %arg6[%dma_wait3A_1034, %dma_wait3A_1035, %dma_wait3A_1036] : memref<4x1600x16xf32, #tpu.memory_space<vmem>> -> memref<1x128x16xf32, #tpu.memory_space<vmem>>
      %dma_wait3A_1038 = tpu.memref_squeeze %dma_wait3A_1037 : memref<1x128x16xf32, #tpu.memory_space<vmem>> -> memref<128x16xf32, #tpu.memory_space<vmem>>
      %dma_wait3A_1039 = arith.constant 384 : i32
      %dma_wait3A_1040 = tpu.memref_slice %arg5[%dma_wait3A_1033, %dma_wait3A_1039] : memref<4x1600xi32, #tpu.memory_space<vmem>> -> memref<1x128xi32, #tpu.memory_space<vmem>>
      %dma_wait3A_1041 = tpu.memref_squeeze %dma_wait3A_1040 : memref<1x128xi32, #tpu.memory_space<vmem>> -> memref<128xi32, #tpu.memory_space<vmem>>
      %dma_wait3A_1042 = arith.constant 0 : i32
      %dma_wait3A_1043 = arith.constant 0 : i32
      %dma_wait3A_1044 = tpu.memref_slice %arg3[%dma_wait3A_1042, %dma_wait3A_1043] : memref<8192x16xf32, #tpu.memory_space<hbm>> -> memref<8192x16xf32, #tpu.memory_space<hbm>>
      tpu.wait_indirect_dma semaphore(%arg9 : memref<!tpu.dma_semaphore, #tpu.memory_space<semaphore_mem>>) src(%dma_wait3A_1044 : memref<8192x16xf32, #tpu.memory_space<hbm>>) dst(%dma_wait3A_1038 : memref<128x16xf32, #tpu.memory_space<vmem>>)
      %dma_wait3A_1045 = arith.constant 2 : i32
      %dma_wait3A_1046 = arith.constant 2 : i32
      %dma_wait3A_1047 = arith.constant 512 : i32
      %dma_wait3A_1048 = arith.constant 0 : i32
      %dma_wait3A_1049 = tpu.memref_slice %arg6[%dma_wait3A_1046, %dma_wait3A_1047, %dma_wait3A_1048] : memref<4x1600x16xf32, #tpu.memory_space<vmem>> -> memref<1x128x16xf32, #tpu.memory_space<vmem>>
      %dma_wait3A_1050 = tpu.memref_squeeze %dma_wait3A_1049 : memref<1x128x16xf32, #tpu.memory_space<vmem>> -> memref<128x16xf32, #tpu.memory_space<vmem>>
      %dma_wait3A_1051 = arith.constant 512 : i32
      %dma_wait3A_1052 = tpu.memref_slice %arg5[%dma_wait3A_1045, %dma_wait3A_1051] : memref<4x1600xi32, #tpu.memory_space<vmem>> -> memref<1x128xi32, #tpu.memory_space<vmem>>
      %dma_wait3A_1053 = tpu.memref_squeeze %dma_wait3A_1052 : memref<1x128xi32, #tpu.memory_space<vmem>> -> memref<128xi32, #tpu.memory_space<vmem>>
      %dma_wait3A_1054 = arith.constant 0 : i32
      %dma_wait3A_1055 = arith.constant 0 : i32
      %dma_wait3A_1056 = tpu.memref_slice %arg3[%dma_wait3A_1054, %dma_wait3A_1055] : memref<8192x16xf32, #tpu.memory_space<hbm>> -> memref<8192x16xf32, #tpu.memory_space<hbm>>
      tpu.wait_indirect_dma semaphore(%arg9 : memref<!tpu.dma_semaphore, #tpu.memory_space<semaphore_mem>>) src(%dma_wait3A_1056 : memref<8192x16xf32, #tpu.memory_space<hbm>>) dst(%dma_wait3A_1050 : memref<128x16xf32, #tpu.memory_space<vmem>>)
      %dma_wait3A_1057 = arith.constant 2 : i32
      %dma_wait3A_1058 = arith.constant 2 : i32
      %dma_wait3A_1059 = arith.constant 640 : i32
      %dma_wait3A_1060 = arith.constant 0 : i32
      %dma_wait3A_1061 = tpu.memref_slice %arg6[%dma_wait3A_1058, %dma_wait3A_1059, %dma_wait3A_1060] : memref<4x1600x16xf32, #tpu.memory_space<vmem>> -> memref<1x128x16xf32, #tpu.memory_space<vmem>>
      %dma_wait3A_1062 = tpu.memref_squeeze %dma_wait3A_1061 : memref<1x128x16xf32, #tpu.memory_space<vmem>> -> memref<128x16xf32, #tpu.memory_space<vmem>>
      %dma_wait3A_1063 = arith.constant 640 : i32
      %dma_wait3A_1064 = tpu.memref_slice %arg5[%dma_wait3A_1057, %dma_wait3A_1063] : memref<4x1600xi32, #tpu.memory_space<vmem>> -> memref<1x128xi32, #tpu.memory_space<vmem>>
      %dma_wait3A_1065 = tpu.memref_squeeze %dma_wait3A_1064 : memref<1x128xi32, #tpu.memory_space<vmem>> -> memref<128xi32, #tpu.memory_space<vmem>>
      %dma_wait3A_1066 = arith.constant 0 : i32
      %dma_wait3A_1067 = arith.constant 0 : i32
      %dma_wait3A_1068 = tpu.memref_slice %arg3[%dma_wait3A_1066, %dma_wait3A_1067] : memref<8192x16xf32, #tpu.memory_space<hbm>> -> memref<8192x16xf32, #tpu.memory_space<hbm>>
      tpu.wait_indirect_dma semaphore(%arg9 : memref<!tpu.dma_semaphore, #tpu.memory_space<semaphore_mem>>) src(%dma_wait3A_1068 : memref<8192x16xf32, #tpu.memory_space<hbm>>) dst(%dma_wait3A_1062 : memref<128x16xf32, #tpu.memory_space<vmem>>)
      %dma_wait3A_1069 = arith.constant 2 : i32
      %dma_wait3A_1070 = arith.constant 2 : i32
      %dma_wait3A_1071 = arith.constant 768 : i32
      %dma_wait3A_1072 = arith.constant 0 : i32
      %dma_wait3A_1073 = tpu.memref_slice %arg6[%dma_wait3A_1070, %dma_wait3A_1071, %dma_wait3A_1072] : memref<4x1600x16xf32, #tpu.memory_space<vmem>> -> memref<1x128x16xf32, #tpu.memory_space<vmem>>
      %dma_wait3A_1074 = tpu.memref_squeeze %dma_wait3A_1073 : memref<1x128x16xf32, #tpu.memory_space<vmem>> -> memref<128x16xf32, #tpu.memory_space<vmem>>
      %dma_wait3A_1075 = arith.constant 768 : i32
      %dma_wait3A_1076 = tpu.memref_slice %arg5[%dma_wait3A_1069, %dma_wait3A_1075] : memref<4x1600xi32, #tpu.memory_space<vmem>> -> memref<1x128xi32, #tpu.memory_space<vmem>>
      %dma_wait3A_1077 = tpu.memref_squeeze %dma_wait3A_1076 : memref<1x128xi32, #tpu.memory_space<vmem>> -> memref<128xi32, #tpu.memory_space<vmem>>
      %dma_wait3A_1078 = arith.constant 0 : i32
      %dma_wait3A_1079 = arith.constant 0 : i32
      %dma_wait3A_1080 = tpu.memref_slice %arg3[%dma_wait3A_1078, %dma_wait3A_1079] : memref<8192x16xf32, #tpu.memory_space<hbm>> -> memref<8192x16xf32, #tpu.memory_space<hbm>>
      tpu.wait_indirect_dma semaphore(%arg9 : memref<!tpu.dma_semaphore, #tpu.memory_space<semaphore_mem>>) src(%dma_wait3A_1080 : memref<8192x16xf32, #tpu.memory_space<hbm>>) dst(%dma_wait3A_1074 : memref<128x16xf32, #tpu.memory_space<vmem>>)
      %dma_wait3A_1081 = arith.constant 2 : i32
      %dma_wait3A_1082 = arith.constant 2 : i32
      %dma_wait3A_1083 = arith.constant 896 : i32
      %dma_wait3A_1084 = arith.constant 0 : i32
      %dma_wait3A_1085 = tpu.memref_slice %arg6[%dma_wait3A_1082, %dma_wait3A_1083, %dma_wait3A_1084] : memref<4x1600x16xf32, #tpu.memory_space<vmem>> -> memref<1x128x16xf32, #tpu.memory_space<vmem>>
      %dma_wait3A_1086 = tpu.memref_squeeze %dma_wait3A_1085 : memref<1x128x16xf32, #tpu.memory_space<vmem>> -> memref<128x16xf32, #tpu.memory_space<vmem>>
      %dma_wait3A_1087 = arith.constant 896 : i32
      %dma_wait3A_1088 = tpu.memref_slice %arg5[%dma_wait3A_1081, %dma_wait3A_1087] : memref<4x1600xi32, #tpu.memory_space<vmem>> -> memref<1x128xi32, #tpu.memory_space<vmem>>
      %dma_wait3A_1089 = tpu.memref_squeeze %dma_wait3A_1088 : memref<1x128xi32, #tpu.memory_space<vmem>> -> memref<128xi32, #tpu.memory_space<vmem>>
      %dma_wait3A_1090 = arith.constant 0 : i32
      %dma_wait3A_1091 = arith.constant 0 : i32
      %dma_wait3A_1092 = tpu.memref_slice %arg3[%dma_wait3A_1090, %dma_wait3A_1091] : memref<8192x16xf32, #tpu.memory_space<hbm>> -> memref<8192x16xf32, #tpu.memory_space<hbm>>
      tpu.wait_indirect_dma semaphore(%arg9 : memref<!tpu.dma_semaphore, #tpu.memory_space<semaphore_mem>>) src(%dma_wait3A_1092 : memref<8192x16xf32, #tpu.memory_space<hbm>>) dst(%dma_wait3A_1086 : memref<128x16xf32, #tpu.memory_space<vmem>>)
      %dma_wait3A_1093 = arith.constant 2 : i32
      %dma_wait3A_1094 = arith.constant 2 : i32
      %dma_wait3A_1095 = arith.constant 1024 : i32
      %dma_wait3A_1096 = arith.constant 0 : i32
      %dma_wait3A_1097 = tpu.memref_slice %arg6[%dma_wait3A_1094, %dma_wait3A_1095, %dma_wait3A_1096] : memref<4x1600x16xf32, #tpu.memory_space<vmem>> -> memref<1x128x16xf32, #tpu.memory_space<vmem>>
      %dma_wait3A_1098 = tpu.memref_squeeze %dma_wait3A_1097 : memref<1x128x16xf32, #tpu.memory_space<vmem>> -> memref<128x16xf32, #tpu.memory_space<vmem>>
      %dma_wait3A_1099 = arith.constant 1024 : i32
      %dma_wait3A_1100 = tpu.memref_slice %arg5[%dma_wait3A_1093, %dma_wait3A_1099] : memref<4x1600xi32, #tpu.memory_space<vmem>> -> memref<1x128xi32, #tpu.memory_space<vmem>>
      %dma_wait3A_1101 = tpu.memref_squeeze %dma_wait3A_1100 : memref<1x128xi32, #tpu.memory_space<vmem>> -> memref<128xi32, #tpu.memory_space<vmem>>
      %dma_wait3A_1102 = arith.constant 0 : i32
      %dma_wait3A_1103 = arith.constant 0 : i32
      %dma_wait3A_1104 = tpu.memref_slice %arg3[%dma_wait3A_1102, %dma_wait3A_1103] : memref<8192x16xf32, #tpu.memory_space<hbm>> -> memref<8192x16xf32, #tpu.memory_space<hbm>>
      tpu.wait_indirect_dma semaphore(%arg9 : memref<!tpu.dma_semaphore, #tpu.memory_space<semaphore_mem>>) src(%dma_wait3A_1104 : memref<8192x16xf32, #tpu.memory_space<hbm>>) dst(%dma_wait3A_1098 : memref<128x16xf32, #tpu.memory_space<vmem>>)
      %dma_wait3A_1105 = arith.constant 2 : i32
      %dma_wait3A_1106 = arith.constant 2 : i32
      %dma_wait3A_1107 = arith.constant 1152 : i32
      %dma_wait3A_1108 = arith.constant 0 : i32
      %dma_wait3A_1109 = tpu.memref_slice %arg6[%dma_wait3A_1106, %dma_wait3A_1107, %dma_wait3A_1108] : memref<4x1600x16xf32, #tpu.memory_space<vmem>> -> memref<1x128x16xf32, #tpu.memory_space<vmem>>
      %dma_wait3A_1110 = tpu.memref_squeeze %dma_wait3A_1109 : memref<1x128x16xf32, #tpu.memory_space<vmem>> -> memref<128x16xf32, #tpu.memory_space<vmem>>
      %dma_wait3A_1111 = arith.constant 1152 : i32
      %dma_wait3A_1112 = tpu.memref_slice %arg5[%dma_wait3A_1105, %dma_wait3A_1111] : memref<4x1600xi32, #tpu.memory_space<vmem>> -> memref<1x128xi32, #tpu.memory_space<vmem>>
      %dma_wait3A_1113 = tpu.memref_squeeze %dma_wait3A_1112 : memref<1x128xi32, #tpu.memory_space<vmem>> -> memref<128xi32, #tpu.memory_space<vmem>>
      %dma_wait3A_1114 = arith.constant 0 : i32
      %dma_wait3A_1115 = arith.constant 0 : i32
      %dma_wait3A_1116 = tpu.memref_slice %arg3[%dma_wait3A_1114, %dma_wait3A_1115] : memref<8192x16xf32, #tpu.memory_space<hbm>> -> memref<8192x16xf32, #tpu.memory_space<hbm>>
      tpu.wait_indirect_dma semaphore(%arg9 : memref<!tpu.dma_semaphore, #tpu.memory_space<semaphore_mem>>) src(%dma_wait3A_1116 : memref<8192x16xf32, #tpu.memory_space<hbm>>) dst(%dma_wait3A_1110 : memref<128x16xf32, #tpu.memory_space<vmem>>)
      %dma_wait3A_1117 = arith.constant 2 : i32
      %dma_wait3A_1118 = arith.constant 2 : i32
      %dma_wait3A_1119 = arith.constant 1280 : i32
      %dma_wait3A_1120 = arith.constant 0 : i32
      %dma_wait3A_1121 = tpu.memref_slice %arg6[%dma_wait3A_1118, %dma_wait3A_1119, %dma_wait3A_1120] : memref<4x1600x16xf32, #tpu.memory_space<vmem>> -> memref<1x128x16xf32, #tpu.memory_space<vmem>>
      %dma_wait3A_1122 = tpu.memref_squeeze %dma_wait3A_1121 : memref<1x128x16xf32, #tpu.memory_space<vmem>> -> memref<128x16xf32, #tpu.memory_space<vmem>>
      %dma_wait3A_1123 = arith.constant 1280 : i32
      %dma_wait3A_1124 = tpu.memref_slice %arg5[%dma_wait3A_1117, %dma_wait3A_1123] : memref<4x1600xi32, #tpu.memory_space<vmem>> -> memref<1x128xi32, #tpu.memory_space<vmem>>
      %dma_wait3A_1125 = tpu.memref_squeeze %dma_wait3A_1124 : memref<1x128xi32, #tpu.memory_space<vmem>> -> memref<128xi32, #tpu.memory_space<vmem>>
      %dma_wait3A_1126 = arith.constant 0 : i32
      %dma_wait3A_1127 = arith.constant 0 : i32
      %dma_wait3A_1128 = tpu.memref_slice %arg3[%dma_wait3A_1126, %dma_wait3A_1127] : memref<8192x16xf32, #tpu.memory_space<hbm>> -> memref<8192x16xf32, #tpu.memory_space<hbm>>
      tpu.wait_indirect_dma semaphore(%arg9 : memref<!tpu.dma_semaphore, #tpu.memory_space<semaphore_mem>>) src(%dma_wait3A_1128 : memref<8192x16xf32, #tpu.memory_space<hbm>>) dst(%dma_wait3A_1122 : memref<128x16xf32, #tpu.memory_space<vmem>>)
      %dma_wait3A_1129 = arith.constant 2 : i32
      %dma_wait3A_1130 = arith.constant 2 : i32
      %dma_wait3A_1131 = arith.constant 1408 : i32
      %dma_wait3A_1132 = arith.constant 0 : i32
      %dma_wait3A_1133 = tpu.memref_slice %arg6[%dma_wait3A_1130, %dma_wait3A_1131, %dma_wait3A_1132] : memref<4x1600x16xf32, #tpu.memory_space<vmem>> -> memref<1x128x16xf32, #tpu.memory_space<vmem>>
      %dma_wait3A_1134 = tpu.memref_squeeze %dma_wait3A_1133 : memref<1x128x16xf32, #tpu.memory_space<vmem>> -> memref<128x16xf32, #tpu.memory_space<vmem>>
      %dma_wait3A_1135 = arith.constant 1408 : i32
      %dma_wait3A_1136 = tpu.memref_slice %arg5[%dma_wait3A_1129, %dma_wait3A_1135] : memref<4x1600xi32, #tpu.memory_space<vmem>> -> memref<1x128xi32, #tpu.memory_space<vmem>>
      %dma_wait3A_1137 = tpu.memref_squeeze %dma_wait3A_1136 : memref<1x128xi32, #tpu.memory_space<vmem>> -> memref<128xi32, #tpu.memory_space<vmem>>
      %dma_wait3A_1138 = arith.constant 0 : i32
      %dma_wait3A_1139 = arith.constant 0 : i32
      %dma_wait3A_1140 = tpu.memref_slice %arg3[%dma_wait3A_1138, %dma_wait3A_1139] : memref<8192x16xf32, #tpu.memory_space<hbm>> -> memref<8192x16xf32, #tpu.memory_space<hbm>>
      tpu.wait_indirect_dma semaphore(%arg9 : memref<!tpu.dma_semaphore, #tpu.memory_space<semaphore_mem>>) src(%dma_wait3A_1140 : memref<8192x16xf32, #tpu.memory_space<hbm>>) dst(%dma_wait3A_1134 : memref<128x16xf32, #tpu.memory_space<vmem>>)
      %dma_wait3A_1141 = arith.constant 2 : i32
      %dma_wait3A_1142 = arith.constant 2 : i32
      %dma_wait3A_1143 = arith.constant 1536 : i32
      %dma_wait3A_1144 = arith.constant 0 : i32
      %dma_wait3A_1145 = tpu.memref_slice %arg6[%dma_wait3A_1142, %dma_wait3A_1143, %dma_wait3A_1144] : memref<4x1600x16xf32, #tpu.memory_space<vmem>> -> memref<1x64x16xf32, #tpu.memory_space<vmem>>
      %dma_wait3A_1146 = tpu.memref_squeeze %dma_wait3A_1145 : memref<1x64x16xf32, #tpu.memory_space<vmem>> -> memref<64x16xf32, #tpu.memory_space<vmem>>
      %dma_wait3A_1147 = arith.constant 1536 : i32
      %dma_wait3A_1148 = tpu.memref_slice %arg5[%dma_wait3A_1141, %dma_wait3A_1147] : memref<4x1600xi32, #tpu.memory_space<vmem>> -> memref<1x64xi32, #tpu.memory_space<vmem>>
      %dma_wait3A_1149 = tpu.memref_squeeze %dma_wait3A_1148 : memref<1x64xi32, #tpu.memory_space<vmem>> -> memref<64xi32, #tpu.memory_space<vmem>>
      %dma_wait3A_1150 = arith.constant 0 : i32
      %dma_wait3A_1151 = arith.constant 0 : i32
      %dma_wait3A_1152 = tpu.memref_slice %arg3[%dma_wait3A_1150, %dma_wait3A_1151] : memref<8192x16xf32, #tpu.memory_space<hbm>> -> memref<8192x16xf32, #tpu.memory_space<hbm>>
      tpu.wait_indirect_dma semaphore(%arg9 : memref<!tpu.dma_semaphore, #tpu.memory_space<semaphore_mem>>) src(%dma_wait3A_1152 : memref<8192x16xf32, #tpu.memory_space<hbm>>) dst(%dma_wait3A_1146 : memref<64x16xf32, #tpu.memory_space<vmem>>)
      %mul3A_1153 = arith.constant 1600 : i32
      %mul3A_1154 = arith.muli %add3A_818, %mul3A_1153 : i32
      %add3A_1155 = arith.addi %mul3A_2, %mul3A_1154 : i32
      %dma_start3A_1156 = arith.constant 2 : i32
      %dma_start3A_1157 = arith.constant 2 : i32
      %dma_start3A_1158 = arith.constant 0 : i32
      %dma_start3A_1159 = arith.constant 0 : i32
      %dma_start3A_1160 = tpu.memref_slice %arg6[%dma_start3A_1156, %dma_start3A_1158, %dma_start3A_1159] : memref<4x1600x16xf32, #tpu.memory_space<vmem>> -> memref<1x1600x16xf32, #tpu.memory_space<vmem>>
      %dma_start3A_1161 = tpu.memref_squeeze %dma_start3A_1160 : memref<1x1600x16xf32, #tpu.memory_space<vmem>> -> memref<1600x16xf32, #tpu.memory_space<vmem>>
      %dma_start3A_1162 = arith.constant 0 : i32
      %dma_start3A_1163 = tpu.memref_slice %arg4[%add3A_1155, %dma_start3A_1162] : memref<1638400x16xf32, #tpu.memory_space<hbm>> -> memref<1600x16xf32, #tpu.memory_space<hbm>>
      %dma_start3A_1164 = tpu.memref_slice %arg8[%dma_start3A_1157] : memref<4x!tpu.dma_semaphore, #tpu.memory_space<semaphore_mem>> -> memref<1x!tpu.dma_semaphore, #tpu.memory_space<semaphore_mem>>
      %dma_start3A_1165 = tpu.memref_squeeze %dma_start3A_1164 : memref<1x!tpu.dma_semaphore, #tpu.memory_space<semaphore_mem>> -> memref<!tpu.dma_semaphore, #tpu.memory_space<semaphore_mem>>
      %dma_start3A_1166 = arith.constant 0 : i32
      %dma_start3A_1167 = tpu.memref_slice %arg4[%add3A_1155, %dma_start3A_1166] : memref<1638400x16xf32, #tpu.memory_space<hbm>> -> memref<1600x16xf32, #tpu.memory_space<hbm>>
      %dma_start3A_1168 = arith.constant 0 : i32
      %dma_start3A_1169 = arith.constant 0 : i32
      %dma_start3A_1170 = tpu.memref_slice %arg6[%dma_start3A_1156, %dma_start3A_1168, %dma_start3A_1169] : memref<4x1600x16xf32, #tpu.memory_space<vmem>> -> memref<1x1600x16xf32, #tpu.memory_space<vmem>>
      %dma_start3A_1171 = tpu.memref_squeeze %dma_start3A_1170 : memref<1x1600x16xf32, #tpu.memory_space<vmem>> -> memref<1600x16xf32, #tpu.memory_space<vmem>>
      tpu.enqueue_dma source(%dma_start3A_1171 : memref<1600x16xf32, #tpu.memory_space<vmem>>) target(%dma_start3A_1167 : memref<1600x16xf32, #tpu.memory_space<hbm>>) target_semaphore(%dma_start3A_1165 : memref<!tpu.dma_semaphore, #tpu.memory_space<semaphore_mem>>)
      %add3A_1172 = arith.constant 3 : i32
      %add3A_1173 = arith.addi %add3A_109, %add3A_1172 : i32
      %add3A_1174 = arith.constant 2 : i32
      %add3A_1175 = arith.addi %add3A_1173, %add3A_1174 : i32
      %lt3A_1176 = arith.constant 32 : i32
      %lt3A_1177 = arith.cmpi slt, %add3A_1175, %lt3A_1176 : i32
      %convert_element_type3A_1178 = arith.extui %lt3A_1177 : i1 to i32
      %cond3A_1179 = arith.constant 0 : i32
      %cond3A_1180 = arith.cmpi ne, %convert_element_type3A_1178, %cond3A_1179 : i32
      scf.if %cond3A_1180 {
        %ge3A = arith.constant 2 : i32
        %ge3A_1527 = arith.cmpi sge, %add3A_1173, %ge3A : i32
        %convert_element_type3A_1528 = arith.extui %ge3A_1527 : i1 to i32
        %cond3A_1529 = arith.constant 0 : i32
        %cond3A_1530 = arith.cmpi ne, %convert_element_type3A_1528, %cond3A_1529 : i32
        scf.if %cond3A_1530 {
          %sub3A = arith.constant 2 : i32
          %sub3A_1546 = arith.subi %add3A_1173, %sub3A : i32
          %mul3A_1547 = arith.constant 1600 : i32
          %mul3A_1548 = arith.muli %sub3A_1546, %mul3A_1547 : i32
          %add3A_1549 = arith.addi %mul3A_2, %mul3A_1548 : i32
          %dma_wait3A_1550 = arith.constant 1 : i32
          %dma_wait3A_1551 = arith.constant 1 : i32
          %dma_wait3A_1552 = arith.constant 0 : i32
          %dma_wait3A_1553 = arith.constant 0 : i32
          %dma_wait3A_1554 = tpu.memref_slice %arg6[%dma_wait3A_1550, %dma_wait3A_1552, %dma_wait3A_1553] : memref<4x1600x16xf32, #tpu.memory_space<vmem>> -> memref<1x1600x16xf32, #tpu.memory_space<vmem>>
          %dma_wait3A_1555 = tpu.memref_squeeze %dma_wait3A_1554 : memref<1x1600x16xf32, #tpu.memory_space<vmem>> -> memref<1600x16xf32, #tpu.memory_space<vmem>>
          %dma_wait3A_1556 = arith.constant 0 : i32
          %dma_wait3A_1557 = tpu.memref_slice %arg4[%add3A_1549, %dma_wait3A_1556] : memref<1638400x16xf32, #tpu.memory_space<hbm>> -> memref<1600x16xf32, #tpu.memory_space<hbm>>
          %dma_wait3A_1558 = tpu.memref_slice %arg8[%dma_wait3A_1551] : memref<4x!tpu.dma_semaphore, #tpu.memory_space<semaphore_mem>> -> memref<1x!tpu.dma_semaphore, #tpu.memory_space<semaphore_mem>>
          %dma_wait3A_1559 = tpu.memref_squeeze %dma_wait3A_1558 : memref<1x!tpu.dma_semaphore, #tpu.memory_space<semaphore_mem>> -> memref<!tpu.dma_semaphore, #tpu.memory_space<semaphore_mem>>
          %dma_wait3A_1560 = arith.constant 0 : i32
          %dma_wait3A_1561 = tpu.memref_slice %arg4[%add3A_1549, %dma_wait3A_1560] : memref<1638400x16xf32, #tpu.memory_space<hbm>> -> memref<1600x16xf32, #tpu.memory_space<hbm>>
          %dma_wait3A_1562 = arith.constant 0 : i32
          %dma_wait3A_1563 = arith.constant 0 : i32
          %dma_wait3A_1564 = tpu.memref_slice %arg6[%dma_wait3A_1550, %dma_wait3A_1562, %dma_wait3A_1563] : memref<4x1600x16xf32, #tpu.memory_space<vmem>> -> memref<1x1600x16xf32, #tpu.memory_space<vmem>>
          %dma_wait3A_1565 = tpu.memref_squeeze %dma_wait3A_1564 : memref<1x1600x16xf32, #tpu.memory_space<vmem>> -> memref<1600x16xf32, #tpu.memory_space<vmem>>
          tpu.wait_dma2 semaphore(%dma_wait3A_1559 : memref<!tpu.dma_semaphore, #tpu.memory_space<semaphore_mem>>) src(%dma_wait3A_1565 : memref<1600x16xf32, #tpu.memory_space<vmem>>) dst(%dma_wait3A_1561 : memref<1600x16xf32, #tpu.memory_space<hbm>>)
        } else {
        }
        %mul3A_1531 = arith.constant 1600 : i32
        %mul3A_1532 = arith.muli %add3A_1175, %mul3A_1531 : i32
        %add3A_1533 = arith.addi %mul3A_2, %mul3A_1532 : i32
        %dma_start3A_1534 = arith.constant 1 : i32
        %dma_start3A_1535 = arith.constant 1 : i32
        %dma_start3A_1536 = arith.constant 0 : i32
        %dma_start3A_1537 = tpu.memref_slice %arg5[%dma_start3A_1534, %dma_start3A_1536] : memref<4x1600xi32, #tpu.memory_space<vmem>> -> memref<1x1600xi32, #tpu.memory_space<vmem>>
        %dma_start3A_1538 = tpu.memref_squeeze %dma_start3A_1537 : memref<1x1600xi32, #tpu.memory_space<vmem>> -> memref<1600xi32, #tpu.memory_space<vmem>>
        %dma_start3A_1539 = tpu.memref_slice %arg2[%add3A_1533] : memref<1638400xi32, #tpu.memory_space<hbm>> -> memref<1600xi32, #tpu.memory_space<hbm>>
        %dma_start3A_1540 = tpu.memref_slice %arg7[%dma_start3A_1535] : memref<4x!tpu.dma_semaphore, #tpu.memory_space<semaphore_mem>> -> memref<1x!tpu.dma_semaphore, #tpu.memory_space<semaphore_mem>>
        %dma_start3A_1541 = tpu.memref_squeeze %dma_start3A_1540 : memref<1x!tpu.dma_semaphore, #tpu.memory_space<semaphore_mem>> -> memref<!tpu.dma_semaphore, #tpu.memory_space<semaphore_mem>>
        %dma_start3A_1542 = arith.constant 0 : i32
        %dma_start3A_1543 = tpu.memref_slice %arg5[%dma_start3A_1534, %dma_start3A_1542] : memref<4x1600xi32, #tpu.memory_space<vmem>> -> memref<1x1600xi32, #tpu.memory_space<vmem>>
        %dma_start3A_1544 = tpu.memref_squeeze %dma_start3A_1543 : memref<1x1600xi32, #tpu.memory_space<vmem>> -> memref<1600xi32, #tpu.memory_space<vmem>>
        %dma_start3A_1545 = tpu.memref_slice %arg2[%add3A_1533] : memref<1638400xi32, #tpu.memory_space<hbm>> -> memref<1600xi32, #tpu.memory_space<hbm>>
        tpu.enqueue_dma source(%dma_start3A_1545 : memref<1600xi32, #tpu.memory_space<hbm>>) target(%dma_start3A_1544 : memref<1600xi32, #tpu.memory_space<vmem>>) target_semaphore(%dma_start3A_1541 : memref<!tpu.dma_semaphore, #tpu.memory_space<semaphore_mem>>)
      } else {
      }
      %mul3A_1181 = arith.constant 1600 : i32
      %mul3A_1182 = arith.muli %add3A_1173, %mul3A_1181 : i32
      %add3A_1183 = arith.addi %mul3A_2, %mul3A_1182 : i32
      %dma_wait3A_1184 = arith.constant 3 : i32
      %dma_wait3A_1185 = arith.constant 3 : i32
      %dma_wait3A_1186 = arith.constant 0 : i32
      %dma_wait3A_1187 = tpu.memref_slice %arg5[%dma_wait3A_1184, %dma_wait3A_1186] : memref<4x1600xi32, #tpu.memory_space<vmem>> -> memref<1x1600xi32, #tpu.memory_space<vmem>>
      %dma_wait3A_1188 = tpu.memref_squeeze %dma_wait3A_1187 : memref<1x1600xi32, #tpu.memory_space<vmem>> -> memref<1600xi32, #tpu.memory_space<vmem>>
      %dma_wait3A_1189 = tpu.memref_slice %arg2[%add3A_1183] : memref<1638400xi32, #tpu.memory_space<hbm>> -> memref<1600xi32, #tpu.memory_space<hbm>>
      %dma_wait3A_1190 = tpu.memref_slice %arg7[%dma_wait3A_1185] : memref<4x!tpu.dma_semaphore, #tpu.memory_space<semaphore_mem>> -> memref<1x!tpu.dma_semaphore, #tpu.memory_space<semaphore_mem>>
      %dma_wait3A_1191 = tpu.memref_squeeze %dma_wait3A_1190 : memref<1x!tpu.dma_semaphore, #tpu.memory_space<semaphore_mem>> -> memref<!tpu.dma_semaphore, #tpu.memory_space<semaphore_mem>>
      %dma_wait3A_1192 = arith.constant 0 : i32
      %dma_wait3A_1193 = tpu.memref_slice %arg5[%dma_wait3A_1184, %dma_wait3A_1192] : memref<4x1600xi32, #tpu.memory_space<vmem>> -> memref<1x1600xi32, #tpu.memory_space<vmem>>
      %dma_wait3A_1194 = tpu.memref_squeeze %dma_wait3A_1193 : memref<1x1600xi32, #tpu.memory_space<vmem>> -> memref<1600xi32, #tpu.memory_space<vmem>>
      %dma_wait3A_1195 = tpu.memref_slice %arg2[%add3A_1183] : memref<1638400xi32, #tpu.memory_space<hbm>> -> memref<1600xi32, #tpu.memory_space<hbm>>
      tpu.wait_dma2 semaphore(%dma_wait3A_1191 : memref<!tpu.dma_semaphore, #tpu.memory_space<semaphore_mem>>) src(%dma_wait3A_1195 : memref<1600xi32, #tpu.memory_space<hbm>>) dst(%dma_wait3A_1194 : memref<1600xi32, #tpu.memory_space<vmem>>)
      %dma_start3A_1196 = arith.constant 3 : i32
      %dma_start3A_1197 = arith.constant 3 : i32
      %dma_start3A_1198 = arith.constant 0 : i32
      %dma_start3A_1199 = arith.constant 0 : i32
      %dma_start3A_1200 = tpu.memref_slice %arg6[%dma_start3A_1197, %dma_start3A_1198, %dma_start3A_1199] : memref<4x1600x16xf32, #tpu.memory_space<vmem>> -> memref<1x128x16xf32, #tpu.memory_space<vmem>>
      %dma_start3A_1201 = tpu.memref_squeeze %dma_start3A_1200 : memref<1x128x16xf32, #tpu.memory_space<vmem>> -> memref<128x16xf32, #tpu.memory_space<vmem>>
      %dma_start3A_1202 = arith.constant 0 : i32
      %dma_start3A_1203 = tpu.memref_slice %arg5[%dma_start3A_1196, %dma_start3A_1202] : memref<4x1600xi32, #tpu.memory_space<vmem>> -> memref<1x128xi32, #tpu.memory_space<vmem>>
      %dma_start3A_1204 = tpu.memref_squeeze %dma_start3A_1203 : memref<1x128xi32, #tpu.memory_space<vmem>> -> memref<128xi32, #tpu.memory_space<vmem>>
      %dma_start3A_1205 = arith.constant 0 : i32
      %dma_start3A_1206 = arith.constant 0 : i32
      %dma_start3A_1207 = tpu.memref_slice %arg3[%dma_start3A_1205, %dma_start3A_1206] : memref<8192x16xf32, #tpu.memory_space<hbm>> -> memref<8192x16xf32, #tpu.memory_space<hbm>>
      tpu.enqueue_indirect_dma source(%dma_start3A_1207 : memref<8192x16xf32, #tpu.memory_space<hbm>>) target(%dma_start3A_1201 : memref<128x16xf32, #tpu.memory_space<vmem>>) offsets(%dma_start3A_1204 : memref<128xi32, #tpu.memory_space<vmem>>) semaphore(%arg9 : memref<!tpu.dma_semaphore, #tpu.memory_space<semaphore_mem>>)
      %dma_start3A_1208 = arith.constant 3 : i32
      %dma_start3A_1209 = arith.constant 3 : i32
      %dma_start3A_1210 = arith.constant 128 : i32
      %dma_start3A_1211 = arith.constant 0 : i32
      %dma_start3A_1212 = tpu.memref_slice %arg6[%dma_start3A_1209, %dma_start3A_1210, %dma_start3A_1211] : memref<4x1600x16xf32, #tpu.memory_space<vmem>> -> memref<1x128x16xf32, #tpu.memory_space<vmem>>
      %dma_start3A_1213 = tpu.memref_squeeze %dma_start3A_1212 : memref<1x128x16xf32, #tpu.memory_space<vmem>> -> memref<128x16xf32, #tpu.memory_space<vmem>>
      %dma_start3A_1214 = arith.constant 128 : i32
      %dma_start3A_1215 = tpu.memref_slice %arg5[%dma_start3A_1208, %dma_start3A_1214] : memref<4x1600xi32, #tpu.memory_space<vmem>> -> memref<1x128xi32, #tpu.memory_space<vmem>>
      %dma_start3A_1216 = tpu.memref_squeeze %dma_start3A_1215 : memref<1x128xi32, #tpu.memory_space<vmem>> -> memref<128xi32, #tpu.memory_space<vmem>>
      %dma_start3A_1217 = arith.constant 0 : i32
      %dma_start3A_1218 = arith.constant 0 : i32
      %dma_start3A_1219 = tpu.memref_slice %arg3[%dma_start3A_1217, %dma_start3A_1218] : memref<8192x16xf32, #tpu.memory_space<hbm>> -> memref<8192x16xf32, #tpu.memory_space<hbm>>
      tpu.enqueue_indirect_dma source(%dma_start3A_1219 : memref<8192x16xf32, #tpu.memory_space<hbm>>) target(%dma_start3A_1213 : memref<128x16xf32, #tpu.memory_space<vmem>>) offsets(%dma_start3A_1216 : memref<128xi32, #tpu.memory_space<vmem>>) semaphore(%arg9 : memref<!tpu.dma_semaphore, #tpu.memory_space<semaphore_mem>>)
      %dma_start3A_1220 = arith.constant 3 : i32
      %dma_start3A_1221 = arith.constant 3 : i32
      %dma_start3A_1222 = arith.constant 256 : i32
      %dma_start3A_1223 = arith.constant 0 : i32
      %dma_start3A_1224 = tpu.memref_slice %arg6[%dma_start3A_1221, %dma_start3A_1222, %dma_start3A_1223] : memref<4x1600x16xf32, #tpu.memory_space<vmem>> -> memref<1x128x16xf32, #tpu.memory_space<vmem>>
      %dma_start3A_1225 = tpu.memref_squeeze %dma_start3A_1224 : memref<1x128x16xf32, #tpu.memory_space<vmem>> -> memref<128x16xf32, #tpu.memory_space<vmem>>
      %dma_start3A_1226 = arith.constant 256 : i32
      %dma_start3A_1227 = tpu.memref_slice %arg5[%dma_start3A_1220, %dma_start3A_1226] : memref<4x1600xi32, #tpu.memory_space<vmem>> -> memref<1x128xi32, #tpu.memory_space<vmem>>
      %dma_start3A_1228 = tpu.memref_squeeze %dma_start3A_1227 : memref<1x128xi32, #tpu.memory_space<vmem>> -> memref<128xi32, #tpu.memory_space<vmem>>
      %dma_start3A_1229 = arith.constant 0 : i32
      %dma_start3A_1230 = arith.constant 0 : i32
      %dma_start3A_1231 = tpu.memref_slice %arg3[%dma_start3A_1229, %dma_start3A_1230] : memref<8192x16xf32, #tpu.memory_space<hbm>> -> memref<8192x16xf32, #tpu.memory_space<hbm>>
      tpu.enqueue_indirect_dma source(%dma_start3A_1231 : memref<8192x16xf32, #tpu.memory_space<hbm>>) target(%dma_start3A_1225 : memref<128x16xf32, #tpu.memory_space<vmem>>) offsets(%dma_start3A_1228 : memref<128xi32, #tpu.memory_space<vmem>>) semaphore(%arg9 : memref<!tpu.dma_semaphore, #tpu.memory_space<semaphore_mem>>)
      %dma_start3A_1232 = arith.constant 3 : i32
      %dma_start3A_1233 = arith.constant 3 : i32
      %dma_start3A_1234 = arith.constant 384 : i32
      %dma_start3A_1235 = arith.constant 0 : i32
      %dma_start3A_1236 = tpu.memref_slice %arg6[%dma_start3A_1233, %dma_start3A_1234, %dma_start3A_1235] : memref<4x1600x16xf32, #tpu.memory_space<vmem>> -> memref<1x128x16xf32, #tpu.memory_space<vmem>>
      %dma_start3A_1237 = tpu.memref_squeeze %dma_start3A_1236 : memref<1x128x16xf32, #tpu.memory_space<vmem>> -> memref<128x16xf32, #tpu.memory_space<vmem>>
      %dma_start3A_1238 = arith.constant 384 : i32
      %dma_start3A_1239 = tpu.memref_slice %arg5[%dma_start3A_1232, %dma_start3A_1238] : memref<4x1600xi32, #tpu.memory_space<vmem>> -> memref<1x128xi32, #tpu.memory_space<vmem>>
      %dma_start3A_1240 = tpu.memref_squeeze %dma_start3A_1239 : memref<1x128xi32, #tpu.memory_space<vmem>> -> memref<128xi32, #tpu.memory_space<vmem>>
      %dma_start3A_1241 = arith.constant 0 : i32
      %dma_start3A_1242 = arith.constant 0 : i32
      %dma_start3A_1243 = tpu.memref_slice %arg3[%dma_start3A_1241, %dma_start3A_1242] : memref<8192x16xf32, #tpu.memory_space<hbm>> -> memref<8192x16xf32, #tpu.memory_space<hbm>>
      tpu.enqueue_indirect_dma source(%dma_start3A_1243 : memref<8192x16xf32, #tpu.memory_space<hbm>>) target(%dma_start3A_1237 : memref<128x16xf32, #tpu.memory_space<vmem>>) offsets(%dma_start3A_1240 : memref<128xi32, #tpu.memory_space<vmem>>) semaphore(%arg9 : memref<!tpu.dma_semaphore, #tpu.memory_space<semaphore_mem>>)
      %dma_start3A_1244 = arith.constant 3 : i32
      %dma_start3A_1245 = arith.constant 3 : i32
      %dma_start3A_1246 = arith.constant 512 : i32
      %dma_start3A_1247 = arith.constant 0 : i32
      %dma_start3A_1248 = tpu.memref_slice %arg6[%dma_start3A_1245, %dma_start3A_1246, %dma_start3A_1247] : memref<4x1600x16xf32, #tpu.memory_space<vmem>> -> memref<1x128x16xf32, #tpu.memory_space<vmem>>
      %dma_start3A_1249 = tpu.memref_squeeze %dma_start3A_1248 : memref<1x128x16xf32, #tpu.memory_space<vmem>> -> memref<128x16xf32, #tpu.memory_space<vmem>>
      %dma_start3A_1250 = arith.constant 512 : i32
      %dma_start3A_1251 = tpu.memref_slice %arg5[%dma_start3A_1244, %dma_start3A_1250] : memref<4x1600xi32, #tpu.memory_space<vmem>> -> memref<1x128xi32, #tpu.memory_space<vmem>>
      %dma_start3A_1252 = tpu.memref_squeeze %dma_start3A_1251 : memref<1x128xi32, #tpu.memory_space<vmem>> -> memref<128xi32, #tpu.memory_space<vmem>>
      %dma_start3A_1253 = arith.constant 0 : i32
      %dma_start3A_1254 = arith.constant 0 : i32
      %dma_start3A_1255 = tpu.memref_slice %arg3[%dma_start3A_1253, %dma_start3A_1254] : memref<8192x16xf32, #tpu.memory_space<hbm>> -> memref<8192x16xf32, #tpu.memory_space<hbm>>
      tpu.enqueue_indirect_dma source(%dma_start3A_1255 : memref<8192x16xf32, #tpu.memory_space<hbm>>) target(%dma_start3A_1249 : memref<128x16xf32, #tpu.memory_space<vmem>>) offsets(%dma_start3A_1252 : memref<128xi32, #tpu.memory_space<vmem>>) semaphore(%arg9 : memref<!tpu.dma_semaphore, #tpu.memory_space<semaphore_mem>>)
      %dma_start3A_1256 = arith.constant 3 : i32
      %dma_start3A_1257 = arith.constant 3 : i32
      %dma_start3A_1258 = arith.constant 640 : i32
      %dma_start3A_1259 = arith.constant 0 : i32
      %dma_start3A_1260 = tpu.memref_slice %arg6[%dma_start3A_1257, %dma_start3A_1258, %dma_start3A_1259] : memref<4x1600x16xf32, #tpu.memory_space<vmem>> -> memref<1x128x16xf32, #tpu.memory_space<vmem>>
      %dma_start3A_1261 = tpu.memref_squeeze %dma_start3A_1260 : memref<1x128x16xf32, #tpu.memory_space<vmem>> -> memref<128x16xf32, #tpu.memory_space<vmem>>
      %dma_start3A_1262 = arith.constant 640 : i32
      %dma_start3A_1263 = tpu.memref_slice %arg5[%dma_start3A_1256, %dma_start3A_1262] : memref<4x1600xi32, #tpu.memory_space<vmem>> -> memref<1x128xi32, #tpu.memory_space<vmem>>
      %dma_start3A_1264 = tpu.memref_squeeze %dma_start3A_1263 : memref<1x128xi32, #tpu.memory_space<vmem>> -> memref<128xi32, #tpu.memory_space<vmem>>
      %dma_start3A_1265 = arith.constant 0 : i32
      %dma_start3A_1266 = arith.constant 0 : i32
      %dma_start3A_1267 = tpu.memref_slice %arg3[%dma_start3A_1265, %dma_start3A_1266] : memref<8192x16xf32, #tpu.memory_space<hbm>> -> memref<8192x16xf32, #tpu.memory_space<hbm>>
      tpu.enqueue_indirect_dma source(%dma_start3A_1267 : memref<8192x16xf32, #tpu.memory_space<hbm>>) target(%dma_start3A_1261 : memref<128x16xf32, #tpu.memory_space<vmem>>) offsets(%dma_start3A_1264 : memref<128xi32, #tpu.memory_space<vmem>>) semaphore(%arg9 : memref<!tpu.dma_semaphore, #tpu.memory_space<semaphore_mem>>)
      %dma_start3A_1268 = arith.constant 3 : i32
      %dma_start3A_1269 = arith.constant 3 : i32
      %dma_start3A_1270 = arith.constant 768 : i32
      %dma_start3A_1271 = arith.constant 0 : i32
      %dma_start3A_1272 = tpu.memref_slice %arg6[%dma_start3A_1269, %dma_start3A_1270, %dma_start3A_1271] : memref<4x1600x16xf32, #tpu.memory_space<vmem>> -> memref<1x128x16xf32, #tpu.memory_space<vmem>>
      %dma_start3A_1273 = tpu.memref_squeeze %dma_start3A_1272 : memref<1x128x16xf32, #tpu.memory_space<vmem>> -> memref<128x16xf32, #tpu.memory_space<vmem>>
      %dma_start3A_1274 = arith.constant 768 : i32
      %dma_start3A_1275 = tpu.memref_slice %arg5[%dma_start3A_1268, %dma_start3A_1274] : memref<4x1600xi32, #tpu.memory_space<vmem>> -> memref<1x128xi32, #tpu.memory_space<vmem>>
      %dma_start3A_1276 = tpu.memref_squeeze %dma_start3A_1275 : memref<1x128xi32, #tpu.memory_space<vmem>> -> memref<128xi32, #tpu.memory_space<vmem>>
      %dma_start3A_1277 = arith.constant 0 : i32
      %dma_start3A_1278 = arith.constant 0 : i32
      %dma_start3A_1279 = tpu.memref_slice %arg3[%dma_start3A_1277, %dma_start3A_1278] : memref<8192x16xf32, #tpu.memory_space<hbm>> -> memref<8192x16xf32, #tpu.memory_space<hbm>>
      tpu.enqueue_indirect_dma source(%dma_start3A_1279 : memref<8192x16xf32, #tpu.memory_space<hbm>>) target(%dma_start3A_1273 : memref<128x16xf32, #tpu.memory_space<vmem>>) offsets(%dma_start3A_1276 : memref<128xi32, #tpu.memory_space<vmem>>) semaphore(%arg9 : memref<!tpu.dma_semaphore, #tpu.memory_space<semaphore_mem>>)
      %dma_start3A_1280 = arith.constant 3 : i32
      %dma_start3A_1281 = arith.constant 3 : i32
      %dma_start3A_1282 = arith.constant 896 : i32
      %dma_start3A_1283 = arith.constant 0 : i32
      %dma_start3A_1284 = tpu.memref_slice %arg6[%dma_start3A_1281, %dma_start3A_1282, %dma_start3A_1283] : memref<4x1600x16xf32, #tpu.memory_space<vmem>> -> memref<1x128x16xf32, #tpu.memory_space<vmem>>
      %dma_start3A_1285 = tpu.memref_squeeze %dma_start3A_1284 : memref<1x128x16xf32, #tpu.memory_space<vmem>> -> memref<128x16xf32, #tpu.memory_space<vmem>>
      %dma_start3A_1286 = arith.constant 896 : i32
      %dma_start3A_1287 = tpu.memref_slice %arg5[%dma_start3A_1280, %dma_start3A_1286] : memref<4x1600xi32, #tpu.memory_space<vmem>> -> memref<1x128xi32, #tpu.memory_space<vmem>>
      %dma_start3A_1288 = tpu.memref_squeeze %dma_start3A_1287 : memref<1x128xi32, #tpu.memory_space<vmem>> -> memref<128xi32, #tpu.memory_space<vmem>>
      %dma_start3A_1289 = arith.constant 0 : i32
      %dma_start3A_1290 = arith.constant 0 : i32
      %dma_start3A_1291 = tpu.memref_slice %arg3[%dma_start3A_1289, %dma_start3A_1290] : memref<8192x16xf32, #tpu.memory_space<hbm>> -> memref<8192x16xf32, #tpu.memory_space<hbm>>
      tpu.enqueue_indirect_dma source(%dma_start3A_1291 : memref<8192x16xf32, #tpu.memory_space<hbm>>) target(%dma_start3A_1285 : memref<128x16xf32, #tpu.memory_space<vmem>>) offsets(%dma_start3A_1288 : memref<128xi32, #tpu.memory_space<vmem>>) semaphore(%arg9 : memref<!tpu.dma_semaphore, #tpu.memory_space<semaphore_mem>>)
      %dma_start3A_1292 = arith.constant 3 : i32
      %dma_start3A_1293 = arith.constant 3 : i32
      %dma_start3A_1294 = arith.constant 1024 : i32
      %dma_start3A_1295 = arith.constant 0 : i32
      %dma_start3A_1296 = tpu.memref_slice %arg6[%dma_start3A_1293, %dma_start3A_1294, %dma_start3A_1295] : memref<4x1600x16xf32, #tpu.memory_space<vmem>> -> memref<1x128x16xf32, #tpu.memory_space<vmem>>
      %dma_start3A_1297 = tpu.memref_squeeze %dma_start3A_1296 : memref<1x128x16xf32, #tpu.memory_space<vmem>> -> memref<128x16xf32, #tpu.memory_space<vmem>>
      %dma_start3A_1298 = arith.constant 1024 : i32
      %dma_start3A_1299 = tpu.memref_slice %arg5[%dma_start3A_1292, %dma_start3A_1298] : memref<4x1600xi32, #tpu.memory_space<vmem>> -> memref<1x128xi32, #tpu.memory_space<vmem>>
      %dma_start3A_1300 = tpu.memref_squeeze %dma_start3A_1299 : memref<1x128xi32, #tpu.memory_space<vmem>> -> memref<128xi32, #tpu.memory_space<vmem>>
      %dma_start3A_1301 = arith.constant 0 : i32
      %dma_start3A_1302 = arith.constant 0 : i32
      %dma_start3A_1303 = tpu.memref_slice %arg3[%dma_start3A_1301, %dma_start3A_1302] : memref<8192x16xf32, #tpu.memory_space<hbm>> -> memref<8192x16xf32, #tpu.memory_space<hbm>>
      tpu.enqueue_indirect_dma source(%dma_start3A_1303 : memref<8192x16xf32, #tpu.memory_space<hbm>>) target(%dma_start3A_1297 : memref<128x16xf32, #tpu.memory_space<vmem>>) offsets(%dma_start3A_1300 : memref<128xi32, #tpu.memory_space<vmem>>) semaphore(%arg9 : memref<!tpu.dma_semaphore, #tpu.memory_space<semaphore_mem>>)
      %dma_start3A_1304 = arith.constant 3 : i32
      %dma_start3A_1305 = arith.constant 3 : i32
      %dma_start3A_1306 = arith.constant 1152 : i32
      %dma_start3A_1307 = arith.constant 0 : i32
      %dma_start3A_1308 = tpu.memref_slice %arg6[%dma_start3A_1305, %dma_start3A_1306, %dma_start3A_1307] : memref<4x1600x16xf32, #tpu.memory_space<vmem>> -> memref<1x128x16xf32, #tpu.memory_space<vmem>>
      %dma_start3A_1309 = tpu.memref_squeeze %dma_start3A_1308 : memref<1x128x16xf32, #tpu.memory_space<vmem>> -> memref<128x16xf32, #tpu.memory_space<vmem>>
      %dma_start3A_1310 = arith.constant 1152 : i32
      %dma_start3A_1311 = tpu.memref_slice %arg5[%dma_start3A_1304, %dma_start3A_1310] : memref<4x1600xi32, #tpu.memory_space<vmem>> -> memref<1x128xi32, #tpu.memory_space<vmem>>
      %dma_start3A_1312 = tpu.memref_squeeze %dma_start3A_1311 : memref<1x128xi32, #tpu.memory_space<vmem>> -> memref<128xi32, #tpu.memory_space<vmem>>
      %dma_start3A_1313 = arith.constant 0 : i32
      %dma_start3A_1314 = arith.constant 0 : i32
      %dma_start3A_1315 = tpu.memref_slice %arg3[%dma_start3A_1313, %dma_start3A_1314] : memref<8192x16xf32, #tpu.memory_space<hbm>> -> memref<8192x16xf32, #tpu.memory_space<hbm>>
      tpu.enqueue_indirect_dma source(%dma_start3A_1315 : memref<8192x16xf32, #tpu.memory_space<hbm>>) target(%dma_start3A_1309 : memref<128x16xf32, #tpu.memory_space<vmem>>) offsets(%dma_start3A_1312 : memref<128xi32, #tpu.memory_space<vmem>>) semaphore(%arg9 : memref<!tpu.dma_semaphore, #tpu.memory_space<semaphore_mem>>)
      %dma_start3A_1316 = arith.constant 3 : i32
      %dma_start3A_1317 = arith.constant 3 : i32
      %dma_start3A_1318 = arith.constant 1280 : i32
      %dma_start3A_1319 = arith.constant 0 : i32
      %dma_start3A_1320 = tpu.memref_slice %arg6[%dma_start3A_1317, %dma_start3A_1318, %dma_start3A_1319] : memref<4x1600x16xf32, #tpu.memory_space<vmem>> -> memref<1x128x16xf32, #tpu.memory_space<vmem>>
      %dma_start3A_1321 = tpu.memref_squeeze %dma_start3A_1320 : memref<1x128x16xf32, #tpu.memory_space<vmem>> -> memref<128x16xf32, #tpu.memory_space<vmem>>
      %dma_start3A_1322 = arith.constant 1280 : i32
      %dma_start3A_1323 = tpu.memref_slice %arg5[%dma_start3A_1316, %dma_start3A_1322] : memref<4x1600xi32, #tpu.memory_space<vmem>> -> memref<1x128xi32, #tpu.memory_space<vmem>>
      %dma_start3A_1324 = tpu.memref_squeeze %dma_start3A_1323 : memref<1x128xi32, #tpu.memory_space<vmem>> -> memref<128xi32, #tpu.memory_space<vmem>>
      %dma_start3A_1325 = arith.constant 0 : i32
      %dma_start3A_1326 = arith.constant 0 : i32
      %dma_start3A_1327 = tpu.memref_slice %arg3[%dma_start3A_1325, %dma_start3A_1326] : memref<8192x16xf32, #tpu.memory_space<hbm>> -> memref<8192x16xf32, #tpu.memory_space<hbm>>
      tpu.enqueue_indirect_dma source(%dma_start3A_1327 : memref<8192x16xf32, #tpu.memory_space<hbm>>) target(%dma_start3A_1321 : memref<128x16xf32, #tpu.memory_space<vmem>>) offsets(%dma_start3A_1324 : memref<128xi32, #tpu.memory_space<vmem>>) semaphore(%arg9 : memref<!tpu.dma_semaphore, #tpu.memory_space<semaphore_mem>>)
      %dma_start3A_1328 = arith.constant 3 : i32
      %dma_start3A_1329 = arith.constant 3 : i32
      %dma_start3A_1330 = arith.constant 1408 : i32
      %dma_start3A_1331 = arith.constant 0 : i32
      %dma_start3A_1332 = tpu.memref_slice %arg6[%dma_start3A_1329, %dma_start3A_1330, %dma_start3A_1331] : memref<4x1600x16xf32, #tpu.memory_space<vmem>> -> memref<1x128x16xf32, #tpu.memory_space<vmem>>
      %dma_start3A_1333 = tpu.memref_squeeze %dma_start3A_1332 : memref<1x128x16xf32, #tpu.memory_space<vmem>> -> memref<128x16xf32, #tpu.memory_space<vmem>>
      %dma_start3A_1334 = arith.constant 1408 : i32
      %dma_start3A_1335 = tpu.memref_slice %arg5[%dma_start3A_1328, %dma_start3A_1334] : memref<4x1600xi32, #tpu.memory_space<vmem>> -> memref<1x128xi32, #tpu.memory_space<vmem>>
      %dma_start3A_1336 = tpu.memref_squeeze %dma_start3A_1335 : memref<1x128xi32, #tpu.memory_space<vmem>> -> memref<128xi32, #tpu.memory_space<vmem>>
      %dma_start3A_1337 = arith.constant 0 : i32
      %dma_start3A_1338 = arith.constant 0 : i32
      %dma_start3A_1339 = tpu.memref_slice %arg3[%dma_start3A_1337, %dma_start3A_1338] : memref<8192x16xf32, #tpu.memory_space<hbm>> -> memref<8192x16xf32, #tpu.memory_space<hbm>>
      tpu.enqueue_indirect_dma source(%dma_start3A_1339 : memref<8192x16xf32, #tpu.memory_space<hbm>>) target(%dma_start3A_1333 : memref<128x16xf32, #tpu.memory_space<vmem>>) offsets(%dma_start3A_1336 : memref<128xi32, #tpu.memory_space<vmem>>) semaphore(%arg9 : memref<!tpu.dma_semaphore, #tpu.memory_space<semaphore_mem>>)
      %dma_start3A_1340 = arith.constant 3 : i32
      %dma_start3A_1341 = arith.constant 3 : i32
      %dma_start3A_1342 = arith.constant 1536 : i32
      %dma_start3A_1343 = arith.constant 0 : i32
      %dma_start3A_1344 = tpu.memref_slice %arg6[%dma_start3A_1341, %dma_start3A_1342, %dma_start3A_1343] : memref<4x1600x16xf32, #tpu.memory_space<vmem>> -> memref<1x64x16xf32, #tpu.memory_space<vmem>>
      %dma_start3A_1345 = tpu.memref_squeeze %dma_start3A_1344 : memref<1x64x16xf32, #tpu.memory_space<vmem>> -> memref<64x16xf32, #tpu.memory_space<vmem>>
      %dma_start3A_1346 = arith.constant 1536 : i32
      %dma_start3A_1347 = tpu.memref_slice %arg5[%dma_start3A_1340, %dma_start3A_1346] : memref<4x1600xi32, #tpu.memory_space<vmem>> -> memref<1x64xi32, #tpu.memory_space<vmem>>
      %dma_start3A_1348 = tpu.memref_squeeze %dma_start3A_1347 : memref<1x64xi32, #tpu.memory_space<vmem>> -> memref<64xi32, #tpu.memory_space<vmem>>
      %dma_start3A_1349 = arith.constant 0 : i32
      %dma_start3A_1350 = arith.constant 0 : i32
      %dma_start3A_1351 = tpu.memref_slice %arg3[%dma_start3A_1349, %dma_start3A_1350] : memref<8192x16xf32, #tpu.memory_space<hbm>> -> memref<8192x16xf32, #tpu.memory_space<hbm>>
      tpu.enqueue_indirect_dma source(%dma_start3A_1351 : memref<8192x16xf32, #tpu.memory_space<hbm>>) target(%dma_start3A_1345 : memref<64x16xf32, #tpu.memory_space<vmem>>) offsets(%dma_start3A_1348 : memref<64xi32, #tpu.memory_space<vmem>>) semaphore(%arg9 : memref<!tpu.dma_semaphore, #tpu.memory_space<semaphore_mem>>)
      %dma_wait3A_1352 = arith.constant 3 : i32
      %dma_wait3A_1353 = arith.constant 3 : i32
      %dma_wait3A_1354 = arith.constant 0 : i32
      %dma_wait3A_1355 = arith.constant 0 : i32
      %dma_wait3A_1356 = tpu.memref_slice %arg6[%dma_wait3A_1353, %dma_wait3A_1354, %dma_wait3A_1355] : memref<4x1600x16xf32, #tpu.memory_space<vmem>> -> memref<1x128x16xf32, #tpu.memory_space<vmem>>
      %dma_wait3A_1357 = tpu.memref_squeeze %dma_wait3A_1356 : memref<1x128x16xf32, #tpu.memory_space<vmem>> -> memref<128x16xf32, #tpu.memory_space<vmem>>
      %dma_wait3A_1358 = arith.constant 0 : i32
      %dma_wait3A_1359 = tpu.memref_slice %arg5[%dma_wait3A_1352, %dma_wait3A_1358] : memref<4x1600xi32, #tpu.memory_space<vmem>> -> memref<1x128xi32, #tpu.memory_space<vmem>>
      %dma_wait3A_1360 = tpu.memref_squeeze %dma_wait3A_1359 : memref<1x128xi32, #tpu.memory_space<vmem>> -> memref<128xi32, #tpu.memory_space<vmem>>
      %dma_wait3A_1361 = arith.constant 0 : i32
      %dma_wait3A_1362 = arith.constant 0 : i32
      %dma_wait3A_1363 = tpu.memref_slice %arg3[%dma_wait3A_1361, %dma_wait3A_1362] : memref<8192x16xf32, #tpu.memory_space<hbm>> -> memref<8192x16xf32, #tpu.memory_space<hbm>>
      tpu.wait_indirect_dma semaphore(%arg9 : memref<!tpu.dma_semaphore, #tpu.memory_space<semaphore_mem>>) src(%dma_wait3A_1363 : memref<8192x16xf32, #tpu.memory_space<hbm>>) dst(%dma_wait3A_1357 : memref<128x16xf32, #tpu.memory_space<vmem>>)
      %dma_wait3A_1364 = arith.constant 3 : i32
      %dma_wait3A_1365 = arith.constant 3 : i32
      %dma_wait3A_1366 = arith.constant 128 : i32
      %dma_wait3A_1367 = arith.constant 0 : i32
      %dma_wait3A_1368 = tpu.memref_slice %arg6[%dma_wait3A_1365, %dma_wait3A_1366, %dma_wait3A_1367] : memref<4x1600x16xf32, #tpu.memory_space<vmem>> -> memref<1x128x16xf32, #tpu.memory_space<vmem>>
      %dma_wait3A_1369 = tpu.memref_squeeze %dma_wait3A_1368 : memref<1x128x16xf32, #tpu.memory_space<vmem>> -> memref<128x16xf32, #tpu.memory_space<vmem>>
      %dma_wait3A_1370 = arith.constant 128 : i32
      %dma_wait3A_1371 = tpu.memref_slice %arg5[%dma_wait3A_1364, %dma_wait3A_1370] : memref<4x1600xi32, #tpu.memory_space<vmem>> -> memref<1x128xi32, #tpu.memory_space<vmem>>
      %dma_wait3A_1372 = tpu.memref_squeeze %dma_wait3A_1371 : memref<1x128xi32, #tpu.memory_space<vmem>> -> memref<128xi32, #tpu.memory_space<vmem>>
      %dma_wait3A_1373 = arith.constant 0 : i32
      %dma_wait3A_1374 = arith.constant 0 : i32
      %dma_wait3A_1375 = tpu.memref_slice %arg3[%dma_wait3A_1373, %dma_wait3A_1374] : memref<8192x16xf32, #tpu.memory_space<hbm>> -> memref<8192x16xf32, #tpu.memory_space<hbm>>
      tpu.wait_indirect_dma semaphore(%arg9 : memref<!tpu.dma_semaphore, #tpu.memory_space<semaphore_mem>>) src(%dma_wait3A_1375 : memref<8192x16xf32, #tpu.memory_space<hbm>>) dst(%dma_wait3A_1369 : memref<128x16xf32, #tpu.memory_space<vmem>>)
      %dma_wait3A_1376 = arith.constant 3 : i32
      %dma_wait3A_1377 = arith.constant 3 : i32
      %dma_wait3A_1378 = arith.constant 256 : i32
      %dma_wait3A_1379 = arith.constant 0 : i32
      %dma_wait3A_1380 = tpu.memref_slice %arg6[%dma_wait3A_1377, %dma_wait3A_1378, %dma_wait3A_1379] : memref<4x1600x16xf32, #tpu.memory_space<vmem>> -> memref<1x128x16xf32, #tpu.memory_space<vmem>>
      %dma_wait3A_1381 = tpu.memref_squeeze %dma_wait3A_1380 : memref<1x128x16xf32, #tpu.memory_space<vmem>> -> memref<128x16xf32, #tpu.memory_space<vmem>>
      %dma_wait3A_1382 = arith.constant 256 : i32
      %dma_wait3A_1383 = tpu.memref_slice %arg5[%dma_wait3A_1376, %dma_wait3A_1382] : memref<4x1600xi32, #tpu.memory_space<vmem>> -> memref<1x128xi32, #tpu.memory_space<vmem>>
      %dma_wait3A_1384 = tpu.memref_squeeze %dma_wait3A_1383 : memref<1x128xi32, #tpu.memory_space<vmem>> -> memref<128xi32, #tpu.memory_space<vmem>>
      %dma_wait3A_1385 = arith.constant 0 : i32
      %dma_wait3A_1386 = arith.constant 0 : i32
      %dma_wait3A_1387 = tpu.memref_slice %arg3[%dma_wait3A_1385, %dma_wait3A_1386] : memref<8192x16xf32, #tpu.memory_space<hbm>> -> memref<8192x16xf32, #tpu.memory_space<hbm>>
      tpu.wait_indirect_dma semaphore(%arg9 : memref<!tpu.dma_semaphore, #tpu.memory_space<semaphore_mem>>) src(%dma_wait3A_1387 : memref<8192x16xf32, #tpu.memory_space<hbm>>) dst(%dma_wait3A_1381 : memref<128x16xf32, #tpu.memory_space<vmem>>)
      %dma_wait3A_1388 = arith.constant 3 : i32
      %dma_wait3A_1389 = arith.constant 3 : i32
      %dma_wait3A_1390 = arith.constant 384 : i32
      %dma_wait3A_1391 = arith.constant 0 : i32
      %dma_wait3A_1392 = tpu.memref_slice %arg6[%dma_wait3A_1389, %dma_wait3A_1390, %dma_wait3A_1391] : memref<4x1600x16xf32, #tpu.memory_space<vmem>> -> memref<1x128x16xf32, #tpu.memory_space<vmem>>
      %dma_wait3A_1393 = tpu.memref_squeeze %dma_wait3A_1392 : memref<1x128x16xf32, #tpu.memory_space<vmem>> -> memref<128x16xf32, #tpu.memory_space<vmem>>
      %dma_wait3A_1394 = arith.constant 384 : i32
      %dma_wait3A_1395 = tpu.memref_slice %arg5[%dma_wait3A_1388, %dma_wait3A_1394] : memref<4x1600xi32, #tpu.memory_space<vmem>> -> memref<1x128xi32, #tpu.memory_space<vmem>>
      %dma_wait3A_1396 = tpu.memref_squeeze %dma_wait3A_1395 : memref<1x128xi32, #tpu.memory_space<vmem>> -> memref<128xi32, #tpu.memory_space<vmem>>
      %dma_wait3A_1397 = arith.constant 0 : i32
      %dma_wait3A_1398 = arith.constant 0 : i32
      %dma_wait3A_1399 = tpu.memref_slice %arg3[%dma_wait3A_1397, %dma_wait3A_1398] : memref<8192x16xf32, #tpu.memory_space<hbm>> -> memref<8192x16xf32, #tpu.memory_space<hbm>>
      tpu.wait_indirect_dma semaphore(%arg9 : memref<!tpu.dma_semaphore, #tpu.memory_space<semaphore_mem>>) src(%dma_wait3A_1399 : memref<8192x16xf32, #tpu.memory_space<hbm>>) dst(%dma_wait3A_1393 : memref<128x16xf32, #tpu.memory_space<vmem>>)
      %dma_wait3A_1400 = arith.constant 3 : i32
      %dma_wait3A_1401 = arith.constant 3 : i32
      %dma_wait3A_1402 = arith.constant 512 : i32
      %dma_wait3A_1403 = arith.constant 0 : i32
      %dma_wait3A_1404 = tpu.memref_slice %arg6[%dma_wait3A_1401, %dma_wait3A_1402, %dma_wait3A_1403] : memref<4x1600x16xf32, #tpu.memory_space<vmem>> -> memref<1x128x16xf32, #tpu.memory_space<vmem>>
      %dma_wait3A_1405 = tpu.memref_squeeze %dma_wait3A_1404 : memref<1x128x16xf32, #tpu.memory_space<vmem>> -> memref<128x16xf32, #tpu.memory_space<vmem>>
      %dma_wait3A_1406 = arith.constant 512 : i32
      %dma_wait3A_1407 = tpu.memref_slice %arg5[%dma_wait3A_1400, %dma_wait3A_1406] : memref<4x1600xi32, #tpu.memory_space<vmem>> -> memref<1x128xi32, #tpu.memory_space<vmem>>
      %dma_wait3A_1408 = tpu.memref_squeeze %dma_wait3A_1407 : memref<1x128xi32, #tpu.memory_space<vmem>> -> memref<128xi32, #tpu.memory_space<vmem>>
      %dma_wait3A_1409 = arith.constant 0 : i32
      %dma_wait3A_1410 = arith.constant 0 : i32
      %dma_wait3A_1411 = tpu.memref_slice %arg3[%dma_wait3A_1409, %dma_wait3A_1410] : memref<8192x16xf32, #tpu.memory_space<hbm>> -> memref<8192x16xf32, #tpu.memory_space<hbm>>
      tpu.wait_indirect_dma semaphore(%arg9 : memref<!tpu.dma_semaphore, #tpu.memory_space<semaphore_mem>>) src(%dma_wait3A_1411 : memref<8192x16xf32, #tpu.memory_space<hbm>>) dst(%dma_wait3A_1405 : memref<128x16xf32, #tpu.memory_space<vmem>>)
      %dma_wait3A_1412 = arith.constant 3 : i32
      %dma_wait3A_1413 = arith.constant 3 : i32
      %dma_wait3A_1414 = arith.constant 640 : i32
      %dma_wait3A_1415 = arith.constant 0 : i32
      %dma_wait3A_1416 = tpu.memref_slice %arg6[%dma_wait3A_1413, %dma_wait3A_1414, %dma_wait3A_1415] : memref<4x1600x16xf32, #tpu.memory_space<vmem>> -> memref<1x128x16xf32, #tpu.memory_space<vmem>>
      %dma_wait3A_1417 = tpu.memref_squeeze %dma_wait3A_1416 : memref<1x128x16xf32, #tpu.memory_space<vmem>> -> memref<128x16xf32, #tpu.memory_space<vmem>>
      %dma_wait3A_1418 = arith.constant 640 : i32
      %dma_wait3A_1419 = tpu.memref_slice %arg5[%dma_wait3A_1412, %dma_wait3A_1418] : memref<4x1600xi32, #tpu.memory_space<vmem>> -> memref<1x128xi32, #tpu.memory_space<vmem>>
      %dma_wait3A_1420 = tpu.memref_squeeze %dma_wait3A_1419 : memref<1x128xi32, #tpu.memory_space<vmem>> -> memref<128xi32, #tpu.memory_space<vmem>>
      %dma_wait3A_1421 = arith.constant 0 : i32
      %dma_wait3A_1422 = arith.constant 0 : i32
      %dma_wait3A_1423 = tpu.memref_slice %arg3[%dma_wait3A_1421, %dma_wait3A_1422] : memref<8192x16xf32, #tpu.memory_space<hbm>> -> memref<8192x16xf32, #tpu.memory_space<hbm>>
      tpu.wait_indirect_dma semaphore(%arg9 : memref<!tpu.dma_semaphore, #tpu.memory_space<semaphore_mem>>) src(%dma_wait3A_1423 : memref<8192x16xf32, #tpu.memory_space<hbm>>) dst(%dma_wait3A_1417 : memref<128x16xf32, #tpu.memory_space<vmem>>)
      %dma_wait3A_1424 = arith.constant 3 : i32
      %dma_wait3A_1425 = arith.constant 3 : i32
      %dma_wait3A_1426 = arith.constant 768 : i32
      %dma_wait3A_1427 = arith.constant 0 : i32
      %dma_wait3A_1428 = tpu.memref_slice %arg6[%dma_wait3A_1425, %dma_wait3A_1426, %dma_wait3A_1427] : memref<4x1600x16xf32, #tpu.memory_space<vmem>> -> memref<1x128x16xf32, #tpu.memory_space<vmem>>
      %dma_wait3A_1429 = tpu.memref_squeeze %dma_wait3A_1428 : memref<1x128x16xf32, #tpu.memory_space<vmem>> -> memref<128x16xf32, #tpu.memory_space<vmem>>
      %dma_wait3A_1430 = arith.constant 768 : i32
      %dma_wait3A_1431 = tpu.memref_slice %arg5[%dma_wait3A_1424, %dma_wait3A_1430] : memref<4x1600xi32, #tpu.memory_space<vmem>> -> memref<1x128xi32, #tpu.memory_space<vmem>>
      %dma_wait3A_1432 = tpu.memref_squeeze %dma_wait3A_1431 : memref<1x128xi32, #tpu.memory_space<vmem>> -> memref<128xi32, #tpu.memory_space<vmem>>
      %dma_wait3A_1433 = arith.constant 0 : i32
      %dma_wait3A_1434 = arith.constant 0 : i32
      %dma_wait3A_1435 = tpu.memref_slice %arg3[%dma_wait3A_1433, %dma_wait3A_1434] : memref<8192x16xf32, #tpu.memory_space<hbm>> -> memref<8192x16xf32, #tpu.memory_space<hbm>>
      tpu.wait_indirect_dma semaphore(%arg9 : memref<!tpu.dma_semaphore, #tpu.memory_space<semaphore_mem>>) src(%dma_wait3A_1435 : memref<8192x16xf32, #tpu.memory_space<hbm>>) dst(%dma_wait3A_1429 : memref<128x16xf32, #tpu.memory_space<vmem>>)
      %dma_wait3A_1436 = arith.constant 3 : i32
      %dma_wait3A_1437 = arith.constant 3 : i32
      %dma_wait3A_1438 = arith.constant 896 : i32
      %dma_wait3A_1439 = arith.constant 0 : i32
      %dma_wait3A_1440 = tpu.memref_slice %arg6[%dma_wait3A_1437, %dma_wait3A_1438, %dma_wait3A_1439] : memref<4x1600x16xf32, #tpu.memory_space<vmem>> -> memref<1x128x16xf32, #tpu.memory_space<vmem>>
      %dma_wait3A_1441 = tpu.memref_squeeze %dma_wait3A_1440 : memref<1x128x16xf32, #tpu.memory_space<vmem>> -> memref<128x16xf32, #tpu.memory_space<vmem>>
      %dma_wait3A_1442 = arith.constant 896 : i32
      %dma_wait3A_1443 = tpu.memref_slice %arg5[%dma_wait3A_1436, %dma_wait3A_1442] : memref<4x1600xi32, #tpu.memory_space<vmem>> -> memref<1x128xi32, #tpu.memory_space<vmem>>
      %dma_wait3A_1444 = tpu.memref_squeeze %dma_wait3A_1443 : memref<1x128xi32, #tpu.memory_space<vmem>> -> memref<128xi32, #tpu.memory_space<vmem>>
      %dma_wait3A_1445 = arith.constant 0 : i32
      %dma_wait3A_1446 = arith.constant 0 : i32
      %dma_wait3A_1447 = tpu.memref_slice %arg3[%dma_wait3A_1445, %dma_wait3A_1446] : memref<8192x16xf32, #tpu.memory_space<hbm>> -> memref<8192x16xf32, #tpu.memory_space<hbm>>
      tpu.wait_indirect_dma semaphore(%arg9 : memref<!tpu.dma_semaphore, #tpu.memory_space<semaphore_mem>>) src(%dma_wait3A_1447 : memref<8192x16xf32, #tpu.memory_space<hbm>>) dst(%dma_wait3A_1441 : memref<128x16xf32, #tpu.memory_space<vmem>>)
      %dma_wait3A_1448 = arith.constant 3 : i32
      %dma_wait3A_1449 = arith.constant 3 : i32
      %dma_wait3A_1450 = arith.constant 1024 : i32
      %dma_wait3A_1451 = arith.constant 0 : i32
      %dma_wait3A_1452 = tpu.memref_slice %arg6[%dma_wait3A_1449, %dma_wait3A_1450, %dma_wait3A_1451] : memref<4x1600x16xf32, #tpu.memory_space<vmem>> -> memref<1x128x16xf32, #tpu.memory_space<vmem>>
      %dma_wait3A_1453 = tpu.memref_squeeze %dma_wait3A_1452 : memref<1x128x16xf32, #tpu.memory_space<vmem>> -> memref<128x16xf32, #tpu.memory_space<vmem>>
      %dma_wait3A_1454 = arith.constant 1024 : i32
      %dma_wait3A_1455 = tpu.memref_slice %arg5[%dma_wait3A_1448, %dma_wait3A_1454] : memref<4x1600xi32, #tpu.memory_space<vmem>> -> memref<1x128xi32, #tpu.memory_space<vmem>>
      %dma_wait3A_1456 = tpu.memref_squeeze %dma_wait3A_1455 : memref<1x128xi32, #tpu.memory_space<vmem>> -> memref<128xi32, #tpu.memory_space<vmem>>
      %dma_wait3A_1457 = arith.constant 0 : i32
      %dma_wait3A_1458 = arith.constant 0 : i32
      %dma_wait3A_1459 = tpu.memref_slice %arg3[%dma_wait3A_1457, %dma_wait3A_1458] : memref<8192x16xf32, #tpu.memory_space<hbm>> -> memref<8192x16xf32, #tpu.memory_space<hbm>>
      tpu.wait_indirect_dma semaphore(%arg9 : memref<!tpu.dma_semaphore, #tpu.memory_space<semaphore_mem>>) src(%dma_wait3A_1459 : memref<8192x16xf32, #tpu.memory_space<hbm>>) dst(%dma_wait3A_1453 : memref<128x16xf32, #tpu.memory_space<vmem>>)
      %dma_wait3A_1460 = arith.constant 3 : i32
      %dma_wait3A_1461 = arith.constant 3 : i32
      %dma_wait3A_1462 = arith.constant 1152 : i32
      %dma_wait3A_1463 = arith.constant 0 : i32
      %dma_wait3A_1464 = tpu.memref_slice %arg6[%dma_wait3A_1461, %dma_wait3A_1462, %dma_wait3A_1463] : memref<4x1600x16xf32, #tpu.memory_space<vmem>> -> memref<1x128x16xf32, #tpu.memory_space<vmem>>
      %dma_wait3A_1465 = tpu.memref_squeeze %dma_wait3A_1464 : memref<1x128x16xf32, #tpu.memory_space<vmem>> -> memref<128x16xf32, #tpu.memory_space<vmem>>
      %dma_wait3A_1466 = arith.constant 1152 : i32
      %dma_wait3A_1467 = tpu.memref_slice %arg5[%dma_wait3A_1460, %dma_wait3A_1466] : memref<4x1600xi32, #tpu.memory_space<vmem>> -> memref<1x128xi32, #tpu.memory_space<vmem>>
      %dma_wait3A_1468 = tpu.memref_squeeze %dma_wait3A_1467 : memref<1x128xi32, #tpu.memory_space<vmem>> -> memref<128xi32, #tpu.memory_space<vmem>>
      %dma_wait3A_1469 = arith.constant 0 : i32
      %dma_wait3A_1470 = arith.constant 0 : i32
      %dma_wait3A_1471 = tpu.memref_slice %arg3[%dma_wait3A_1469, %dma_wait3A_1470] : memref<8192x16xf32, #tpu.memory_space<hbm>> -> memref<8192x16xf32, #tpu.memory_space<hbm>>
      tpu.wait_indirect_dma semaphore(%arg9 : memref<!tpu.dma_semaphore, #tpu.memory_space<semaphore_mem>>) src(%dma_wait3A_1471 : memref<8192x16xf32, #tpu.memory_space<hbm>>) dst(%dma_wait3A_1465 : memref<128x16xf32, #tpu.memory_space<vmem>>)
      %dma_wait3A_1472 = arith.constant 3 : i32
      %dma_wait3A_1473 = arith.constant 3 : i32
      %dma_wait3A_1474 = arith.constant 1280 : i32
      %dma_wait3A_1475 = arith.constant 0 : i32
      %dma_wait3A_1476 = tpu.memref_slice %arg6[%dma_wait3A_1473, %dma_wait3A_1474, %dma_wait3A_1475] : memref<4x1600x16xf32, #tpu.memory_space<vmem>> -> memref<1x128x16xf32, #tpu.memory_space<vmem>>
      %dma_wait3A_1477 = tpu.memref_squeeze %dma_wait3A_1476 : memref<1x128x16xf32, #tpu.memory_space<vmem>> -> memref<128x16xf32, #tpu.memory_space<vmem>>
      %dma_wait3A_1478 = arith.constant 1280 : i32
      %dma_wait3A_1479 = tpu.memref_slice %arg5[%dma_wait3A_1472, %dma_wait3A_1478] : memref<4x1600xi32, #tpu.memory_space<vmem>> -> memref<1x128xi32, #tpu.memory_space<vmem>>
      %dma_wait3A_1480 = tpu.memref_squeeze %dma_wait3A_1479 : memref<1x128xi32, #tpu.memory_space<vmem>> -> memref<128xi32, #tpu.memory_space<vmem>>
      %dma_wait3A_1481 = arith.constant 0 : i32
      %dma_wait3A_1482 = arith.constant 0 : i32
      %dma_wait3A_1483 = tpu.memref_slice %arg3[%dma_wait3A_1481, %dma_wait3A_1482] : memref<8192x16xf32, #tpu.memory_space<hbm>> -> memref<8192x16xf32, #tpu.memory_space<hbm>>
      tpu.wait_indirect_dma semaphore(%arg9 : memref<!tpu.dma_semaphore, #tpu.memory_space<semaphore_mem>>) src(%dma_wait3A_1483 : memref<8192x16xf32, #tpu.memory_space<hbm>>) dst(%dma_wait3A_1477 : memref<128x16xf32, #tpu.memory_space<vmem>>)
      %dma_wait3A_1484 = arith.constant 3 : i32
      %dma_wait3A_1485 = arith.constant 3 : i32
      %dma_wait3A_1486 = arith.constant 1408 : i32
      %dma_wait3A_1487 = arith.constant 0 : i32
      %dma_wait3A_1488 = tpu.memref_slice %arg6[%dma_wait3A_1485, %dma_wait3A_1486, %dma_wait3A_1487] : memref<4x1600x16xf32, #tpu.memory_space<vmem>> -> memref<1x128x16xf32, #tpu.memory_space<vmem>>
      %dma_wait3A_1489 = tpu.memref_squeeze %dma_wait3A_1488 : memref<1x128x16xf32, #tpu.memory_space<vmem>> -> memref<128x16xf32, #tpu.memory_space<vmem>>
      %dma_wait3A_1490 = arith.constant 1408 : i32
      %dma_wait3A_1491 = tpu.memref_slice %arg5[%dma_wait3A_1484, %dma_wait3A_1490] : memref<4x1600xi32, #tpu.memory_space<vmem>> -> memref<1x128xi32, #tpu.memory_space<vmem>>
      %dma_wait3A_1492 = tpu.memref_squeeze %dma_wait3A_1491 : memref<1x128xi32, #tpu.memory_space<vmem>> -> memref<128xi32, #tpu.memory_space<vmem>>
      %dma_wait3A_1493 = arith.constant 0 : i32
      %dma_wait3A_1494 = arith.constant 0 : i32
      %dma_wait3A_1495 = tpu.memref_slice %arg3[%dma_wait3A_1493, %dma_wait3A_1494] : memref<8192x16xf32, #tpu.memory_space<hbm>> -> memref<8192x16xf32, #tpu.memory_space<hbm>>
      tpu.wait_indirect_dma semaphore(%arg9 : memref<!tpu.dma_semaphore, #tpu.memory_space<semaphore_mem>>) src(%dma_wait3A_1495 : memref<8192x16xf32, #tpu.memory_space<hbm>>) dst(%dma_wait3A_1489 : memref<128x16xf32, #tpu.memory_space<vmem>>)
      %dma_wait3A_1496 = arith.constant 3 : i32
      %dma_wait3A_1497 = arith.constant 3 : i32
      %dma_wait3A_1498 = arith.constant 1536 : i32
      %dma_wait3A_1499 = arith.constant 0 : i32
      %dma_wait3A_1500 = tpu.memref_slice %arg6[%dma_wait3A_1497, %dma_wait3A_1498, %dma_wait3A_1499] : memref<4x1600x16xf32, #tpu.memory_space<vmem>> -> memref<1x64x16xf32, #tpu.memory_space<vmem>>
      %dma_wait3A_1501 = tpu.memref_squeeze %dma_wait3A_1500 : memref<1x64x16xf32, #tpu.memory_space<vmem>> -> memref<64x16xf32, #tpu.memory_space<vmem>>
      %dma_wait3A_1502 = arith.constant 1536 : i32
      %dma_wait3A_1503 = tpu.memref_slice %arg5[%dma_wait3A_1496, %dma_wait3A_1502] : memref<4x1600xi32, #tpu.memory_space<vmem>> -> memref<1x64xi32, #tpu.memory_space<vmem>>
      %dma_wait3A_1504 = tpu.memref_squeeze %dma_wait3A_1503 : memref<1x64xi32, #tpu.memory_space<vmem>> -> memref<64xi32, #tpu.memory_space<vmem>>
      %dma_wait3A_1505 = arith.constant 0 : i32
      %dma_wait3A_1506 = arith.constant 0 : i32
      %dma_wait3A_1507 = tpu.memref_slice %arg3[%dma_wait3A_1505, %dma_wait3A_1506] : memref<8192x16xf32, #tpu.memory_space<hbm>> -> memref<8192x16xf32, #tpu.memory_space<hbm>>
      tpu.wait_indirect_dma semaphore(%arg9 : memref<!tpu.dma_semaphore, #tpu.memory_space<semaphore_mem>>) src(%dma_wait3A_1507 : memref<8192x16xf32, #tpu.memory_space<hbm>>) dst(%dma_wait3A_1501 : memref<64x16xf32, #tpu.memory_space<vmem>>)
      %mul3A_1508 = arith.constant 1600 : i32
      %mul3A_1509 = arith.muli %add3A_1173, %mul3A_1508 : i32
      %add3A_1510 = arith.addi %mul3A_2, %mul3A_1509 : i32
      %dma_start3A_1511 = arith.constant 3 : i32
      %dma_start3A_1512 = arith.constant 3 : i32
      %dma_start3A_1513 = arith.constant 0 : i32
      %dma_start3A_1514 = arith.constant 0 : i32
      %dma_start3A_1515 = tpu.memref_slice %arg6[%dma_start3A_1511, %dma_start3A_1513, %dma_start3A_1514] : memref<4x1600x16xf32, #tpu.memory_space<vmem>> -> memref<1x1600x16xf32, #tpu.memory_space<vmem>>
      %dma_start3A_1516 = tpu.memref_squeeze %dma_start3A_1515 : memref<1x1600x16xf32, #tpu.memory_space<vmem>> -> memref<1600x16xf32, #tpu.memory_space<vmem>>
      %dma_start3A_1517 = arith.constant 0 : i32
      %dma_start3A_1518 = tpu.memref_slice %arg4[%add3A_1510, %dma_start3A_1517] : memref<1638400x16xf32, #tpu.memory_space<hbm>> -> memref<1600x16xf32, #tpu.memory_space<hbm>>
      %dma_start3A_1519 = tpu.memref_slice %arg8[%dma_start3A_1512] : memref<4x!tpu.dma_semaphore, #tpu.memory_space<semaphore_mem>> -> memref<1x!tpu.dma_semaphore, #tpu.memory_space<semaphore_mem>>
      %dma_start3A_1520 = tpu.memref_squeeze %dma_start3A_1519 : memref<1x!tpu.dma_semaphore, #tpu.memory_space<semaphore_mem>> -> memref<!tpu.dma_semaphore, #tpu.memory_space<semaphore_mem>>
      %dma_start3A_1521 = arith.constant 0 : i32
      %dma_start3A_1522 = tpu.memref_slice %arg4[%add3A_1510, %dma_start3A_1521] : memref<1638400x16xf32, #tpu.memory_space<hbm>> -> memref<1600x16xf32, #tpu.memory_space<hbm>>
      %dma_start3A_1523 = arith.constant 0 : i32
      %dma_start3A_1524 = arith.constant 0 : i32
      %dma_start3A_1525 = tpu.memref_slice %arg6[%dma_start3A_1511, %dma_start3A_1523, %dma_start3A_1524] : memref<4x1600x16xf32, #tpu.memory_space<vmem>> -> memref<1x1600x16xf32, #tpu.memory_space<vmem>>
      %dma_start3A_1526 = tpu.memref_squeeze %dma_start3A_1525 : memref<1x1600x16xf32, #tpu.memory_space<vmem>> -> memref<1600x16xf32, #tpu.memory_space<vmem>>
      tpu.enqueue_dma source(%dma_start3A_1526 : memref<1600x16xf32, #tpu.memory_space<vmem>>) target(%dma_start3A_1522 : memref<1600x16xf32, #tpu.memory_space<hbm>>) target_semaphore(%dma_start3A_1520 : memref<!tpu.dma_semaphore, #tpu.memory_space<semaphore_mem>>)
    }
    %scan3A_33 = arith.constant 8 : i32
    %add3A_34 = arith.constant 44800 : i32
    %add3A_35 = arith.addi %mul3A_2, %add3A_34 : i32
    %dma_wait3A = arith.constant 0 : i32
    %dma_wait3A_36 = arith.constant 0 : i32
    %dma_wait3A_37 = arith.constant 0 : i32
    %dma_wait3A_38 = arith.constant 0 : i32
    %dma_wait3A_39 = tpu.memref_slice %arg6[%dma_wait3A, %dma_wait3A_37, %dma_wait3A_38] : memref<4x1600x16xf32, #tpu.memory_space<vmem>> -> memref<1x1600x16xf32, #tpu.memory_space<vmem>>
    %dma_wait3A_40 = tpu.memref_squeeze %dma_wait3A_39 : memref<1x1600x16xf32, #tpu.memory_space<vmem>> -> memref<1600x16xf32, #tpu.memory_space<vmem>>
    %dma_wait3A_41 = arith.constant 0 : i32
    %dma_wait3A_42 = tpu.memref_slice %arg4[%add3A_35, %dma_wait3A_41] : memref<1638400x16xf32, #tpu.memory_space<hbm>> -> memref<1600x16xf32, #tpu.memory_space<hbm>>
    %dma_wait3A_43 = tpu.memref_slice %arg8[%dma_wait3A_36] : memref<4x!tpu.dma_semaphore, #tpu.memory_space<semaphore_mem>> -> memref<1x!tpu.dma_semaphore, #tpu.memory_space<semaphore_mem>>
    %dma_wait3A_44 = tpu.memref_squeeze %dma_wait3A_43 : memref<1x!tpu.dma_semaphore, #tpu.memory_space<semaphore_mem>> -> memref<!tpu.dma_semaphore, #tpu.memory_space<semaphore_mem>>
    %dma_wait3A_45 = arith.constant 0 : i32
    %dma_wait3A_46 = tpu.memref_slice %arg4[%add3A_35, %dma_wait3A_45] : memref<1638400x16xf32, #tpu.memory_space<hbm>> -> memref<1600x16xf32, #tpu.memory_space<hbm>>
    %dma_wait3A_47 = arith.constant 0 : i32
    %dma_wait3A_48 = arith.constant 0 : i32
    %dma_wait3A_49 = tpu.memref_slice %arg6[%dma_wait3A, %dma_wait3A_47, %dma_wait3A_48] : memref<4x1600x16xf32, #tpu.memory_space<vmem>> -> memref<1x1600x16xf32, #tpu.memory_space<vmem>>
    %dma_wait3A_50 = tpu.memref_squeeze %dma_wait3A_49 : memref<1x1600x16xf32, #tpu.memory_space<vmem>> -> memref<1600x16xf32, #tpu.memory_space<vmem>>
    tpu.wait_dma2 semaphore(%dma_wait3A_44 : memref<!tpu.dma_semaphore, #tpu.memory_space<semaphore_mem>>) src(%dma_wait3A_50 : memref<1600x16xf32, #tpu.memory_space<vmem>>) dst(%dma_wait3A_46 : memref<1600x16xf32, #tpu.memory_space<hbm>>)
    %add3A_51 = arith.constant 46400 : i32
    %add3A_52 = arith.addi %mul3A_2, %add3A_51 : i32
    %dma_wait3A_53 = arith.constant 1 : i32
    %dma_wait3A_54 = arith.constant 1 : i32
    %dma_wait3A_55 = arith.constant 0 : i32
    %dma_wait3A_56 = arith.constant 0 : i32
    %dma_wait3A_57 = tpu.memref_slice %arg6[%dma_wait3A_53, %dma_wait3A_55, %dma_wait3A_56] : memref<4x1600x16xf32, #tpu.memory_space<vmem>> -> memref<1x1600x16xf32, #tpu.memory_space<vmem>>
    %dma_wait3A_58 = tpu.memref_squeeze %dma_wait3A_57 : memref<1x1600x16xf32, #tpu.memory_space<vmem>> -> memref<1600x16xf32, #tpu.memory_space<vmem>>
    %dma_wait3A_59 = arith.constant 0 : i32
    %dma_wait3A_60 = tpu.memref_slice %arg4[%add3A_52, %dma_wait3A_59] : memref<1638400x16xf32, #tpu.memory_space<hbm>> -> memref<1600x16xf32, #tpu.memory_space<hbm>>
    %dma_wait3A_61 = tpu.memref_slice %arg8[%dma_wait3A_54] : memref<4x!tpu.dma_semaphore, #tpu.memory_space<semaphore_mem>> -> memref<1x!tpu.dma_semaphore, #tpu.memory_space<semaphore_mem>>
    %dma_wait3A_62 = tpu.memref_squeeze %dma_wait3A_61 : memref<1x!tpu.dma_semaphore, #tpu.memory_space<semaphore_mem>> -> memref<!tpu.dma_semaphore, #tpu.memory_space<semaphore_mem>>
    %dma_wait3A_63 = arith.constant 0 : i32
    %dma_wait3A_64 = tpu.memref_slice %arg4[%add3A_52, %dma_wait3A_63] : memref<1638400x16xf32, #tpu.memory_space<hbm>> -> memref<1600x16xf32, #tpu.memory_space<hbm>>
    %dma_wait3A_65 = arith.constant 0 : i32
    %dma_wait3A_66 = arith.constant 0 : i32
    %dma_wait3A_67 = tpu.memref_slice %arg6[%dma_wait3A_53, %dma_wait3A_65, %dma_wait3A_66] : memref<4x1600x16xf32, #tpu.memory_space<vmem>> -> memref<1x1600x16xf32, #tpu.memory_space<vmem>>
    %dma_wait3A_68 = tpu.memref_squeeze %dma_wait3A_67 : memref<1x1600x16xf32, #tpu.memory_space<vmem>> -> memref<1600x16xf32, #tpu.memory_space<vmem>>
    tpu.wait_dma2 semaphore(%dma_wait3A_62 : memref<!tpu.dma_semaphore, #tpu.memory_space<semaphore_mem>>) src(%dma_wait3A_68 : memref<1600x16xf32, #tpu.memory_space<vmem>>) dst(%dma_wait3A_64 : memref<1600x16xf32, #tpu.memory_space<hbm>>)
    %add3A_69 = arith.constant 48000 : i32
    %add3A_70 = arith.addi %mul3A_2, %add3A_69 : i32
    %dma_wait3A_71 = arith.constant 2 : i32
    %dma_wait3A_72 = arith.constant 2 : i32
    %dma_wait3A_73 = arith.constant 0 : i32
    %dma_wait3A_74 = arith.constant 0 : i32
    %dma_wait3A_75 = tpu.memref_slice %arg6[%dma_wait3A_71, %dma_wait3A_73, %dma_wait3A_74] : memref<4x1600x16xf32, #tpu.memory_space<vmem>> -> memref<1x1600x16xf32, #tpu.memory_space<vmem>>
    %dma_wait3A_76 = tpu.memref_squeeze %dma_wait3A_75 : memref<1x1600x16xf32, #tpu.memory_space<vmem>> -> memref<1600x16xf32, #tpu.memory_space<vmem>>
    %dma_wait3A_77 = arith.constant 0 : i32
    %dma_wait3A_78 = tpu.memref_slice %arg4[%add3A_70, %dma_wait3A_77] : memref<1638400x16xf32, #tpu.memory_space<hbm>> -> memref<1600x16xf32, #tpu.memory_space<hbm>>
    %dma_wait3A_79 = tpu.memref_slice %arg8[%dma_wait3A_72] : memref<4x!tpu.dma_semaphore, #tpu.memory_space<semaphore_mem>> -> memref<1x!tpu.dma_semaphore, #tpu.memory_space<semaphore_mem>>
    %dma_wait3A_80 = tpu.memref_squeeze %dma_wait3A_79 : memref<1x!tpu.dma_semaphore, #tpu.memory_space<semaphore_mem>> -> memref<!tpu.dma_semaphore, #tpu.memory_space<semaphore_mem>>
    %dma_wait3A_81 = arith.constant 0 : i32
    %dma_wait3A_82 = tpu.memref_slice %arg4[%add3A_70, %dma_wait3A_81] : memref<1638400x16xf32, #tpu.memory_space<hbm>> -> memref<1600x16xf32, #tpu.memory_space<hbm>>
    %dma_wait3A_83 = arith.constant 0 : i32
    %dma_wait3A_84 = arith.constant 0 : i32
    %dma_wait3A_85 = tpu.memref_slice %arg6[%dma_wait3A_71, %dma_wait3A_83, %dma_wait3A_84] : memref<4x1600x16xf32, #tpu.memory_space<vmem>> -> memref<1x1600x16xf32, #tpu.memory_space<vmem>>
    %dma_wait3A_86 = tpu.memref_squeeze %dma_wait3A_85 : memref<1x1600x16xf32, #tpu.memory_space<vmem>> -> memref<1600x16xf32, #tpu.memory_space<vmem>>
    tpu.wait_dma2 semaphore(%dma_wait3A_80 : memref<!tpu.dma_semaphore, #tpu.memory_space<semaphore_mem>>) src(%dma_wait3A_86 : memref<1600x16xf32, #tpu.memory_space<vmem>>) dst(%dma_wait3A_82 : memref<1600x16xf32, #tpu.memory_space<hbm>>)
    %add3A_87 = arith.constant 49600 : i32
    %add3A_88 = arith.addi %mul3A_2, %add3A_87 : i32
    %dma_wait3A_89 = arith.constant 3 : i32
    %dma_wait3A_90 = arith.constant 3 : i32
    %dma_wait3A_91 = arith.constant 0 : i32
    %dma_wait3A_92 = arith.constant 0 : i32
    %dma_wait3A_93 = tpu.memref_slice %arg6[%dma_wait3A_89, %dma_wait3A_91, %dma_wait3A_92] : memref<4x1600x16xf32, #tpu.memory_space<vmem>> -> memref<1x1600x16xf32, #tpu.memory_space<vmem>>
    %dma_wait3A_94 = tpu.memref_squeeze %dma_wait3A_93 : memref<1x1600x16xf32, #tpu.memory_space<vmem>> -> memref<1600x16xf32, #tpu.memory_space<vmem>>
    %dma_wait3A_95 = arith.constant 0 : i32
    %dma_wait3A_96 = tpu.memref_slice %arg4[%add3A_88, %dma_wait3A_95] : memref<1638400x16xf32, #tpu.memory_space<hbm>> -> memref<1600x16xf32, #tpu.memory_space<hbm>>
    %dma_wait3A_97 = tpu.memref_slice %arg8[%dma_wait3A_90] : memref<4x!tpu.dma_semaphore, #tpu.memory_space<semaphore_mem>> -> memref<1x!tpu.dma_semaphore, #tpu.memory_space<semaphore_mem>>
    %dma_wait3A_98 = tpu.memref_squeeze %dma_wait3A_97 : memref<1x!tpu.dma_semaphore, #tpu.memory_space<semaphore_mem>> -> memref<!tpu.dma_semaphore, #tpu.memory_space<semaphore_mem>>
    %dma_wait3A_99 = arith.constant 0 : i32
    %dma_wait3A_100 = tpu.memref_slice %arg4[%add3A_88, %dma_wait3A_99] : memref<1638400x16xf32, #tpu.memory_space<hbm>> -> memref<1600x16xf32, #tpu.memory_space<hbm>>
    %dma_wait3A_101 = arith.constant 0 : i32
    %dma_wait3A_102 = arith.constant 0 : i32
    %dma_wait3A_103 = tpu.memref_slice %arg6[%dma_wait3A_89, %dma_wait3A_101, %dma_wait3A_102] : memref<4x1600x16xf32, #tpu.memory_space<vmem>> -> memref<1x1600x16xf32, #tpu.memory_space<vmem>>
    %dma_wait3A_104 = tpu.memref_squeeze %dma_wait3A_103 : memref<1x1600x16xf32, #tpu.memory_space<vmem>> -> memref<1600x16xf32, #tpu.memory_space<vmem>>
    tpu.wait_dma2 semaphore(%dma_wait3A_98 : memref<!tpu.dma_semaphore, #tpu.memory_space<semaphore_mem>>) src(%dma_wait3A_104 : memref<1600x16xf32, #tpu.memory_space<vmem>>) dst(%dma_wait3A_100 : memref<1600x16xf32, #tpu.memory_space<hbm>>)
    return
  }
}

#map = affine_map<(d0, d1) -> (0)>
#map1 = affine_map<(d0, d1) -> (0, 0)>
module attributes {stable_mosaic.version = 14 : i64} {
  func.func @_sc_body(%arg0: i32, %arg1: i32, %arg2: memref<1638400xi32, #tpu.memory_space<hbm>>, %arg3: memref<8192x16xf32, #tpu.memory_space<hbm>>, %arg4: memref<1638400x16xf32, #tpu.memory_space<hbm>>, %arg5: memref<4x1600xi32, #tpu.memory_space<vmem>>, %arg6: memref<4x1600x16xf32, #tpu.memory_space<vmem>>, %arg7: memref<4x!tpu.dma_semaphore, #tpu.memory_space<semaphore_mem>>, %arg8: memref<4x!tpu.dma_semaphore, #tpu.memory_space<semaphore_mem>>, %arg9: memref<!tpu.dma_semaphore, #tpu.memory_space<semaphore_mem>>) attributes {dimension_semantics = [#tpu.dimension_semantics<core_parallel>, #tpu.dimension_semantics<subcore_parallel>], iteration_bounds = array<i64: 2, 16>, scalar_prefetch = 0 : i64, scratch_operands = 5 : i64, tpu.core_type = #tpu.core_type<sc_vector_subcore>, window_params = [{transform_indices = #map}, {transform_indices = #map1}, {transform_indices = #map1}]} {
    %mul3A = arith.constant 2 : i32
    %mul3A_0 = arith.muli %arg1, %mul3A : i32
    %add3A = arith.addi %mul3A_0, %arg0 : i32
    %mul3A_1 = arith.constant 51200 : i32
    %mul3A_2 = arith.muli %add3A, %mul3A_1 : i32
    %add3A_3 = arith.constant 0 : i32
    %add3A_4 = arith.addi %mul3A_2, %add3A_3 : i32
    %dma_start3A = arith.constant 0 : i32
    %dma_start3A_5 = arith.constant 0 : i32
    %dma_start3A_6 = arith.constant 0 : i32
    %dma_start3A_7 = tpu.memref_slice %arg5[%dma_start3A, %dma_start3A_6] : memref<4x1600xi32, #tpu.memory_space<vmem>> -> memref<1x1600xi32, #tpu.memory_space<vmem>>
    %dma_start3A_8 = tpu.memref_squeeze %dma_start3A_7 : memref<1x1600xi32, #tpu.memory_space<vmem>> -> memref<1600xi32, #tpu.memory_space<vmem>>
    %dma_start3A_9 = tpu.memref_slice %arg2[%add3A_4] : memref<1638400xi32, #tpu.memory_space<hbm>> -> memref<1600xi32, #tpu.memory_space<hbm>>
    %dma_start3A_10 = tpu.memref_slice %arg7[%dma_start3A_5] : memref<4x!tpu.dma_semaphore, #tpu.memory_space<semaphore_mem>> -> memref<1x!tpu.dma_semaphore, #tpu.memory_space<semaphore_mem>>
    %dma_start3A_11 = tpu.memref_squeeze %dma_start3A_10 : memref<1x!tpu.dma_semaphore, #tpu.memory_space<semaphore_mem>> -> memref<!tpu.dma_semaphore, #tpu.memory_space<semaphore_mem>>
    %dma_start3A_12 = arith.constant 0 : i32
    %dma_start3A_13 = tpu.memref_slice %arg5[%dma_start3A, %dma_start3A_12] : memref<4x1600xi32, #tpu.memory_space<vmem>> -> memref<1x1600xi32, #tpu.memory_space<vmem>>
    %dma_start3A_14 = tpu.memref_squeeze %dma_start3A_13 : memref<1x1600xi32, #tpu.memory_space<vmem>> -> memref<1600xi32, #tpu.memory_space<vmem>>
    %dma_start3A_15 = tpu.memref_slice %arg2[%add3A_4] : memref<1638400xi32, #tpu.memory_space<hbm>> -> memref<1600xi32, #tpu.memory_space<hbm>>
    tpu.enqueue_dma source(%dma_start3A_15 : memref<1600xi32, #tpu.memory_space<hbm>>) target(%dma_start3A_14 : memref<1600xi32, #tpu.memory_space<vmem>>) target_semaphore(%dma_start3A_11 : memref<!tpu.dma_semaphore, #tpu.memory_space<semaphore_mem>>)
    %add3A_16 = arith.constant 1600 : i32
    %add3A_17 = arith.addi %mul3A_2, %add3A_16 : i32
    %dma_start3A_18 = arith.constant 1 : i32
    %dma_start3A_19 = arith.constant 1 : i32
    %dma_start3A_20 = arith.constant 0 : i32
    %dma_start3A_21 = tpu.memref_slice %arg5[%dma_start3A_18, %dma_start3A_20] : memref<4x1600xi32, #tpu.memory_space<vmem>> -> memref<1x1600xi32, #tpu.memory_space<vmem>>
    %dma_start3A_22 = tpu.memref_squeeze %dma_start3A_21 : memref<1x1600xi32, #tpu.memory_space<vmem>> -> memref<1600xi32, #tpu.memory_space<vmem>>
    %dma_start3A_23 = tpu.memref_slice %arg2[%add3A_17] : memref<1638400xi32, #tpu.memory_space<hbm>> -> memref<1600xi32, #tpu.memory_space<hbm>>
    %dma_start3A_24 = tpu.memref_slice %arg7[%dma_start3A_19] : memref<4x!tpu.dma_semaphore, #tpu.memory_space<semaphore_mem>> -> memref<1x!tpu.dma_semaphore, #tpu.memory_space<semaphore_mem>>
    %dma_start3A_25 = tpu.memref_squeeze %dma_start3A_24 : memref<1x!tpu.dma_semaphore, #tpu.memory_space<semaphore_mem>> -> memref<!tpu.dma_semaphore, #tpu.memory_space<semaphore_mem>>
    %dma_start3A_26 = arith.constant 0 : i32
    %dma_start3A_27 = tpu.memref_slice %arg5[%dma_start3A_18, %dma_start3A_26] : memref<4x1600xi32, #tpu.memory_space<vmem>> -> memref<1x1600xi32, #tpu.memory_space<vmem>>
    %dma_start3A_28 = tpu.memref_squeeze %dma_start3A_27 : memref<1x1600xi32, #tpu.memory_space<vmem>> -> memref<1600xi32, #tpu.memory_space<vmem>>
    %dma_start3A_29 = tpu.memref_slice %arg2[%add3A_17] : memref<1638400xi32, #tpu.memory_space<hbm>> -> memref<1600xi32, #tpu.memory_space<hbm>>
    tpu.enqueue_dma source(%dma_start3A_29 : memref<1600xi32, #tpu.memory_space<hbm>>) target(%dma_start3A_28 : memref<1600xi32, #tpu.memory_space<vmem>>) target_semaphore(%dma_start3A_25 : memref<!tpu.dma_semaphore, #tpu.memory_space<semaphore_mem>>)
    %scan3A = arith.constant 0 : i32
    %scan3A_30 = arith.constant 8 : i32
    %scan3A_31 = arith.addi %scan3A, %scan3A_30 : i32
    %scan3A_32 = arith.constant 1 : i32
    scf.for %scan3A_105 = %scan3A to %scan3A_31 step %scan3A_32  : i32 {
      %mul3A_106 = arith.constant 4 : i32
      %mul3A_107 = arith.muli %scan3A_105, %mul3A_106 : i32
      %add3A_108 = arith.constant 0 : i32
      %add3A_109 = arith.addi %add3A_108, %mul3A_107 : i32
      %add3A_110 = arith.constant 0 : i32
      %add3A_111 = arith.addi %add3A_109, %add3A_110 : i32
      %add3A_112 = arith.constant 2 : i32
      %add3A_113 = arith.addi %add3A_111, %add3A_112 : i32
      %lt3A = arith.constant 32 : i32
      %lt3A_114 = arith.cmpi slt, %add3A_113, %lt3A : i32
      %convert_element_type3A = arith.extui %lt3A_114 : i1 to i32
      %cond3A = arith.constant 0 : i32
      %cond3A_115 = arith.cmpi ne, %convert_element_type3A, %cond3A : i32
      scf.if %cond3A_115 {
        %ge3A = arith.constant 2 : i32
        %ge3A_1527 = arith.cmpi sge, %add3A_111, %ge3A : i32
        %convert_element_type3A_1528 = arith.extui %ge3A_1527 : i1 to i32
        %cond3A_1529 = arith.constant 0 : i32
        %cond3A_1530 = arith.cmpi ne, %convert_element_type3A_1528, %cond3A_1529 : i32
        scf.if %cond3A_1530 {
          %sub3A = arith.constant 2 : i32
          %sub3A_1546 = arith.subi %add3A_111, %sub3A : i32
          %mul3A_1547 = arith.constant 1600 : i32
          %mul3A_1548 = arith.muli %sub3A_1546, %mul3A_1547 : i32
          %add3A_1549 = arith.addi %mul3A_2, %mul3A_1548 : i32
          %dma_wait3A_1550 = arith.constant 2 : i32
          %dma_wait3A_1551 = arith.constant 2 : i32
          %dma_wait3A_1552 = arith.constant 0 : i32
          %dma_wait3A_1553 = arith.constant 0 : i32
          %dma_wait3A_1554 = tpu.memref_slice %arg6[%dma_wait3A_1550, %dma_wait3A_1552, %dma_wait3A_1553] : memref<4x1600x16xf32, #tpu.memory_space<vmem>> -> memref<1x1600x16xf32, #tpu.memory_space<vmem>>
          %dma_wait3A_1555 = tpu.memref_squeeze %dma_wait3A_1554 : memref<1x1600x16xf32, #tpu.memory_space<vmem>> -> memref<1600x16xf32, #tpu.memory_space<vmem>>
          %dma_wait3A_1556 = arith.constant 0 : i32
          %dma_wait3A_1557 = tpu.memref_slice %arg4[%add3A_1549, %dma_wait3A_1556] : memref<1638400x16xf32, #tpu.memory_space<hbm>> -> memref<1600x16xf32, #tpu.memory_space<hbm>>
          %dma_wait3A_1558 = tpu.memref_slice %arg8[%dma_wait3A_1551] : memref<4x!tpu.dma_semaphore, #tpu.memory_space<semaphore_mem>> -> memref<1x!tpu.dma_semaphore, #tpu.memory_space<semaphore_mem>>
          %dma_wait3A_1559 = tpu.memref_squeeze %dma_wait3A_1558 : memref<1x!tpu.dma_semaphore, #tpu.memory_space<semaphore_mem>> -> memref<!tpu.dma_semaphore, #tpu.memory_space<semaphore_mem>>
          %dma_wait3A_1560 = arith.constant 0 : i32
          %dma_wait3A_1561 = tpu.memref_slice %arg4[%add3A_1549, %dma_wait3A_1560] : memref<1638400x16xf32, #tpu.memory_space<hbm>> -> memref<1600x16xf32, #tpu.memory_space<hbm>>
          %dma_wait3A_1562 = arith.constant 0 : i32
          %dma_wait3A_1563 = arith.constant 0 : i32
          %dma_wait3A_1564 = tpu.memref_slice %arg6[%dma_wait3A_1550, %dma_wait3A_1562, %dma_wait3A_1563] : memref<4x1600x16xf32, #tpu.memory_space<vmem>> -> memref<1x1600x16xf32, #tpu.memory_space<vmem>>
          %dma_wait3A_1565 = tpu.memref_squeeze %dma_wait3A_1564 : memref<1x1600x16xf32, #tpu.memory_space<vmem>> -> memref<1600x16xf32, #tpu.memory_space<vmem>>
          tpu.wait_dma2 semaphore(%dma_wait3A_1559 : memref<!tpu.dma_semaphore, #tpu.memory_space<semaphore_mem>>) src(%dma_wait3A_1565 : memref<1600x16xf32, #tpu.memory_space<vmem>>) dst(%dma_wait3A_1561 : memref<1600x16xf32, #tpu.memory_space<hbm>>)
        } else {
        }
        %mul3A_1531 = arith.constant 1600 : i32
        %mul3A_1532 = arith.muli %add3A_113, %mul3A_1531 : i32
        %add3A_1533 = arith.addi %mul3A_2, %mul3A_1532 : i32
        %dma_start3A_1534 = arith.constant 2 : i32
        %dma_start3A_1535 = arith.constant 2 : i32
        %dma_start3A_1536 = arith.constant 0 : i32
        %dma_start3A_1537 = tpu.memref_slice %arg5[%dma_start3A_1534, %dma_start3A_1536] : memref<4x1600xi32, #tpu.memory_space<vmem>> -> memref<1x1600xi32, #tpu.memory_space<vmem>>
        %dma_start3A_1538 = tpu.memref_squeeze %dma_start3A_1537 : memref<1x1600xi32, #tpu.memory_space<vmem>> -> memref<1600xi32, #tpu.memory_space<vmem>>
        %dma_start3A_1539 = tpu.memref_slice %arg2[%add3A_1533] : memref<1638400xi32, #tpu.memory_space<hbm>> -> memref<1600xi32, #tpu.memory_space<hbm>>
        %dma_start3A_1540 = tpu.memref_slice %arg7[%dma_start3A_1535] : memref<4x!tpu.dma_semaphore, #tpu.memory_space<semaphore_mem>> -> memref<1x!tpu.dma_semaphore, #tpu.memory_space<semaphore_mem>>
        %dma_start3A_1541 = tpu.memref_squeeze %dma_start3A_1540 : memref<1x!tpu.dma_semaphore, #tpu.memory_space<semaphore_mem>> -> memref<!tpu.dma_semaphore, #tpu.memory_space<semaphore_mem>>
        %dma_start3A_1542 = arith.constant 0 : i32
        %dma_start3A_1543 = tpu.memref_slice %arg5[%dma_start3A_1534, %dma_start3A_1542] : memref<4x1600xi32, #tpu.memory_space<vmem>> -> memref<1x1600xi32, #tpu.memory_space<vmem>>
        %dma_start3A_1544 = tpu.memref_squeeze %dma_start3A_1543 : memref<1x1600xi32, #tpu.memory_space<vmem>> -> memref<1600xi32, #tpu.memory_space<vmem>>
        %dma_start3A_1545 = tpu.memref_slice %arg2[%add3A_1533] : memref<1638400xi32, #tpu.memory_space<hbm>> -> memref<1600xi32, #tpu.memory_space<hbm>>
        tpu.enqueue_dma source(%dma_start3A_1545 : memref<1600xi32, #tpu.memory_space<hbm>>) target(%dma_start3A_1544 : memref<1600xi32, #tpu.memory_space<vmem>>) target_semaphore(%dma_start3A_1541 : memref<!tpu.dma_semaphore, #tpu.memory_space<semaphore_mem>>)
      } else {
      }
      %mul3A_116 = arith.constant 1600 : i32
      %mul3A_117 = arith.muli %add3A_111, %mul3A_116 : i32
      %add3A_118 = arith.addi %mul3A_2, %mul3A_117 : i32
      %dma_wait3A_119 = arith.constant 0 : i32
      %dma_wait3A_120 = arith.constant 0 : i32
      %dma_wait3A_121 = arith.constant 0 : i32
      %dma_wait3A_122 = tpu.memref_slice %arg5[%dma_wait3A_119, %dma_wait3A_121] : memref<4x1600xi32, #tpu.memory_space<vmem>> -> memref<1x1600xi32, #tpu.memory_space<vmem>>
      %dma_wait3A_123 = tpu.memref_squeeze %dma_wait3A_122 : memref<1x1600xi32, #tpu.memory_space<vmem>> -> memref<1600xi32, #tpu.memory_space<vmem>>
      %dma_wait3A_124 = tpu.memref_slice %arg2[%add3A_118] : memref<1638400xi32, #tpu.memory_space<hbm>> -> memref<1600xi32, #tpu.memory_space<hbm>>
      %dma_wait3A_125 = tpu.memref_slice %arg7[%dma_wait3A_120] : memref<4x!tpu.dma_semaphore, #tpu.memory_space<semaphore_mem>> -> memref<1x!tpu.dma_semaphore, #tpu.memory_space<semaphore_mem>>
      %dma_wait3A_126 = tpu.memref_squeeze %dma_wait3A_125 : memref<1x!tpu.dma_semaphore, #tpu.memory_space<semaphore_mem>> -> memref<!tpu.dma_semaphore, #tpu.memory_space<semaphore_mem>>
      %dma_wait3A_127 = arith.constant 0 : i32
      %dma_wait3A_128 = tpu.memref_slice %arg5[%dma_wait3A_119, %dma_wait3A_127] : memref<4x1600xi32, #tpu.memory_space<vmem>> -> memref<1x1600xi32, #tpu.memory_space<vmem>>
      %dma_wait3A_129 = tpu.memref_squeeze %dma_wait3A_128 : memref<1x1600xi32, #tpu.memory_space<vmem>> -> memref<1600xi32, #tpu.memory_space<vmem>>
      %dma_wait3A_130 = tpu.memref_slice %arg2[%add3A_118] : memref<1638400xi32, #tpu.memory_space<hbm>> -> memref<1600xi32, #tpu.memory_space<hbm>>
      tpu.wait_dma2 semaphore(%dma_wait3A_126 : memref<!tpu.dma_semaphore, #tpu.memory_space<semaphore_mem>>) src(%dma_wait3A_130 : memref<1600xi32, #tpu.memory_space<hbm>>) dst(%dma_wait3A_129 : memref<1600xi32, #tpu.memory_space<vmem>>)
      %dma_start3A_131 = arith.constant 0 : i32
      %dma_start3A_132 = arith.constant 0 : i32
      %dma_start3A_133 = arith.constant 0 : i32
      %dma_start3A_134 = arith.constant 0 : i32
      %dma_start3A_135 = tpu.memref_slice %arg6[%dma_start3A_132, %dma_start3A_133, %dma_start3A_134] : memref<4x1600x16xf32, #tpu.memory_space<vmem>> -> memref<1x128x16xf32, #tpu.memory_space<vmem>>
      %dma_start3A_136 = tpu.memref_squeeze %dma_start3A_135 : memref<1x128x16xf32, #tpu.memory_space<vmem>> -> memref<128x16xf32, #tpu.memory_space<vmem>>
      %dma_start3A_137 = arith.constant 0 : i32
      %dma_start3A_138 = tpu.memref_slice %arg5[%dma_start3A_131, %dma_start3A_137] : memref<4x1600xi32, #tpu.memory_space<vmem>> -> memref<1x128xi32, #tpu.memory_space<vmem>>
      %dma_start3A_139 = tpu.memref_squeeze %dma_start3A_138 : memref<1x128xi32, #tpu.memory_space<vmem>> -> memref<128xi32, #tpu.memory_space<vmem>>
      %dma_start3A_140 = arith.constant 0 : i32
      %dma_start3A_141 = arith.constant 0 : i32
      %dma_start3A_142 = tpu.memref_slice %arg3[%dma_start3A_140, %dma_start3A_141] : memref<8192x16xf32, #tpu.memory_space<hbm>> -> memref<8192x16xf32, #tpu.memory_space<hbm>>
      tpu.enqueue_indirect_dma source(%dma_start3A_142 : memref<8192x16xf32, #tpu.memory_space<hbm>>) target(%dma_start3A_136 : memref<128x16xf32, #tpu.memory_space<vmem>>) offsets(%dma_start3A_139 : memref<128xi32, #tpu.memory_space<vmem>>) semaphore(%arg9 : memref<!tpu.dma_semaphore, #tpu.memory_space<semaphore_mem>>)
      %dma_start3A_143 = arith.constant 0 : i32
      %dma_start3A_144 = arith.constant 0 : i32
      %dma_start3A_145 = arith.constant 128 : i32
      %dma_start3A_146 = arith.constant 0 : i32
      %dma_start3A_147 = tpu.memref_slice %arg6[%dma_start3A_144, %dma_start3A_145, %dma_start3A_146] : memref<4x1600x16xf32, #tpu.memory_space<vmem>> -> memref<1x128x16xf32, #tpu.memory_space<vmem>>
      %dma_start3A_148 = tpu.memref_squeeze %dma_start3A_147 : memref<1x128x16xf32, #tpu.memory_space<vmem>> -> memref<128x16xf32, #tpu.memory_space<vmem>>
      %dma_start3A_149 = arith.constant 128 : i32
      %dma_start3A_150 = tpu.memref_slice %arg5[%dma_start3A_143, %dma_start3A_149] : memref<4x1600xi32, #tpu.memory_space<vmem>> -> memref<1x128xi32, #tpu.memory_space<vmem>>
      %dma_start3A_151 = tpu.memref_squeeze %dma_start3A_150 : memref<1x128xi32, #tpu.memory_space<vmem>> -> memref<128xi32, #tpu.memory_space<vmem>>
      %dma_start3A_152 = arith.constant 0 : i32
      %dma_start3A_153 = arith.constant 0 : i32
      %dma_start3A_154 = tpu.memref_slice %arg3[%dma_start3A_152, %dma_start3A_153] : memref<8192x16xf32, #tpu.memory_space<hbm>> -> memref<8192x16xf32, #tpu.memory_space<hbm>>
      tpu.enqueue_indirect_dma source(%dma_start3A_154 : memref<8192x16xf32, #tpu.memory_space<hbm>>) target(%dma_start3A_148 : memref<128x16xf32, #tpu.memory_space<vmem>>) offsets(%dma_start3A_151 : memref<128xi32, #tpu.memory_space<vmem>>) semaphore(%arg9 : memref<!tpu.dma_semaphore, #tpu.memory_space<semaphore_mem>>)
      %dma_start3A_155 = arith.constant 0 : i32
      %dma_start3A_156 = arith.constant 0 : i32
      %dma_start3A_157 = arith.constant 256 : i32
      %dma_start3A_158 = arith.constant 0 : i32
      %dma_start3A_159 = tpu.memref_slice %arg6[%dma_start3A_156, %dma_start3A_157, %dma_start3A_158] : memref<4x1600x16xf32, #tpu.memory_space<vmem>> -> memref<1x128x16xf32, #tpu.memory_space<vmem>>
      %dma_start3A_160 = tpu.memref_squeeze %dma_start3A_159 : memref<1x128x16xf32, #tpu.memory_space<vmem>> -> memref<128x16xf32, #tpu.memory_space<vmem>>
      %dma_start3A_161 = arith.constant 256 : i32
      %dma_start3A_162 = tpu.memref_slice %arg5[%dma_start3A_155, %dma_start3A_161] : memref<4x1600xi32, #tpu.memory_space<vmem>> -> memref<1x128xi32, #tpu.memory_space<vmem>>
      %dma_start3A_163 = tpu.memref_squeeze %dma_start3A_162 : memref<1x128xi32, #tpu.memory_space<vmem>> -> memref<128xi32, #tpu.memory_space<vmem>>
      %dma_start3A_164 = arith.constant 0 : i32
      %dma_start3A_165 = arith.constant 0 : i32
      %dma_start3A_166 = tpu.memref_slice %arg3[%dma_start3A_164, %dma_start3A_165] : memref<8192x16xf32, #tpu.memory_space<hbm>> -> memref<8192x16xf32, #tpu.memory_space<hbm>>
      tpu.enqueue_indirect_dma source(%dma_start3A_166 : memref<8192x16xf32, #tpu.memory_space<hbm>>) target(%dma_start3A_160 : memref<128x16xf32, #tpu.memory_space<vmem>>) offsets(%dma_start3A_163 : memref<128xi32, #tpu.memory_space<vmem>>) semaphore(%arg9 : memref<!tpu.dma_semaphore, #tpu.memory_space<semaphore_mem>>)
      %dma_start3A_167 = arith.constant 0 : i32
      %dma_start3A_168 = arith.constant 0 : i32
      %dma_start3A_169 = arith.constant 384 : i32
      %dma_start3A_170 = arith.constant 0 : i32
      %dma_start3A_171 = tpu.memref_slice %arg6[%dma_start3A_168, %dma_start3A_169, %dma_start3A_170] : memref<4x1600x16xf32, #tpu.memory_space<vmem>> -> memref<1x128x16xf32, #tpu.memory_space<vmem>>
      %dma_start3A_172 = tpu.memref_squeeze %dma_start3A_171 : memref<1x128x16xf32, #tpu.memory_space<vmem>> -> memref<128x16xf32, #tpu.memory_space<vmem>>
      %dma_start3A_173 = arith.constant 384 : i32
      %dma_start3A_174 = tpu.memref_slice %arg5[%dma_start3A_167, %dma_start3A_173] : memref<4x1600xi32, #tpu.memory_space<vmem>> -> memref<1x128xi32, #tpu.memory_space<vmem>>
      %dma_start3A_175 = tpu.memref_squeeze %dma_start3A_174 : memref<1x128xi32, #tpu.memory_space<vmem>> -> memref<128xi32, #tpu.memory_space<vmem>>
      %dma_start3A_176 = arith.constant 0 : i32
      %dma_start3A_177 = arith.constant 0 : i32
      %dma_start3A_178 = tpu.memref_slice %arg3[%dma_start3A_176, %dma_start3A_177] : memref<8192x16xf32, #tpu.memory_space<hbm>> -> memref<8192x16xf32, #tpu.memory_space<hbm>>
      tpu.enqueue_indirect_dma source(%dma_start3A_178 : memref<8192x16xf32, #tpu.memory_space<hbm>>) target(%dma_start3A_172 : memref<128x16xf32, #tpu.memory_space<vmem>>) offsets(%dma_start3A_175 : memref<128xi32, #tpu.memory_space<vmem>>) semaphore(%arg9 : memref<!tpu.dma_semaphore, #tpu.memory_space<semaphore_mem>>)
      %dma_start3A_179 = arith.constant 0 : i32
      %dma_start3A_180 = arith.constant 0 : i32
      %dma_start3A_181 = arith.constant 512 : i32
      %dma_start3A_182 = arith.constant 0 : i32
      %dma_start3A_183 = tpu.memref_slice %arg6[%dma_start3A_180, %dma_start3A_181, %dma_start3A_182] : memref<4x1600x16xf32, #tpu.memory_space<vmem>> -> memref<1x128x16xf32, #tpu.memory_space<vmem>>
      %dma_start3A_184 = tpu.memref_squeeze %dma_start3A_183 : memref<1x128x16xf32, #tpu.memory_space<vmem>> -> memref<128x16xf32, #tpu.memory_space<vmem>>
      %dma_start3A_185 = arith.constant 512 : i32
      %dma_start3A_186 = tpu.memref_slice %arg5[%dma_start3A_179, %dma_start3A_185] : memref<4x1600xi32, #tpu.memory_space<vmem>> -> memref<1x128xi32, #tpu.memory_space<vmem>>
      %dma_start3A_187 = tpu.memref_squeeze %dma_start3A_186 : memref<1x128xi32, #tpu.memory_space<vmem>> -> memref<128xi32, #tpu.memory_space<vmem>>
      %dma_start3A_188 = arith.constant 0 : i32
      %dma_start3A_189 = arith.constant 0 : i32
      %dma_start3A_190 = tpu.memref_slice %arg3[%dma_start3A_188, %dma_start3A_189] : memref<8192x16xf32, #tpu.memory_space<hbm>> -> memref<8192x16xf32, #tpu.memory_space<hbm>>
      tpu.enqueue_indirect_dma source(%dma_start3A_190 : memref<8192x16xf32, #tpu.memory_space<hbm>>) target(%dma_start3A_184 : memref<128x16xf32, #tpu.memory_space<vmem>>) offsets(%dma_start3A_187 : memref<128xi32, #tpu.memory_space<vmem>>) semaphore(%arg9 : memref<!tpu.dma_semaphore, #tpu.memory_space<semaphore_mem>>)
      %dma_start3A_191 = arith.constant 0 : i32
      %dma_start3A_192 = arith.constant 0 : i32
      %dma_start3A_193 = arith.constant 640 : i32
      %dma_start3A_194 = arith.constant 0 : i32
      %dma_start3A_195 = tpu.memref_slice %arg6[%dma_start3A_192, %dma_start3A_193, %dma_start3A_194] : memref<4x1600x16xf32, #tpu.memory_space<vmem>> -> memref<1x128x16xf32, #tpu.memory_space<vmem>>
      %dma_start3A_196 = tpu.memref_squeeze %dma_start3A_195 : memref<1x128x16xf32, #tpu.memory_space<vmem>> -> memref<128x16xf32, #tpu.memory_space<vmem>>
      %dma_start3A_197 = arith.constant 640 : i32
      %dma_start3A_198 = tpu.memref_slice %arg5[%dma_start3A_191, %dma_start3A_197] : memref<4x1600xi32, #tpu.memory_space<vmem>> -> memref<1x128xi32, #tpu.memory_space<vmem>>
      %dma_start3A_199 = tpu.memref_squeeze %dma_start3A_198 : memref<1x128xi32, #tpu.memory_space<vmem>> -> memref<128xi32, #tpu.memory_space<vmem>>
      %dma_start3A_200 = arith.constant 0 : i32
      %dma_start3A_201 = arith.constant 0 : i32
      %dma_start3A_202 = tpu.memref_slice %arg3[%dma_start3A_200, %dma_start3A_201] : memref<8192x16xf32, #tpu.memory_space<hbm>> -> memref<8192x16xf32, #tpu.memory_space<hbm>>
      tpu.enqueue_indirect_dma source(%dma_start3A_202 : memref<8192x16xf32, #tpu.memory_space<hbm>>) target(%dma_start3A_196 : memref<128x16xf32, #tpu.memory_space<vmem>>) offsets(%dma_start3A_199 : memref<128xi32, #tpu.memory_space<vmem>>) semaphore(%arg9 : memref<!tpu.dma_semaphore, #tpu.memory_space<semaphore_mem>>)
      %dma_start3A_203 = arith.constant 0 : i32
      %dma_start3A_204 = arith.constant 0 : i32
      %dma_start3A_205 = arith.constant 768 : i32
      %dma_start3A_206 = arith.constant 0 : i32
      %dma_start3A_207 = tpu.memref_slice %arg6[%dma_start3A_204, %dma_start3A_205, %dma_start3A_206] : memref<4x1600x16xf32, #tpu.memory_space<vmem>> -> memref<1x128x16xf32, #tpu.memory_space<vmem>>
      %dma_start3A_208 = tpu.memref_squeeze %dma_start3A_207 : memref<1x128x16xf32, #tpu.memory_space<vmem>> -> memref<128x16xf32, #tpu.memory_space<vmem>>
      %dma_start3A_209 = arith.constant 768 : i32
      %dma_start3A_210 = tpu.memref_slice %arg5[%dma_start3A_203, %dma_start3A_209] : memref<4x1600xi32, #tpu.memory_space<vmem>> -> memref<1x128xi32, #tpu.memory_space<vmem>>
      %dma_start3A_211 = tpu.memref_squeeze %dma_start3A_210 : memref<1x128xi32, #tpu.memory_space<vmem>> -> memref<128xi32, #tpu.memory_space<vmem>>
      %dma_start3A_212 = arith.constant 0 : i32
      %dma_start3A_213 = arith.constant 0 : i32
      %dma_start3A_214 = tpu.memref_slice %arg3[%dma_start3A_212, %dma_start3A_213] : memref<8192x16xf32, #tpu.memory_space<hbm>> -> memref<8192x16xf32, #tpu.memory_space<hbm>>
      tpu.enqueue_indirect_dma source(%dma_start3A_214 : memref<8192x16xf32, #tpu.memory_space<hbm>>) target(%dma_start3A_208 : memref<128x16xf32, #tpu.memory_space<vmem>>) offsets(%dma_start3A_211 : memref<128xi32, #tpu.memory_space<vmem>>) semaphore(%arg9 : memref<!tpu.dma_semaphore, #tpu.memory_space<semaphore_mem>>)
      %dma_start3A_215 = arith.constant 0 : i32
      %dma_start3A_216 = arith.constant 0 : i32
      %dma_start3A_217 = arith.constant 896 : i32
      %dma_start3A_218 = arith.constant 0 : i32
      %dma_start3A_219 = tpu.memref_slice %arg6[%dma_start3A_216, %dma_start3A_217, %dma_start3A_218] : memref<4x1600x16xf32, #tpu.memory_space<vmem>> -> memref<1x128x16xf32, #tpu.memory_space<vmem>>
      %dma_start3A_220 = tpu.memref_squeeze %dma_start3A_219 : memref<1x128x16xf32, #tpu.memory_space<vmem>> -> memref<128x16xf32, #tpu.memory_space<vmem>>
      %dma_start3A_221 = arith.constant 896 : i32
      %dma_start3A_222 = tpu.memref_slice %arg5[%dma_start3A_215, %dma_start3A_221] : memref<4x1600xi32, #tpu.memory_space<vmem>> -> memref<1x128xi32, #tpu.memory_space<vmem>>
      %dma_start3A_223 = tpu.memref_squeeze %dma_start3A_222 : memref<1x128xi32, #tpu.memory_space<vmem>> -> memref<128xi32, #tpu.memory_space<vmem>>
      %dma_start3A_224 = arith.constant 0 : i32
      %dma_start3A_225 = arith.constant 0 : i32
      %dma_start3A_226 = tpu.memref_slice %arg3[%dma_start3A_224, %dma_start3A_225] : memref<8192x16xf32, #tpu.memory_space<hbm>> -> memref<8192x16xf32, #tpu.memory_space<hbm>>
      tpu.enqueue_indirect_dma source(%dma_start3A_226 : memref<8192x16xf32, #tpu.memory_space<hbm>>) target(%dma_start3A_220 : memref<128x16xf32, #tpu.memory_space<vmem>>) offsets(%dma_start3A_223 : memref<128xi32, #tpu.memory_space<vmem>>) semaphore(%arg9 : memref<!tpu.dma_semaphore, #tpu.memory_space<semaphore_mem>>)
      %dma_start3A_227 = arith.constant 0 : i32
      %dma_start3A_228 = arith.constant 0 : i32
      %dma_start3A_229 = arith.constant 1024 : i32
      %dma_start3A_230 = arith.constant 0 : i32
      %dma_start3A_231 = tpu.memref_slice %arg6[%dma_start3A_228, %dma_start3A_229, %dma_start3A_230] : memref<4x1600x16xf32, #tpu.memory_space<vmem>> -> memref<1x128x16xf32, #tpu.memory_space<vmem>>
      %dma_start3A_232 = tpu.memref_squeeze %dma_start3A_231 : memref<1x128x16xf32, #tpu.memory_space<vmem>> -> memref<128x16xf32, #tpu.memory_space<vmem>>
      %dma_start3A_233 = arith.constant 1024 : i32
      %dma_start3A_234 = tpu.memref_slice %arg5[%dma_start3A_227, %dma_start3A_233] : memref<4x1600xi32, #tpu.memory_space<vmem>> -> memref<1x128xi32, #tpu.memory_space<vmem>>
      %dma_start3A_235 = tpu.memref_squeeze %dma_start3A_234 : memref<1x128xi32, #tpu.memory_space<vmem>> -> memref<128xi32, #tpu.memory_space<vmem>>
      %dma_start3A_236 = arith.constant 0 : i32
      %dma_start3A_237 = arith.constant 0 : i32
      %dma_start3A_238 = tpu.memref_slice %arg3[%dma_start3A_236, %dma_start3A_237] : memref<8192x16xf32, #tpu.memory_space<hbm>> -> memref<8192x16xf32, #tpu.memory_space<hbm>>
      tpu.enqueue_indirect_dma source(%dma_start3A_238 : memref<8192x16xf32, #tpu.memory_space<hbm>>) target(%dma_start3A_232 : memref<128x16xf32, #tpu.memory_space<vmem>>) offsets(%dma_start3A_235 : memref<128xi32, #tpu.memory_space<vmem>>) semaphore(%arg9 : memref<!tpu.dma_semaphore, #tpu.memory_space<semaphore_mem>>)
      %dma_start3A_239 = arith.constant 0 : i32
      %dma_start3A_240 = arith.constant 0 : i32
      %dma_start3A_241 = arith.constant 1152 : i32
      %dma_start3A_242 = arith.constant 0 : i32
      %dma_start3A_243 = tpu.memref_slice %arg6[%dma_start3A_240, %dma_start3A_241, %dma_start3A_242] : memref<4x1600x16xf32, #tpu.memory_space<vmem>> -> memref<1x128x16xf32, #tpu.memory_space<vmem>>
      %dma_start3A_244 = tpu.memref_squeeze %dma_start3A_243 : memref<1x128x16xf32, #tpu.memory_space<vmem>> -> memref<128x16xf32, #tpu.memory_space<vmem>>
      %dma_start3A_245 = arith.constant 1152 : i32
      %dma_start3A_246 = tpu.memref_slice %arg5[%dma_start3A_239, %dma_start3A_245] : memref<4x1600xi32, #tpu.memory_space<vmem>> -> memref<1x128xi32, #tpu.memory_space<vmem>>
      %dma_start3A_247 = tpu.memref_squeeze %dma_start3A_246 : memref<1x128xi32, #tpu.memory_space<vmem>> -> memref<128xi32, #tpu.memory_space<vmem>>
      %dma_start3A_248 = arith.constant 0 : i32
      %dma_start3A_249 = arith.constant 0 : i32
      %dma_start3A_250 = tpu.memref_slice %arg3[%dma_start3A_248, %dma_start3A_249] : memref<8192x16xf32, #tpu.memory_space<hbm>> -> memref<8192x16xf32, #tpu.memory_space<hbm>>
      tpu.enqueue_indirect_dma source(%dma_start3A_250 : memref<8192x16xf32, #tpu.memory_space<hbm>>) target(%dma_start3A_244 : memref<128x16xf32, #tpu.memory_space<vmem>>) offsets(%dma_start3A_247 : memref<128xi32, #tpu.memory_space<vmem>>) semaphore(%arg9 : memref<!tpu.dma_semaphore, #tpu.memory_space<semaphore_mem>>)
      %dma_start3A_251 = arith.constant 0 : i32
      %dma_start3A_252 = arith.constant 0 : i32
      %dma_start3A_253 = arith.constant 1280 : i32
      %dma_start3A_254 = arith.constant 0 : i32
      %dma_start3A_255 = tpu.memref_slice %arg6[%dma_start3A_252, %dma_start3A_253, %dma_start3A_254] : memref<4x1600x16xf32, #tpu.memory_space<vmem>> -> memref<1x128x16xf32, #tpu.memory_space<vmem>>
      %dma_start3A_256 = tpu.memref_squeeze %dma_start3A_255 : memref<1x128x16xf32, #tpu.memory_space<vmem>> -> memref<128x16xf32, #tpu.memory_space<vmem>>
      %dma_start3A_257 = arith.constant 1280 : i32
      %dma_start3A_258 = tpu.memref_slice %arg5[%dma_start3A_251, %dma_start3A_257] : memref<4x1600xi32, #tpu.memory_space<vmem>> -> memref<1x128xi32, #tpu.memory_space<vmem>>
      %dma_start3A_259 = tpu.memref_squeeze %dma_start3A_258 : memref<1x128xi32, #tpu.memory_space<vmem>> -> memref<128xi32, #tpu.memory_space<vmem>>
      %dma_start3A_260 = arith.constant 0 : i32
      %dma_start3A_261 = arith.constant 0 : i32
      %dma_start3A_262 = tpu.memref_slice %arg3[%dma_start3A_260, %dma_start3A_261] : memref<8192x16xf32, #tpu.memory_space<hbm>> -> memref<8192x16xf32, #tpu.memory_space<hbm>>
      tpu.enqueue_indirect_dma source(%dma_start3A_262 : memref<8192x16xf32, #tpu.memory_space<hbm>>) target(%dma_start3A_256 : memref<128x16xf32, #tpu.memory_space<vmem>>) offsets(%dma_start3A_259 : memref<128xi32, #tpu.memory_space<vmem>>) semaphore(%arg9 : memref<!tpu.dma_semaphore, #tpu.memory_space<semaphore_mem>>)
      %dma_start3A_263 = arith.constant 0 : i32
      %dma_start3A_264 = arith.constant 0 : i32
      %dma_start3A_265 = arith.constant 1408 : i32
      %dma_start3A_266 = arith.constant 0 : i32
      %dma_start3A_267 = tpu.memref_slice %arg6[%dma_start3A_264, %dma_start3A_265, %dma_start3A_266] : memref<4x1600x16xf32, #tpu.memory_space<vmem>> -> memref<1x128x16xf32, #tpu.memory_space<vmem>>
      %dma_start3A_268 = tpu.memref_squeeze %dma_start3A_267 : memref<1x128x16xf32, #tpu.memory_space<vmem>> -> memref<128x16xf32, #tpu.memory_space<vmem>>
      %dma_start3A_269 = arith.constant 1408 : i32
      %dma_start3A_270 = tpu.memref_slice %arg5[%dma_start3A_263, %dma_start3A_269] : memref<4x1600xi32, #tpu.memory_space<vmem>> -> memref<1x128xi32, #tpu.memory_space<vmem>>
      %dma_start3A_271 = tpu.memref_squeeze %dma_start3A_270 : memref<1x128xi32, #tpu.memory_space<vmem>> -> memref<128xi32, #tpu.memory_space<vmem>>
      %dma_start3A_272 = arith.constant 0 : i32
      %dma_start3A_273 = arith.constant 0 : i32
      %dma_start3A_274 = tpu.memref_slice %arg3[%dma_start3A_272, %dma_start3A_273] : memref<8192x16xf32, #tpu.memory_space<hbm>> -> memref<8192x16xf32, #tpu.memory_space<hbm>>
      tpu.enqueue_indirect_dma source(%dma_start3A_274 : memref<8192x16xf32, #tpu.memory_space<hbm>>) target(%dma_start3A_268 : memref<128x16xf32, #tpu.memory_space<vmem>>) offsets(%dma_start3A_271 : memref<128xi32, #tpu.memory_space<vmem>>) semaphore(%arg9 : memref<!tpu.dma_semaphore, #tpu.memory_space<semaphore_mem>>)
      %dma_start3A_275 = arith.constant 0 : i32
      %dma_start3A_276 = arith.constant 0 : i32
      %dma_start3A_277 = arith.constant 1536 : i32
      %dma_start3A_278 = arith.constant 0 : i32
      %dma_start3A_279 = tpu.memref_slice %arg6[%dma_start3A_276, %dma_start3A_277, %dma_start3A_278] : memref<4x1600x16xf32, #tpu.memory_space<vmem>> -> memref<1x64x16xf32, #tpu.memory_space<vmem>>
      %dma_start3A_280 = tpu.memref_squeeze %dma_start3A_279 : memref<1x64x16xf32, #tpu.memory_space<vmem>> -> memref<64x16xf32, #tpu.memory_space<vmem>>
      %dma_start3A_281 = arith.constant 1536 : i32
      %dma_start3A_282 = tpu.memref_slice %arg5[%dma_start3A_275, %dma_start3A_281] : memref<4x1600xi32, #tpu.memory_space<vmem>> -> memref<1x64xi32, #tpu.memory_space<vmem>>
      %dma_start3A_283 = tpu.memref_squeeze %dma_start3A_282 : memref<1x64xi32, #tpu.memory_space<vmem>> -> memref<64xi32, #tpu.memory_space<vmem>>
      %dma_start3A_284 = arith.constant 0 : i32
      %dma_start3A_285 = arith.constant 0 : i32
      %dma_start3A_286 = tpu.memref_slice %arg3[%dma_start3A_284, %dma_start3A_285] : memref<8192x16xf32, #tpu.memory_space<hbm>> -> memref<8192x16xf32, #tpu.memory_space<hbm>>
      tpu.enqueue_indirect_dma source(%dma_start3A_286 : memref<8192x16xf32, #tpu.memory_space<hbm>>) target(%dma_start3A_280 : memref<64x16xf32, #tpu.memory_space<vmem>>) offsets(%dma_start3A_283 : memref<64xi32, #tpu.memory_space<vmem>>) semaphore(%arg9 : memref<!tpu.dma_semaphore, #tpu.memory_space<semaphore_mem>>)
      %dma_wait3A_287 = arith.constant 0 : i32
      %dma_wait3A_288 = arith.constant 0 : i32
      %dma_wait3A_289 = arith.constant 0 : i32
      %dma_wait3A_290 = arith.constant 0 : i32
      %dma_wait3A_291 = tpu.memref_slice %arg6[%dma_wait3A_288, %dma_wait3A_289, %dma_wait3A_290] : memref<4x1600x16xf32, #tpu.memory_space<vmem>> -> memref<1x128x16xf32, #tpu.memory_space<vmem>>
      %dma_wait3A_292 = tpu.memref_squeeze %dma_wait3A_291 : memref<1x128x16xf32, #tpu.memory_space<vmem>> -> memref<128x16xf32, #tpu.memory_space<vmem>>
      %dma_wait3A_293 = arith.constant 0 : i32
      %dma_wait3A_294 = tpu.memref_slice %arg5[%dma_wait3A_287, %dma_wait3A_293] : memref<4x1600xi32, #tpu.memory_space<vmem>> -> memref<1x128xi32, #tpu.memory_space<vmem>>
      %dma_wait3A_295 = tpu.memref_squeeze %dma_wait3A_294 : memref<1x128xi32, #tpu.memory_space<vmem>> -> memref<128xi32, #tpu.memory_space<vmem>>
      %dma_wait3A_296 = arith.constant 0 : i32
      %dma_wait3A_297 = arith.constant 0 : i32
      %dma_wait3A_298 = tpu.memref_slice %arg3[%dma_wait3A_296, %dma_wait3A_297] : memref<8192x16xf32, #tpu.memory_space<hbm>> -> memref<8192x16xf32, #tpu.memory_space<hbm>>
      tpu.wait_indirect_dma semaphore(%arg9 : memref<!tpu.dma_semaphore, #tpu.memory_space<semaphore_mem>>) src(%dma_wait3A_298 : memref<8192x16xf32, #tpu.memory_space<hbm>>) dst(%dma_wait3A_292 : memref<128x16xf32, #tpu.memory_space<vmem>>)
      %dma_wait3A_299 = arith.constant 0 : i32
      %dma_wait3A_300 = arith.constant 0 : i32
      %dma_wait3A_301 = arith.constant 128 : i32
      %dma_wait3A_302 = arith.constant 0 : i32
      %dma_wait3A_303 = tpu.memref_slice %arg6[%dma_wait3A_300, %dma_wait3A_301, %dma_wait3A_302] : memref<4x1600x16xf32, #tpu.memory_space<vmem>> -> memref<1x128x16xf32, #tpu.memory_space<vmem>>
      %dma_wait3A_304 = tpu.memref_squeeze %dma_wait3A_303 : memref<1x128x16xf32, #tpu.memory_space<vmem>> -> memref<128x16xf32, #tpu.memory_space<vmem>>
      %dma_wait3A_305 = arith.constant 128 : i32
      %dma_wait3A_306 = tpu.memref_slice %arg5[%dma_wait3A_299, %dma_wait3A_305] : memref<4x1600xi32, #tpu.memory_space<vmem>> -> memref<1x128xi32, #tpu.memory_space<vmem>>
      %dma_wait3A_307 = tpu.memref_squeeze %dma_wait3A_306 : memref<1x128xi32, #tpu.memory_space<vmem>> -> memref<128xi32, #tpu.memory_space<vmem>>
      %dma_wait3A_308 = arith.constant 0 : i32
      %dma_wait3A_309 = arith.constant 0 : i32
      %dma_wait3A_310 = tpu.memref_slice %arg3[%dma_wait3A_308, %dma_wait3A_309] : memref<8192x16xf32, #tpu.memory_space<hbm>> -> memref<8192x16xf32, #tpu.memory_space<hbm>>
      tpu.wait_indirect_dma semaphore(%arg9 : memref<!tpu.dma_semaphore, #tpu.memory_space<semaphore_mem>>) src(%dma_wait3A_310 : memref<8192x16xf32, #tpu.memory_space<hbm>>) dst(%dma_wait3A_304 : memref<128x16xf32, #tpu.memory_space<vmem>>)
      %dma_wait3A_311 = arith.constant 0 : i32
      %dma_wait3A_312 = arith.constant 0 : i32
      %dma_wait3A_313 = arith.constant 256 : i32
      %dma_wait3A_314 = arith.constant 0 : i32
      %dma_wait3A_315 = tpu.memref_slice %arg6[%dma_wait3A_312, %dma_wait3A_313, %dma_wait3A_314] : memref<4x1600x16xf32, #tpu.memory_space<vmem>> -> memref<1x128x16xf32, #tpu.memory_space<vmem>>
      %dma_wait3A_316 = tpu.memref_squeeze %dma_wait3A_315 : memref<1x128x16xf32, #tpu.memory_space<vmem>> -> memref<128x16xf32, #tpu.memory_space<vmem>>
      %dma_wait3A_317 = arith.constant 256 : i32
      %dma_wait3A_318 = tpu.memref_slice %arg5[%dma_wait3A_311, %dma_wait3A_317] : memref<4x1600xi32, #tpu.memory_space<vmem>> -> memref<1x128xi32, #tpu.memory_space<vmem>>
      %dma_wait3A_319 = tpu.memref_squeeze %dma_wait3A_318 : memref<1x128xi32, #tpu.memory_space<vmem>> -> memref<128xi32, #tpu.memory_space<vmem>>
      %dma_wait3A_320 = arith.constant 0 : i32
      %dma_wait3A_321 = arith.constant 0 : i32
      %dma_wait3A_322 = tpu.memref_slice %arg3[%dma_wait3A_320, %dma_wait3A_321] : memref<8192x16xf32, #tpu.memory_space<hbm>> -> memref<8192x16xf32, #tpu.memory_space<hbm>>
      tpu.wait_indirect_dma semaphore(%arg9 : memref<!tpu.dma_semaphore, #tpu.memory_space<semaphore_mem>>) src(%dma_wait3A_322 : memref<8192x16xf32, #tpu.memory_space<hbm>>) dst(%dma_wait3A_316 : memref<128x16xf32, #tpu.memory_space<vmem>>)
      %dma_wait3A_323 = arith.constant 0 : i32
      %dma_wait3A_324 = arith.constant 0 : i32
      %dma_wait3A_325 = arith.constant 384 : i32
      %dma_wait3A_326 = arith.constant 0 : i32
      %dma_wait3A_327 = tpu.memref_slice %arg6[%dma_wait3A_324, %dma_wait3A_325, %dma_wait3A_326] : memref<4x1600x16xf32, #tpu.memory_space<vmem>> -> memref<1x128x16xf32, #tpu.memory_space<vmem>>
      %dma_wait3A_328 = tpu.memref_squeeze %dma_wait3A_327 : memref<1x128x16xf32, #tpu.memory_space<vmem>> -> memref<128x16xf32, #tpu.memory_space<vmem>>
      %dma_wait3A_329 = arith.constant 384 : i32
      %dma_wait3A_330 = tpu.memref_slice %arg5[%dma_wait3A_323, %dma_wait3A_329] : memref<4x1600xi32, #tpu.memory_space<vmem>> -> memref<1x128xi32, #tpu.memory_space<vmem>>
      %dma_wait3A_331 = tpu.memref_squeeze %dma_wait3A_330 : memref<1x128xi32, #tpu.memory_space<vmem>> -> memref<128xi32, #tpu.memory_space<vmem>>
      %dma_wait3A_332 = arith.constant 0 : i32
      %dma_wait3A_333 = arith.constant 0 : i32
      %dma_wait3A_334 = tpu.memref_slice %arg3[%dma_wait3A_332, %dma_wait3A_333] : memref<8192x16xf32, #tpu.memory_space<hbm>> -> memref<8192x16xf32, #tpu.memory_space<hbm>>
      tpu.wait_indirect_dma semaphore(%arg9 : memref<!tpu.dma_semaphore, #tpu.memory_space<semaphore_mem>>) src(%dma_wait3A_334 : memref<8192x16xf32, #tpu.memory_space<hbm>>) dst(%dma_wait3A_328 : memref<128x16xf32, #tpu.memory_space<vmem>>)
      %dma_wait3A_335 = arith.constant 0 : i32
      %dma_wait3A_336 = arith.constant 0 : i32
      %dma_wait3A_337 = arith.constant 512 : i32
      %dma_wait3A_338 = arith.constant 0 : i32
      %dma_wait3A_339 = tpu.memref_slice %arg6[%dma_wait3A_336, %dma_wait3A_337, %dma_wait3A_338] : memref<4x1600x16xf32, #tpu.memory_space<vmem>> -> memref<1x128x16xf32, #tpu.memory_space<vmem>>
      %dma_wait3A_340 = tpu.memref_squeeze %dma_wait3A_339 : memref<1x128x16xf32, #tpu.memory_space<vmem>> -> memref<128x16xf32, #tpu.memory_space<vmem>>
      %dma_wait3A_341 = arith.constant 512 : i32
      %dma_wait3A_342 = tpu.memref_slice %arg5[%dma_wait3A_335, %dma_wait3A_341] : memref<4x1600xi32, #tpu.memory_space<vmem>> -> memref<1x128xi32, #tpu.memory_space<vmem>>
      %dma_wait3A_343 = tpu.memref_squeeze %dma_wait3A_342 : memref<1x128xi32, #tpu.memory_space<vmem>> -> memref<128xi32, #tpu.memory_space<vmem>>
      %dma_wait3A_344 = arith.constant 0 : i32
      %dma_wait3A_345 = arith.constant 0 : i32
      %dma_wait3A_346 = tpu.memref_slice %arg3[%dma_wait3A_344, %dma_wait3A_345] : memref<8192x16xf32, #tpu.memory_space<hbm>> -> memref<8192x16xf32, #tpu.memory_space<hbm>>
      tpu.wait_indirect_dma semaphore(%arg9 : memref<!tpu.dma_semaphore, #tpu.memory_space<semaphore_mem>>) src(%dma_wait3A_346 : memref<8192x16xf32, #tpu.memory_space<hbm>>) dst(%dma_wait3A_340 : memref<128x16xf32, #tpu.memory_space<vmem>>)
      %dma_wait3A_347 = arith.constant 0 : i32
      %dma_wait3A_348 = arith.constant 0 : i32
      %dma_wait3A_349 = arith.constant 640 : i32
      %dma_wait3A_350 = arith.constant 0 : i32
      %dma_wait3A_351 = tpu.memref_slice %arg6[%dma_wait3A_348, %dma_wait3A_349, %dma_wait3A_350] : memref<4x1600x16xf32, #tpu.memory_space<vmem>> -> memref<1x128x16xf32, #tpu.memory_space<vmem>>
      %dma_wait3A_352 = tpu.memref_squeeze %dma_wait3A_351 : memref<1x128x16xf32, #tpu.memory_space<vmem>> -> memref<128x16xf32, #tpu.memory_space<vmem>>
      %dma_wait3A_353 = arith.constant 640 : i32
      %dma_wait3A_354 = tpu.memref_slice %arg5[%dma_wait3A_347, %dma_wait3A_353] : memref<4x1600xi32, #tpu.memory_space<vmem>> -> memref<1x128xi32, #tpu.memory_space<vmem>>
      %dma_wait3A_355 = tpu.memref_squeeze %dma_wait3A_354 : memref<1x128xi32, #tpu.memory_space<vmem>> -> memref<128xi32, #tpu.memory_space<vmem>>
      %dma_wait3A_356 = arith.constant 0 : i32
      %dma_wait3A_357 = arith.constant 0 : i32
      %dma_wait3A_358 = tpu.memref_slice %arg3[%dma_wait3A_356, %dma_wait3A_357] : memref<8192x16xf32, #tpu.memory_space<hbm>> -> memref<8192x16xf32, #tpu.memory_space<hbm>>
      tpu.wait_indirect_dma semaphore(%arg9 : memref<!tpu.dma_semaphore, #tpu.memory_space<semaphore_mem>>) src(%dma_wait3A_358 : memref<8192x16xf32, #tpu.memory_space<hbm>>) dst(%dma_wait3A_352 : memref<128x16xf32, #tpu.memory_space<vmem>>)
      %dma_wait3A_359 = arith.constant 0 : i32
      %dma_wait3A_360 = arith.constant 0 : i32
      %dma_wait3A_361 = arith.constant 768 : i32
      %dma_wait3A_362 = arith.constant 0 : i32
      %dma_wait3A_363 = tpu.memref_slice %arg6[%dma_wait3A_360, %dma_wait3A_361, %dma_wait3A_362] : memref<4x1600x16xf32, #tpu.memory_space<vmem>> -> memref<1x128x16xf32, #tpu.memory_space<vmem>>
      %dma_wait3A_364 = tpu.memref_squeeze %dma_wait3A_363 : memref<1x128x16xf32, #tpu.memory_space<vmem>> -> memref<128x16xf32, #tpu.memory_space<vmem>>
      %dma_wait3A_365 = arith.constant 768 : i32
      %dma_wait3A_366 = tpu.memref_slice %arg5[%dma_wait3A_359, %dma_wait3A_365] : memref<4x1600xi32, #tpu.memory_space<vmem>> -> memref<1x128xi32, #tpu.memory_space<vmem>>
      %dma_wait3A_367 = tpu.memref_squeeze %dma_wait3A_366 : memref<1x128xi32, #tpu.memory_space<vmem>> -> memref<128xi32, #tpu.memory_space<vmem>>
      %dma_wait3A_368 = arith.constant 0 : i32
      %dma_wait3A_369 = arith.constant 0 : i32
      %dma_wait3A_370 = tpu.memref_slice %arg3[%dma_wait3A_368, %dma_wait3A_369] : memref<8192x16xf32, #tpu.memory_space<hbm>> -> memref<8192x16xf32, #tpu.memory_space<hbm>>
      tpu.wait_indirect_dma semaphore(%arg9 : memref<!tpu.dma_semaphore, #tpu.memory_space<semaphore_mem>>) src(%dma_wait3A_370 : memref<8192x16xf32, #tpu.memory_space<hbm>>) dst(%dma_wait3A_364 : memref<128x16xf32, #tpu.memory_space<vmem>>)
      %dma_wait3A_371 = arith.constant 0 : i32
      %dma_wait3A_372 = arith.constant 0 : i32
      %dma_wait3A_373 = arith.constant 896 : i32
      %dma_wait3A_374 = arith.constant 0 : i32
      %dma_wait3A_375 = tpu.memref_slice %arg6[%dma_wait3A_372, %dma_wait3A_373, %dma_wait3A_374] : memref<4x1600x16xf32, #tpu.memory_space<vmem>> -> memref<1x128x16xf32, #tpu.memory_space<vmem>>
      %dma_wait3A_376 = tpu.memref_squeeze %dma_wait3A_375 : memref<1x128x16xf32, #tpu.memory_space<vmem>> -> memref<128x16xf32, #tpu.memory_space<vmem>>
      %dma_wait3A_377 = arith.constant 896 : i32
      %dma_wait3A_378 = tpu.memref_slice %arg5[%dma_wait3A_371, %dma_wait3A_377] : memref<4x1600xi32, #tpu.memory_space<vmem>> -> memref<1x128xi32, #tpu.memory_space<vmem>>
      %dma_wait3A_379 = tpu.memref_squeeze %dma_wait3A_378 : memref<1x128xi32, #tpu.memory_space<vmem>> -> memref<128xi32, #tpu.memory_space<vmem>>
      %dma_wait3A_380 = arith.constant 0 : i32
      %dma_wait3A_381 = arith.constant 0 : i32
      %dma_wait3A_382 = tpu.memref_slice %arg3[%dma_wait3A_380, %dma_wait3A_381] : memref<8192x16xf32, #tpu.memory_space<hbm>> -> memref<8192x16xf32, #tpu.memory_space<hbm>>
      tpu.wait_indirect_dma semaphore(%arg9 : memref<!tpu.dma_semaphore, #tpu.memory_space<semaphore_mem>>) src(%dma_wait3A_382 : memref<8192x16xf32, #tpu.memory_space<hbm>>) dst(%dma_wait3A_376 : memref<128x16xf32, #tpu.memory_space<vmem>>)
      %dma_wait3A_383 = arith.constant 0 : i32
      %dma_wait3A_384 = arith.constant 0 : i32
      %dma_wait3A_385 = arith.constant 1024 : i32
      %dma_wait3A_386 = arith.constant 0 : i32
      %dma_wait3A_387 = tpu.memref_slice %arg6[%dma_wait3A_384, %dma_wait3A_385, %dma_wait3A_386] : memref<4x1600x16xf32, #tpu.memory_space<vmem>> -> memref<1x128x16xf32, #tpu.memory_space<vmem>>
      %dma_wait3A_388 = tpu.memref_squeeze %dma_wait3A_387 : memref<1x128x16xf32, #tpu.memory_space<vmem>> -> memref<128x16xf32, #tpu.memory_space<vmem>>
      %dma_wait3A_389 = arith.constant 1024 : i32
      %dma_wait3A_390 = tpu.memref_slice %arg5[%dma_wait3A_383, %dma_wait3A_389] : memref<4x1600xi32, #tpu.memory_space<vmem>> -> memref<1x128xi32, #tpu.memory_space<vmem>>
      %dma_wait3A_391 = tpu.memref_squeeze %dma_wait3A_390 : memref<1x128xi32, #tpu.memory_space<vmem>> -> memref<128xi32, #tpu.memory_space<vmem>>
      %dma_wait3A_392 = arith.constant 0 : i32
      %dma_wait3A_393 = arith.constant 0 : i32
      %dma_wait3A_394 = tpu.memref_slice %arg3[%dma_wait3A_392, %dma_wait3A_393] : memref<8192x16xf32, #tpu.memory_space<hbm>> -> memref<8192x16xf32, #tpu.memory_space<hbm>>
      tpu.wait_indirect_dma semaphore(%arg9 : memref<!tpu.dma_semaphore, #tpu.memory_space<semaphore_mem>>) src(%dma_wait3A_394 : memref<8192x16xf32, #tpu.memory_space<hbm>>) dst(%dma_wait3A_388 : memref<128x16xf32, #tpu.memory_space<vmem>>)
      %dma_wait3A_395 = arith.constant 0 : i32
      %dma_wait3A_396 = arith.constant 0 : i32
      %dma_wait3A_397 = arith.constant 1152 : i32
      %dma_wait3A_398 = arith.constant 0 : i32
      %dma_wait3A_399 = tpu.memref_slice %arg6[%dma_wait3A_396, %dma_wait3A_397, %dma_wait3A_398] : memref<4x1600x16xf32, #tpu.memory_space<vmem>> -> memref<1x128x16xf32, #tpu.memory_space<vmem>>
      %dma_wait3A_400 = tpu.memref_squeeze %dma_wait3A_399 : memref<1x128x16xf32, #tpu.memory_space<vmem>> -> memref<128x16xf32, #tpu.memory_space<vmem>>
      %dma_wait3A_401 = arith.constant 1152 : i32
      %dma_wait3A_402 = tpu.memref_slice %arg5[%dma_wait3A_395, %dma_wait3A_401] : memref<4x1600xi32, #tpu.memory_space<vmem>> -> memref<1x128xi32, #tpu.memory_space<vmem>>
      %dma_wait3A_403 = tpu.memref_squeeze %dma_wait3A_402 : memref<1x128xi32, #tpu.memory_space<vmem>> -> memref<128xi32, #tpu.memory_space<vmem>>
      %dma_wait3A_404 = arith.constant 0 : i32
      %dma_wait3A_405 = arith.constant 0 : i32
      %dma_wait3A_406 = tpu.memref_slice %arg3[%dma_wait3A_404, %dma_wait3A_405] : memref<8192x16xf32, #tpu.memory_space<hbm>> -> memref<8192x16xf32, #tpu.memory_space<hbm>>
      tpu.wait_indirect_dma semaphore(%arg9 : memref<!tpu.dma_semaphore, #tpu.memory_space<semaphore_mem>>) src(%dma_wait3A_406 : memref<8192x16xf32, #tpu.memory_space<hbm>>) dst(%dma_wait3A_400 : memref<128x16xf32, #tpu.memory_space<vmem>>)
      %dma_wait3A_407 = arith.constant 0 : i32
      %dma_wait3A_408 = arith.constant 0 : i32
      %dma_wait3A_409 = arith.constant 1280 : i32
      %dma_wait3A_410 = arith.constant 0 : i32
      %dma_wait3A_411 = tpu.memref_slice %arg6[%dma_wait3A_408, %dma_wait3A_409, %dma_wait3A_410] : memref<4x1600x16xf32, #tpu.memory_space<vmem>> -> memref<1x128x16xf32, #tpu.memory_space<vmem>>
      %dma_wait3A_412 = tpu.memref_squeeze %dma_wait3A_411 : memref<1x128x16xf32, #tpu.memory_space<vmem>> -> memref<128x16xf32, #tpu.memory_space<vmem>>
      %dma_wait3A_413 = arith.constant 1280 : i32
      %dma_wait3A_414 = tpu.memref_slice %arg5[%dma_wait3A_407, %dma_wait3A_413] : memref<4x1600xi32, #tpu.memory_space<vmem>> -> memref<1x128xi32, #tpu.memory_space<vmem>>
      %dma_wait3A_415 = tpu.memref_squeeze %dma_wait3A_414 : memref<1x128xi32, #tpu.memory_space<vmem>> -> memref<128xi32, #tpu.memory_space<vmem>>
      %dma_wait3A_416 = arith.constant 0 : i32
      %dma_wait3A_417 = arith.constant 0 : i32
      %dma_wait3A_418 = tpu.memref_slice %arg3[%dma_wait3A_416, %dma_wait3A_417] : memref<8192x16xf32, #tpu.memory_space<hbm>> -> memref<8192x16xf32, #tpu.memory_space<hbm>>
      tpu.wait_indirect_dma semaphore(%arg9 : memref<!tpu.dma_semaphore, #tpu.memory_space<semaphore_mem>>) src(%dma_wait3A_418 : memref<8192x16xf32, #tpu.memory_space<hbm>>) dst(%dma_wait3A_412 : memref<128x16xf32, #tpu.memory_space<vmem>>)
      %dma_wait3A_419 = arith.constant 0 : i32
      %dma_wait3A_420 = arith.constant 0 : i32
      %dma_wait3A_421 = arith.constant 1408 : i32
      %dma_wait3A_422 = arith.constant 0 : i32
      %dma_wait3A_423 = tpu.memref_slice %arg6[%dma_wait3A_420, %dma_wait3A_421, %dma_wait3A_422] : memref<4x1600x16xf32, #tpu.memory_space<vmem>> -> memref<1x128x16xf32, #tpu.memory_space<vmem>>
      %dma_wait3A_424 = tpu.memref_squeeze %dma_wait3A_423 : memref<1x128x16xf32, #tpu.memory_space<vmem>> -> memref<128x16xf32, #tpu.memory_space<vmem>>
      %dma_wait3A_425 = arith.constant 1408 : i32
      %dma_wait3A_426 = tpu.memref_slice %arg5[%dma_wait3A_419, %dma_wait3A_425] : memref<4x1600xi32, #tpu.memory_space<vmem>> -> memref<1x128xi32, #tpu.memory_space<vmem>>
      %dma_wait3A_427 = tpu.memref_squeeze %dma_wait3A_426 : memref<1x128xi32, #tpu.memory_space<vmem>> -> memref<128xi32, #tpu.memory_space<vmem>>
      %dma_wait3A_428 = arith.constant 0 : i32
      %dma_wait3A_429 = arith.constant 0 : i32
      %dma_wait3A_430 = tpu.memref_slice %arg3[%dma_wait3A_428, %dma_wait3A_429] : memref<8192x16xf32, #tpu.memory_space<hbm>> -> memref<8192x16xf32, #tpu.memory_space<hbm>>
      tpu.wait_indirect_dma semaphore(%arg9 : memref<!tpu.dma_semaphore, #tpu.memory_space<semaphore_mem>>) src(%dma_wait3A_430 : memref<8192x16xf32, #tpu.memory_space<hbm>>) dst(%dma_wait3A_424 : memref<128x16xf32, #tpu.memory_space<vmem>>)
      %dma_wait3A_431 = arith.constant 0 : i32
      %dma_wait3A_432 = arith.constant 0 : i32
      %dma_wait3A_433 = arith.constant 1536 : i32
      %dma_wait3A_434 = arith.constant 0 : i32
      %dma_wait3A_435 = tpu.memref_slice %arg6[%dma_wait3A_432, %dma_wait3A_433, %dma_wait3A_434] : memref<4x1600x16xf32, #tpu.memory_space<vmem>> -> memref<1x64x16xf32, #tpu.memory_space<vmem>>
      %dma_wait3A_436 = tpu.memref_squeeze %dma_wait3A_435 : memref<1x64x16xf32, #tpu.memory_space<vmem>> -> memref<64x16xf32, #tpu.memory_space<vmem>>
      %dma_wait3A_437 = arith.constant 1536 : i32
      %dma_wait3A_438 = tpu.memref_slice %arg5[%dma_wait3A_431, %dma_wait3A_437] : memref<4x1600xi32, #tpu.memory_space<vmem>> -> memref<1x64xi32, #tpu.memory_space<vmem>>
      %dma_wait3A_439 = tpu.memref_squeeze %dma_wait3A_438 : memref<1x64xi32, #tpu.memory_space<vmem>> -> memref<64xi32, #tpu.memory_space<vmem>>
      %dma_wait3A_440 = arith.constant 0 : i32
      %dma_wait3A_441 = arith.constant 0 : i32
      %dma_wait3A_442 = tpu.memref_slice %arg3[%dma_wait3A_440, %dma_wait3A_441] : memref<8192x16xf32, #tpu.memory_space<hbm>> -> memref<8192x16xf32, #tpu.memory_space<hbm>>
      tpu.wait_indirect_dma semaphore(%arg9 : memref<!tpu.dma_semaphore, #tpu.memory_space<semaphore_mem>>) src(%dma_wait3A_442 : memref<8192x16xf32, #tpu.memory_space<hbm>>) dst(%dma_wait3A_436 : memref<64x16xf32, #tpu.memory_space<vmem>>)
      %mul3A_443 = arith.constant 1600 : i32
      %mul3A_444 = arith.muli %add3A_111, %mul3A_443 : i32
      %add3A_445 = arith.addi %mul3A_2, %mul3A_444 : i32
      %dma_start3A_446 = arith.constant 0 : i32
      %dma_start3A_447 = arith.constant 0 : i32
      %dma_start3A_448 = arith.constant 0 : i32
      %dma_start3A_449 = arith.constant 0 : i32
      %dma_start3A_450 = tpu.memref_slice %arg6[%dma_start3A_446, %dma_start3A_448, %dma_start3A_449] : memref<4x1600x16xf32, #tpu.memory_space<vmem>> -> memref<1x1600x16xf32, #tpu.memory_space<vmem>>
      %dma_start3A_451 = tpu.memref_squeeze %dma_start3A_450 : memref<1x1600x16xf32, #tpu.memory_space<vmem>> -> memref<1600x16xf32, #tpu.memory_space<vmem>>
      %dma_start3A_452 = arith.constant 0 : i32
      %dma_start3A_453 = tpu.memref_slice %arg4[%add3A_445, %dma_start3A_452] : memref<1638400x16xf32, #tpu.memory_space<hbm>> -> memref<1600x16xf32, #tpu.memory_space<hbm>>
      %dma_start3A_454 = tpu.memref_slice %arg8[%dma_start3A_447] : memref<4x!tpu.dma_semaphore, #tpu.memory_space<semaphore_mem>> -> memref<1x!tpu.dma_semaphore, #tpu.memory_space<semaphore_mem>>
      %dma_start3A_455 = tpu.memref_squeeze %dma_start3A_454 : memref<1x!tpu.dma_semaphore, #tpu.memory_space<semaphore_mem>> -> memref<!tpu.dma_semaphore, #tpu.memory_space<semaphore_mem>>
      %dma_start3A_456 = arith.constant 0 : i32
      %dma_start3A_457 = tpu.memref_slice %arg4[%add3A_445, %dma_start3A_456] : memref<1638400x16xf32, #tpu.memory_space<hbm>> -> memref<1600x16xf32, #tpu.memory_space<hbm>>
      %dma_start3A_458 = arith.constant 0 : i32
      %dma_start3A_459 = arith.constant 0 : i32
      %dma_start3A_460 = tpu.memref_slice %arg6[%dma_start3A_446, %dma_start3A_458, %dma_start3A_459] : memref<4x1600x16xf32, #tpu.memory_space<vmem>> -> memref<1x1600x16xf32, #tpu.memory_space<vmem>>
      %dma_start3A_461 = tpu.memref_squeeze %dma_start3A_460 : memref<1x1600x16xf32, #tpu.memory_space<vmem>> -> memref<1600x16xf32, #tpu.memory_space<vmem>>
      tpu.enqueue_dma source(%dma_start3A_461 : memref<1600x16xf32, #tpu.memory_space<vmem>>) target(%dma_start3A_457 : memref<1600x16xf32, #tpu.memory_space<hbm>>) target_semaphore(%dma_start3A_455 : memref<!tpu.dma_semaphore, #tpu.memory_space<semaphore_mem>>)
      %add3A_462 = arith.constant 1 : i32
      %add3A_463 = arith.addi %add3A_109, %add3A_462 : i32
      %add3A_464 = arith.constant 2 : i32
      %add3A_465 = arith.addi %add3A_463, %add3A_464 : i32
      %lt3A_466 = arith.constant 32 : i32
      %lt3A_467 = arith.cmpi slt, %add3A_465, %lt3A_466 : i32
      %convert_element_type3A_468 = arith.extui %lt3A_467 : i1 to i32
      %cond3A_469 = arith.constant 0 : i32
      %cond3A_470 = arith.cmpi ne, %convert_element_type3A_468, %cond3A_469 : i32
      scf.if %cond3A_470 {
        %ge3A = arith.constant 2 : i32
        %ge3A_1527 = arith.cmpi sge, %add3A_463, %ge3A : i32
        %convert_element_type3A_1528 = arith.extui %ge3A_1527 : i1 to i32
        %cond3A_1529 = arith.constant 0 : i32
        %cond3A_1530 = arith.cmpi ne, %convert_element_type3A_1528, %cond3A_1529 : i32
        scf.if %cond3A_1530 {
          %sub3A = arith.constant 2 : i32
          %sub3A_1546 = arith.subi %add3A_463, %sub3A : i32
          %mul3A_1547 = arith.constant 1600 : i32
          %mul3A_1548 = arith.muli %sub3A_1546, %mul3A_1547 : i32
          %add3A_1549 = arith.addi %mul3A_2, %mul3A_1548 : i32
          %dma_wait3A_1550 = arith.constant 3 : i32
          %dma_wait3A_1551 = arith.constant 3 : i32
          %dma_wait3A_1552 = arith.constant 0 : i32
          %dma_wait3A_1553 = arith.constant 0 : i32
          %dma_wait3A_1554 = tpu.memref_slice %arg6[%dma_wait3A_1550, %dma_wait3A_1552, %dma_wait3A_1553] : memref<4x1600x16xf32, #tpu.memory_space<vmem>> -> memref<1x1600x16xf32, #tpu.memory_space<vmem>>
          %dma_wait3A_1555 = tpu.memref_squeeze %dma_wait3A_1554 : memref<1x1600x16xf32, #tpu.memory_space<vmem>> -> memref<1600x16xf32, #tpu.memory_space<vmem>>
          %dma_wait3A_1556 = arith.constant 0 : i32
          %dma_wait3A_1557 = tpu.memref_slice %arg4[%add3A_1549, %dma_wait3A_1556] : memref<1638400x16xf32, #tpu.memory_space<hbm>> -> memref<1600x16xf32, #tpu.memory_space<hbm>>
          %dma_wait3A_1558 = tpu.memref_slice %arg8[%dma_wait3A_1551] : memref<4x!tpu.dma_semaphore, #tpu.memory_space<semaphore_mem>> -> memref<1x!tpu.dma_semaphore, #tpu.memory_space<semaphore_mem>>
          %dma_wait3A_1559 = tpu.memref_squeeze %dma_wait3A_1558 : memref<1x!tpu.dma_semaphore, #tpu.memory_space<semaphore_mem>> -> memref<!tpu.dma_semaphore, #tpu.memory_space<semaphore_mem>>
          %dma_wait3A_1560 = arith.constant 0 : i32
          %dma_wait3A_1561 = tpu.memref_slice %arg4[%add3A_1549, %dma_wait3A_1560] : memref<1638400x16xf32, #tpu.memory_space<hbm>> -> memref<1600x16xf32, #tpu.memory_space<hbm>>
          %dma_wait3A_1562 = arith.constant 0 : i32
          %dma_wait3A_1563 = arith.constant 0 : i32
          %dma_wait3A_1564 = tpu.memref_slice %arg6[%dma_wait3A_1550, %dma_wait3A_1562, %dma_wait3A_1563] : memref<4x1600x16xf32, #tpu.memory_space<vmem>> -> memref<1x1600x16xf32, #tpu.memory_space<vmem>>
          %dma_wait3A_1565 = tpu.memref_squeeze %dma_wait3A_1564 : memref<1x1600x16xf32, #tpu.memory_space<vmem>> -> memref<1600x16xf32, #tpu.memory_space<vmem>>
          tpu.wait_dma2 semaphore(%dma_wait3A_1559 : memref<!tpu.dma_semaphore, #tpu.memory_space<semaphore_mem>>) src(%dma_wait3A_1565 : memref<1600x16xf32, #tpu.memory_space<vmem>>) dst(%dma_wait3A_1561 : memref<1600x16xf32, #tpu.memory_space<hbm>>)
        } else {
        }
        %mul3A_1531 = arith.constant 1600 : i32
        %mul3A_1532 = arith.muli %add3A_465, %mul3A_1531 : i32
        %add3A_1533 = arith.addi %mul3A_2, %mul3A_1532 : i32
        %dma_start3A_1534 = arith.constant 3 : i32
        %dma_start3A_1535 = arith.constant 3 : i32
        %dma_start3A_1536 = arith.constant 0 : i32
        %dma_start3A_1537 = tpu.memref_slice %arg5[%dma_start3A_1534, %dma_start3A_1536] : memref<4x1600xi32, #tpu.memory_space<vmem>> -> memref<1x1600xi32, #tpu.memory_space<vmem>>
        %dma_start3A_1538 = tpu.memref_squeeze %dma_start3A_1537 : memref<1x1600xi32, #tpu.memory_space<vmem>> -> memref<1600xi32, #tpu.memory_space<vmem>>
        %dma_start3A_1539 = tpu.memref_slice %arg2[%add3A_1533] : memref<1638400xi32, #tpu.memory_space<hbm>> -> memref<1600xi32, #tpu.memory_space<hbm>>
        %dma_start3A_1540 = tpu.memref_slice %arg7[%dma_start3A_1535] : memref<4x!tpu.dma_semaphore, #tpu.memory_space<semaphore_mem>> -> memref<1x!tpu.dma_semaphore, #tpu.memory_space<semaphore_mem>>
        %dma_start3A_1541 = tpu.memref_squeeze %dma_start3A_1540 : memref<1x!tpu.dma_semaphore, #tpu.memory_space<semaphore_mem>> -> memref<!tpu.dma_semaphore, #tpu.memory_space<semaphore_mem>>
        %dma_start3A_1542 = arith.constant 0 : i32
        %dma_start3A_1543 = tpu.memref_slice %arg5[%dma_start3A_1534, %dma_start3A_1542] : memref<4x1600xi32, #tpu.memory_space<vmem>> -> memref<1x1600xi32, #tpu.memory_space<vmem>>
        %dma_start3A_1544 = tpu.memref_squeeze %dma_start3A_1543 : memref<1x1600xi32, #tpu.memory_space<vmem>> -> memref<1600xi32, #tpu.memory_space<vmem>>
        %dma_start3A_1545 = tpu.memref_slice %arg2[%add3A_1533] : memref<1638400xi32, #tpu.memory_space<hbm>> -> memref<1600xi32, #tpu.memory_space<hbm>>
        tpu.enqueue_dma source(%dma_start3A_1545 : memref<1600xi32, #tpu.memory_space<hbm>>) target(%dma_start3A_1544 : memref<1600xi32, #tpu.memory_space<vmem>>) target_semaphore(%dma_start3A_1541 : memref<!tpu.dma_semaphore, #tpu.memory_space<semaphore_mem>>)
      } else {
      }
      %mul3A_471 = arith.constant 1600 : i32
      %mul3A_472 = arith.muli %add3A_463, %mul3A_471 : i32
      %add3A_473 = arith.addi %mul3A_2, %mul3A_472 : i32
      %dma_wait3A_474 = arith.constant 1 : i32
      %dma_wait3A_475 = arith.constant 1 : i32
      %dma_wait3A_476 = arith.constant 0 : i32
      %dma_wait3A_477 = tpu.memref_slice %arg5[%dma_wait3A_474, %dma_wait3A_476] : memref<4x1600xi32, #tpu.memory_space<vmem>> -> memref<1x1600xi32, #tpu.memory_space<vmem>>
      %dma_wait3A_478 = tpu.memref_squeeze %dma_wait3A_477 : memref<1x1600xi32, #tpu.memory_space<vmem>> -> memref<1600xi32, #tpu.memory_space<vmem>>
      %dma_wait3A_479 = tpu.memref_slice %arg2[%add3A_473] : memref<1638400xi32, #tpu.memory_space<hbm>> -> memref<1600xi32, #tpu.memory_space<hbm>>
      %dma_wait3A_480 = tpu.memref_slice %arg7[%dma_wait3A_475] : memref<4x!tpu.dma_semaphore, #tpu.memory_space<semaphore_mem>> -> memref<1x!tpu.dma_semaphore, #tpu.memory_space<semaphore_mem>>
      %dma_wait3A_481 = tpu.memref_squeeze %dma_wait3A_480 : memref<1x!tpu.dma_semaphore, #tpu.memory_space<semaphore_mem>> -> memref<!tpu.dma_semaphore, #tpu.memory_space<semaphore_mem>>
      %dma_wait3A_482 = arith.constant 0 : i32
      %dma_wait3A_483 = tpu.memref_slice %arg5[%dma_wait3A_474, %dma_wait3A_482] : memref<4x1600xi32, #tpu.memory_space<vmem>> -> memref<1x1600xi32, #tpu.memory_space<vmem>>
      %dma_wait3A_484 = tpu.memref_squeeze %dma_wait3A_483 : memref<1x1600xi32, #tpu.memory_space<vmem>> -> memref<1600xi32, #tpu.memory_space<vmem>>
      %dma_wait3A_485 = tpu.memref_slice %arg2[%add3A_473] : memref<1638400xi32, #tpu.memory_space<hbm>> -> memref<1600xi32, #tpu.memory_space<hbm>>
      tpu.wait_dma2 semaphore(%dma_wait3A_481 : memref<!tpu.dma_semaphore, #tpu.memory_space<semaphore_mem>>) src(%dma_wait3A_485 : memref<1600xi32, #tpu.memory_space<hbm>>) dst(%dma_wait3A_484 : memref<1600xi32, #tpu.memory_space<vmem>>)
      %dma_start3A_486 = arith.constant 1 : i32
      %dma_start3A_487 = arith.constant 1 : i32
      %dma_start3A_488 = arith.constant 0 : i32
      %dma_start3A_489 = arith.constant 0 : i32
      %dma_start3A_490 = tpu.memref_slice %arg6[%dma_start3A_487, %dma_start3A_488, %dma_start3A_489] : memref<4x1600x16xf32, #tpu.memory_space<vmem>> -> memref<1x128x16xf32, #tpu.memory_space<vmem>>
      %dma_start3A_491 = tpu.memref_squeeze %dma_start3A_490 : memref<1x128x16xf32, #tpu.memory_space<vmem>> -> memref<128x16xf32, #tpu.memory_space<vmem>>
      %dma_start3A_492 = arith.constant 0 : i32
      %dma_start3A_493 = tpu.memref_slice %arg5[%dma_start3A_486, %dma_start3A_492] : memref<4x1600xi32, #tpu.memory_space<vmem>> -> memref<1x128xi32, #tpu.memory_space<vmem>>
      %dma_start3A_494 = tpu.memref_squeeze %dma_start3A_493 : memref<1x128xi32, #tpu.memory_space<vmem>> -> memref<128xi32, #tpu.memory_space<vmem>>
      %dma_start3A_495 = arith.constant 0 : i32
      %dma_start3A_496 = arith.constant 0 : i32
      %dma_start3A_497 = tpu.memref_slice %arg3[%dma_start3A_495, %dma_start3A_496] : memref<8192x16xf32, #tpu.memory_space<hbm>> -> memref<8192x16xf32, #tpu.memory_space<hbm>>
      tpu.enqueue_indirect_dma source(%dma_start3A_497 : memref<8192x16xf32, #tpu.memory_space<hbm>>) target(%dma_start3A_491 : memref<128x16xf32, #tpu.memory_space<vmem>>) offsets(%dma_start3A_494 : memref<128xi32, #tpu.memory_space<vmem>>) semaphore(%arg9 : memref<!tpu.dma_semaphore, #tpu.memory_space<semaphore_mem>>)
      %dma_start3A_498 = arith.constant 1 : i32
      %dma_start3A_499 = arith.constant 1 : i32
      %dma_start3A_500 = arith.constant 128 : i32
      %dma_start3A_501 = arith.constant 0 : i32
      %dma_start3A_502 = tpu.memref_slice %arg6[%dma_start3A_499, %dma_start3A_500, %dma_start3A_501] : memref<4x1600x16xf32, #tpu.memory_space<vmem>> -> memref<1x128x16xf32, #tpu.memory_space<vmem>>
      %dma_start3A_503 = tpu.memref_squeeze %dma_start3A_502 : memref<1x128x16xf32, #tpu.memory_space<vmem>> -> memref<128x16xf32, #tpu.memory_space<vmem>>
      %dma_start3A_504 = arith.constant 128 : i32
      %dma_start3A_505 = tpu.memref_slice %arg5[%dma_start3A_498, %dma_start3A_504] : memref<4x1600xi32, #tpu.memory_space<vmem>> -> memref<1x128xi32, #tpu.memory_space<vmem>>
      %dma_start3A_506 = tpu.memref_squeeze %dma_start3A_505 : memref<1x128xi32, #tpu.memory_space<vmem>> -> memref<128xi32, #tpu.memory_space<vmem>>
      %dma_start3A_507 = arith.constant 0 : i32
      %dma_start3A_508 = arith.constant 0 : i32
      %dma_start3A_509 = tpu.memref_slice %arg3[%dma_start3A_507, %dma_start3A_508] : memref<8192x16xf32, #tpu.memory_space<hbm>> -> memref<8192x16xf32, #tpu.memory_space<hbm>>
      tpu.enqueue_indirect_dma source(%dma_start3A_509 : memref<8192x16xf32, #tpu.memory_space<hbm>>) target(%dma_start3A_503 : memref<128x16xf32, #tpu.memory_space<vmem>>) offsets(%dma_start3A_506 : memref<128xi32, #tpu.memory_space<vmem>>) semaphore(%arg9 : memref<!tpu.dma_semaphore, #tpu.memory_space<semaphore_mem>>)
      %dma_start3A_510 = arith.constant 1 : i32
      %dma_start3A_511 = arith.constant 1 : i32
      %dma_start3A_512 = arith.constant 256 : i32
      %dma_start3A_513 = arith.constant 0 : i32
      %dma_start3A_514 = tpu.memref_slice %arg6[%dma_start3A_511, %dma_start3A_512, %dma_start3A_513] : memref<4x1600x16xf32, #tpu.memory_space<vmem>> -> memref<1x128x16xf32, #tpu.memory_space<vmem>>
      %dma_start3A_515 = tpu.memref_squeeze %dma_start3A_514 : memref<1x128x16xf32, #tpu.memory_space<vmem>> -> memref<128x16xf32, #tpu.memory_space<vmem>>
      %dma_start3A_516 = arith.constant 256 : i32
      %dma_start3A_517 = tpu.memref_slice %arg5[%dma_start3A_510, %dma_start3A_516] : memref<4x1600xi32, #tpu.memory_space<vmem>> -> memref<1x128xi32, #tpu.memory_space<vmem>>
      %dma_start3A_518 = tpu.memref_squeeze %dma_start3A_517 : memref<1x128xi32, #tpu.memory_space<vmem>> -> memref<128xi32, #tpu.memory_space<vmem>>
      %dma_start3A_519 = arith.constant 0 : i32
      %dma_start3A_520 = arith.constant 0 : i32
      %dma_start3A_521 = tpu.memref_slice %arg3[%dma_start3A_519, %dma_start3A_520] : memref<8192x16xf32, #tpu.memory_space<hbm>> -> memref<8192x16xf32, #tpu.memory_space<hbm>>
      tpu.enqueue_indirect_dma source(%dma_start3A_521 : memref<8192x16xf32, #tpu.memory_space<hbm>>) target(%dma_start3A_515 : memref<128x16xf32, #tpu.memory_space<vmem>>) offsets(%dma_start3A_518 : memref<128xi32, #tpu.memory_space<vmem>>) semaphore(%arg9 : memref<!tpu.dma_semaphore, #tpu.memory_space<semaphore_mem>>)
      %dma_start3A_522 = arith.constant 1 : i32
      %dma_start3A_523 = arith.constant 1 : i32
      %dma_start3A_524 = arith.constant 384 : i32
      %dma_start3A_525 = arith.constant 0 : i32
      %dma_start3A_526 = tpu.memref_slice %arg6[%dma_start3A_523, %dma_start3A_524, %dma_start3A_525] : memref<4x1600x16xf32, #tpu.memory_space<vmem>> -> memref<1x128x16xf32, #tpu.memory_space<vmem>>
      %dma_start3A_527 = tpu.memref_squeeze %dma_start3A_526 : memref<1x128x16xf32, #tpu.memory_space<vmem>> -> memref<128x16xf32, #tpu.memory_space<vmem>>
      %dma_start3A_528 = arith.constant 384 : i32
      %dma_start3A_529 = tpu.memref_slice %arg5[%dma_start3A_522, %dma_start3A_528] : memref<4x1600xi32, #tpu.memory_space<vmem>> -> memref<1x128xi32, #tpu.memory_space<vmem>>
      %dma_start3A_530 = tpu.memref_squeeze %dma_start3A_529 : memref<1x128xi32, #tpu.memory_space<vmem>> -> memref<128xi32, #tpu.memory_space<vmem>>
      %dma_start3A_531 = arith.constant 0 : i32
      %dma_start3A_532 = arith.constant 0 : i32
      %dma_start3A_533 = tpu.memref_slice %arg3[%dma_start3A_531, %dma_start3A_532] : memref<8192x16xf32, #tpu.memory_space<hbm>> -> memref<8192x16xf32, #tpu.memory_space<hbm>>
      tpu.enqueue_indirect_dma source(%dma_start3A_533 : memref<8192x16xf32, #tpu.memory_space<hbm>>) target(%dma_start3A_527 : memref<128x16xf32, #tpu.memory_space<vmem>>) offsets(%dma_start3A_530 : memref<128xi32, #tpu.memory_space<vmem>>) semaphore(%arg9 : memref<!tpu.dma_semaphore, #tpu.memory_space<semaphore_mem>>)
      %dma_start3A_534 = arith.constant 1 : i32
      %dma_start3A_535 = arith.constant 1 : i32
      %dma_start3A_536 = arith.constant 512 : i32
      %dma_start3A_537 = arith.constant 0 : i32
      %dma_start3A_538 = tpu.memref_slice %arg6[%dma_start3A_535, %dma_start3A_536, %dma_start3A_537] : memref<4x1600x16xf32, #tpu.memory_space<vmem>> -> memref<1x128x16xf32, #tpu.memory_space<vmem>>
      %dma_start3A_539 = tpu.memref_squeeze %dma_start3A_538 : memref<1x128x16xf32, #tpu.memory_space<vmem>> -> memref<128x16xf32, #tpu.memory_space<vmem>>
      %dma_start3A_540 = arith.constant 512 : i32
      %dma_start3A_541 = tpu.memref_slice %arg5[%dma_start3A_534, %dma_start3A_540] : memref<4x1600xi32, #tpu.memory_space<vmem>> -> memref<1x128xi32, #tpu.memory_space<vmem>>
      %dma_start3A_542 = tpu.memref_squeeze %dma_start3A_541 : memref<1x128xi32, #tpu.memory_space<vmem>> -> memref<128xi32, #tpu.memory_space<vmem>>
      %dma_start3A_543 = arith.constant 0 : i32
      %dma_start3A_544 = arith.constant 0 : i32
      %dma_start3A_545 = tpu.memref_slice %arg3[%dma_start3A_543, %dma_start3A_544] : memref<8192x16xf32, #tpu.memory_space<hbm>> -> memref<8192x16xf32, #tpu.memory_space<hbm>>
      tpu.enqueue_indirect_dma source(%dma_start3A_545 : memref<8192x16xf32, #tpu.memory_space<hbm>>) target(%dma_start3A_539 : memref<128x16xf32, #tpu.memory_space<vmem>>) offsets(%dma_start3A_542 : memref<128xi32, #tpu.memory_space<vmem>>) semaphore(%arg9 : memref<!tpu.dma_semaphore, #tpu.memory_space<semaphore_mem>>)
      %dma_start3A_546 = arith.constant 1 : i32
      %dma_start3A_547 = arith.constant 1 : i32
      %dma_start3A_548 = arith.constant 640 : i32
      %dma_start3A_549 = arith.constant 0 : i32
      %dma_start3A_550 = tpu.memref_slice %arg6[%dma_start3A_547, %dma_start3A_548, %dma_start3A_549] : memref<4x1600x16xf32, #tpu.memory_space<vmem>> -> memref<1x128x16xf32, #tpu.memory_space<vmem>>
      %dma_start3A_551 = tpu.memref_squeeze %dma_start3A_550 : memref<1x128x16xf32, #tpu.memory_space<vmem>> -> memref<128x16xf32, #tpu.memory_space<vmem>>
      %dma_start3A_552 = arith.constant 640 : i32
      %dma_start3A_553 = tpu.memref_slice %arg5[%dma_start3A_546, %dma_start3A_552] : memref<4x1600xi32, #tpu.memory_space<vmem>> -> memref<1x128xi32, #tpu.memory_space<vmem>>
      %dma_start3A_554 = tpu.memref_squeeze %dma_start3A_553 : memref<1x128xi32, #tpu.memory_space<vmem>> -> memref<128xi32, #tpu.memory_space<vmem>>
      %dma_start3A_555 = arith.constant 0 : i32
      %dma_start3A_556 = arith.constant 0 : i32
      %dma_start3A_557 = tpu.memref_slice %arg3[%dma_start3A_555, %dma_start3A_556] : memref<8192x16xf32, #tpu.memory_space<hbm>> -> memref<8192x16xf32, #tpu.memory_space<hbm>>
      tpu.enqueue_indirect_dma source(%dma_start3A_557 : memref<8192x16xf32, #tpu.memory_space<hbm>>) target(%dma_start3A_551 : memref<128x16xf32, #tpu.memory_space<vmem>>) offsets(%dma_start3A_554 : memref<128xi32, #tpu.memory_space<vmem>>) semaphore(%arg9 : memref<!tpu.dma_semaphore, #tpu.memory_space<semaphore_mem>>)
      %dma_start3A_558 = arith.constant 1 : i32
      %dma_start3A_559 = arith.constant 1 : i32
      %dma_start3A_560 = arith.constant 768 : i32
      %dma_start3A_561 = arith.constant 0 : i32
      %dma_start3A_562 = tpu.memref_slice %arg6[%dma_start3A_559, %dma_start3A_560, %dma_start3A_561] : memref<4x1600x16xf32, #tpu.memory_space<vmem>> -> memref<1x128x16xf32, #tpu.memory_space<vmem>>
      %dma_start3A_563 = tpu.memref_squeeze %dma_start3A_562 : memref<1x128x16xf32, #tpu.memory_space<vmem>> -> memref<128x16xf32, #tpu.memory_space<vmem>>
      %dma_start3A_564 = arith.constant 768 : i32
      %dma_start3A_565 = tpu.memref_slice %arg5[%dma_start3A_558, %dma_start3A_564] : memref<4x1600xi32, #tpu.memory_space<vmem>> -> memref<1x128xi32, #tpu.memory_space<vmem>>
      %dma_start3A_566 = tpu.memref_squeeze %dma_start3A_565 : memref<1x128xi32, #tpu.memory_space<vmem>> -> memref<128xi32, #tpu.memory_space<vmem>>
      %dma_start3A_567 = arith.constant 0 : i32
      %dma_start3A_568 = arith.constant 0 : i32
      %dma_start3A_569 = tpu.memref_slice %arg3[%dma_start3A_567, %dma_start3A_568] : memref<8192x16xf32, #tpu.memory_space<hbm>> -> memref<8192x16xf32, #tpu.memory_space<hbm>>
      tpu.enqueue_indirect_dma source(%dma_start3A_569 : memref<8192x16xf32, #tpu.memory_space<hbm>>) target(%dma_start3A_563 : memref<128x16xf32, #tpu.memory_space<vmem>>) offsets(%dma_start3A_566 : memref<128xi32, #tpu.memory_space<vmem>>) semaphore(%arg9 : memref<!tpu.dma_semaphore, #tpu.memory_space<semaphore_mem>>)
      %dma_start3A_570 = arith.constant 1 : i32
      %dma_start3A_571 = arith.constant 1 : i32
      %dma_start3A_572 = arith.constant 896 : i32
      %dma_start3A_573 = arith.constant 0 : i32
      %dma_start3A_574 = tpu.memref_slice %arg6[%dma_start3A_571, %dma_start3A_572, %dma_start3A_573] : memref<4x1600x16xf32, #tpu.memory_space<vmem>> -> memref<1x128x16xf32, #tpu.memory_space<vmem>>
      %dma_start3A_575 = tpu.memref_squeeze %dma_start3A_574 : memref<1x128x16xf32, #tpu.memory_space<vmem>> -> memref<128x16xf32, #tpu.memory_space<vmem>>
      %dma_start3A_576 = arith.constant 896 : i32
      %dma_start3A_577 = tpu.memref_slice %arg5[%dma_start3A_570, %dma_start3A_576] : memref<4x1600xi32, #tpu.memory_space<vmem>> -> memref<1x128xi32, #tpu.memory_space<vmem>>
      %dma_start3A_578 = tpu.memref_squeeze %dma_start3A_577 : memref<1x128xi32, #tpu.memory_space<vmem>> -> memref<128xi32, #tpu.memory_space<vmem>>
      %dma_start3A_579 = arith.constant 0 : i32
      %dma_start3A_580 = arith.constant 0 : i32
      %dma_start3A_581 = tpu.memref_slice %arg3[%dma_start3A_579, %dma_start3A_580] : memref<8192x16xf32, #tpu.memory_space<hbm>> -> memref<8192x16xf32, #tpu.memory_space<hbm>>
      tpu.enqueue_indirect_dma source(%dma_start3A_581 : memref<8192x16xf32, #tpu.memory_space<hbm>>) target(%dma_start3A_575 : memref<128x16xf32, #tpu.memory_space<vmem>>) offsets(%dma_start3A_578 : memref<128xi32, #tpu.memory_space<vmem>>) semaphore(%arg9 : memref<!tpu.dma_semaphore, #tpu.memory_space<semaphore_mem>>)
      %dma_start3A_582 = arith.constant 1 : i32
      %dma_start3A_583 = arith.constant 1 : i32
      %dma_start3A_584 = arith.constant 1024 : i32
      %dma_start3A_585 = arith.constant 0 : i32
      %dma_start3A_586 = tpu.memref_slice %arg6[%dma_start3A_583, %dma_start3A_584, %dma_start3A_585] : memref<4x1600x16xf32, #tpu.memory_space<vmem>> -> memref<1x128x16xf32, #tpu.memory_space<vmem>>
      %dma_start3A_587 = tpu.memref_squeeze %dma_start3A_586 : memref<1x128x16xf32, #tpu.memory_space<vmem>> -> memref<128x16xf32, #tpu.memory_space<vmem>>
      %dma_start3A_588 = arith.constant 1024 : i32
      %dma_start3A_589 = tpu.memref_slice %arg5[%dma_start3A_582, %dma_start3A_588] : memref<4x1600xi32, #tpu.memory_space<vmem>> -> memref<1x128xi32, #tpu.memory_space<vmem>>
      %dma_start3A_590 = tpu.memref_squeeze %dma_start3A_589 : memref<1x128xi32, #tpu.memory_space<vmem>> -> memref<128xi32, #tpu.memory_space<vmem>>
      %dma_start3A_591 = arith.constant 0 : i32
      %dma_start3A_592 = arith.constant 0 : i32
      %dma_start3A_593 = tpu.memref_slice %arg3[%dma_start3A_591, %dma_start3A_592] : memref<8192x16xf32, #tpu.memory_space<hbm>> -> memref<8192x16xf32, #tpu.memory_space<hbm>>
      tpu.enqueue_indirect_dma source(%dma_start3A_593 : memref<8192x16xf32, #tpu.memory_space<hbm>>) target(%dma_start3A_587 : memref<128x16xf32, #tpu.memory_space<vmem>>) offsets(%dma_start3A_590 : memref<128xi32, #tpu.memory_space<vmem>>) semaphore(%arg9 : memref<!tpu.dma_semaphore, #tpu.memory_space<semaphore_mem>>)
      %dma_start3A_594 = arith.constant 1 : i32
      %dma_start3A_595 = arith.constant 1 : i32
      %dma_start3A_596 = arith.constant 1152 : i32
      %dma_start3A_597 = arith.constant 0 : i32
      %dma_start3A_598 = tpu.memref_slice %arg6[%dma_start3A_595, %dma_start3A_596, %dma_start3A_597] : memref<4x1600x16xf32, #tpu.memory_space<vmem>> -> memref<1x128x16xf32, #tpu.memory_space<vmem>>
      %dma_start3A_599 = tpu.memref_squeeze %dma_start3A_598 : memref<1x128x16xf32, #tpu.memory_space<vmem>> -> memref<128x16xf32, #tpu.memory_space<vmem>>
      %dma_start3A_600 = arith.constant 1152 : i32
      %dma_start3A_601 = tpu.memref_slice %arg5[%dma_start3A_594, %dma_start3A_600] : memref<4x1600xi32, #tpu.memory_space<vmem>> -> memref<1x128xi32, #tpu.memory_space<vmem>>
      %dma_start3A_602 = tpu.memref_squeeze %dma_start3A_601 : memref<1x128xi32, #tpu.memory_space<vmem>> -> memref<128xi32, #tpu.memory_space<vmem>>
      %dma_start3A_603 = arith.constant 0 : i32
      %dma_start3A_604 = arith.constant 0 : i32
      %dma_start3A_605 = tpu.memref_slice %arg3[%dma_start3A_603, %dma_start3A_604] : memref<8192x16xf32, #tpu.memory_space<hbm>> -> memref<8192x16xf32, #tpu.memory_space<hbm>>
      tpu.enqueue_indirect_dma source(%dma_start3A_605 : memref<8192x16xf32, #tpu.memory_space<hbm>>) target(%dma_start3A_599 : memref<128x16xf32, #tpu.memory_space<vmem>>) offsets(%dma_start3A_602 : memref<128xi32, #tpu.memory_space<vmem>>) semaphore(%arg9 : memref<!tpu.dma_semaphore, #tpu.memory_space<semaphore_mem>>)
      %dma_start3A_606 = arith.constant 1 : i32
      %dma_start3A_607 = arith.constant 1 : i32
      %dma_start3A_608 = arith.constant 1280 : i32
      %dma_start3A_609 = arith.constant 0 : i32
      %dma_start3A_610 = tpu.memref_slice %arg6[%dma_start3A_607, %dma_start3A_608, %dma_start3A_609] : memref<4x1600x16xf32, #tpu.memory_space<vmem>> -> memref<1x128x16xf32, #tpu.memory_space<vmem>>
      %dma_start3A_611 = tpu.memref_squeeze %dma_start3A_610 : memref<1x128x16xf32, #tpu.memory_space<vmem>> -> memref<128x16xf32, #tpu.memory_space<vmem>>
      %dma_start3A_612 = arith.constant 1280 : i32
      %dma_start3A_613 = tpu.memref_slice %arg5[%dma_start3A_606, %dma_start3A_612] : memref<4x1600xi32, #tpu.memory_space<vmem>> -> memref<1x128xi32, #tpu.memory_space<vmem>>
      %dma_start3A_614 = tpu.memref_squeeze %dma_start3A_613 : memref<1x128xi32, #tpu.memory_space<vmem>> -> memref<128xi32, #tpu.memory_space<vmem>>
      %dma_start3A_615 = arith.constant 0 : i32
      %dma_start3A_616 = arith.constant 0 : i32
      %dma_start3A_617 = tpu.memref_slice %arg3[%dma_start3A_615, %dma_start3A_616] : memref<8192x16xf32, #tpu.memory_space<hbm>> -> memref<8192x16xf32, #tpu.memory_space<hbm>>
      tpu.enqueue_indirect_dma source(%dma_start3A_617 : memref<8192x16xf32, #tpu.memory_space<hbm>>) target(%dma_start3A_611 : memref<128x16xf32, #tpu.memory_space<vmem>>) offsets(%dma_start3A_614 : memref<128xi32, #tpu.memory_space<vmem>>) semaphore(%arg9 : memref<!tpu.dma_semaphore, #tpu.memory_space<semaphore_mem>>)
      %dma_start3A_618 = arith.constant 1 : i32
      %dma_start3A_619 = arith.constant 1 : i32
      %dma_start3A_620 = arith.constant 1408 : i32
      %dma_start3A_621 = arith.constant 0 : i32
      %dma_start3A_622 = tpu.memref_slice %arg6[%dma_start3A_619, %dma_start3A_620, %dma_start3A_621] : memref<4x1600x16xf32, #tpu.memory_space<vmem>> -> memref<1x128x16xf32, #tpu.memory_space<vmem>>
      %dma_start3A_623 = tpu.memref_squeeze %dma_start3A_622 : memref<1x128x16xf32, #tpu.memory_space<vmem>> -> memref<128x16xf32, #tpu.memory_space<vmem>>
      %dma_start3A_624 = arith.constant 1408 : i32
      %dma_start3A_625 = tpu.memref_slice %arg5[%dma_start3A_618, %dma_start3A_624] : memref<4x1600xi32, #tpu.memory_space<vmem>> -> memref<1x128xi32, #tpu.memory_space<vmem>>
      %dma_start3A_626 = tpu.memref_squeeze %dma_start3A_625 : memref<1x128xi32, #tpu.memory_space<vmem>> -> memref<128xi32, #tpu.memory_space<vmem>>
      %dma_start3A_627 = arith.constant 0 : i32
      %dma_start3A_628 = arith.constant 0 : i32
      %dma_start3A_629 = tpu.memref_slice %arg3[%dma_start3A_627, %dma_start3A_628] : memref<8192x16xf32, #tpu.memory_space<hbm>> -> memref<8192x16xf32, #tpu.memory_space<hbm>>
      tpu.enqueue_indirect_dma source(%dma_start3A_629 : memref<8192x16xf32, #tpu.memory_space<hbm>>) target(%dma_start3A_623 : memref<128x16xf32, #tpu.memory_space<vmem>>) offsets(%dma_start3A_626 : memref<128xi32, #tpu.memory_space<vmem>>) semaphore(%arg9 : memref<!tpu.dma_semaphore, #tpu.memory_space<semaphore_mem>>)
      %dma_start3A_630 = arith.constant 1 : i32
      %dma_start3A_631 = arith.constant 1 : i32
      %dma_start3A_632 = arith.constant 1536 : i32
      %dma_start3A_633 = arith.constant 0 : i32
      %dma_start3A_634 = tpu.memref_slice %arg6[%dma_start3A_631, %dma_start3A_632, %dma_start3A_633] : memref<4x1600x16xf32, #tpu.memory_space<vmem>> -> memref<1x64x16xf32, #tpu.memory_space<vmem>>
      %dma_start3A_635 = tpu.memref_squeeze %dma_start3A_634 : memref<1x64x16xf32, #tpu.memory_space<vmem>> -> memref<64x16xf32, #tpu.memory_space<vmem>>
      %dma_start3A_636 = arith.constant 1536 : i32
      %dma_start3A_637 = tpu.memref_slice %arg5[%dma_start3A_630, %dma_start3A_636] : memref<4x1600xi32, #tpu.memory_space<vmem>> -> memref<1x64xi32, #tpu.memory_space<vmem>>
      %dma_start3A_638 = tpu.memref_squeeze %dma_start3A_637 : memref<1x64xi32, #tpu.memory_space<vmem>> -> memref<64xi32, #tpu.memory_space<vmem>>
      %dma_start3A_639 = arith.constant 0 : i32
      %dma_start3A_640 = arith.constant 0 : i32
      %dma_start3A_641 = tpu.memref_slice %arg3[%dma_start3A_639, %dma_start3A_640] : memref<8192x16xf32, #tpu.memory_space<hbm>> -> memref<8192x16xf32, #tpu.memory_space<hbm>>
      tpu.enqueue_indirect_dma source(%dma_start3A_641 : memref<8192x16xf32, #tpu.memory_space<hbm>>) target(%dma_start3A_635 : memref<64x16xf32, #tpu.memory_space<vmem>>) offsets(%dma_start3A_638 : memref<64xi32, #tpu.memory_space<vmem>>) semaphore(%arg9 : memref<!tpu.dma_semaphore, #tpu.memory_space<semaphore_mem>>)
      %dma_wait3A_642 = arith.constant 1 : i32
      %dma_wait3A_643 = arith.constant 1 : i32
      %dma_wait3A_644 = arith.constant 0 : i32
      %dma_wait3A_645 = arith.constant 0 : i32
      %dma_wait3A_646 = tpu.memref_slice %arg6[%dma_wait3A_643, %dma_wait3A_644, %dma_wait3A_645] : memref<4x1600x16xf32, #tpu.memory_space<vmem>> -> memref<1x128x16xf32, #tpu.memory_space<vmem>>
      %dma_wait3A_647 = tpu.memref_squeeze %dma_wait3A_646 : memref<1x128x16xf32, #tpu.memory_space<vmem>> -> memref<128x16xf32, #tpu.memory_space<vmem>>
      %dma_wait3A_648 = arith.constant 0 : i32
      %dma_wait3A_649 = tpu.memref_slice %arg5[%dma_wait3A_642, %dma_wait3A_648] : memref<4x1600xi32, #tpu.memory_space<vmem>> -> memref<1x128xi32, #tpu.memory_space<vmem>>
      %dma_wait3A_650 = tpu.memref_squeeze %dma_wait3A_649 : memref<1x128xi32, #tpu.memory_space<vmem>> -> memref<128xi32, #tpu.memory_space<vmem>>
      %dma_wait3A_651 = arith.constant 0 : i32
      %dma_wait3A_652 = arith.constant 0 : i32
      %dma_wait3A_653 = tpu.memref_slice %arg3[%dma_wait3A_651, %dma_wait3A_652] : memref<8192x16xf32, #tpu.memory_space<hbm>> -> memref<8192x16xf32, #tpu.memory_space<hbm>>
      tpu.wait_indirect_dma semaphore(%arg9 : memref<!tpu.dma_semaphore, #tpu.memory_space<semaphore_mem>>) src(%dma_wait3A_653 : memref<8192x16xf32, #tpu.memory_space<hbm>>) dst(%dma_wait3A_647 : memref<128x16xf32, #tpu.memory_space<vmem>>)
      %dma_wait3A_654 = arith.constant 1 : i32
      %dma_wait3A_655 = arith.constant 1 : i32
      %dma_wait3A_656 = arith.constant 128 : i32
      %dma_wait3A_657 = arith.constant 0 : i32
      %dma_wait3A_658 = tpu.memref_slice %arg6[%dma_wait3A_655, %dma_wait3A_656, %dma_wait3A_657] : memref<4x1600x16xf32, #tpu.memory_space<vmem>> -> memref<1x128x16xf32, #tpu.memory_space<vmem>>
      %dma_wait3A_659 = tpu.memref_squeeze %dma_wait3A_658 : memref<1x128x16xf32, #tpu.memory_space<vmem>> -> memref<128x16xf32, #tpu.memory_space<vmem>>
      %dma_wait3A_660 = arith.constant 128 : i32
      %dma_wait3A_661 = tpu.memref_slice %arg5[%dma_wait3A_654, %dma_wait3A_660] : memref<4x1600xi32, #tpu.memory_space<vmem>> -> memref<1x128xi32, #tpu.memory_space<vmem>>
      %dma_wait3A_662 = tpu.memref_squeeze %dma_wait3A_661 : memref<1x128xi32, #tpu.memory_space<vmem>> -> memref<128xi32, #tpu.memory_space<vmem>>
      %dma_wait3A_663 = arith.constant 0 : i32
      %dma_wait3A_664 = arith.constant 0 : i32
      %dma_wait3A_665 = tpu.memref_slice %arg3[%dma_wait3A_663, %dma_wait3A_664] : memref<8192x16xf32, #tpu.memory_space<hbm>> -> memref<8192x16xf32, #tpu.memory_space<hbm>>
      tpu.wait_indirect_dma semaphore(%arg9 : memref<!tpu.dma_semaphore, #tpu.memory_space<semaphore_mem>>) src(%dma_wait3A_665 : memref<8192x16xf32, #tpu.memory_space<hbm>>) dst(%dma_wait3A_659 : memref<128x16xf32, #tpu.memory_space<vmem>>)
      %dma_wait3A_666 = arith.constant 1 : i32
      %dma_wait3A_667 = arith.constant 1 : i32
      %dma_wait3A_668 = arith.constant 256 : i32
      %dma_wait3A_669 = arith.constant 0 : i32
      %dma_wait3A_670 = tpu.memref_slice %arg6[%dma_wait3A_667, %dma_wait3A_668, %dma_wait3A_669] : memref<4x1600x16xf32, #tpu.memory_space<vmem>> -> memref<1x128x16xf32, #tpu.memory_space<vmem>>
      %dma_wait3A_671 = tpu.memref_squeeze %dma_wait3A_670 : memref<1x128x16xf32, #tpu.memory_space<vmem>> -> memref<128x16xf32, #tpu.memory_space<vmem>>
      %dma_wait3A_672 = arith.constant 256 : i32
      %dma_wait3A_673 = tpu.memref_slice %arg5[%dma_wait3A_666, %dma_wait3A_672] : memref<4x1600xi32, #tpu.memory_space<vmem>> -> memref<1x128xi32, #tpu.memory_space<vmem>>
      %dma_wait3A_674 = tpu.memref_squeeze %dma_wait3A_673 : memref<1x128xi32, #tpu.memory_space<vmem>> -> memref<128xi32, #tpu.memory_space<vmem>>
      %dma_wait3A_675 = arith.constant 0 : i32
      %dma_wait3A_676 = arith.constant 0 : i32
      %dma_wait3A_677 = tpu.memref_slice %arg3[%dma_wait3A_675, %dma_wait3A_676] : memref<8192x16xf32, #tpu.memory_space<hbm>> -> memref<8192x16xf32, #tpu.memory_space<hbm>>
      tpu.wait_indirect_dma semaphore(%arg9 : memref<!tpu.dma_semaphore, #tpu.memory_space<semaphore_mem>>) src(%dma_wait3A_677 : memref<8192x16xf32, #tpu.memory_space<hbm>>) dst(%dma_wait3A_671 : memref<128x16xf32, #tpu.memory_space<vmem>>)
      %dma_wait3A_678 = arith.constant 1 : i32
      %dma_wait3A_679 = arith.constant 1 : i32
      %dma_wait3A_680 = arith.constant 384 : i32
      %dma_wait3A_681 = arith.constant 0 : i32
      %dma_wait3A_682 = tpu.memref_slice %arg6[%dma_wait3A_679, %dma_wait3A_680, %dma_wait3A_681] : memref<4x1600x16xf32, #tpu.memory_space<vmem>> -> memref<1x128x16xf32, #tpu.memory_space<vmem>>
      %dma_wait3A_683 = tpu.memref_squeeze %dma_wait3A_682 : memref<1x128x16xf32, #tpu.memory_space<vmem>> -> memref<128x16xf32, #tpu.memory_space<vmem>>
      %dma_wait3A_684 = arith.constant 384 : i32
      %dma_wait3A_685 = tpu.memref_slice %arg5[%dma_wait3A_678, %dma_wait3A_684] : memref<4x1600xi32, #tpu.memory_space<vmem>> -> memref<1x128xi32, #tpu.memory_space<vmem>>
      %dma_wait3A_686 = tpu.memref_squeeze %dma_wait3A_685 : memref<1x128xi32, #tpu.memory_space<vmem>> -> memref<128xi32, #tpu.memory_space<vmem>>
      %dma_wait3A_687 = arith.constant 0 : i32
      %dma_wait3A_688 = arith.constant 0 : i32
      %dma_wait3A_689 = tpu.memref_slice %arg3[%dma_wait3A_687, %dma_wait3A_688] : memref<8192x16xf32, #tpu.memory_space<hbm>> -> memref<8192x16xf32, #tpu.memory_space<hbm>>
      tpu.wait_indirect_dma semaphore(%arg9 : memref<!tpu.dma_semaphore, #tpu.memory_space<semaphore_mem>>) src(%dma_wait3A_689 : memref<8192x16xf32, #tpu.memory_space<hbm>>) dst(%dma_wait3A_683 : memref<128x16xf32, #tpu.memory_space<vmem>>)
      %dma_wait3A_690 = arith.constant 1 : i32
      %dma_wait3A_691 = arith.constant 1 : i32
      %dma_wait3A_692 = arith.constant 512 : i32
      %dma_wait3A_693 = arith.constant 0 : i32
      %dma_wait3A_694 = tpu.memref_slice %arg6[%dma_wait3A_691, %dma_wait3A_692, %dma_wait3A_693] : memref<4x1600x16xf32, #tpu.memory_space<vmem>> -> memref<1x128x16xf32, #tpu.memory_space<vmem>>
      %dma_wait3A_695 = tpu.memref_squeeze %dma_wait3A_694 : memref<1x128x16xf32, #tpu.memory_space<vmem>> -> memref<128x16xf32, #tpu.memory_space<vmem>>
      %dma_wait3A_696 = arith.constant 512 : i32
      %dma_wait3A_697 = tpu.memref_slice %arg5[%dma_wait3A_690, %dma_wait3A_696] : memref<4x1600xi32, #tpu.memory_space<vmem>> -> memref<1x128xi32, #tpu.memory_space<vmem>>
      %dma_wait3A_698 = tpu.memref_squeeze %dma_wait3A_697 : memref<1x128xi32, #tpu.memory_space<vmem>> -> memref<128xi32, #tpu.memory_space<vmem>>
      %dma_wait3A_699 = arith.constant 0 : i32
      %dma_wait3A_700 = arith.constant 0 : i32
      %dma_wait3A_701 = tpu.memref_slice %arg3[%dma_wait3A_699, %dma_wait3A_700] : memref<8192x16xf32, #tpu.memory_space<hbm>> -> memref<8192x16xf32, #tpu.memory_space<hbm>>
      tpu.wait_indirect_dma semaphore(%arg9 : memref<!tpu.dma_semaphore, #tpu.memory_space<semaphore_mem>>) src(%dma_wait3A_701 : memref<8192x16xf32, #tpu.memory_space<hbm>>) dst(%dma_wait3A_695 : memref<128x16xf32, #tpu.memory_space<vmem>>)
      %dma_wait3A_702 = arith.constant 1 : i32
      %dma_wait3A_703 = arith.constant 1 : i32
      %dma_wait3A_704 = arith.constant 640 : i32
      %dma_wait3A_705 = arith.constant 0 : i32
      %dma_wait3A_706 = tpu.memref_slice %arg6[%dma_wait3A_703, %dma_wait3A_704, %dma_wait3A_705] : memref<4x1600x16xf32, #tpu.memory_space<vmem>> -> memref<1x128x16xf32, #tpu.memory_space<vmem>>
      %dma_wait3A_707 = tpu.memref_squeeze %dma_wait3A_706 : memref<1x128x16xf32, #tpu.memory_space<vmem>> -> memref<128x16xf32, #tpu.memory_space<vmem>>
      %dma_wait3A_708 = arith.constant 640 : i32
      %dma_wait3A_709 = tpu.memref_slice %arg5[%dma_wait3A_702, %dma_wait3A_708] : memref<4x1600xi32, #tpu.memory_space<vmem>> -> memref<1x128xi32, #tpu.memory_space<vmem>>
      %dma_wait3A_710 = tpu.memref_squeeze %dma_wait3A_709 : memref<1x128xi32, #tpu.memory_space<vmem>> -> memref<128xi32, #tpu.memory_space<vmem>>
      %dma_wait3A_711 = arith.constant 0 : i32
      %dma_wait3A_712 = arith.constant 0 : i32
      %dma_wait3A_713 = tpu.memref_slice %arg3[%dma_wait3A_711, %dma_wait3A_712] : memref<8192x16xf32, #tpu.memory_space<hbm>> -> memref<8192x16xf32, #tpu.memory_space<hbm>>
      tpu.wait_indirect_dma semaphore(%arg9 : memref<!tpu.dma_semaphore, #tpu.memory_space<semaphore_mem>>) src(%dma_wait3A_713 : memref<8192x16xf32, #tpu.memory_space<hbm>>) dst(%dma_wait3A_707 : memref<128x16xf32, #tpu.memory_space<vmem>>)
      %dma_wait3A_714 = arith.constant 1 : i32
      %dma_wait3A_715 = arith.constant 1 : i32
      %dma_wait3A_716 = arith.constant 768 : i32
      %dma_wait3A_717 = arith.constant 0 : i32
      %dma_wait3A_718 = tpu.memref_slice %arg6[%dma_wait3A_715, %dma_wait3A_716, %dma_wait3A_717] : memref<4x1600x16xf32, #tpu.memory_space<vmem>> -> memref<1x128x16xf32, #tpu.memory_space<vmem>>
      %dma_wait3A_719 = tpu.memref_squeeze %dma_wait3A_718 : memref<1x128x16xf32, #tpu.memory_space<vmem>> -> memref<128x16xf32, #tpu.memory_space<vmem>>
      %dma_wait3A_720 = arith.constant 768 : i32
      %dma_wait3A_721 = tpu.memref_slice %arg5[%dma_wait3A_714, %dma_wait3A_720] : memref<4x1600xi32, #tpu.memory_space<vmem>> -> memref<1x128xi32, #tpu.memory_space<vmem>>
      %dma_wait3A_722 = tpu.memref_squeeze %dma_wait3A_721 : memref<1x128xi32, #tpu.memory_space<vmem>> -> memref<128xi32, #tpu.memory_space<vmem>>
      %dma_wait3A_723 = arith.constant 0 : i32
      %dma_wait3A_724 = arith.constant 0 : i32
      %dma_wait3A_725 = tpu.memref_slice %arg3[%dma_wait3A_723, %dma_wait3A_724] : memref<8192x16xf32, #tpu.memory_space<hbm>> -> memref<8192x16xf32, #tpu.memory_space<hbm>>
      tpu.wait_indirect_dma semaphore(%arg9 : memref<!tpu.dma_semaphore, #tpu.memory_space<semaphore_mem>>) src(%dma_wait3A_725 : memref<8192x16xf32, #tpu.memory_space<hbm>>) dst(%dma_wait3A_719 : memref<128x16xf32, #tpu.memory_space<vmem>>)
      %dma_wait3A_726 = arith.constant 1 : i32
      %dma_wait3A_727 = arith.constant 1 : i32
      %dma_wait3A_728 = arith.constant 896 : i32
      %dma_wait3A_729 = arith.constant 0 : i32
      %dma_wait3A_730 = tpu.memref_slice %arg6[%dma_wait3A_727, %dma_wait3A_728, %dma_wait3A_729] : memref<4x1600x16xf32, #tpu.memory_space<vmem>> -> memref<1x128x16xf32, #tpu.memory_space<vmem>>
      %dma_wait3A_731 = tpu.memref_squeeze %dma_wait3A_730 : memref<1x128x16xf32, #tpu.memory_space<vmem>> -> memref<128x16xf32, #tpu.memory_space<vmem>>
      %dma_wait3A_732 = arith.constant 896 : i32
      %dma_wait3A_733 = tpu.memref_slice %arg5[%dma_wait3A_726, %dma_wait3A_732] : memref<4x1600xi32, #tpu.memory_space<vmem>> -> memref<1x128xi32, #tpu.memory_space<vmem>>
      %dma_wait3A_734 = tpu.memref_squeeze %dma_wait3A_733 : memref<1x128xi32, #tpu.memory_space<vmem>> -> memref<128xi32, #tpu.memory_space<vmem>>
      %dma_wait3A_735 = arith.constant 0 : i32
      %dma_wait3A_736 = arith.constant 0 : i32
      %dma_wait3A_737 = tpu.memref_slice %arg3[%dma_wait3A_735, %dma_wait3A_736] : memref<8192x16xf32, #tpu.memory_space<hbm>> -> memref<8192x16xf32, #tpu.memory_space<hbm>>
      tpu.wait_indirect_dma semaphore(%arg9 : memref<!tpu.dma_semaphore, #tpu.memory_space<semaphore_mem>>) src(%dma_wait3A_737 : memref<8192x16xf32, #tpu.memory_space<hbm>>) dst(%dma_wait3A_731 : memref<128x16xf32, #tpu.memory_space<vmem>>)
      %dma_wait3A_738 = arith.constant 1 : i32
      %dma_wait3A_739 = arith.constant 1 : i32
      %dma_wait3A_740 = arith.constant 1024 : i32
      %dma_wait3A_741 = arith.constant 0 : i32
      %dma_wait3A_742 = tpu.memref_slice %arg6[%dma_wait3A_739, %dma_wait3A_740, %dma_wait3A_741] : memref<4x1600x16xf32, #tpu.memory_space<vmem>> -> memref<1x128x16xf32, #tpu.memory_space<vmem>>
      %dma_wait3A_743 = tpu.memref_squeeze %dma_wait3A_742 : memref<1x128x16xf32, #tpu.memory_space<vmem>> -> memref<128x16xf32, #tpu.memory_space<vmem>>
      %dma_wait3A_744 = arith.constant 1024 : i32
      %dma_wait3A_745 = tpu.memref_slice %arg5[%dma_wait3A_738, %dma_wait3A_744] : memref<4x1600xi32, #tpu.memory_space<vmem>> -> memref<1x128xi32, #tpu.memory_space<vmem>>
      %dma_wait3A_746 = tpu.memref_squeeze %dma_wait3A_745 : memref<1x128xi32, #tpu.memory_space<vmem>> -> memref<128xi32, #tpu.memory_space<vmem>>
      %dma_wait3A_747 = arith.constant 0 : i32
      %dma_wait3A_748 = arith.constant 0 : i32
      %dma_wait3A_749 = tpu.memref_slice %arg3[%dma_wait3A_747, %dma_wait3A_748] : memref<8192x16xf32, #tpu.memory_space<hbm>> -> memref<8192x16xf32, #tpu.memory_space<hbm>>
      tpu.wait_indirect_dma semaphore(%arg9 : memref<!tpu.dma_semaphore, #tpu.memory_space<semaphore_mem>>) src(%dma_wait3A_749 : memref<8192x16xf32, #tpu.memory_space<hbm>>) dst(%dma_wait3A_743 : memref<128x16xf32, #tpu.memory_space<vmem>>)
      %dma_wait3A_750 = arith.constant 1 : i32
      %dma_wait3A_751 = arith.constant 1 : i32
      %dma_wait3A_752 = arith.constant 1152 : i32
      %dma_wait3A_753 = arith.constant 0 : i32
      %dma_wait3A_754 = tpu.memref_slice %arg6[%dma_wait3A_751, %dma_wait3A_752, %dma_wait3A_753] : memref<4x1600x16xf32, #tpu.memory_space<vmem>> -> memref<1x128x16xf32, #tpu.memory_space<vmem>>
      %dma_wait3A_755 = tpu.memref_squeeze %dma_wait3A_754 : memref<1x128x16xf32, #tpu.memory_space<vmem>> -> memref<128x16xf32, #tpu.memory_space<vmem>>
      %dma_wait3A_756 = arith.constant 1152 : i32
      %dma_wait3A_757 = tpu.memref_slice %arg5[%dma_wait3A_750, %dma_wait3A_756] : memref<4x1600xi32, #tpu.memory_space<vmem>> -> memref<1x128xi32, #tpu.memory_space<vmem>>
      %dma_wait3A_758 = tpu.memref_squeeze %dma_wait3A_757 : memref<1x128xi32, #tpu.memory_space<vmem>> -> memref<128xi32, #tpu.memory_space<vmem>>
      %dma_wait3A_759 = arith.constant 0 : i32
      %dma_wait3A_760 = arith.constant 0 : i32
      %dma_wait3A_761 = tpu.memref_slice %arg3[%dma_wait3A_759, %dma_wait3A_760] : memref<8192x16xf32, #tpu.memory_space<hbm>> -> memref<8192x16xf32, #tpu.memory_space<hbm>>
      tpu.wait_indirect_dma semaphore(%arg9 : memref<!tpu.dma_semaphore, #tpu.memory_space<semaphore_mem>>) src(%dma_wait3A_761 : memref<8192x16xf32, #tpu.memory_space<hbm>>) dst(%dma_wait3A_755 : memref<128x16xf32, #tpu.memory_space<vmem>>)
      %dma_wait3A_762 = arith.constant 1 : i32
      %dma_wait3A_763 = arith.constant 1 : i32
      %dma_wait3A_764 = arith.constant 1280 : i32
      %dma_wait3A_765 = arith.constant 0 : i32
      %dma_wait3A_766 = tpu.memref_slice %arg6[%dma_wait3A_763, %dma_wait3A_764, %dma_wait3A_765] : memref<4x1600x16xf32, #tpu.memory_space<vmem>> -> memref<1x128x16xf32, #tpu.memory_space<vmem>>
      %dma_wait3A_767 = tpu.memref_squeeze %dma_wait3A_766 : memref<1x128x16xf32, #tpu.memory_space<vmem>> -> memref<128x16xf32, #tpu.memory_space<vmem>>
      %dma_wait3A_768 = arith.constant 1280 : i32
      %dma_wait3A_769 = tpu.memref_slice %arg5[%dma_wait3A_762, %dma_wait3A_768] : memref<4x1600xi32, #tpu.memory_space<vmem>> -> memref<1x128xi32, #tpu.memory_space<vmem>>
      %dma_wait3A_770 = tpu.memref_squeeze %dma_wait3A_769 : memref<1x128xi32, #tpu.memory_space<vmem>> -> memref<128xi32, #tpu.memory_space<vmem>>
      %dma_wait3A_771 = arith.constant 0 : i32
      %dma_wait3A_772 = arith.constant 0 : i32
      %dma_wait3A_773 = tpu.memref_slice %arg3[%dma_wait3A_771, %dma_wait3A_772] : memref<8192x16xf32, #tpu.memory_space<hbm>> -> memref<8192x16xf32, #tpu.memory_space<hbm>>
      tpu.wait_indirect_dma semaphore(%arg9 : memref<!tpu.dma_semaphore, #tpu.memory_space<semaphore_mem>>) src(%dma_wait3A_773 : memref<8192x16xf32, #tpu.memory_space<hbm>>) dst(%dma_wait3A_767 : memref<128x16xf32, #tpu.memory_space<vmem>>)
      %dma_wait3A_774 = arith.constant 1 : i32
      %dma_wait3A_775 = arith.constant 1 : i32
      %dma_wait3A_776 = arith.constant 1408 : i32
      %dma_wait3A_777 = arith.constant 0 : i32
      %dma_wait3A_778 = tpu.memref_slice %arg6[%dma_wait3A_775, %dma_wait3A_776, %dma_wait3A_777] : memref<4x1600x16xf32, #tpu.memory_space<vmem>> -> memref<1x128x16xf32, #tpu.memory_space<vmem>>
      %dma_wait3A_779 = tpu.memref_squeeze %dma_wait3A_778 : memref<1x128x16xf32, #tpu.memory_space<vmem>> -> memref<128x16xf32, #tpu.memory_space<vmem>>
      %dma_wait3A_780 = arith.constant 1408 : i32
      %dma_wait3A_781 = tpu.memref_slice %arg5[%dma_wait3A_774, %dma_wait3A_780] : memref<4x1600xi32, #tpu.memory_space<vmem>> -> memref<1x128xi32, #tpu.memory_space<vmem>>
      %dma_wait3A_782 = tpu.memref_squeeze %dma_wait3A_781 : memref<1x128xi32, #tpu.memory_space<vmem>> -> memref<128xi32, #tpu.memory_space<vmem>>
      %dma_wait3A_783 = arith.constant 0 : i32
      %dma_wait3A_784 = arith.constant 0 : i32
      %dma_wait3A_785 = tpu.memref_slice %arg3[%dma_wait3A_783, %dma_wait3A_784] : memref<8192x16xf32, #tpu.memory_space<hbm>> -> memref<8192x16xf32, #tpu.memory_space<hbm>>
      tpu.wait_indirect_dma semaphore(%arg9 : memref<!tpu.dma_semaphore, #tpu.memory_space<semaphore_mem>>) src(%dma_wait3A_785 : memref<8192x16xf32, #tpu.memory_space<hbm>>) dst(%dma_wait3A_779 : memref<128x16xf32, #tpu.memory_space<vmem>>)
      %dma_wait3A_786 = arith.constant 1 : i32
      %dma_wait3A_787 = arith.constant 1 : i32
      %dma_wait3A_788 = arith.constant 1536 : i32
      %dma_wait3A_789 = arith.constant 0 : i32
      %dma_wait3A_790 = tpu.memref_slice %arg6[%dma_wait3A_787, %dma_wait3A_788, %dma_wait3A_789] : memref<4x1600x16xf32, #tpu.memory_space<vmem>> -> memref<1x64x16xf32, #tpu.memory_space<vmem>>
      %dma_wait3A_791 = tpu.memref_squeeze %dma_wait3A_790 : memref<1x64x16xf32, #tpu.memory_space<vmem>> -> memref<64x16xf32, #tpu.memory_space<vmem>>
      %dma_wait3A_792 = arith.constant 1536 : i32
      %dma_wait3A_793 = tpu.memref_slice %arg5[%dma_wait3A_786, %dma_wait3A_792] : memref<4x1600xi32, #tpu.memory_space<vmem>> -> memref<1x64xi32, #tpu.memory_space<vmem>>
      %dma_wait3A_794 = tpu.memref_squeeze %dma_wait3A_793 : memref<1x64xi32, #tpu.memory_space<vmem>> -> memref<64xi32, #tpu.memory_space<vmem>>
      %dma_wait3A_795 = arith.constant 0 : i32
      %dma_wait3A_796 = arith.constant 0 : i32
      %dma_wait3A_797 = tpu.memref_slice %arg3[%dma_wait3A_795, %dma_wait3A_796] : memref<8192x16xf32, #tpu.memory_space<hbm>> -> memref<8192x16xf32, #tpu.memory_space<hbm>>
      tpu.wait_indirect_dma semaphore(%arg9 : memref<!tpu.dma_semaphore, #tpu.memory_space<semaphore_mem>>) src(%dma_wait3A_797 : memref<8192x16xf32, #tpu.memory_space<hbm>>) dst(%dma_wait3A_791 : memref<64x16xf32, #tpu.memory_space<vmem>>)
      %mul3A_798 = arith.constant 1600 : i32
      %mul3A_799 = arith.muli %add3A_463, %mul3A_798 : i32
      %add3A_800 = arith.addi %mul3A_2, %mul3A_799 : i32
      %dma_start3A_801 = arith.constant 1 : i32
      %dma_start3A_802 = arith.constant 1 : i32
      %dma_start3A_803 = arith.constant 0 : i32
      %dma_start3A_804 = arith.constant 0 : i32
      %dma_start3A_805 = tpu.memref_slice %arg6[%dma_start3A_801, %dma_start3A_803, %dma_start3A_804] : memref<4x1600x16xf32, #tpu.memory_space<vmem>> -> memref<1x1600x16xf32, #tpu.memory_space<vmem>>
      %dma_start3A_806 = tpu.memref_squeeze %dma_start3A_805 : memref<1x1600x16xf32, #tpu.memory_space<vmem>> -> memref<1600x16xf32, #tpu.memory_space<vmem>>
      %dma_start3A_807 = arith.constant 0 : i32
      %dma_start3A_808 = tpu.memref_slice %arg4[%add3A_800, %dma_start3A_807] : memref<1638400x16xf32, #tpu.memory_space<hbm>> -> memref<1600x16xf32, #tpu.memory_space<hbm>>
      %dma_start3A_809 = tpu.memref_slice %arg8[%dma_start3A_802] : memref<4x!tpu.dma_semaphore, #tpu.memory_space<semaphore_mem>> -> memref<1x!tpu.dma_semaphore, #tpu.memory_space<semaphore_mem>>
      %dma_start3A_810 = tpu.memref_squeeze %dma_start3A_809 : memref<1x!tpu.dma_semaphore, #tpu.memory_space<semaphore_mem>> -> memref<!tpu.dma_semaphore, #tpu.memory_space<semaphore_mem>>
      %dma_start3A_811 = arith.constant 0 : i32
      %dma_start3A_812 = tpu.memref_slice %arg4[%add3A_800, %dma_start3A_811] : memref<1638400x16xf32, #tpu.memory_space<hbm>> -> memref<1600x16xf32, #tpu.memory_space<hbm>>
      %dma_start3A_813 = arith.constant 0 : i32
      %dma_start3A_814 = arith.constant 0 : i32
      %dma_start3A_815 = tpu.memref_slice %arg6[%dma_start3A_801, %dma_start3A_813, %dma_start3A_814] : memref<4x1600x16xf32, #tpu.memory_space<vmem>> -> memref<1x1600x16xf32, #tpu.memory_space<vmem>>
      %dma_start3A_816 = tpu.memref_squeeze %dma_start3A_815 : memref<1x1600x16xf32, #tpu.memory_space<vmem>> -> memref<1600x16xf32, #tpu.memory_space<vmem>>
      tpu.enqueue_dma source(%dma_start3A_816 : memref<1600x16xf32, #tpu.memory_space<vmem>>) target(%dma_start3A_812 : memref<1600x16xf32, #tpu.memory_space<hbm>>) target_semaphore(%dma_start3A_810 : memref<!tpu.dma_semaphore, #tpu.memory_space<semaphore_mem>>)
      %add3A_817 = arith.constant 2 : i32
      %add3A_818 = arith.addi %add3A_109, %add3A_817 : i32
      %add3A_819 = arith.constant 2 : i32
      %add3A_820 = arith.addi %add3A_818, %add3A_819 : i32
      %lt3A_821 = arith.constant 32 : i32
      %lt3A_822 = arith.cmpi slt, %add3A_820, %lt3A_821 : i32
      %convert_element_type3A_823 = arith.extui %lt3A_822 : i1 to i32
      %cond3A_824 = arith.constant 0 : i32
      %cond3A_825 = arith.cmpi ne, %convert_element_type3A_823, %cond3A_824 : i32
      scf.if %cond3A_825 {
        %ge3A = arith.constant 2 : i32
        %ge3A_1527 = arith.cmpi sge, %add3A_818, %ge3A : i32
        %convert_element_type3A_1528 = arith.extui %ge3A_1527 : i1 to i32
        %cond3A_1529 = arith.constant 0 : i32
        %cond3A_1530 = arith.cmpi ne, %convert_element_type3A_1528, %cond3A_1529 : i32
        scf.if %cond3A_1530 {
          %sub3A = arith.constant 2 : i32
          %sub3A_1546 = arith.subi %add3A_818, %sub3A : i32
          %mul3A_1547 = arith.constant 1600 : i32
          %mul3A_1548 = arith.muli %sub3A_1546, %mul3A_1547 : i32
          %add3A_1549 = arith.addi %mul3A_2, %mul3A_1548 : i32
          %dma_wait3A_1550 = arith.constant 0 : i32
          %dma_wait3A_1551 = arith.constant 0 : i32
          %dma_wait3A_1552 = arith.constant 0 : i32
          %dma_wait3A_1553 = arith.constant 0 : i32
          %dma_wait3A_1554 = tpu.memref_slice %arg6[%dma_wait3A_1550, %dma_wait3A_1552, %dma_wait3A_1553] : memref<4x1600x16xf32, #tpu.memory_space<vmem>> -> memref<1x1600x16xf32, #tpu.memory_space<vmem>>
          %dma_wait3A_1555 = tpu.memref_squeeze %dma_wait3A_1554 : memref<1x1600x16xf32, #tpu.memory_space<vmem>> -> memref<1600x16xf32, #tpu.memory_space<vmem>>
          %dma_wait3A_1556 = arith.constant 0 : i32
          %dma_wait3A_1557 = tpu.memref_slice %arg4[%add3A_1549, %dma_wait3A_1556] : memref<1638400x16xf32, #tpu.memory_space<hbm>> -> memref<1600x16xf32, #tpu.memory_space<hbm>>
          %dma_wait3A_1558 = tpu.memref_slice %arg8[%dma_wait3A_1551] : memref<4x!tpu.dma_semaphore, #tpu.memory_space<semaphore_mem>> -> memref<1x!tpu.dma_semaphore, #tpu.memory_space<semaphore_mem>>
          %dma_wait3A_1559 = tpu.memref_squeeze %dma_wait3A_1558 : memref<1x!tpu.dma_semaphore, #tpu.memory_space<semaphore_mem>> -> memref<!tpu.dma_semaphore, #tpu.memory_space<semaphore_mem>>
          %dma_wait3A_1560 = arith.constant 0 : i32
          %dma_wait3A_1561 = tpu.memref_slice %arg4[%add3A_1549, %dma_wait3A_1560] : memref<1638400x16xf32, #tpu.memory_space<hbm>> -> memref<1600x16xf32, #tpu.memory_space<hbm>>
          %dma_wait3A_1562 = arith.constant 0 : i32
          %dma_wait3A_1563 = arith.constant 0 : i32
          %dma_wait3A_1564 = tpu.memref_slice %arg6[%dma_wait3A_1550, %dma_wait3A_1562, %dma_wait3A_1563] : memref<4x1600x16xf32, #tpu.memory_space<vmem>> -> memref<1x1600x16xf32, #tpu.memory_space<vmem>>
          %dma_wait3A_1565 = tpu.memref_squeeze %dma_wait3A_1564 : memref<1x1600x16xf32, #tpu.memory_space<vmem>> -> memref<1600x16xf32, #tpu.memory_space<vmem>>
          tpu.wait_dma2 semaphore(%dma_wait3A_1559 : memref<!tpu.dma_semaphore, #tpu.memory_space<semaphore_mem>>) src(%dma_wait3A_1565 : memref<1600x16xf32, #tpu.memory_space<vmem>>) dst(%dma_wait3A_1561 : memref<1600x16xf32, #tpu.memory_space<hbm>>)
        } else {
        }
        %mul3A_1531 = arith.constant 1600 : i32
        %mul3A_1532 = arith.muli %add3A_820, %mul3A_1531 : i32
        %add3A_1533 = arith.addi %mul3A_2, %mul3A_1532 : i32
        %dma_start3A_1534 = arith.constant 0 : i32
        %dma_start3A_1535 = arith.constant 0 : i32
        %dma_start3A_1536 = arith.constant 0 : i32
        %dma_start3A_1537 = tpu.memref_slice %arg5[%dma_start3A_1534, %dma_start3A_1536] : memref<4x1600xi32, #tpu.memory_space<vmem>> -> memref<1x1600xi32, #tpu.memory_space<vmem>>
        %dma_start3A_1538 = tpu.memref_squeeze %dma_start3A_1537 : memref<1x1600xi32, #tpu.memory_space<vmem>> -> memref<1600xi32, #tpu.memory_space<vmem>>
        %dma_start3A_1539 = tpu.memref_slice %arg2[%add3A_1533] : memref<1638400xi32, #tpu.memory_space<hbm>> -> memref<1600xi32, #tpu.memory_space<hbm>>
        %dma_start3A_1540 = tpu.memref_slice %arg7[%dma_start3A_1535] : memref<4x!tpu.dma_semaphore, #tpu.memory_space<semaphore_mem>> -> memref<1x!tpu.dma_semaphore, #tpu.memory_space<semaphore_mem>>
        %dma_start3A_1541 = tpu.memref_squeeze %dma_start3A_1540 : memref<1x!tpu.dma_semaphore, #tpu.memory_space<semaphore_mem>> -> memref<!tpu.dma_semaphore, #tpu.memory_space<semaphore_mem>>
        %dma_start3A_1542 = arith.constant 0 : i32
        %dma_start3A_1543 = tpu.memref_slice %arg5[%dma_start3A_1534, %dma_start3A_1542] : memref<4x1600xi32, #tpu.memory_space<vmem>> -> memref<1x1600xi32, #tpu.memory_space<vmem>>
        %dma_start3A_1544 = tpu.memref_squeeze %dma_start3A_1543 : memref<1x1600xi32, #tpu.memory_space<vmem>> -> memref<1600xi32, #tpu.memory_space<vmem>>
        %dma_start3A_1545 = tpu.memref_slice %arg2[%add3A_1533] : memref<1638400xi32, #tpu.memory_space<hbm>> -> memref<1600xi32, #tpu.memory_space<hbm>>
        tpu.enqueue_dma source(%dma_start3A_1545 : memref<1600xi32, #tpu.memory_space<hbm>>) target(%dma_start3A_1544 : memref<1600xi32, #tpu.memory_space<vmem>>) target_semaphore(%dma_start3A_1541 : memref<!tpu.dma_semaphore, #tpu.memory_space<semaphore_mem>>)
      } else {
      }
      %mul3A_826 = arith.constant 1600 : i32
      %mul3A_827 = arith.muli %add3A_818, %mul3A_826 : i32
      %add3A_828 = arith.addi %mul3A_2, %mul3A_827 : i32
      %dma_wait3A_829 = arith.constant 2 : i32
      %dma_wait3A_830 = arith.constant 2 : i32
      %dma_wait3A_831 = arith.constant 0 : i32
      %dma_wait3A_832 = tpu.memref_slice %arg5[%dma_wait3A_829, %dma_wait3A_831] : memref<4x1600xi32, #tpu.memory_space<vmem>> -> memref<1x1600xi32, #tpu.memory_space<vmem>>
      %dma_wait3A_833 = tpu.memref_squeeze %dma_wait3A_832 : memref<1x1600xi32, #tpu.memory_space<vmem>> -> memref<1600xi32, #tpu.memory_space<vmem>>
      %dma_wait3A_834 = tpu.memref_slice %arg2[%add3A_828] : memref<1638400xi32, #tpu.memory_space<hbm>> -> memref<1600xi32, #tpu.memory_space<hbm>>
      %dma_wait3A_835 = tpu.memref_slice %arg7[%dma_wait3A_830] : memref<4x!tpu.dma_semaphore, #tpu.memory_space<semaphore_mem>> -> memref<1x!tpu.dma_semaphore, #tpu.memory_space<semaphore_mem>>
      %dma_wait3A_836 = tpu.memref_squeeze %dma_wait3A_835 : memref<1x!tpu.dma_semaphore, #tpu.memory_space<semaphore_mem>> -> memref<!tpu.dma_semaphore, #tpu.memory_space<semaphore_mem>>
      %dma_wait3A_837 = arith.constant 0 : i32
      %dma_wait3A_838 = tpu.memref_slice %arg5[%dma_wait3A_829, %dma_wait3A_837] : memref<4x1600xi32, #tpu.memory_space<vmem>> -> memref<1x1600xi32, #tpu.memory_space<vmem>>
      %dma_wait3A_839 = tpu.memref_squeeze %dma_wait3A_838 : memref<1x1600xi32, #tpu.memory_space<vmem>> -> memref<1600xi32, #tpu.memory_space<vmem>>
      %dma_wait3A_840 = tpu.memref_slice %arg2[%add3A_828] : memref<1638400xi32, #tpu.memory_space<hbm>> -> memref<1600xi32, #tpu.memory_space<hbm>>
      tpu.wait_dma2 semaphore(%dma_wait3A_836 : memref<!tpu.dma_semaphore, #tpu.memory_space<semaphore_mem>>) src(%dma_wait3A_840 : memref<1600xi32, #tpu.memory_space<hbm>>) dst(%dma_wait3A_839 : memref<1600xi32, #tpu.memory_space<vmem>>)
      %dma_start3A_841 = arith.constant 2 : i32
      %dma_start3A_842 = arith.constant 2 : i32
      %dma_start3A_843 = arith.constant 0 : i32
      %dma_start3A_844 = arith.constant 0 : i32
      %dma_start3A_845 = tpu.memref_slice %arg6[%dma_start3A_842, %dma_start3A_843, %dma_start3A_844] : memref<4x1600x16xf32, #tpu.memory_space<vmem>> -> memref<1x128x16xf32, #tpu.memory_space<vmem>>
      %dma_start3A_846 = tpu.memref_squeeze %dma_start3A_845 : memref<1x128x16xf32, #tpu.memory_space<vmem>> -> memref<128x16xf32, #tpu.memory_space<vmem>>
      %dma_start3A_847 = arith.constant 0 : i32
      %dma_start3A_848 = tpu.memref_slice %arg5[%dma_start3A_841, %dma_start3A_847] : memref<4x1600xi32, #tpu.memory_space<vmem>> -> memref<1x128xi32, #tpu.memory_space<vmem>>
      %dma_start3A_849 = tpu.memref_squeeze %dma_start3A_848 : memref<1x128xi32, #tpu.memory_space<vmem>> -> memref<128xi32, #tpu.memory_space<vmem>>
      %dma_start3A_850 = arith.constant 0 : i32
      %dma_start3A_851 = arith.constant 0 : i32
      %dma_start3A_852 = tpu.memref_slice %arg3[%dma_start3A_850, %dma_start3A_851] : memref<8192x16xf32, #tpu.memory_space<hbm>> -> memref<8192x16xf32, #tpu.memory_space<hbm>>
      tpu.enqueue_indirect_dma source(%dma_start3A_852 : memref<8192x16xf32, #tpu.memory_space<hbm>>) target(%dma_start3A_846 : memref<128x16xf32, #tpu.memory_space<vmem>>) offsets(%dma_start3A_849 : memref<128xi32, #tpu.memory_space<vmem>>) semaphore(%arg9 : memref<!tpu.dma_semaphore, #tpu.memory_space<semaphore_mem>>)
      %dma_start3A_853 = arith.constant 2 : i32
      %dma_start3A_854 = arith.constant 2 : i32
      %dma_start3A_855 = arith.constant 128 : i32
      %dma_start3A_856 = arith.constant 0 : i32
      %dma_start3A_857 = tpu.memref_slice %arg6[%dma_start3A_854, %dma_start3A_855, %dma_start3A_856] : memref<4x1600x16xf32, #tpu.memory_space<vmem>> -> memref<1x128x16xf32, #tpu.memory_space<vmem>>
      %dma_start3A_858 = tpu.memref_squeeze %dma_start3A_857 : memref<1x128x16xf32, #tpu.memory_space<vmem>> -> memref<128x16xf32, #tpu.memory_space<vmem>>
      %dma_start3A_859 = arith.constant 128 : i32
      %dma_start3A_860 = tpu.memref_slice %arg5[%dma_start3A_853, %dma_start3A_859] : memref<4x1600xi32, #tpu.memory_space<vmem>> -> memref<1x128xi32, #tpu.memory_space<vmem>>
      %dma_start3A_861 = tpu.memref_squeeze %dma_start3A_860 : memref<1x128xi32, #tpu.memory_space<vmem>> -> memref<128xi32, #tpu.memory_space<vmem>>
      %dma_start3A_862 = arith.constant 0 : i32
      %dma_start3A_863 = arith.constant 0 : i32
      %dma_start3A_864 = tpu.memref_slice %arg3[%dma_start3A_862, %dma_start3A_863] : memref<8192x16xf32, #tpu.memory_space<hbm>> -> memref<8192x16xf32, #tpu.memory_space<hbm>>
      tpu.enqueue_indirect_dma source(%dma_start3A_864 : memref<8192x16xf32, #tpu.memory_space<hbm>>) target(%dma_start3A_858 : memref<128x16xf32, #tpu.memory_space<vmem>>) offsets(%dma_start3A_861 : memref<128xi32, #tpu.memory_space<vmem>>) semaphore(%arg9 : memref<!tpu.dma_semaphore, #tpu.memory_space<semaphore_mem>>)
      %dma_start3A_865 = arith.constant 2 : i32
      %dma_start3A_866 = arith.constant 2 : i32
      %dma_start3A_867 = arith.constant 256 : i32
      %dma_start3A_868 = arith.constant 0 : i32
      %dma_start3A_869 = tpu.memref_slice %arg6[%dma_start3A_866, %dma_start3A_867, %dma_start3A_868] : memref<4x1600x16xf32, #tpu.memory_space<vmem>> -> memref<1x128x16xf32, #tpu.memory_space<vmem>>
      %dma_start3A_870 = tpu.memref_squeeze %dma_start3A_869 : memref<1x128x16xf32, #tpu.memory_space<vmem>> -> memref<128x16xf32, #tpu.memory_space<vmem>>
      %dma_start3A_871 = arith.constant 256 : i32
      %dma_start3A_872 = tpu.memref_slice %arg5[%dma_start3A_865, %dma_start3A_871] : memref<4x1600xi32, #tpu.memory_space<vmem>> -> memref<1x128xi32, #tpu.memory_space<vmem>>
      %dma_start3A_873 = tpu.memref_squeeze %dma_start3A_872 : memref<1x128xi32, #tpu.memory_space<vmem>> -> memref<128xi32, #tpu.memory_space<vmem>>
      %dma_start3A_874 = arith.constant 0 : i32
      %dma_start3A_875 = arith.constant 0 : i32
      %dma_start3A_876 = tpu.memref_slice %arg3[%dma_start3A_874, %dma_start3A_875] : memref<8192x16xf32, #tpu.memory_space<hbm>> -> memref<8192x16xf32, #tpu.memory_space<hbm>>
      tpu.enqueue_indirect_dma source(%dma_start3A_876 : memref<8192x16xf32, #tpu.memory_space<hbm>>) target(%dma_start3A_870 : memref<128x16xf32, #tpu.memory_space<vmem>>) offsets(%dma_start3A_873 : memref<128xi32, #tpu.memory_space<vmem>>) semaphore(%arg9 : memref<!tpu.dma_semaphore, #tpu.memory_space<semaphore_mem>>)
      %dma_start3A_877 = arith.constant 2 : i32
      %dma_start3A_878 = arith.constant 2 : i32
      %dma_start3A_879 = arith.constant 384 : i32
      %dma_start3A_880 = arith.constant 0 : i32
      %dma_start3A_881 = tpu.memref_slice %arg6[%dma_start3A_878, %dma_start3A_879, %dma_start3A_880] : memref<4x1600x16xf32, #tpu.memory_space<vmem>> -> memref<1x128x16xf32, #tpu.memory_space<vmem>>
      %dma_start3A_882 = tpu.memref_squeeze %dma_start3A_881 : memref<1x128x16xf32, #tpu.memory_space<vmem>> -> memref<128x16xf32, #tpu.memory_space<vmem>>
      %dma_start3A_883 = arith.constant 384 : i32
      %dma_start3A_884 = tpu.memref_slice %arg5[%dma_start3A_877, %dma_start3A_883] : memref<4x1600xi32, #tpu.memory_space<vmem>> -> memref<1x128xi32, #tpu.memory_space<vmem>>
      %dma_start3A_885 = tpu.memref_squeeze %dma_start3A_884 : memref<1x128xi32, #tpu.memory_space<vmem>> -> memref<128xi32, #tpu.memory_space<vmem>>
      %dma_start3A_886 = arith.constant 0 : i32
      %dma_start3A_887 = arith.constant 0 : i32
      %dma_start3A_888 = tpu.memref_slice %arg3[%dma_start3A_886, %dma_start3A_887] : memref<8192x16xf32, #tpu.memory_space<hbm>> -> memref<8192x16xf32, #tpu.memory_space<hbm>>
      tpu.enqueue_indirect_dma source(%dma_start3A_888 : memref<8192x16xf32, #tpu.memory_space<hbm>>) target(%dma_start3A_882 : memref<128x16xf32, #tpu.memory_space<vmem>>) offsets(%dma_start3A_885 : memref<128xi32, #tpu.memory_space<vmem>>) semaphore(%arg9 : memref<!tpu.dma_semaphore, #tpu.memory_space<semaphore_mem>>)
      %dma_start3A_889 = arith.constant 2 : i32
      %dma_start3A_890 = arith.constant 2 : i32
      %dma_start3A_891 = arith.constant 512 : i32
      %dma_start3A_892 = arith.constant 0 : i32
      %dma_start3A_893 = tpu.memref_slice %arg6[%dma_start3A_890, %dma_start3A_891, %dma_start3A_892] : memref<4x1600x16xf32, #tpu.memory_space<vmem>> -> memref<1x128x16xf32, #tpu.memory_space<vmem>>
      %dma_start3A_894 = tpu.memref_squeeze %dma_start3A_893 : memref<1x128x16xf32, #tpu.memory_space<vmem>> -> memref<128x16xf32, #tpu.memory_space<vmem>>
      %dma_start3A_895 = arith.constant 512 : i32
      %dma_start3A_896 = tpu.memref_slice %arg5[%dma_start3A_889, %dma_start3A_895] : memref<4x1600xi32, #tpu.memory_space<vmem>> -> memref<1x128xi32, #tpu.memory_space<vmem>>
      %dma_start3A_897 = tpu.memref_squeeze %dma_start3A_896 : memref<1x128xi32, #tpu.memory_space<vmem>> -> memref<128xi32, #tpu.memory_space<vmem>>
      %dma_start3A_898 = arith.constant 0 : i32
      %dma_start3A_899 = arith.constant 0 : i32
      %dma_start3A_900 = tpu.memref_slice %arg3[%dma_start3A_898, %dma_start3A_899] : memref<8192x16xf32, #tpu.memory_space<hbm>> -> memref<8192x16xf32, #tpu.memory_space<hbm>>
      tpu.enqueue_indirect_dma source(%dma_start3A_900 : memref<8192x16xf32, #tpu.memory_space<hbm>>) target(%dma_start3A_894 : memref<128x16xf32, #tpu.memory_space<vmem>>) offsets(%dma_start3A_897 : memref<128xi32, #tpu.memory_space<vmem>>) semaphore(%arg9 : memref<!tpu.dma_semaphore, #tpu.memory_space<semaphore_mem>>)
      %dma_start3A_901 = arith.constant 2 : i32
      %dma_start3A_902 = arith.constant 2 : i32
      %dma_start3A_903 = arith.constant 640 : i32
      %dma_start3A_904 = arith.constant 0 : i32
      %dma_start3A_905 = tpu.memref_slice %arg6[%dma_start3A_902, %dma_start3A_903, %dma_start3A_904] : memref<4x1600x16xf32, #tpu.memory_space<vmem>> -> memref<1x128x16xf32, #tpu.memory_space<vmem>>
      %dma_start3A_906 = tpu.memref_squeeze %dma_start3A_905 : memref<1x128x16xf32, #tpu.memory_space<vmem>> -> memref<128x16xf32, #tpu.memory_space<vmem>>
      %dma_start3A_907 = arith.constant 640 : i32
      %dma_start3A_908 = tpu.memref_slice %arg5[%dma_start3A_901, %dma_start3A_907] : memref<4x1600xi32, #tpu.memory_space<vmem>> -> memref<1x128xi32, #tpu.memory_space<vmem>>
      %dma_start3A_909 = tpu.memref_squeeze %dma_start3A_908 : memref<1x128xi32, #tpu.memory_space<vmem>> -> memref<128xi32, #tpu.memory_space<vmem>>
      %dma_start3A_910 = arith.constant 0 : i32
      %dma_start3A_911 = arith.constant 0 : i32
      %dma_start3A_912 = tpu.memref_slice %arg3[%dma_start3A_910, %dma_start3A_911] : memref<8192x16xf32, #tpu.memory_space<hbm>> -> memref<8192x16xf32, #tpu.memory_space<hbm>>
      tpu.enqueue_indirect_dma source(%dma_start3A_912 : memref<8192x16xf32, #tpu.memory_space<hbm>>) target(%dma_start3A_906 : memref<128x16xf32, #tpu.memory_space<vmem>>) offsets(%dma_start3A_909 : memref<128xi32, #tpu.memory_space<vmem>>) semaphore(%arg9 : memref<!tpu.dma_semaphore, #tpu.memory_space<semaphore_mem>>)
      %dma_start3A_913 = arith.constant 2 : i32
      %dma_start3A_914 = arith.constant 2 : i32
      %dma_start3A_915 = arith.constant 768 : i32
      %dma_start3A_916 = arith.constant 0 : i32
      %dma_start3A_917 = tpu.memref_slice %arg6[%dma_start3A_914, %dma_start3A_915, %dma_start3A_916] : memref<4x1600x16xf32, #tpu.memory_space<vmem>> -> memref<1x128x16xf32, #tpu.memory_space<vmem>>
      %dma_start3A_918 = tpu.memref_squeeze %dma_start3A_917 : memref<1x128x16xf32, #tpu.memory_space<vmem>> -> memref<128x16xf32, #tpu.memory_space<vmem>>
      %dma_start3A_919 = arith.constant 768 : i32
      %dma_start3A_920 = tpu.memref_slice %arg5[%dma_start3A_913, %dma_start3A_919] : memref<4x1600xi32, #tpu.memory_space<vmem>> -> memref<1x128xi32, #tpu.memory_space<vmem>>
      %dma_start3A_921 = tpu.memref_squeeze %dma_start3A_920 : memref<1x128xi32, #tpu.memory_space<vmem>> -> memref<128xi32, #tpu.memory_space<vmem>>
      %dma_start3A_922 = arith.constant 0 : i32
      %dma_start3A_923 = arith.constant 0 : i32
      %dma_start3A_924 = tpu.memref_slice %arg3[%dma_start3A_922, %dma_start3A_923] : memref<8192x16xf32, #tpu.memory_space<hbm>> -> memref<8192x16xf32, #tpu.memory_space<hbm>>
      tpu.enqueue_indirect_dma source(%dma_start3A_924 : memref<8192x16xf32, #tpu.memory_space<hbm>>) target(%dma_start3A_918 : memref<128x16xf32, #tpu.memory_space<vmem>>) offsets(%dma_start3A_921 : memref<128xi32, #tpu.memory_space<vmem>>) semaphore(%arg9 : memref<!tpu.dma_semaphore, #tpu.memory_space<semaphore_mem>>)
      %dma_start3A_925 = arith.constant 2 : i32
      %dma_start3A_926 = arith.constant 2 : i32
      %dma_start3A_927 = arith.constant 896 : i32
      %dma_start3A_928 = arith.constant 0 : i32
      %dma_start3A_929 = tpu.memref_slice %arg6[%dma_start3A_926, %dma_start3A_927, %dma_start3A_928] : memref<4x1600x16xf32, #tpu.memory_space<vmem>> -> memref<1x128x16xf32, #tpu.memory_space<vmem>>
      %dma_start3A_930 = tpu.memref_squeeze %dma_start3A_929 : memref<1x128x16xf32, #tpu.memory_space<vmem>> -> memref<128x16xf32, #tpu.memory_space<vmem>>
      %dma_start3A_931 = arith.constant 896 : i32
      %dma_start3A_932 = tpu.memref_slice %arg5[%dma_start3A_925, %dma_start3A_931] : memref<4x1600xi32, #tpu.memory_space<vmem>> -> memref<1x128xi32, #tpu.memory_space<vmem>>
      %dma_start3A_933 = tpu.memref_squeeze %dma_start3A_932 : memref<1x128xi32, #tpu.memory_space<vmem>> -> memref<128xi32, #tpu.memory_space<vmem>>
      %dma_start3A_934 = arith.constant 0 : i32
      %dma_start3A_935 = arith.constant 0 : i32
      %dma_start3A_936 = tpu.memref_slice %arg3[%dma_start3A_934, %dma_start3A_935] : memref<8192x16xf32, #tpu.memory_space<hbm>> -> memref<8192x16xf32, #tpu.memory_space<hbm>>
      tpu.enqueue_indirect_dma source(%dma_start3A_936 : memref<8192x16xf32, #tpu.memory_space<hbm>>) target(%dma_start3A_930 : memref<128x16xf32, #tpu.memory_space<vmem>>) offsets(%dma_start3A_933 : memref<128xi32, #tpu.memory_space<vmem>>) semaphore(%arg9 : memref<!tpu.dma_semaphore, #tpu.memory_space<semaphore_mem>>)
      %dma_start3A_937 = arith.constant 2 : i32
      %dma_start3A_938 = arith.constant 2 : i32
      %dma_start3A_939 = arith.constant 1024 : i32
      %dma_start3A_940 = arith.constant 0 : i32
      %dma_start3A_941 = tpu.memref_slice %arg6[%dma_start3A_938, %dma_start3A_939, %dma_start3A_940] : memref<4x1600x16xf32, #tpu.memory_space<vmem>> -> memref<1x128x16xf32, #tpu.memory_space<vmem>>
      %dma_start3A_942 = tpu.memref_squeeze %dma_start3A_941 : memref<1x128x16xf32, #tpu.memory_space<vmem>> -> memref<128x16xf32, #tpu.memory_space<vmem>>
      %dma_start3A_943 = arith.constant 1024 : i32
      %dma_start3A_944 = tpu.memref_slice %arg5[%dma_start3A_937, %dma_start3A_943] : memref<4x1600xi32, #tpu.memory_space<vmem>> -> memref<1x128xi32, #tpu.memory_space<vmem>>
      %dma_start3A_945 = tpu.memref_squeeze %dma_start3A_944 : memref<1x128xi32, #tpu.memory_space<vmem>> -> memref<128xi32, #tpu.memory_space<vmem>>
      %dma_start3A_946 = arith.constant 0 : i32
      %dma_start3A_947 = arith.constant 0 : i32
      %dma_start3A_948 = tpu.memref_slice %arg3[%dma_start3A_946, %dma_start3A_947] : memref<8192x16xf32, #tpu.memory_space<hbm>> -> memref<8192x16xf32, #tpu.memory_space<hbm>>
      tpu.enqueue_indirect_dma source(%dma_start3A_948 : memref<8192x16xf32, #tpu.memory_space<hbm>>) target(%dma_start3A_942 : memref<128x16xf32, #tpu.memory_space<vmem>>) offsets(%dma_start3A_945 : memref<128xi32, #tpu.memory_space<vmem>>) semaphore(%arg9 : memref<!tpu.dma_semaphore, #tpu.memory_space<semaphore_mem>>)
      %dma_start3A_949 = arith.constant 2 : i32
      %dma_start3A_950 = arith.constant 2 : i32
      %dma_start3A_951 = arith.constant 1152 : i32
      %dma_start3A_952 = arith.constant 0 : i32
      %dma_start3A_953 = tpu.memref_slice %arg6[%dma_start3A_950, %dma_start3A_951, %dma_start3A_952] : memref<4x1600x16xf32, #tpu.memory_space<vmem>> -> memref<1x128x16xf32, #tpu.memory_space<vmem>>
      %dma_start3A_954 = tpu.memref_squeeze %dma_start3A_953 : memref<1x128x16xf32, #tpu.memory_space<vmem>> -> memref<128x16xf32, #tpu.memory_space<vmem>>
      %dma_start3A_955 = arith.constant 1152 : i32
      %dma_start3A_956 = tpu.memref_slice %arg5[%dma_start3A_949, %dma_start3A_955] : memref<4x1600xi32, #tpu.memory_space<vmem>> -> memref<1x128xi32, #tpu.memory_space<vmem>>
      %dma_start3A_957 = tpu.memref_squeeze %dma_start3A_956 : memref<1x128xi32, #tpu.memory_space<vmem>> -> memref<128xi32, #tpu.memory_space<vmem>>
      %dma_start3A_958 = arith.constant 0 : i32
      %dma_start3A_959 = arith.constant 0 : i32
      %dma_start3A_960 = tpu.memref_slice %arg3[%dma_start3A_958, %dma_start3A_959] : memref<8192x16xf32, #tpu.memory_space<hbm>> -> memref<8192x16xf32, #tpu.memory_space<hbm>>
      tpu.enqueue_indirect_dma source(%dma_start3A_960 : memref<8192x16xf32, #tpu.memory_space<hbm>>) target(%dma_start3A_954 : memref<128x16xf32, #tpu.memory_space<vmem>>) offsets(%dma_start3A_957 : memref<128xi32, #tpu.memory_space<vmem>>) semaphore(%arg9 : memref<!tpu.dma_semaphore, #tpu.memory_space<semaphore_mem>>)
      %dma_start3A_961 = arith.constant 2 : i32
      %dma_start3A_962 = arith.constant 2 : i32
      %dma_start3A_963 = arith.constant 1280 : i32
      %dma_start3A_964 = arith.constant 0 : i32
      %dma_start3A_965 = tpu.memref_slice %arg6[%dma_start3A_962, %dma_start3A_963, %dma_start3A_964] : memref<4x1600x16xf32, #tpu.memory_space<vmem>> -> memref<1x128x16xf32, #tpu.memory_space<vmem>>
      %dma_start3A_966 = tpu.memref_squeeze %dma_start3A_965 : memref<1x128x16xf32, #tpu.memory_space<vmem>> -> memref<128x16xf32, #tpu.memory_space<vmem>>
      %dma_start3A_967 = arith.constant 1280 : i32
      %dma_start3A_968 = tpu.memref_slice %arg5[%dma_start3A_961, %dma_start3A_967] : memref<4x1600xi32, #tpu.memory_space<vmem>> -> memref<1x128xi32, #tpu.memory_space<vmem>>
      %dma_start3A_969 = tpu.memref_squeeze %dma_start3A_968 : memref<1x128xi32, #tpu.memory_space<vmem>> -> memref<128xi32, #tpu.memory_space<vmem>>
      %dma_start3A_970 = arith.constant 0 : i32
      %dma_start3A_971 = arith.constant 0 : i32
      %dma_start3A_972 = tpu.memref_slice %arg3[%dma_start3A_970, %dma_start3A_971] : memref<8192x16xf32, #tpu.memory_space<hbm>> -> memref<8192x16xf32, #tpu.memory_space<hbm>>
      tpu.enqueue_indirect_dma source(%dma_start3A_972 : memref<8192x16xf32, #tpu.memory_space<hbm>>) target(%dma_start3A_966 : memref<128x16xf32, #tpu.memory_space<vmem>>) offsets(%dma_start3A_969 : memref<128xi32, #tpu.memory_space<vmem>>) semaphore(%arg9 : memref<!tpu.dma_semaphore, #tpu.memory_space<semaphore_mem>>)
      %dma_start3A_973 = arith.constant 2 : i32
      %dma_start3A_974 = arith.constant 2 : i32
      %dma_start3A_975 = arith.constant 1408 : i32
      %dma_start3A_976 = arith.constant 0 : i32
      %dma_start3A_977 = tpu.memref_slice %arg6[%dma_start3A_974, %dma_start3A_975, %dma_start3A_976] : memref<4x1600x16xf32, #tpu.memory_space<vmem>> -> memref<1x128x16xf32, #tpu.memory_space<vmem>>
      %dma_start3A_978 = tpu.memref_squeeze %dma_start3A_977 : memref<1x128x16xf32, #tpu.memory_space<vmem>> -> memref<128x16xf32, #tpu.memory_space<vmem>>
      %dma_start3A_979 = arith.constant 1408 : i32
      %dma_start3A_980 = tpu.memref_slice %arg5[%dma_start3A_973, %dma_start3A_979] : memref<4x1600xi32, #tpu.memory_space<vmem>> -> memref<1x128xi32, #tpu.memory_space<vmem>>
      %dma_start3A_981 = tpu.memref_squeeze %dma_start3A_980 : memref<1x128xi32, #tpu.memory_space<vmem>> -> memref<128xi32, #tpu.memory_space<vmem>>
      %dma_start3A_982 = arith.constant 0 : i32
      %dma_start3A_983 = arith.constant 0 : i32
      %dma_start3A_984 = tpu.memref_slice %arg3[%dma_start3A_982, %dma_start3A_983] : memref<8192x16xf32, #tpu.memory_space<hbm>> -> memref<8192x16xf32, #tpu.memory_space<hbm>>
      tpu.enqueue_indirect_dma source(%dma_start3A_984 : memref<8192x16xf32, #tpu.memory_space<hbm>>) target(%dma_start3A_978 : memref<128x16xf32, #tpu.memory_space<vmem>>) offsets(%dma_start3A_981 : memref<128xi32, #tpu.memory_space<vmem>>) semaphore(%arg9 : memref<!tpu.dma_semaphore, #tpu.memory_space<semaphore_mem>>)
      %dma_start3A_985 = arith.constant 2 : i32
      %dma_start3A_986 = arith.constant 2 : i32
      %dma_start3A_987 = arith.constant 1536 : i32
      %dma_start3A_988 = arith.constant 0 : i32
      %dma_start3A_989 = tpu.memref_slice %arg6[%dma_start3A_986, %dma_start3A_987, %dma_start3A_988] : memref<4x1600x16xf32, #tpu.memory_space<vmem>> -> memref<1x64x16xf32, #tpu.memory_space<vmem>>
      %dma_start3A_990 = tpu.memref_squeeze %dma_start3A_989 : memref<1x64x16xf32, #tpu.memory_space<vmem>> -> memref<64x16xf32, #tpu.memory_space<vmem>>
      %dma_start3A_991 = arith.constant 1536 : i32
      %dma_start3A_992 = tpu.memref_slice %arg5[%dma_start3A_985, %dma_start3A_991] : memref<4x1600xi32, #tpu.memory_space<vmem>> -> memref<1x64xi32, #tpu.memory_space<vmem>>
      %dma_start3A_993 = tpu.memref_squeeze %dma_start3A_992 : memref<1x64xi32, #tpu.memory_space<vmem>> -> memref<64xi32, #tpu.memory_space<vmem>>
      %dma_start3A_994 = arith.constant 0 : i32
      %dma_start3A_995 = arith.constant 0 : i32
      %dma_start3A_996 = tpu.memref_slice %arg3[%dma_start3A_994, %dma_start3A_995] : memref<8192x16xf32, #tpu.memory_space<hbm>> -> memref<8192x16xf32, #tpu.memory_space<hbm>>
      tpu.enqueue_indirect_dma source(%dma_start3A_996 : memref<8192x16xf32, #tpu.memory_space<hbm>>) target(%dma_start3A_990 : memref<64x16xf32, #tpu.memory_space<vmem>>) offsets(%dma_start3A_993 : memref<64xi32, #tpu.memory_space<vmem>>) semaphore(%arg9 : memref<!tpu.dma_semaphore, #tpu.memory_space<semaphore_mem>>)
      %dma_wait3A_997 = arith.constant 2 : i32
      %dma_wait3A_998 = arith.constant 2 : i32
      %dma_wait3A_999 = arith.constant 0 : i32
      %dma_wait3A_1000 = arith.constant 0 : i32
      %dma_wait3A_1001 = tpu.memref_slice %arg6[%dma_wait3A_998, %dma_wait3A_999, %dma_wait3A_1000] : memref<4x1600x16xf32, #tpu.memory_space<vmem>> -> memref<1x128x16xf32, #tpu.memory_space<vmem>>
      %dma_wait3A_1002 = tpu.memref_squeeze %dma_wait3A_1001 : memref<1x128x16xf32, #tpu.memory_space<vmem>> -> memref<128x16xf32, #tpu.memory_space<vmem>>
      %dma_wait3A_1003 = arith.constant 0 : i32
      %dma_wait3A_1004 = tpu.memref_slice %arg5[%dma_wait3A_997, %dma_wait3A_1003] : memref<4x1600xi32, #tpu.memory_space<vmem>> -> memref<1x128xi32, #tpu.memory_space<vmem>>
      %dma_wait3A_1005 = tpu.memref_squeeze %dma_wait3A_1004 : memref<1x128xi32, #tpu.memory_space<vmem>> -> memref<128xi32, #tpu.memory_space<vmem>>
      %dma_wait3A_1006 = arith.constant 0 : i32
      %dma_wait3A_1007 = arith.constant 0 : i32
      %dma_wait3A_1008 = tpu.memref_slice %arg3[%dma_wait3A_1006, %dma_wait3A_1007] : memref<8192x16xf32, #tpu.memory_space<hbm>> -> memref<8192x16xf32, #tpu.memory_space<hbm>>
      tpu.wait_indirect_dma semaphore(%arg9 : memref<!tpu.dma_semaphore, #tpu.memory_space<semaphore_mem>>) src(%dma_wait3A_1008 : memref<8192x16xf32, #tpu.memory_space<hbm>>) dst(%dma_wait3A_1002 : memref<128x16xf32, #tpu.memory_space<vmem>>)
      %dma_wait3A_1009 = arith.constant 2 : i32
      %dma_wait3A_1010 = arith.constant 2 : i32
      %dma_wait3A_1011 = arith.constant 128 : i32
      %dma_wait3A_1012 = arith.constant 0 : i32
      %dma_wait3A_1013 = tpu.memref_slice %arg6[%dma_wait3A_1010, %dma_wait3A_1011, %dma_wait3A_1012] : memref<4x1600x16xf32, #tpu.memory_space<vmem>> -> memref<1x128x16xf32, #tpu.memory_space<vmem>>
      %dma_wait3A_1014 = tpu.memref_squeeze %dma_wait3A_1013 : memref<1x128x16xf32, #tpu.memory_space<vmem>> -> memref<128x16xf32, #tpu.memory_space<vmem>>
      %dma_wait3A_1015 = arith.constant 128 : i32
      %dma_wait3A_1016 = tpu.memref_slice %arg5[%dma_wait3A_1009, %dma_wait3A_1015] : memref<4x1600xi32, #tpu.memory_space<vmem>> -> memref<1x128xi32, #tpu.memory_space<vmem>>
      %dma_wait3A_1017 = tpu.memref_squeeze %dma_wait3A_1016 : memref<1x128xi32, #tpu.memory_space<vmem>> -> memref<128xi32, #tpu.memory_space<vmem>>
      %dma_wait3A_1018 = arith.constant 0 : i32
      %dma_wait3A_1019 = arith.constant 0 : i32
      %dma_wait3A_1020 = tpu.memref_slice %arg3[%dma_wait3A_1018, %dma_wait3A_1019] : memref<8192x16xf32, #tpu.memory_space<hbm>> -> memref<8192x16xf32, #tpu.memory_space<hbm>>
      tpu.wait_indirect_dma semaphore(%arg9 : memref<!tpu.dma_semaphore, #tpu.memory_space<semaphore_mem>>) src(%dma_wait3A_1020 : memref<8192x16xf32, #tpu.memory_space<hbm>>) dst(%dma_wait3A_1014 : memref<128x16xf32, #tpu.memory_space<vmem>>)
      %dma_wait3A_1021 = arith.constant 2 : i32
      %dma_wait3A_1022 = arith.constant 2 : i32
      %dma_wait3A_1023 = arith.constant 256 : i32
      %dma_wait3A_1024 = arith.constant 0 : i32
      %dma_wait3A_1025 = tpu.memref_slice %arg6[%dma_wait3A_1022, %dma_wait3A_1023, %dma_wait3A_1024] : memref<4x1600x16xf32, #tpu.memory_space<vmem>> -> memref<1x128x16xf32, #tpu.memory_space<vmem>>
      %dma_wait3A_1026 = tpu.memref_squeeze %dma_wait3A_1025 : memref<1x128x16xf32, #tpu.memory_space<vmem>> -> memref<128x16xf32, #tpu.memory_space<vmem>>
      %dma_wait3A_1027 = arith.constant 256 : i32
      %dma_wait3A_1028 = tpu.memref_slice %arg5[%dma_wait3A_1021, %dma_wait3A_1027] : memref<4x1600xi32, #tpu.memory_space<vmem>> -> memref<1x128xi32, #tpu.memory_space<vmem>>
      %dma_wait3A_1029 = tpu.memref_squeeze %dma_wait3A_1028 : memref<1x128xi32, #tpu.memory_space<vmem>> -> memref<128xi32, #tpu.memory_space<vmem>>
      %dma_wait3A_1030 = arith.constant 0 : i32
      %dma_wait3A_1031 = arith.constant 0 : i32
      %dma_wait3A_1032 = tpu.memref_slice %arg3[%dma_wait3A_1030, %dma_wait3A_1031] : memref<8192x16xf32, #tpu.memory_space<hbm>> -> memref<8192x16xf32, #tpu.memory_space<hbm>>
      tpu.wait_indirect_dma semaphore(%arg9 : memref<!tpu.dma_semaphore, #tpu.memory_space<semaphore_mem>>) src(%dma_wait3A_1032 : memref<8192x16xf32, #tpu.memory_space<hbm>>) dst(%dma_wait3A_1026 : memref<128x16xf32, #tpu.memory_space<vmem>>)
      %dma_wait3A_1033 = arith.constant 2 : i32
      %dma_wait3A_1034 = arith.constant 2 : i32
      %dma_wait3A_1035 = arith.constant 384 : i32
      %dma_wait3A_1036 = arith.constant 0 : i32
      %dma_wait3A_1037 = tpu.memref_slice %arg6[%dma_wait3A_1034, %dma_wait3A_1035, %dma_wait3A_1036] : memref<4x1600x16xf32, #tpu.memory_space<vmem>> -> memref<1x128x16xf32, #tpu.memory_space<vmem>>
      %dma_wait3A_1038 = tpu.memref_squeeze %dma_wait3A_1037 : memref<1x128x16xf32, #tpu.memory_space<vmem>> -> memref<128x16xf32, #tpu.memory_space<vmem>>
      %dma_wait3A_1039 = arith.constant 384 : i32
      %dma_wait3A_1040 = tpu.memref_slice %arg5[%dma_wait3A_1033, %dma_wait3A_1039] : memref<4x1600xi32, #tpu.memory_space<vmem>> -> memref<1x128xi32, #tpu.memory_space<vmem>>
      %dma_wait3A_1041 = tpu.memref_squeeze %dma_wait3A_1040 : memref<1x128xi32, #tpu.memory_space<vmem>> -> memref<128xi32, #tpu.memory_space<vmem>>
      %dma_wait3A_1042 = arith.constant 0 : i32
      %dma_wait3A_1043 = arith.constant 0 : i32
      %dma_wait3A_1044 = tpu.memref_slice %arg3[%dma_wait3A_1042, %dma_wait3A_1043] : memref<8192x16xf32, #tpu.memory_space<hbm>> -> memref<8192x16xf32, #tpu.memory_space<hbm>>
      tpu.wait_indirect_dma semaphore(%arg9 : memref<!tpu.dma_semaphore, #tpu.memory_space<semaphore_mem>>) src(%dma_wait3A_1044 : memref<8192x16xf32, #tpu.memory_space<hbm>>) dst(%dma_wait3A_1038 : memref<128x16xf32, #tpu.memory_space<vmem>>)
      %dma_wait3A_1045 = arith.constant 2 : i32
      %dma_wait3A_1046 = arith.constant 2 : i32
      %dma_wait3A_1047 = arith.constant 512 : i32
      %dma_wait3A_1048 = arith.constant 0 : i32
      %dma_wait3A_1049 = tpu.memref_slice %arg6[%dma_wait3A_1046, %dma_wait3A_1047, %dma_wait3A_1048] : memref<4x1600x16xf32, #tpu.memory_space<vmem>> -> memref<1x128x16xf32, #tpu.memory_space<vmem>>
      %dma_wait3A_1050 = tpu.memref_squeeze %dma_wait3A_1049 : memref<1x128x16xf32, #tpu.memory_space<vmem>> -> memref<128x16xf32, #tpu.memory_space<vmem>>
      %dma_wait3A_1051 = arith.constant 512 : i32
      %dma_wait3A_1052 = tpu.memref_slice %arg5[%dma_wait3A_1045, %dma_wait3A_1051] : memref<4x1600xi32, #tpu.memory_space<vmem>> -> memref<1x128xi32, #tpu.memory_space<vmem>>
      %dma_wait3A_1053 = tpu.memref_squeeze %dma_wait3A_1052 : memref<1x128xi32, #tpu.memory_space<vmem>> -> memref<128xi32, #tpu.memory_space<vmem>>
      %dma_wait3A_1054 = arith.constant 0 : i32
      %dma_wait3A_1055 = arith.constant 0 : i32
      %dma_wait3A_1056 = tpu.memref_slice %arg3[%dma_wait3A_1054, %dma_wait3A_1055] : memref<8192x16xf32, #tpu.memory_space<hbm>> -> memref<8192x16xf32, #tpu.memory_space<hbm>>
      tpu.wait_indirect_dma semaphore(%arg9 : memref<!tpu.dma_semaphore, #tpu.memory_space<semaphore_mem>>) src(%dma_wait3A_1056 : memref<8192x16xf32, #tpu.memory_space<hbm>>) dst(%dma_wait3A_1050 : memref<128x16xf32, #tpu.memory_space<vmem>>)
      %dma_wait3A_1057 = arith.constant 2 : i32
      %dma_wait3A_1058 = arith.constant 2 : i32
      %dma_wait3A_1059 = arith.constant 640 : i32
      %dma_wait3A_1060 = arith.constant 0 : i32
      %dma_wait3A_1061 = tpu.memref_slice %arg6[%dma_wait3A_1058, %dma_wait3A_1059, %dma_wait3A_1060] : memref<4x1600x16xf32, #tpu.memory_space<vmem>> -> memref<1x128x16xf32, #tpu.memory_space<vmem>>
      %dma_wait3A_1062 = tpu.memref_squeeze %dma_wait3A_1061 : memref<1x128x16xf32, #tpu.memory_space<vmem>> -> memref<128x16xf32, #tpu.memory_space<vmem>>
      %dma_wait3A_1063 = arith.constant 640 : i32
      %dma_wait3A_1064 = tpu.memref_slice %arg5[%dma_wait3A_1057, %dma_wait3A_1063] : memref<4x1600xi32, #tpu.memory_space<vmem>> -> memref<1x128xi32, #tpu.memory_space<vmem>>
      %dma_wait3A_1065 = tpu.memref_squeeze %dma_wait3A_1064 : memref<1x128xi32, #tpu.memory_space<vmem>> -> memref<128xi32, #tpu.memory_space<vmem>>
      %dma_wait3A_1066 = arith.constant 0 : i32
      %dma_wait3A_1067 = arith.constant 0 : i32
      %dma_wait3A_1068 = tpu.memref_slice %arg3[%dma_wait3A_1066, %dma_wait3A_1067] : memref<8192x16xf32, #tpu.memory_space<hbm>> -> memref<8192x16xf32, #tpu.memory_space<hbm>>
      tpu.wait_indirect_dma semaphore(%arg9 : memref<!tpu.dma_semaphore, #tpu.memory_space<semaphore_mem>>) src(%dma_wait3A_1068 : memref<8192x16xf32, #tpu.memory_space<hbm>>) dst(%dma_wait3A_1062 : memref<128x16xf32, #tpu.memory_space<vmem>>)
      %dma_wait3A_1069 = arith.constant 2 : i32
      %dma_wait3A_1070 = arith.constant 2 : i32
      %dma_wait3A_1071 = arith.constant 768 : i32
      %dma_wait3A_1072 = arith.constant 0 : i32
      %dma_wait3A_1073 = tpu.memref_slice %arg6[%dma_wait3A_1070, %dma_wait3A_1071, %dma_wait3A_1072] : memref<4x1600x16xf32, #tpu.memory_space<vmem>> -> memref<1x128x16xf32, #tpu.memory_space<vmem>>
      %dma_wait3A_1074 = tpu.memref_squeeze %dma_wait3A_1073 : memref<1x128x16xf32, #tpu.memory_space<vmem>> -> memref<128x16xf32, #tpu.memory_space<vmem>>
      %dma_wait3A_1075 = arith.constant 768 : i32
      %dma_wait3A_1076 = tpu.memref_slice %arg5[%dma_wait3A_1069, %dma_wait3A_1075] : memref<4x1600xi32, #tpu.memory_space<vmem>> -> memref<1x128xi32, #tpu.memory_space<vmem>>
      %dma_wait3A_1077 = tpu.memref_squeeze %dma_wait3A_1076 : memref<1x128xi32, #tpu.memory_space<vmem>> -> memref<128xi32, #tpu.memory_space<vmem>>
      %dma_wait3A_1078 = arith.constant 0 : i32
      %dma_wait3A_1079 = arith.constant 0 : i32
      %dma_wait3A_1080 = tpu.memref_slice %arg3[%dma_wait3A_1078, %dma_wait3A_1079] : memref<8192x16xf32, #tpu.memory_space<hbm>> -> memref<8192x16xf32, #tpu.memory_space<hbm>>
      tpu.wait_indirect_dma semaphore(%arg9 : memref<!tpu.dma_semaphore, #tpu.memory_space<semaphore_mem>>) src(%dma_wait3A_1080 : memref<8192x16xf32, #tpu.memory_space<hbm>>) dst(%dma_wait3A_1074 : memref<128x16xf32, #tpu.memory_space<vmem>>)
      %dma_wait3A_1081 = arith.constant 2 : i32
      %dma_wait3A_1082 = arith.constant 2 : i32
      %dma_wait3A_1083 = arith.constant 896 : i32
      %dma_wait3A_1084 = arith.constant 0 : i32
      %dma_wait3A_1085 = tpu.memref_slice %arg6[%dma_wait3A_1082, %dma_wait3A_1083, %dma_wait3A_1084] : memref<4x1600x16xf32, #tpu.memory_space<vmem>> -> memref<1x128x16xf32, #tpu.memory_space<vmem>>
      %dma_wait3A_1086 = tpu.memref_squeeze %dma_wait3A_1085 : memref<1x128x16xf32, #tpu.memory_space<vmem>> -> memref<128x16xf32, #tpu.memory_space<vmem>>
      %dma_wait3A_1087 = arith.constant 896 : i32
      %dma_wait3A_1088 = tpu.memref_slice %arg5[%dma_wait3A_1081, %dma_wait3A_1087] : memref<4x1600xi32, #tpu.memory_space<vmem>> -> memref<1x128xi32, #tpu.memory_space<vmem>>
      %dma_wait3A_1089 = tpu.memref_squeeze %dma_wait3A_1088 : memref<1x128xi32, #tpu.memory_space<vmem>> -> memref<128xi32, #tpu.memory_space<vmem>>
      %dma_wait3A_1090 = arith.constant 0 : i32
      %dma_wait3A_1091 = arith.constant 0 : i32
      %dma_wait3A_1092 = tpu.memref_slice %arg3[%dma_wait3A_1090, %dma_wait3A_1091] : memref<8192x16xf32, #tpu.memory_space<hbm>> -> memref<8192x16xf32, #tpu.memory_space<hbm>>
      tpu.wait_indirect_dma semaphore(%arg9 : memref<!tpu.dma_semaphore, #tpu.memory_space<semaphore_mem>>) src(%dma_wait3A_1092 : memref<8192x16xf32, #tpu.memory_space<hbm>>) dst(%dma_wait3A_1086 : memref<128x16xf32, #tpu.memory_space<vmem>>)
      %dma_wait3A_1093 = arith.constant 2 : i32
      %dma_wait3A_1094 = arith.constant 2 : i32
      %dma_wait3A_1095 = arith.constant 1024 : i32
      %dma_wait3A_1096 = arith.constant 0 : i32
      %dma_wait3A_1097 = tpu.memref_slice %arg6[%dma_wait3A_1094, %dma_wait3A_1095, %dma_wait3A_1096] : memref<4x1600x16xf32, #tpu.memory_space<vmem>> -> memref<1x128x16xf32, #tpu.memory_space<vmem>>
      %dma_wait3A_1098 = tpu.memref_squeeze %dma_wait3A_1097 : memref<1x128x16xf32, #tpu.memory_space<vmem>> -> memref<128x16xf32, #tpu.memory_space<vmem>>
      %dma_wait3A_1099 = arith.constant 1024 : i32
      %dma_wait3A_1100 = tpu.memref_slice %arg5[%dma_wait3A_1093, %dma_wait3A_1099] : memref<4x1600xi32, #tpu.memory_space<vmem>> -> memref<1x128xi32, #tpu.memory_space<vmem>>
      %dma_wait3A_1101 = tpu.memref_squeeze %dma_wait3A_1100 : memref<1x128xi32, #tpu.memory_space<vmem>> -> memref<128xi32, #tpu.memory_space<vmem>>
      %dma_wait3A_1102 = arith.constant 0 : i32
      %dma_wait3A_1103 = arith.constant 0 : i32
      %dma_wait3A_1104 = tpu.memref_slice %arg3[%dma_wait3A_1102, %dma_wait3A_1103] : memref<8192x16xf32, #tpu.memory_space<hbm>> -> memref<8192x16xf32, #tpu.memory_space<hbm>>
      tpu.wait_indirect_dma semaphore(%arg9 : memref<!tpu.dma_semaphore, #tpu.memory_space<semaphore_mem>>) src(%dma_wait3A_1104 : memref<8192x16xf32, #tpu.memory_space<hbm>>) dst(%dma_wait3A_1098 : memref<128x16xf32, #tpu.memory_space<vmem>>)
      %dma_wait3A_1105 = arith.constant 2 : i32
      %dma_wait3A_1106 = arith.constant 2 : i32
      %dma_wait3A_1107 = arith.constant 1152 : i32
      %dma_wait3A_1108 = arith.constant 0 : i32
      %dma_wait3A_1109 = tpu.memref_slice %arg6[%dma_wait3A_1106, %dma_wait3A_1107, %dma_wait3A_1108] : memref<4x1600x16xf32, #tpu.memory_space<vmem>> -> memref<1x128x16xf32, #tpu.memory_space<vmem>>
      %dma_wait3A_1110 = tpu.memref_squeeze %dma_wait3A_1109 : memref<1x128x16xf32, #tpu.memory_space<vmem>> -> memref<128x16xf32, #tpu.memory_space<vmem>>
      %dma_wait3A_1111 = arith.constant 1152 : i32
      %dma_wait3A_1112 = tpu.memref_slice %arg5[%dma_wait3A_1105, %dma_wait3A_1111] : memref<4x1600xi32, #tpu.memory_space<vmem>> -> memref<1x128xi32, #tpu.memory_space<vmem>>
      %dma_wait3A_1113 = tpu.memref_squeeze %dma_wait3A_1112 : memref<1x128xi32, #tpu.memory_space<vmem>> -> memref<128xi32, #tpu.memory_space<vmem>>
      %dma_wait3A_1114 = arith.constant 0 : i32
      %dma_wait3A_1115 = arith.constant 0 : i32
      %dma_wait3A_1116 = tpu.memref_slice %arg3[%dma_wait3A_1114, %dma_wait3A_1115] : memref<8192x16xf32, #tpu.memory_space<hbm>> -> memref<8192x16xf32, #tpu.memory_space<hbm>>
      tpu.wait_indirect_dma semaphore(%arg9 : memref<!tpu.dma_semaphore, #tpu.memory_space<semaphore_mem>>) src(%dma_wait3A_1116 : memref<8192x16xf32, #tpu.memory_space<hbm>>) dst(%dma_wait3A_1110 : memref<128x16xf32, #tpu.memory_space<vmem>>)
      %dma_wait3A_1117 = arith.constant 2 : i32
      %dma_wait3A_1118 = arith.constant 2 : i32
      %dma_wait3A_1119 = arith.constant 1280 : i32
      %dma_wait3A_1120 = arith.constant 0 : i32
      %dma_wait3A_1121 = tpu.memref_slice %arg6[%dma_wait3A_1118, %dma_wait3A_1119, %dma_wait3A_1120] : memref<4x1600x16xf32, #tpu.memory_space<vmem>> -> memref<1x128x16xf32, #tpu.memory_space<vmem>>
      %dma_wait3A_1122 = tpu.memref_squeeze %dma_wait3A_1121 : memref<1x128x16xf32, #tpu.memory_space<vmem>> -> memref<128x16xf32, #tpu.memory_space<vmem>>
      %dma_wait3A_1123 = arith.constant 1280 : i32
      %dma_wait3A_1124 = tpu.memref_slice %arg5[%dma_wait3A_1117, %dma_wait3A_1123] : memref<4x1600xi32, #tpu.memory_space<vmem>> -> memref<1x128xi32, #tpu.memory_space<vmem>>
      %dma_wait3A_1125 = tpu.memref_squeeze %dma_wait3A_1124 : memref<1x128xi32, #tpu.memory_space<vmem>> -> memref<128xi32, #tpu.memory_space<vmem>>
      %dma_wait3A_1126 = arith.constant 0 : i32
      %dma_wait3A_1127 = arith.constant 0 : i32
      %dma_wait3A_1128 = tpu.memref_slice %arg3[%dma_wait3A_1126, %dma_wait3A_1127] : memref<8192x16xf32, #tpu.memory_space<hbm>> -> memref<8192x16xf32, #tpu.memory_space<hbm>>
      tpu.wait_indirect_dma semaphore(%arg9 : memref<!tpu.dma_semaphore, #tpu.memory_space<semaphore_mem>>) src(%dma_wait3A_1128 : memref<8192x16xf32, #tpu.memory_space<hbm>>) dst(%dma_wait3A_1122 : memref<128x16xf32, #tpu.memory_space<vmem>>)
      %dma_wait3A_1129 = arith.constant 2 : i32
      %dma_wait3A_1130 = arith.constant 2 : i32
      %dma_wait3A_1131 = arith.constant 1408 : i32
      %dma_wait3A_1132 = arith.constant 0 : i32
      %dma_wait3A_1133 = tpu.memref_slice %arg6[%dma_wait3A_1130, %dma_wait3A_1131, %dma_wait3A_1132] : memref<4x1600x16xf32, #tpu.memory_space<vmem>> -> memref<1x128x16xf32, #tpu.memory_space<vmem>>
      %dma_wait3A_1134 = tpu.memref_squeeze %dma_wait3A_1133 : memref<1x128x16xf32, #tpu.memory_space<vmem>> -> memref<128x16xf32, #tpu.memory_space<vmem>>
      %dma_wait3A_1135 = arith.constant 1408 : i32
      %dma_wait3A_1136 = tpu.memref_slice %arg5[%dma_wait3A_1129, %dma_wait3A_1135] : memref<4x1600xi32, #tpu.memory_space<vmem>> -> memref<1x128xi32, #tpu.memory_space<vmem>>
      %dma_wait3A_1137 = tpu.memref_squeeze %dma_wait3A_1136 : memref<1x128xi32, #tpu.memory_space<vmem>> -> memref<128xi32, #tpu.memory_space<vmem>>
      %dma_wait3A_1138 = arith.constant 0 : i32
      %dma_wait3A_1139 = arith.constant 0 : i32
      %dma_wait3A_1140 = tpu.memref_slice %arg3[%dma_wait3A_1138, %dma_wait3A_1139] : memref<8192x16xf32, #tpu.memory_space<hbm>> -> memref<8192x16xf32, #tpu.memory_space<hbm>>
      tpu.wait_indirect_dma semaphore(%arg9 : memref<!tpu.dma_semaphore, #tpu.memory_space<semaphore_mem>>) src(%dma_wait3A_1140 : memref<8192x16xf32, #tpu.memory_space<hbm>>) dst(%dma_wait3A_1134 : memref<128x16xf32, #tpu.memory_space<vmem>>)
      %dma_wait3A_1141 = arith.constant 2 : i32
      %dma_wait3A_1142 = arith.constant 2 : i32
      %dma_wait3A_1143 = arith.constant 1536 : i32
      %dma_wait3A_1144 = arith.constant 0 : i32
      %dma_wait3A_1145 = tpu.memref_slice %arg6[%dma_wait3A_1142, %dma_wait3A_1143, %dma_wait3A_1144] : memref<4x1600x16xf32, #tpu.memory_space<vmem>> -> memref<1x64x16xf32, #tpu.memory_space<vmem>>
      %dma_wait3A_1146 = tpu.memref_squeeze %dma_wait3A_1145 : memref<1x64x16xf32, #tpu.memory_space<vmem>> -> memref<64x16xf32, #tpu.memory_space<vmem>>
      %dma_wait3A_1147 = arith.constant 1536 : i32
      %dma_wait3A_1148 = tpu.memref_slice %arg5[%dma_wait3A_1141, %dma_wait3A_1147] : memref<4x1600xi32, #tpu.memory_space<vmem>> -> memref<1x64xi32, #tpu.memory_space<vmem>>
      %dma_wait3A_1149 = tpu.memref_squeeze %dma_wait3A_1148 : memref<1x64xi32, #tpu.memory_space<vmem>> -> memref<64xi32, #tpu.memory_space<vmem>>
      %dma_wait3A_1150 = arith.constant 0 : i32
      %dma_wait3A_1151 = arith.constant 0 : i32
      %dma_wait3A_1152 = tpu.memref_slice %arg3[%dma_wait3A_1150, %dma_wait3A_1151] : memref<8192x16xf32, #tpu.memory_space<hbm>> -> memref<8192x16xf32, #tpu.memory_space<hbm>>
      tpu.wait_indirect_dma semaphore(%arg9 : memref<!tpu.dma_semaphore, #tpu.memory_space<semaphore_mem>>) src(%dma_wait3A_1152 : memref<8192x16xf32, #tpu.memory_space<hbm>>) dst(%dma_wait3A_1146 : memref<64x16xf32, #tpu.memory_space<vmem>>)
      %mul3A_1153 = arith.constant 1600 : i32
      %mul3A_1154 = arith.muli %add3A_818, %mul3A_1153 : i32
      %add3A_1155 = arith.addi %mul3A_2, %mul3A_1154 : i32
      %dma_start3A_1156 = arith.constant 2 : i32
      %dma_start3A_1157 = arith.constant 2 : i32
      %dma_start3A_1158 = arith.constant 0 : i32
      %dma_start3A_1159 = arith.constant 0 : i32
      %dma_start3A_1160 = tpu.memref_slice %arg6[%dma_start3A_1156, %dma_start3A_1158, %dma_start3A_1159] : memref<4x1600x16xf32, #tpu.memory_space<vmem>> -> memref<1x1600x16xf32, #tpu.memory_space<vmem>>
      %dma_start3A_1161 = tpu.memref_squeeze %dma_start3A_1160 : memref<1x1600x16xf32, #tpu.memory_space<vmem>> -> memref<1600x16xf32, #tpu.memory_space<vmem>>
      %dma_start3A_1162 = arith.constant 0 : i32
      %dma_start3A_1163 = tpu.memref_slice %arg4[%add3A_1155, %dma_start3A_1162] : memref<1638400x16xf32, #tpu.memory_space<hbm>> -> memref<1600x16xf32, #tpu.memory_space<hbm>>
      %dma_start3A_1164 = tpu.memref_slice %arg8[%dma_start3A_1157] : memref<4x!tpu.dma_semaphore, #tpu.memory_space<semaphore_mem>> -> memref<1x!tpu.dma_semaphore, #tpu.memory_space<semaphore_mem>>
      %dma_start3A_1165 = tpu.memref_squeeze %dma_start3A_1164 : memref<1x!tpu.dma_semaphore, #tpu.memory_space<semaphore_mem>> -> memref<!tpu.dma_semaphore, #tpu.memory_space<semaphore_mem>>
      %dma_start3A_1166 = arith.constant 0 : i32
      %dma_start3A_1167 = tpu.memref_slice %arg4[%add3A_1155, %dma_start3A_1166] : memref<1638400x16xf32, #tpu.memory_space<hbm>> -> memref<1600x16xf32, #tpu.memory_space<hbm>>
      %dma_start3A_1168 = arith.constant 0 : i32
      %dma_start3A_1169 = arith.constant 0 : i32
      %dma_start3A_1170 = tpu.memref_slice %arg6[%dma_start3A_1156, %dma_start3A_1168, %dma_start3A_1169] : memref<4x1600x16xf32, #tpu.memory_space<vmem>> -> memref<1x1600x16xf32, #tpu.memory_space<vmem>>
      %dma_start3A_1171 = tpu.memref_squeeze %dma_start3A_1170 : memref<1x1600x16xf32, #tpu.memory_space<vmem>> -> memref<1600x16xf32, #tpu.memory_space<vmem>>
      tpu.enqueue_dma source(%dma_start3A_1171 : memref<1600x16xf32, #tpu.memory_space<vmem>>) target(%dma_start3A_1167 : memref<1600x16xf32, #tpu.memory_space<hbm>>) target_semaphore(%dma_start3A_1165 : memref<!tpu.dma_semaphore, #tpu.memory_space<semaphore_mem>>)
      %add3A_1172 = arith.constant 3 : i32
      %add3A_1173 = arith.addi %add3A_109, %add3A_1172 : i32
      %add3A_1174 = arith.constant 2 : i32
      %add3A_1175 = arith.addi %add3A_1173, %add3A_1174 : i32
      %lt3A_1176 = arith.constant 32 : i32
      %lt3A_1177 = arith.cmpi slt, %add3A_1175, %lt3A_1176 : i32
      %convert_element_type3A_1178 = arith.extui %lt3A_1177 : i1 to i32
      %cond3A_1179 = arith.constant 0 : i32
      %cond3A_1180 = arith.cmpi ne, %convert_element_type3A_1178, %cond3A_1179 : i32
      scf.if %cond3A_1180 {
        %ge3A = arith.constant 2 : i32
        %ge3A_1527 = arith.cmpi sge, %add3A_1173, %ge3A : i32
        %convert_element_type3A_1528 = arith.extui %ge3A_1527 : i1 to i32
        %cond3A_1529 = arith.constant 0 : i32
        %cond3A_1530 = arith.cmpi ne, %convert_element_type3A_1528, %cond3A_1529 : i32
        scf.if %cond3A_1530 {
          %sub3A = arith.constant 2 : i32
          %sub3A_1546 = arith.subi %add3A_1173, %sub3A : i32
          %mul3A_1547 = arith.constant 1600 : i32
          %mul3A_1548 = arith.muli %sub3A_1546, %mul3A_1547 : i32
          %add3A_1549 = arith.addi %mul3A_2, %mul3A_1548 : i32
          %dma_wait3A_1550 = arith.constant 1 : i32
          %dma_wait3A_1551 = arith.constant 1 : i32
          %dma_wait3A_1552 = arith.constant 0 : i32
          %dma_wait3A_1553 = arith.constant 0 : i32
          %dma_wait3A_1554 = tpu.memref_slice %arg6[%dma_wait3A_1550, %dma_wait3A_1552, %dma_wait3A_1553] : memref<4x1600x16xf32, #tpu.memory_space<vmem>> -> memref<1x1600x16xf32, #tpu.memory_space<vmem>>
          %dma_wait3A_1555 = tpu.memref_squeeze %dma_wait3A_1554 : memref<1x1600x16xf32, #tpu.memory_space<vmem>> -> memref<1600x16xf32, #tpu.memory_space<vmem>>
          %dma_wait3A_1556 = arith.constant 0 : i32
          %dma_wait3A_1557 = tpu.memref_slice %arg4[%add3A_1549, %dma_wait3A_1556] : memref<1638400x16xf32, #tpu.memory_space<hbm>> -> memref<1600x16xf32, #tpu.memory_space<hbm>>
          %dma_wait3A_1558 = tpu.memref_slice %arg8[%dma_wait3A_1551] : memref<4x!tpu.dma_semaphore, #tpu.memory_space<semaphore_mem>> -> memref<1x!tpu.dma_semaphore, #tpu.memory_space<semaphore_mem>>
          %dma_wait3A_1559 = tpu.memref_squeeze %dma_wait3A_1558 : memref<1x!tpu.dma_semaphore, #tpu.memory_space<semaphore_mem>> -> memref<!tpu.dma_semaphore, #tpu.memory_space<semaphore_mem>>
          %dma_wait3A_1560 = arith.constant 0 : i32
          %dma_wait3A_1561 = tpu.memref_slice %arg4[%add3A_1549, %dma_wait3A_1560] : memref<1638400x16xf32, #tpu.memory_space<hbm>> -> memref<1600x16xf32, #tpu.memory_space<hbm>>
          %dma_wait3A_1562 = arith.constant 0 : i32
          %dma_wait3A_1563 = arith.constant 0 : i32
          %dma_wait3A_1564 = tpu.memref_slice %arg6[%dma_wait3A_1550, %dma_wait3A_1562, %dma_wait3A_1563] : memref<4x1600x16xf32, #tpu.memory_space<vmem>> -> memref<1x1600x16xf32, #tpu.memory_space<vmem>>
          %dma_wait3A_1565 = tpu.memref_squeeze %dma_wait3A_1564 : memref<1x1600x16xf32, #tpu.memory_space<vmem>> -> memref<1600x16xf32, #tpu.memory_space<vmem>>
          tpu.wait_dma2 semaphore(%dma_wait3A_1559 : memref<!tpu.dma_semaphore, #tpu.memory_space<semaphore_mem>>) src(%dma_wait3A_1565 : memref<1600x16xf32, #tpu.memory_space<vmem>>) dst(%dma_wait3A_1561 : memref<1600x16xf32, #tpu.memory_space<hbm>>)
        } else {
        }
        %mul3A_1531 = arith.constant 1600 : i32
        %mul3A_1532 = arith.muli %add3A_1175, %mul3A_1531 : i32
        %add3A_1533 = arith.addi %mul3A_2, %mul3A_1532 : i32
        %dma_start3A_1534 = arith.constant 1 : i32
        %dma_start3A_1535 = arith.constant 1 : i32
        %dma_start3A_1536 = arith.constant 0 : i32
        %dma_start3A_1537 = tpu.memref_slice %arg5[%dma_start3A_1534, %dma_start3A_1536] : memref<4x1600xi32, #tpu.memory_space<vmem>> -> memref<1x1600xi32, #tpu.memory_space<vmem>>
        %dma_start3A_1538 = tpu.memref_squeeze %dma_start3A_1537 : memref<1x1600xi32, #tpu.memory_space<vmem>> -> memref<1600xi32, #tpu.memory_space<vmem>>
        %dma_start3A_1539 = tpu.memref_slice %arg2[%add3A_1533] : memref<1638400xi32, #tpu.memory_space<hbm>> -> memref<1600xi32, #tpu.memory_space<hbm>>
        %dma_start3A_1540 = tpu.memref_slice %arg7[%dma_start3A_1535] : memref<4x!tpu.dma_semaphore, #tpu.memory_space<semaphore_mem>> -> memref<1x!tpu.dma_semaphore, #tpu.memory_space<semaphore_mem>>
        %dma_start3A_1541 = tpu.memref_squeeze %dma_start3A_1540 : memref<1x!tpu.dma_semaphore, #tpu.memory_space<semaphore_mem>> -> memref<!tpu.dma_semaphore, #tpu.memory_space<semaphore_mem>>
        %dma_start3A_1542 = arith.constant 0 : i32
        %dma_start3A_1543 = tpu.memref_slice %arg5[%dma_start3A_1534, %dma_start3A_1542] : memref<4x1600xi32, #tpu.memory_space<vmem>> -> memref<1x1600xi32, #tpu.memory_space<vmem>>
        %dma_start3A_1544 = tpu.memref_squeeze %dma_start3A_1543 : memref<1x1600xi32, #tpu.memory_space<vmem>> -> memref<1600xi32, #tpu.memory_space<vmem>>
        %dma_start3A_1545 = tpu.memref_slice %arg2[%add3A_1533] : memref<1638400xi32, #tpu.memory_space<hbm>> -> memref<1600xi32, #tpu.memory_space<hbm>>
        tpu.enqueue_dma source(%dma_start3A_1545 : memref<1600xi32, #tpu.memory_space<hbm>>) target(%dma_start3A_1544 : memref<1600xi32, #tpu.memory_space<vmem>>) target_semaphore(%dma_start3A_1541 : memref<!tpu.dma_semaphore, #tpu.memory_space<semaphore_mem>>)
      } else {
      }
      %mul3A_1181 = arith.constant 1600 : i32
      %mul3A_1182 = arith.muli %add3A_1173, %mul3A_1181 : i32
      %add3A_1183 = arith.addi %mul3A_2, %mul3A_1182 : i32
      %dma_wait3A_1184 = arith.constant 3 : i32
      %dma_wait3A_1185 = arith.constant 3 : i32
      %dma_wait3A_1186 = arith.constant 0 : i32
      %dma_wait3A_1187 = tpu.memref_slice %arg5[%dma_wait3A_1184, %dma_wait3A_1186] : memref<4x1600xi32, #tpu.memory_space<vmem>> -> memref<1x1600xi32, #tpu.memory_space<vmem>>
      %dma_wait3A_1188 = tpu.memref_squeeze %dma_wait3A_1187 : memref<1x1600xi32, #tpu.memory_space<vmem>> -> memref<1600xi32, #tpu.memory_space<vmem>>
      %dma_wait3A_1189 = tpu.memref_slice %arg2[%add3A_1183] : memref<1638400xi32, #tpu.memory_space<hbm>> -> memref<1600xi32, #tpu.memory_space<hbm>>
      %dma_wait3A_1190 = tpu.memref_slice %arg7[%dma_wait3A_1185] : memref<4x!tpu.dma_semaphore, #tpu.memory_space<semaphore_mem>> -> memref<1x!tpu.dma_semaphore, #tpu.memory_space<semaphore_mem>>
      %dma_wait3A_1191 = tpu.memref_squeeze %dma_wait3A_1190 : memref<1x!tpu.dma_semaphore, #tpu.memory_space<semaphore_mem>> -> memref<!tpu.dma_semaphore, #tpu.memory_space<semaphore_mem>>
      %dma_wait3A_1192 = arith.constant 0 : i32
      %dma_wait3A_1193 = tpu.memref_slice %arg5[%dma_wait3A_1184, %dma_wait3A_1192] : memref<4x1600xi32, #tpu.memory_space<vmem>> -> memref<1x1600xi32, #tpu.memory_space<vmem>>
      %dma_wait3A_1194 = tpu.memref_squeeze %dma_wait3A_1193 : memref<1x1600xi32, #tpu.memory_space<vmem>> -> memref<1600xi32, #tpu.memory_space<vmem>>
      %dma_wait3A_1195 = tpu.memref_slice %arg2[%add3A_1183] : memref<1638400xi32, #tpu.memory_space<hbm>> -> memref<1600xi32, #tpu.memory_space<hbm>>
      tpu.wait_dma2 semaphore(%dma_wait3A_1191 : memref<!tpu.dma_semaphore, #tpu.memory_space<semaphore_mem>>) src(%dma_wait3A_1195 : memref<1600xi32, #tpu.memory_space<hbm>>) dst(%dma_wait3A_1194 : memref<1600xi32, #tpu.memory_space<vmem>>)
      %dma_start3A_1196 = arith.constant 3 : i32
      %dma_start3A_1197 = arith.constant 3 : i32
      %dma_start3A_1198 = arith.constant 0 : i32
      %dma_start3A_1199 = arith.constant 0 : i32
      %dma_start3A_1200 = tpu.memref_slice %arg6[%dma_start3A_1197, %dma_start3A_1198, %dma_start3A_1199] : memref<4x1600x16xf32, #tpu.memory_space<vmem>> -> memref<1x128x16xf32, #tpu.memory_space<vmem>>
      %dma_start3A_1201 = tpu.memref_squeeze %dma_start3A_1200 : memref<1x128x16xf32, #tpu.memory_space<vmem>> -> memref<128x16xf32, #tpu.memory_space<vmem>>
      %dma_start3A_1202 = arith.constant 0 : i32
      %dma_start3A_1203 = tpu.memref_slice %arg5[%dma_start3A_1196, %dma_start3A_1202] : memref<4x1600xi32, #tpu.memory_space<vmem>> -> memref<1x128xi32, #tpu.memory_space<vmem>>
      %dma_start3A_1204 = tpu.memref_squeeze %dma_start3A_1203 : memref<1x128xi32, #tpu.memory_space<vmem>> -> memref<128xi32, #tpu.memory_space<vmem>>
      %dma_start3A_1205 = arith.constant 0 : i32
      %dma_start3A_1206 = arith.constant 0 : i32
      %dma_start3A_1207 = tpu.memref_slice %arg3[%dma_start3A_1205, %dma_start3A_1206] : memref<8192x16xf32, #tpu.memory_space<hbm>> -> memref<8192x16xf32, #tpu.memory_space<hbm>>
      tpu.enqueue_indirect_dma source(%dma_start3A_1207 : memref<8192x16xf32, #tpu.memory_space<hbm>>) target(%dma_start3A_1201 : memref<128x16xf32, #tpu.memory_space<vmem>>) offsets(%dma_start3A_1204 : memref<128xi32, #tpu.memory_space<vmem>>) semaphore(%arg9 : memref<!tpu.dma_semaphore, #tpu.memory_space<semaphore_mem>>)
      %dma_start3A_1208 = arith.constant 3 : i32
      %dma_start3A_1209 = arith.constant 3 : i32
      %dma_start3A_1210 = arith.constant 128 : i32
      %dma_start3A_1211 = arith.constant 0 : i32
      %dma_start3A_1212 = tpu.memref_slice %arg6[%dma_start3A_1209, %dma_start3A_1210, %dma_start3A_1211] : memref<4x1600x16xf32, #tpu.memory_space<vmem>> -> memref<1x128x16xf32, #tpu.memory_space<vmem>>
      %dma_start3A_1213 = tpu.memref_squeeze %dma_start3A_1212 : memref<1x128x16xf32, #tpu.memory_space<vmem>> -> memref<128x16xf32, #tpu.memory_space<vmem>>
      %dma_start3A_1214 = arith.constant 128 : i32
      %dma_start3A_1215 = tpu.memref_slice %arg5[%dma_start3A_1208, %dma_start3A_1214] : memref<4x1600xi32, #tpu.memory_space<vmem>> -> memref<1x128xi32, #tpu.memory_space<vmem>>
      %dma_start3A_1216 = tpu.memref_squeeze %dma_start3A_1215 : memref<1x128xi32, #tpu.memory_space<vmem>> -> memref<128xi32, #tpu.memory_space<vmem>>
      %dma_start3A_1217 = arith.constant 0 : i32
      %dma_start3A_1218 = arith.constant 0 : i32
      %dma_start3A_1219 = tpu.memref_slice %arg3[%dma_start3A_1217, %dma_start3A_1218] : memref<8192x16xf32, #tpu.memory_space<hbm>> -> memref<8192x16xf32, #tpu.memory_space<hbm>>
      tpu.enqueue_indirect_dma source(%dma_start3A_1219 : memref<8192x16xf32, #tpu.memory_space<hbm>>) target(%dma_start3A_1213 : memref<128x16xf32, #tpu.memory_space<vmem>>) offsets(%dma_start3A_1216 : memref<128xi32, #tpu.memory_space<vmem>>) semaphore(%arg9 : memref<!tpu.dma_semaphore, #tpu.memory_space<semaphore_mem>>)
      %dma_start3A_1220 = arith.constant 3 : i32
      %dma_start3A_1221 = arith.constant 3 : i32
      %dma_start3A_1222 = arith.constant 256 : i32
      %dma_start3A_1223 = arith.constant 0 : i32
      %dma_start3A_1224 = tpu.memref_slice %arg6[%dma_start3A_1221, %dma_start3A_1222, %dma_start3A_1223] : memref<4x1600x16xf32, #tpu.memory_space<vmem>> -> memref<1x128x16xf32, #tpu.memory_space<vmem>>
      %dma_start3A_1225 = tpu.memref_squeeze %dma_start3A_1224 : memref<1x128x16xf32, #tpu.memory_space<vmem>> -> memref<128x16xf32, #tpu.memory_space<vmem>>
      %dma_start3A_1226 = arith.constant 256 : i32
      %dma_start3A_1227 = tpu.memref_slice %arg5[%dma_start3A_1220, %dma_start3A_1226] : memref<4x1600xi32, #tpu.memory_space<vmem>> -> memref<1x128xi32, #tpu.memory_space<vmem>>
      %dma_start3A_1228 = tpu.memref_squeeze %dma_start3A_1227 : memref<1x128xi32, #tpu.memory_space<vmem>> -> memref<128xi32, #tpu.memory_space<vmem>>
      %dma_start3A_1229 = arith.constant 0 : i32
      %dma_start3A_1230 = arith.constant 0 : i32
      %dma_start3A_1231 = tpu.memref_slice %arg3[%dma_start3A_1229, %dma_start3A_1230] : memref<8192x16xf32, #tpu.memory_space<hbm>> -> memref<8192x16xf32, #tpu.memory_space<hbm>>
      tpu.enqueue_indirect_dma source(%dma_start3A_1231 : memref<8192x16xf32, #tpu.memory_space<hbm>>) target(%dma_start3A_1225 : memref<128x16xf32, #tpu.memory_space<vmem>>) offsets(%dma_start3A_1228 : memref<128xi32, #tpu.memory_space<vmem>>) semaphore(%arg9 : memref<!tpu.dma_semaphore, #tpu.memory_space<semaphore_mem>>)
      %dma_start3A_1232 = arith.constant 3 : i32
      %dma_start3A_1233 = arith.constant 3 : i32
      %dma_start3A_1234 = arith.constant 384 : i32
      %dma_start3A_1235 = arith.constant 0 : i32
      %dma_start3A_1236 = tpu.memref_slice %arg6[%dma_start3A_1233, %dma_start3A_1234, %dma_start3A_1235] : memref<4x1600x16xf32, #tpu.memory_space<vmem>> -> memref<1x128x16xf32, #tpu.memory_space<vmem>>
      %dma_start3A_1237 = tpu.memref_squeeze %dma_start3A_1236 : memref<1x128x16xf32, #tpu.memory_space<vmem>> -> memref<128x16xf32, #tpu.memory_space<vmem>>
      %dma_start3A_1238 = arith.constant 384 : i32
      %dma_start3A_1239 = tpu.memref_slice %arg5[%dma_start3A_1232, %dma_start3A_1238] : memref<4x1600xi32, #tpu.memory_space<vmem>> -> memref<1x128xi32, #tpu.memory_space<vmem>>
      %dma_start3A_1240 = tpu.memref_squeeze %dma_start3A_1239 : memref<1x128xi32, #tpu.memory_space<vmem>> -> memref<128xi32, #tpu.memory_space<vmem>>
      %dma_start3A_1241 = arith.constant 0 : i32
      %dma_start3A_1242 = arith.constant 0 : i32
      %dma_start3A_1243 = tpu.memref_slice %arg3[%dma_start3A_1241, %dma_start3A_1242] : memref<8192x16xf32, #tpu.memory_space<hbm>> -> memref<8192x16xf32, #tpu.memory_space<hbm>>
      tpu.enqueue_indirect_dma source(%dma_start3A_1243 : memref<8192x16xf32, #tpu.memory_space<hbm>>) target(%dma_start3A_1237 : memref<128x16xf32, #tpu.memory_space<vmem>>) offsets(%dma_start3A_1240 : memref<128xi32, #tpu.memory_space<vmem>>) semaphore(%arg9 : memref<!tpu.dma_semaphore, #tpu.memory_space<semaphore_mem>>)
      %dma_start3A_1244 = arith.constant 3 : i32
      %dma_start3A_1245 = arith.constant 3 : i32
      %dma_start3A_1246 = arith.constant 512 : i32
      %dma_start3A_1247 = arith.constant 0 : i32
      %dma_start3A_1248 = tpu.memref_slice %arg6[%dma_start3A_1245, %dma_start3A_1246, %dma_start3A_1247] : memref<4x1600x16xf32, #tpu.memory_space<vmem>> -> memref<1x128x16xf32, #tpu.memory_space<vmem>>
      %dma_start3A_1249 = tpu.memref_squeeze %dma_start3A_1248 : memref<1x128x16xf32, #tpu.memory_space<vmem>> -> memref<128x16xf32, #tpu.memory_space<vmem>>
      %dma_start3A_1250 = arith.constant 512 : i32
      %dma_start3A_1251 = tpu.memref_slice %arg5[%dma_start3A_1244, %dma_start3A_1250] : memref<4x1600xi32, #tpu.memory_space<vmem>> -> memref<1x128xi32, #tpu.memory_space<vmem>>
      %dma_start3A_1252 = tpu.memref_squeeze %dma_start3A_1251 : memref<1x128xi32, #tpu.memory_space<vmem>> -> memref<128xi32, #tpu.memory_space<vmem>>
      %dma_start3A_1253 = arith.constant 0 : i32
      %dma_start3A_1254 = arith.constant 0 : i32
      %dma_start3A_1255 = tpu.memref_slice %arg3[%dma_start3A_1253, %dma_start3A_1254] : memref<8192x16xf32, #tpu.memory_space<hbm>> -> memref<8192x16xf32, #tpu.memory_space<hbm>>
      tpu.enqueue_indirect_dma source(%dma_start3A_1255 : memref<8192x16xf32, #tpu.memory_space<hbm>>) target(%dma_start3A_1249 : memref<128x16xf32, #tpu.memory_space<vmem>>) offsets(%dma_start3A_1252 : memref<128xi32, #tpu.memory_space<vmem>>) semaphore(%arg9 : memref<!tpu.dma_semaphore, #tpu.memory_space<semaphore_mem>>)
      %dma_start3A_1256 = arith.constant 3 : i32
      %dma_start3A_1257 = arith.constant 3 : i32
      %dma_start3A_1258 = arith.constant 640 : i32
      %dma_start3A_1259 = arith.constant 0 : i32
      %dma_start3A_1260 = tpu.memref_slice %arg6[%dma_start3A_1257, %dma_start3A_1258, %dma_start3A_1259] : memref<4x1600x16xf32, #tpu.memory_space<vmem>> -> memref<1x128x16xf32, #tpu.memory_space<vmem>>
      %dma_start3A_1261 = tpu.memref_squeeze %dma_start3A_1260 : memref<1x128x16xf32, #tpu.memory_space<vmem>> -> memref<128x16xf32, #tpu.memory_space<vmem>>
      %dma_start3A_1262 = arith.constant 640 : i32
      %dma_start3A_1263 = tpu.memref_slice %arg5[%dma_start3A_1256, %dma_start3A_1262] : memref<4x1600xi32, #tpu.memory_space<vmem>> -> memref<1x128xi32, #tpu.memory_space<vmem>>
      %dma_start3A_1264 = tpu.memref_squeeze %dma_start3A_1263 : memref<1x128xi32, #tpu.memory_space<vmem>> -> memref<128xi32, #tpu.memory_space<vmem>>
      %dma_start3A_1265 = arith.constant 0 : i32
      %dma_start3A_1266 = arith.constant 0 : i32
      %dma_start3A_1267 = tpu.memref_slice %arg3[%dma_start3A_1265, %dma_start3A_1266] : memref<8192x16xf32, #tpu.memory_space<hbm>> -> memref<8192x16xf32, #tpu.memory_space<hbm>>
      tpu.enqueue_indirect_dma source(%dma_start3A_1267 : memref<8192x16xf32, #tpu.memory_space<hbm>>) target(%dma_start3A_1261 : memref<128x16xf32, #tpu.memory_space<vmem>>) offsets(%dma_start3A_1264 : memref<128xi32, #tpu.memory_space<vmem>>) semaphore(%arg9 : memref<!tpu.dma_semaphore, #tpu.memory_space<semaphore_mem>>)
      %dma_start3A_1268 = arith.constant 3 : i32
      %dma_start3A_1269 = arith.constant 3 : i32
      %dma_start3A_1270 = arith.constant 768 : i32
      %dma_start3A_1271 = arith.constant 0 : i32
      %dma_start3A_1272 = tpu.memref_slice %arg6[%dma_start3A_1269, %dma_start3A_1270, %dma_start3A_1271] : memref<4x1600x16xf32, #tpu.memory_space<vmem>> -> memref<1x128x16xf32, #tpu.memory_space<vmem>>
      %dma_start3A_1273 = tpu.memref_squeeze %dma_start3A_1272 : memref<1x128x16xf32, #tpu.memory_space<vmem>> -> memref<128x16xf32, #tpu.memory_space<vmem>>
      %dma_start3A_1274 = arith.constant 768 : i32
      %dma_start3A_1275 = tpu.memref_slice %arg5[%dma_start3A_1268, %dma_start3A_1274] : memref<4x1600xi32, #tpu.memory_space<vmem>> -> memref<1x128xi32, #tpu.memory_space<vmem>>
      %dma_start3A_1276 = tpu.memref_squeeze %dma_start3A_1275 : memref<1x128xi32, #tpu.memory_space<vmem>> -> memref<128xi32, #tpu.memory_space<vmem>>
      %dma_start3A_1277 = arith.constant 0 : i32
      %dma_start3A_1278 = arith.constant 0 : i32
      %dma_start3A_1279 = tpu.memref_slice %arg3[%dma_start3A_1277, %dma_start3A_1278] : memref<8192x16xf32, #tpu.memory_space<hbm>> -> memref<8192x16xf32, #tpu.memory_space<hbm>>
      tpu.enqueue_indirect_dma source(%dma_start3A_1279 : memref<8192x16xf32, #tpu.memory_space<hbm>>) target(%dma_start3A_1273 : memref<128x16xf32, #tpu.memory_space<vmem>>) offsets(%dma_start3A_1276 : memref<128xi32, #tpu.memory_space<vmem>>) semaphore(%arg9 : memref<!tpu.dma_semaphore, #tpu.memory_space<semaphore_mem>>)
      %dma_start3A_1280 = arith.constant 3 : i32
      %dma_start3A_1281 = arith.constant 3 : i32
      %dma_start3A_1282 = arith.constant 896 : i32
      %dma_start3A_1283 = arith.constant 0 : i32
      %dma_start3A_1284 = tpu.memref_slice %arg6[%dma_start3A_1281, %dma_start3A_1282, %dma_start3A_1283] : memref<4x1600x16xf32, #tpu.memory_space<vmem>> -> memref<1x128x16xf32, #tpu.memory_space<vmem>>
      %dma_start3A_1285 = tpu.memref_squeeze %dma_start3A_1284 : memref<1x128x16xf32, #tpu.memory_space<vmem>> -> memref<128x16xf32, #tpu.memory_space<vmem>>
      %dma_start3A_1286 = arith.constant 896 : i32
      %dma_start3A_1287 = tpu.memref_slice %arg5[%dma_start3A_1280, %dma_start3A_1286] : memref<4x1600xi32, #tpu.memory_space<vmem>> -> memref<1x128xi32, #tpu.memory_space<vmem>>
      %dma_start3A_1288 = tpu.memref_squeeze %dma_start3A_1287 : memref<1x128xi32, #tpu.memory_space<vmem>> -> memref<128xi32, #tpu.memory_space<vmem>>
      %dma_start3A_1289 = arith.constant 0 : i32
      %dma_start3A_1290 = arith.constant 0 : i32
      %dma_start3A_1291 = tpu.memref_slice %arg3[%dma_start3A_1289, %dma_start3A_1290] : memref<8192x16xf32, #tpu.memory_space<hbm>> -> memref<8192x16xf32, #tpu.memory_space<hbm>>
      tpu.enqueue_indirect_dma source(%dma_start3A_1291 : memref<8192x16xf32, #tpu.memory_space<hbm>>) target(%dma_start3A_1285 : memref<128x16xf32, #tpu.memory_space<vmem>>) offsets(%dma_start3A_1288 : memref<128xi32, #tpu.memory_space<vmem>>) semaphore(%arg9 : memref<!tpu.dma_semaphore, #tpu.memory_space<semaphore_mem>>)
      %dma_start3A_1292 = arith.constant 3 : i32
      %dma_start3A_1293 = arith.constant 3 : i32
      %dma_start3A_1294 = arith.constant 1024 : i32
      %dma_start3A_1295 = arith.constant 0 : i32
      %dma_start3A_1296 = tpu.memref_slice %arg6[%dma_start3A_1293, %dma_start3A_1294, %dma_start3A_1295] : memref<4x1600x16xf32, #tpu.memory_space<vmem>> -> memref<1x128x16xf32, #tpu.memory_space<vmem>>
      %dma_start3A_1297 = tpu.memref_squeeze %dma_start3A_1296 : memref<1x128x16xf32, #tpu.memory_space<vmem>> -> memref<128x16xf32, #tpu.memory_space<vmem>>
      %dma_start3A_1298 = arith.constant 1024 : i32
      %dma_start3A_1299 = tpu.memref_slice %arg5[%dma_start3A_1292, %dma_start3A_1298] : memref<4x1600xi32, #tpu.memory_space<vmem>> -> memref<1x128xi32, #tpu.memory_space<vmem>>
      %dma_start3A_1300 = tpu.memref_squeeze %dma_start3A_1299 : memref<1x128xi32, #tpu.memory_space<vmem>> -> memref<128xi32, #tpu.memory_space<vmem>>
      %dma_start3A_1301 = arith.constant 0 : i32
      %dma_start3A_1302 = arith.constant 0 : i32
      %dma_start3A_1303 = tpu.memref_slice %arg3[%dma_start3A_1301, %dma_start3A_1302] : memref<8192x16xf32, #tpu.memory_space<hbm>> -> memref<8192x16xf32, #tpu.memory_space<hbm>>
      tpu.enqueue_indirect_dma source(%dma_start3A_1303 : memref<8192x16xf32, #tpu.memory_space<hbm>>) target(%dma_start3A_1297 : memref<128x16xf32, #tpu.memory_space<vmem>>) offsets(%dma_start3A_1300 : memref<128xi32, #tpu.memory_space<vmem>>) semaphore(%arg9 : memref<!tpu.dma_semaphore, #tpu.memory_space<semaphore_mem>>)
      %dma_start3A_1304 = arith.constant 3 : i32
      %dma_start3A_1305 = arith.constant 3 : i32
      %dma_start3A_1306 = arith.constant 1152 : i32
      %dma_start3A_1307 = arith.constant 0 : i32
      %dma_start3A_1308 = tpu.memref_slice %arg6[%dma_start3A_1305, %dma_start3A_1306, %dma_start3A_1307] : memref<4x1600x16xf32, #tpu.memory_space<vmem>> -> memref<1x128x16xf32, #tpu.memory_space<vmem>>
      %dma_start3A_1309 = tpu.memref_squeeze %dma_start3A_1308 : memref<1x128x16xf32, #tpu.memory_space<vmem>> -> memref<128x16xf32, #tpu.memory_space<vmem>>
      %dma_start3A_1310 = arith.constant 1152 : i32
      %dma_start3A_1311 = tpu.memref_slice %arg5[%dma_start3A_1304, %dma_start3A_1310] : memref<4x1600xi32, #tpu.memory_space<vmem>> -> memref<1x128xi32, #tpu.memory_space<vmem>>
      %dma_start3A_1312 = tpu.memref_squeeze %dma_start3A_1311 : memref<1x128xi32, #tpu.memory_space<vmem>> -> memref<128xi32, #tpu.memory_space<vmem>>
      %dma_start3A_1313 = arith.constant 0 : i32
      %dma_start3A_1314 = arith.constant 0 : i32
      %dma_start3A_1315 = tpu.memref_slice %arg3[%dma_start3A_1313, %dma_start3A_1314] : memref<8192x16xf32, #tpu.memory_space<hbm>> -> memref<8192x16xf32, #tpu.memory_space<hbm>>
      tpu.enqueue_indirect_dma source(%dma_start3A_1315 : memref<8192x16xf32, #tpu.memory_space<hbm>>) target(%dma_start3A_1309 : memref<128x16xf32, #tpu.memory_space<vmem>>) offsets(%dma_start3A_1312 : memref<128xi32, #tpu.memory_space<vmem>>) semaphore(%arg9 : memref<!tpu.dma_semaphore, #tpu.memory_space<semaphore_mem>>)
      %dma_start3A_1316 = arith.constant 3 : i32
      %dma_start3A_1317 = arith.constant 3 : i32
      %dma_start3A_1318 = arith.constant 1280 : i32
      %dma_start3A_1319 = arith.constant 0 : i32
      %dma_start3A_1320 = tpu.memref_slice %arg6[%dma_start3A_1317, %dma_start3A_1318, %dma_start3A_1319] : memref<4x1600x16xf32, #tpu.memory_space<vmem>> -> memref<1x128x16xf32, #tpu.memory_space<vmem>>
      %dma_start3A_1321 = tpu.memref_squeeze %dma_start3A_1320 : memref<1x128x16xf32, #tpu.memory_space<vmem>> -> memref<128x16xf32, #tpu.memory_space<vmem>>
      %dma_start3A_1322 = arith.constant 1280 : i32
      %dma_start3A_1323 = tpu.memref_slice %arg5[%dma_start3A_1316, %dma_start3A_1322] : memref<4x1600xi32, #tpu.memory_space<vmem>> -> memref<1x128xi32, #tpu.memory_space<vmem>>
      %dma_start3A_1324 = tpu.memref_squeeze %dma_start3A_1323 : memref<1x128xi32, #tpu.memory_space<vmem>> -> memref<128xi32, #tpu.memory_space<vmem>>
      %dma_start3A_1325 = arith.constant 0 : i32
      %dma_start3A_1326 = arith.constant 0 : i32
      %dma_start3A_1327 = tpu.memref_slice %arg3[%dma_start3A_1325, %dma_start3A_1326] : memref<8192x16xf32, #tpu.memory_space<hbm>> -> memref<8192x16xf32, #tpu.memory_space<hbm>>
      tpu.enqueue_indirect_dma source(%dma_start3A_1327 : memref<8192x16xf32, #tpu.memory_space<hbm>>) target(%dma_start3A_1321 : memref<128x16xf32, #tpu.memory_space<vmem>>) offsets(%dma_start3A_1324 : memref<128xi32, #tpu.memory_space<vmem>>) semaphore(%arg9 : memref<!tpu.dma_semaphore, #tpu.memory_space<semaphore_mem>>)
      %dma_start3A_1328 = arith.constant 3 : i32
      %dma_start3A_1329 = arith.constant 3 : i32
      %dma_start3A_1330 = arith.constant 1408 : i32
      %dma_start3A_1331 = arith.constant 0 : i32
      %dma_start3A_1332 = tpu.memref_slice %arg6[%dma_start3A_1329, %dma_start3A_1330, %dma_start3A_1331] : memref<4x1600x16xf32, #tpu.memory_space<vmem>> -> memref<1x128x16xf32, #tpu.memory_space<vmem>>
      %dma_start3A_1333 = tpu.memref_squeeze %dma_start3A_1332 : memref<1x128x16xf32, #tpu.memory_space<vmem>> -> memref<128x16xf32, #tpu.memory_space<vmem>>
      %dma_start3A_1334 = arith.constant 1408 : i32
      %dma_start3A_1335 = tpu.memref_slice %arg5[%dma_start3A_1328, %dma_start3A_1334] : memref<4x1600xi32, #tpu.memory_space<vmem>> -> memref<1x128xi32, #tpu.memory_space<vmem>>
      %dma_start3A_1336 = tpu.memref_squeeze %dma_start3A_1335 : memref<1x128xi32, #tpu.memory_space<vmem>> -> memref<128xi32, #tpu.memory_space<vmem>>
      %dma_start3A_1337 = arith.constant 0 : i32
      %dma_start3A_1338 = arith.constant 0 : i32
      %dma_start3A_1339 = tpu.memref_slice %arg3[%dma_start3A_1337, %dma_start3A_1338] : memref<8192x16xf32, #tpu.memory_space<hbm>> -> memref<8192x16xf32, #tpu.memory_space<hbm>>
      tpu.enqueue_indirect_dma source(%dma_start3A_1339 : memref<8192x16xf32, #tpu.memory_space<hbm>>) target(%dma_start3A_1333 : memref<128x16xf32, #tpu.memory_space<vmem>>) offsets(%dma_start3A_1336 : memref<128xi32, #tpu.memory_space<vmem>>) semaphore(%arg9 : memref<!tpu.dma_semaphore, #tpu.memory_space<semaphore_mem>>)
      %dma_start3A_1340 = arith.constant 3 : i32
      %dma_start3A_1341 = arith.constant 3 : i32
      %dma_start3A_1342 = arith.constant 1536 : i32
      %dma_start3A_1343 = arith.constant 0 : i32
      %dma_start3A_1344 = tpu.memref_slice %arg6[%dma_start3A_1341, %dma_start3A_1342, %dma_start3A_1343] : memref<4x1600x16xf32, #tpu.memory_space<vmem>> -> memref<1x64x16xf32, #tpu.memory_space<vmem>>
      %dma_start3A_1345 = tpu.memref_squeeze %dma_start3A_1344 : memref<1x64x16xf32, #tpu.memory_space<vmem>> -> memref<64x16xf32, #tpu.memory_space<vmem>>
      %dma_start3A_1346 = arith.constant 1536 : i32
      %dma_start3A_1347 = tpu.memref_slice %arg5[%dma_start3A_1340, %dma_start3A_1346] : memref<4x1600xi32, #tpu.memory_space<vmem>> -> memref<1x64xi32, #tpu.memory_space<vmem>>
      %dma_start3A_1348 = tpu.memref_squeeze %dma_start3A_1347 : memref<1x64xi32, #tpu.memory_space<vmem>> -> memref<64xi32, #tpu.memory_space<vmem>>
      %dma_start3A_1349 = arith.constant 0 : i32
      %dma_start3A_1350 = arith.constant 0 : i32
      %dma_start3A_1351 = tpu.memref_slice %arg3[%dma_start3A_1349, %dma_start3A_1350] : memref<8192x16xf32, #tpu.memory_space<hbm>> -> memref<8192x16xf32, #tpu.memory_space<hbm>>
      tpu.enqueue_indirect_dma source(%dma_start3A_1351 : memref<8192x16xf32, #tpu.memory_space<hbm>>) target(%dma_start3A_1345 : memref<64x16xf32, #tpu.memory_space<vmem>>) offsets(%dma_start3A_1348 : memref<64xi32, #tpu.memory_space<vmem>>) semaphore(%arg9 : memref<!tpu.dma_semaphore, #tpu.memory_space<semaphore_mem>>)
      %dma_wait3A_1352 = arith.constant 3 : i32
      %dma_wait3A_1353 = arith.constant 3 : i32
      %dma_wait3A_1354 = arith.constant 0 : i32
      %dma_wait3A_1355 = arith.constant 0 : i32
      %dma_wait3A_1356 = tpu.memref_slice %arg6[%dma_wait3A_1353, %dma_wait3A_1354, %dma_wait3A_1355] : memref<4x1600x16xf32, #tpu.memory_space<vmem>> -> memref<1x128x16xf32, #tpu.memory_space<vmem>>
      %dma_wait3A_1357 = tpu.memref_squeeze %dma_wait3A_1356 : memref<1x128x16xf32, #tpu.memory_space<vmem>> -> memref<128x16xf32, #tpu.memory_space<vmem>>
      %dma_wait3A_1358 = arith.constant 0 : i32
      %dma_wait3A_1359 = tpu.memref_slice %arg5[%dma_wait3A_1352, %dma_wait3A_1358] : memref<4x1600xi32, #tpu.memory_space<vmem>> -> memref<1x128xi32, #tpu.memory_space<vmem>>
      %dma_wait3A_1360 = tpu.memref_squeeze %dma_wait3A_1359 : memref<1x128xi32, #tpu.memory_space<vmem>> -> memref<128xi32, #tpu.memory_space<vmem>>
      %dma_wait3A_1361 = arith.constant 0 : i32
      %dma_wait3A_1362 = arith.constant 0 : i32
      %dma_wait3A_1363 = tpu.memref_slice %arg3[%dma_wait3A_1361, %dma_wait3A_1362] : memref<8192x16xf32, #tpu.memory_space<hbm>> -> memref<8192x16xf32, #tpu.memory_space<hbm>>
      tpu.wait_indirect_dma semaphore(%arg9 : memref<!tpu.dma_semaphore, #tpu.memory_space<semaphore_mem>>) src(%dma_wait3A_1363 : memref<8192x16xf32, #tpu.memory_space<hbm>>) dst(%dma_wait3A_1357 : memref<128x16xf32, #tpu.memory_space<vmem>>)
      %dma_wait3A_1364 = arith.constant 3 : i32
      %dma_wait3A_1365 = arith.constant 3 : i32
      %dma_wait3A_1366 = arith.constant 128 : i32
      %dma_wait3A_1367 = arith.constant 0 : i32
      %dma_wait3A_1368 = tpu.memref_slice %arg6[%dma_wait3A_1365, %dma_wait3A_1366, %dma_wait3A_1367] : memref<4x1600x16xf32, #tpu.memory_space<vmem>> -> memref<1x128x16xf32, #tpu.memory_space<vmem>>
      %dma_wait3A_1369 = tpu.memref_squeeze %dma_wait3A_1368 : memref<1x128x16xf32, #tpu.memory_space<vmem>> -> memref<128x16xf32, #tpu.memory_space<vmem>>
      %dma_wait3A_1370 = arith.constant 128 : i32
      %dma_wait3A_1371 = tpu.memref_slice %arg5[%dma_wait3A_1364, %dma_wait3A_1370] : memref<4x1600xi32, #tpu.memory_space<vmem>> -> memref<1x128xi32, #tpu.memory_space<vmem>>
      %dma_wait3A_1372 = tpu.memref_squeeze %dma_wait3A_1371 : memref<1x128xi32, #tpu.memory_space<vmem>> -> memref<128xi32, #tpu.memory_space<vmem>>
      %dma_wait3A_1373 = arith.constant 0 : i32
      %dma_wait3A_1374 = arith.constant 0 : i32
      %dma_wait3A_1375 = tpu.memref_slice %arg3[%dma_wait3A_1373, %dma_wait3A_1374] : memref<8192x16xf32, #tpu.memory_space<hbm>> -> memref<8192x16xf32, #tpu.memory_space<hbm>>
      tpu.wait_indirect_dma semaphore(%arg9 : memref<!tpu.dma_semaphore, #tpu.memory_space<semaphore_mem>>) src(%dma_wait3A_1375 : memref<8192x16xf32, #tpu.memory_space<hbm>>) dst(%dma_wait3A_1369 : memref<128x16xf32, #tpu.memory_space<vmem>>)
      %dma_wait3A_1376 = arith.constant 3 : i32
      %dma_wait3A_1377 = arith.constant 3 : i32
      %dma_wait3A_1378 = arith.constant 256 : i32
      %dma_wait3A_1379 = arith.constant 0 : i32
      %dma_wait3A_1380 = tpu.memref_slice %arg6[%dma_wait3A_1377, %dma_wait3A_1378, %dma_wait3A_1379] : memref<4x1600x16xf32, #tpu.memory_space<vmem>> -> memref<1x128x16xf32, #tpu.memory_space<vmem>>
      %dma_wait3A_1381 = tpu.memref_squeeze %dma_wait3A_1380 : memref<1x128x16xf32, #tpu.memory_space<vmem>> -> memref<128x16xf32, #tpu.memory_space<vmem>>
      %dma_wait3A_1382 = arith.constant 256 : i32
      %dma_wait3A_1383 = tpu.memref_slice %arg5[%dma_wait3A_1376, %dma_wait3A_1382] : memref<4x1600xi32, #tpu.memory_space<vmem>> -> memref<1x128xi32, #tpu.memory_space<vmem>>
      %dma_wait3A_1384 = tpu.memref_squeeze %dma_wait3A_1383 : memref<1x128xi32, #tpu.memory_space<vmem>> -> memref<128xi32, #tpu.memory_space<vmem>>
      %dma_wait3A_1385 = arith.constant 0 : i32
      %dma_wait3A_1386 = arith.constant 0 : i32
      %dma_wait3A_1387 = tpu.memref_slice %arg3[%dma_wait3A_1385, %dma_wait3A_1386] : memref<8192x16xf32, #tpu.memory_space<hbm>> -> memref<8192x16xf32, #tpu.memory_space<hbm>>
      tpu.wait_indirect_dma semaphore(%arg9 : memref<!tpu.dma_semaphore, #tpu.memory_space<semaphore_mem>>) src(%dma_wait3A_1387 : memref<8192x16xf32, #tpu.memory_space<hbm>>) dst(%dma_wait3A_1381 : memref<128x16xf32, #tpu.memory_space<vmem>>)
      %dma_wait3A_1388 = arith.constant 3 : i32
      %dma_wait3A_1389 = arith.constant 3 : i32
      %dma_wait3A_1390 = arith.constant 384 : i32
      %dma_wait3A_1391 = arith.constant 0 : i32
      %dma_wait3A_1392 = tpu.memref_slice %arg6[%dma_wait3A_1389, %dma_wait3A_1390, %dma_wait3A_1391] : memref<4x1600x16xf32, #tpu.memory_space<vmem>> -> memref<1x128x16xf32, #tpu.memory_space<vmem>>
      %dma_wait3A_1393 = tpu.memref_squeeze %dma_wait3A_1392 : memref<1x128x16xf32, #tpu.memory_space<vmem>> -> memref<128x16xf32, #tpu.memory_space<vmem>>
      %dma_wait3A_1394 = arith.constant 384 : i32
      %dma_wait3A_1395 = tpu.memref_slice %arg5[%dma_wait3A_1388, %dma_wait3A_1394] : memref<4x1600xi32, #tpu.memory_space<vmem>> -> memref<1x128xi32, #tpu.memory_space<vmem>>
      %dma_wait3A_1396 = tpu.memref_squeeze %dma_wait3A_1395 : memref<1x128xi32, #tpu.memory_space<vmem>> -> memref<128xi32, #tpu.memory_space<vmem>>
      %dma_wait3A_1397 = arith.constant 0 : i32
      %dma_wait3A_1398 = arith.constant 0 : i32
      %dma_wait3A_1399 = tpu.memref_slice %arg3[%dma_wait3A_1397, %dma_wait3A_1398] : memref<8192x16xf32, #tpu.memory_space<hbm>> -> memref<8192x16xf32, #tpu.memory_space<hbm>>
      tpu.wait_indirect_dma semaphore(%arg9 : memref<!tpu.dma_semaphore, #tpu.memory_space<semaphore_mem>>) src(%dma_wait3A_1399 : memref<8192x16xf32, #tpu.memory_space<hbm>>) dst(%dma_wait3A_1393 : memref<128x16xf32, #tpu.memory_space<vmem>>)
      %dma_wait3A_1400 = arith.constant 3 : i32
      %dma_wait3A_1401 = arith.constant 3 : i32
      %dma_wait3A_1402 = arith.constant 512 : i32
      %dma_wait3A_1403 = arith.constant 0 : i32
      %dma_wait3A_1404 = tpu.memref_slice %arg6[%dma_wait3A_1401, %dma_wait3A_1402, %dma_wait3A_1403] : memref<4x1600x16xf32, #tpu.memory_space<vmem>> -> memref<1x128x16xf32, #tpu.memory_space<vmem>>
      %dma_wait3A_1405 = tpu.memref_squeeze %dma_wait3A_1404 : memref<1x128x16xf32, #tpu.memory_space<vmem>> -> memref<128x16xf32, #tpu.memory_space<vmem>>
      %dma_wait3A_1406 = arith.constant 512 : i32
      %dma_wait3A_1407 = tpu.memref_slice %arg5[%dma_wait3A_1400, %dma_wait3A_1406] : memref<4x1600xi32, #tpu.memory_space<vmem>> -> memref<1x128xi32, #tpu.memory_space<vmem>>
      %dma_wait3A_1408 = tpu.memref_squeeze %dma_wait3A_1407 : memref<1x128xi32, #tpu.memory_space<vmem>> -> memref<128xi32, #tpu.memory_space<vmem>>
      %dma_wait3A_1409 = arith.constant 0 : i32
      %dma_wait3A_1410 = arith.constant 0 : i32
      %dma_wait3A_1411 = tpu.memref_slice %arg3[%dma_wait3A_1409, %dma_wait3A_1410] : memref<8192x16xf32, #tpu.memory_space<hbm>> -> memref<8192x16xf32, #tpu.memory_space<hbm>>
      tpu.wait_indirect_dma semaphore(%arg9 : memref<!tpu.dma_semaphore, #tpu.memory_space<semaphore_mem>>) src(%dma_wait3A_1411 : memref<8192x16xf32, #tpu.memory_space<hbm>>) dst(%dma_wait3A_1405 : memref<128x16xf32, #tpu.memory_space<vmem>>)
      %dma_wait3A_1412 = arith.constant 3 : i32
      %dma_wait3A_1413 = arith.constant 3 : i32
      %dma_wait3A_1414 = arith.constant 640 : i32
      %dma_wait3A_1415 = arith.constant 0 : i32
      %dma_wait3A_1416 = tpu.memref_slice %arg6[%dma_wait3A_1413, %dma_wait3A_1414, %dma_wait3A_1415] : memref<4x1600x16xf32, #tpu.memory_space<vmem>> -> memref<1x128x16xf32, #tpu.memory_space<vmem>>
      %dma_wait3A_1417 = tpu.memref_squeeze %dma_wait3A_1416 : memref<1x128x16xf32, #tpu.memory_space<vmem>> -> memref<128x16xf32, #tpu.memory_space<vmem>>
      %dma_wait3A_1418 = arith.constant 640 : i32
      %dma_wait3A_1419 = tpu.memref_slice %arg5[%dma_wait3A_1412, %dma_wait3A_1418] : memref<4x1600xi32, #tpu.memory_space<vmem>> -> memref<1x128xi32, #tpu.memory_space<vmem>>
      %dma_wait3A_1420 = tpu.memref_squeeze %dma_wait3A_1419 : memref<1x128xi32, #tpu.memory_space<vmem>> -> memref<128xi32, #tpu.memory_space<vmem>>
      %dma_wait3A_1421 = arith.constant 0 : i32
      %dma_wait3A_1422 = arith.constant 0 : i32
      %dma_wait3A_1423 = tpu.memref_slice %arg3[%dma_wait3A_1421, %dma_wait3A_1422] : memref<8192x16xf32, #tpu.memory_space<hbm>> -> memref<8192x16xf32, #tpu.memory_space<hbm>>
      tpu.wait_indirect_dma semaphore(%arg9 : memref<!tpu.dma_semaphore, #tpu.memory_space<semaphore_mem>>) src(%dma_wait3A_1423 : memref<8192x16xf32, #tpu.memory_space<hbm>>) dst(%dma_wait3A_1417 : memref<128x16xf32, #tpu.memory_space<vmem>>)
      %dma_wait3A_1424 = arith.constant 3 : i32
      %dma_wait3A_1425 = arith.constant 3 : i32
      %dma_wait3A_1426 = arith.constant 768 : i32
      %dma_wait3A_1427 = arith.constant 0 : i32
      %dma_wait3A_1428 = tpu.memref_slice %arg6[%dma_wait3A_1425, %dma_wait3A_1426, %dma_wait3A_1427] : memref<4x1600x16xf32, #tpu.memory_space<vmem>> -> memref<1x128x16xf32, #tpu.memory_space<vmem>>
      %dma_wait3A_1429 = tpu.memref_squeeze %dma_wait3A_1428 : memref<1x128x16xf32, #tpu.memory_space<vmem>> -> memref<128x16xf32, #tpu.memory_space<vmem>>
      %dma_wait3A_1430 = arith.constant 768 : i32
      %dma_wait3A_1431 = tpu.memref_slice %arg5[%dma_wait3A_1424, %dma_wait3A_1430] : memref<4x1600xi32, #tpu.memory_space<vmem>> -> memref<1x128xi32, #tpu.memory_space<vmem>>
      %dma_wait3A_1432 = tpu.memref_squeeze %dma_wait3A_1431 : memref<1x128xi32, #tpu.memory_space<vmem>> -> memref<128xi32, #tpu.memory_space<vmem>>
      %dma_wait3A_1433 = arith.constant 0 : i32
      %dma_wait3A_1434 = arith.constant 0 : i32
      %dma_wait3A_1435 = tpu.memref_slice %arg3[%dma_wait3A_1433, %dma_wait3A_1434] : memref<8192x16xf32, #tpu.memory_space<hbm>> -> memref<8192x16xf32, #tpu.memory_space<hbm>>
      tpu.wait_indirect_dma semaphore(%arg9 : memref<!tpu.dma_semaphore, #tpu.memory_space<semaphore_mem>>) src(%dma_wait3A_1435 : memref<8192x16xf32, #tpu.memory_space<hbm>>) dst(%dma_wait3A_1429 : memref<128x16xf32, #tpu.memory_space<vmem>>)
      %dma_wait3A_1436 = arith.constant 3 : i32
      %dma_wait3A_1437 = arith.constant 3 : i32
      %dma_wait3A_1438 = arith.constant 896 : i32
      %dma_wait3A_1439 = arith.constant 0 : i32
      %dma_wait3A_1440 = tpu.memref_slice %arg6[%dma_wait3A_1437, %dma_wait3A_1438, %dma_wait3A_1439] : memref<4x1600x16xf32, #tpu.memory_space<vmem>> -> memref<1x128x16xf32, #tpu.memory_space<vmem>>
      %dma_wait3A_1441 = tpu.memref_squeeze %dma_wait3A_1440 : memref<1x128x16xf32, #tpu.memory_space<vmem>> -> memref<128x16xf32, #tpu.memory_space<vmem>>
      %dma_wait3A_1442 = arith.constant 896 : i32
      %dma_wait3A_1443 = tpu.memref_slice %arg5[%dma_wait3A_1436, %dma_wait3A_1442] : memref<4x1600xi32, #tpu.memory_space<vmem>> -> memref<1x128xi32, #tpu.memory_space<vmem>>
      %dma_wait3A_1444 = tpu.memref_squeeze %dma_wait3A_1443 : memref<1x128xi32, #tpu.memory_space<vmem>> -> memref<128xi32, #tpu.memory_space<vmem>>
      %dma_wait3A_1445 = arith.constant 0 : i32
      %dma_wait3A_1446 = arith.constant 0 : i32
      %dma_wait3A_1447 = tpu.memref_slice %arg3[%dma_wait3A_1445, %dma_wait3A_1446] : memref<8192x16xf32, #tpu.memory_space<hbm>> -> memref<8192x16xf32, #tpu.memory_space<hbm>>
      tpu.wait_indirect_dma semaphore(%arg9 : memref<!tpu.dma_semaphore, #tpu.memory_space<semaphore_mem>>) src(%dma_wait3A_1447 : memref<8192x16xf32, #tpu.memory_space<hbm>>) dst(%dma_wait3A_1441 : memref<128x16xf32, #tpu.memory_space<vmem>>)
      %dma_wait3A_1448 = arith.constant 3 : i32
      %dma_wait3A_1449 = arith.constant 3 : i32
      %dma_wait3A_1450 = arith.constant 1024 : i32
      %dma_wait3A_1451 = arith.constant 0 : i32
      %dma_wait3A_1452 = tpu.memref_slice %arg6[%dma_wait3A_1449, %dma_wait3A_1450, %dma_wait3A_1451] : memref<4x1600x16xf32, #tpu.memory_space<vmem>> -> memref<1x128x16xf32, #tpu.memory_space<vmem>>
      %dma_wait3A_1453 = tpu.memref_squeeze %dma_wait3A_1452 : memref<1x128x16xf32, #tpu.memory_space<vmem>> -> memref<128x16xf32, #tpu.memory_space<vmem>>
      %dma_wait3A_1454 = arith.constant 1024 : i32
      %dma_wait3A_1455 = tpu.memref_slice %arg5[%dma_wait3A_1448, %dma_wait3A_1454] : memref<4x1600xi32, #tpu.memory_space<vmem>> -> memref<1x128xi32, #tpu.memory_space<vmem>>
      %dma_wait3A_1456 = tpu.memref_squeeze %dma_wait3A_1455 : memref<1x128xi32, #tpu.memory_space<vmem>> -> memref<128xi32, #tpu.memory_space<vmem>>
      %dma_wait3A_1457 = arith.constant 0 : i32
      %dma_wait3A_1458 = arith.constant 0 : i32
      %dma_wait3A_1459 = tpu.memref_slice %arg3[%dma_wait3A_1457, %dma_wait3A_1458] : memref<8192x16xf32, #tpu.memory_space<hbm>> -> memref<8192x16xf32, #tpu.memory_space<hbm>>
      tpu.wait_indirect_dma semaphore(%arg9 : memref<!tpu.dma_semaphore, #tpu.memory_space<semaphore_mem>>) src(%dma_wait3A_1459 : memref<8192x16xf32, #tpu.memory_space<hbm>>) dst(%dma_wait3A_1453 : memref<128x16xf32, #tpu.memory_space<vmem>>)
      %dma_wait3A_1460 = arith.constant 3 : i32
      %dma_wait3A_1461 = arith.constant 3 : i32
      %dma_wait3A_1462 = arith.constant 1152 : i32
      %dma_wait3A_1463 = arith.constant 0 : i32
      %dma_wait3A_1464 = tpu.memref_slice %arg6[%dma_wait3A_1461, %dma_wait3A_1462, %dma_wait3A_1463] : memref<4x1600x16xf32, #tpu.memory_space<vmem>> -> memref<1x128x16xf32, #tpu.memory_space<vmem>>
      %dma_wait3A_1465 = tpu.memref_squeeze %dma_wait3A_1464 : memref<1x128x16xf32, #tpu.memory_space<vmem>> -> memref<128x16xf32, #tpu.memory_space<vmem>>
      %dma_wait3A_1466 = arith.constant 1152 : i32
      %dma_wait3A_1467 = tpu.memref_slice %arg5[%dma_wait3A_1460, %dma_wait3A_1466] : memref<4x1600xi32, #tpu.memory_space<vmem>> -> memref<1x128xi32, #tpu.memory_space<vmem>>
      %dma_wait3A_1468 = tpu.memref_squeeze %dma_wait3A_1467 : memref<1x128xi32, #tpu.memory_space<vmem>> -> memref<128xi32, #tpu.memory_space<vmem>>
      %dma_wait3A_1469 = arith.constant 0 : i32
      %dma_wait3A_1470 = arith.constant 0 : i32
      %dma_wait3A_1471 = tpu.memref_slice %arg3[%dma_wait3A_1469, %dma_wait3A_1470] : memref<8192x16xf32, #tpu.memory_space<hbm>> -> memref<8192x16xf32, #tpu.memory_space<hbm>>
      tpu.wait_indirect_dma semaphore(%arg9 : memref<!tpu.dma_semaphore, #tpu.memory_space<semaphore_mem>>) src(%dma_wait3A_1471 : memref<8192x16xf32, #tpu.memory_space<hbm>>) dst(%dma_wait3A_1465 : memref<128x16xf32, #tpu.memory_space<vmem>>)
      %dma_wait3A_1472 = arith.constant 3 : i32
      %dma_wait3A_1473 = arith.constant 3 : i32
      %dma_wait3A_1474 = arith.constant 1280 : i32
      %dma_wait3A_1475 = arith.constant 0 : i32
      %dma_wait3A_1476 = tpu.memref_slice %arg6[%dma_wait3A_1473, %dma_wait3A_1474, %dma_wait3A_1475] : memref<4x1600x16xf32, #tpu.memory_space<vmem>> -> memref<1x128x16xf32, #tpu.memory_space<vmem>>
      %dma_wait3A_1477 = tpu.memref_squeeze %dma_wait3A_1476 : memref<1x128x16xf32, #tpu.memory_space<vmem>> -> memref<128x16xf32, #tpu.memory_space<vmem>>
      %dma_wait3A_1478 = arith.constant 1280 : i32
      %dma_wait3A_1479 = tpu.memref_slice %arg5[%dma_wait3A_1472, %dma_wait3A_1478] : memref<4x1600xi32, #tpu.memory_space<vmem>> -> memref<1x128xi32, #tpu.memory_space<vmem>>
      %dma_wait3A_1480 = tpu.memref_squeeze %dma_wait3A_1479 : memref<1x128xi32, #tpu.memory_space<vmem>> -> memref<128xi32, #tpu.memory_space<vmem>>
      %dma_wait3A_1481 = arith.constant 0 : i32
      %dma_wait3A_1482 = arith.constant 0 : i32
      %dma_wait3A_1483 = tpu.memref_slice %arg3[%dma_wait3A_1481, %dma_wait3A_1482] : memref<8192x16xf32, #tpu.memory_space<hbm>> -> memref<8192x16xf32, #tpu.memory_space<hbm>>
      tpu.wait_indirect_dma semaphore(%arg9 : memref<!tpu.dma_semaphore, #tpu.memory_space<semaphore_mem>>) src(%dma_wait3A_1483 : memref<8192x16xf32, #tpu.memory_space<hbm>>) dst(%dma_wait3A_1477 : memref<128x16xf32, #tpu.memory_space<vmem>>)
      %dma_wait3A_1484 = arith.constant 3 : i32
      %dma_wait3A_1485 = arith.constant 3 : i32
      %dma_wait3A_1486 = arith.constant 1408 : i32
      %dma_wait3A_1487 = arith.constant 0 : i32
      %dma_wait3A_1488 = tpu.memref_slice %arg6[%dma_wait3A_1485, %dma_wait3A_1486, %dma_wait3A_1487] : memref<4x1600x16xf32, #tpu.memory_space<vmem>> -> memref<1x128x16xf32, #tpu.memory_space<vmem>>
      %dma_wait3A_1489 = tpu.memref_squeeze %dma_wait3A_1488 : memref<1x128x16xf32, #tpu.memory_space<vmem>> -> memref<128x16xf32, #tpu.memory_space<vmem>>
      %dma_wait3A_1490 = arith.constant 1408 : i32
      %dma_wait3A_1491 = tpu.memref_slice %arg5[%dma_wait3A_1484, %dma_wait3A_1490] : memref<4x1600xi32, #tpu.memory_space<vmem>> -> memref<1x128xi32, #tpu.memory_space<vmem>>
      %dma_wait3A_1492 = tpu.memref_squeeze %dma_wait3A_1491 : memref<1x128xi32, #tpu.memory_space<vmem>> -> memref<128xi32, #tpu.memory_space<vmem>>
      %dma_wait3A_1493 = arith.constant 0 : i32
      %dma_wait3A_1494 = arith.constant 0 : i32
      %dma_wait3A_1495 = tpu.memref_slice %arg3[%dma_wait3A_1493, %dma_wait3A_1494] : memref<8192x16xf32, #tpu.memory_space<hbm>> -> memref<8192x16xf32, #tpu.memory_space<hbm>>
      tpu.wait_indirect_dma semaphore(%arg9 : memref<!tpu.dma_semaphore, #tpu.memory_space<semaphore_mem>>) src(%dma_wait3A_1495 : memref<8192x16xf32, #tpu.memory_space<hbm>>) dst(%dma_wait3A_1489 : memref<128x16xf32, #tpu.memory_space<vmem>>)
      %dma_wait3A_1496 = arith.constant 3 : i32
      %dma_wait3A_1497 = arith.constant 3 : i32
      %dma_wait3A_1498 = arith.constant 1536 : i32
      %dma_wait3A_1499 = arith.constant 0 : i32
      %dma_wait3A_1500 = tpu.memref_slice %arg6[%dma_wait3A_1497, %dma_wait3A_1498, %dma_wait3A_1499] : memref<4x1600x16xf32, #tpu.memory_space<vmem>> -> memref<1x64x16xf32, #tpu.memory_space<vmem>>
      %dma_wait3A_1501 = tpu.memref_squeeze %dma_wait3A_1500 : memref<1x64x16xf32, #tpu.memory_space<vmem>> -> memref<64x16xf32, #tpu.memory_space<vmem>>
      %dma_wait3A_1502 = arith.constant 1536 : i32
      %dma_wait3A_1503 = tpu.memref_slice %arg5[%dma_wait3A_1496, %dma_wait3A_1502] : memref<4x1600xi32, #tpu.memory_space<vmem>> -> memref<1x64xi32, #tpu.memory_space<vmem>>
      %dma_wait3A_1504 = tpu.memref_squeeze %dma_wait3A_1503 : memref<1x64xi32, #tpu.memory_space<vmem>> -> memref<64xi32, #tpu.memory_space<vmem>>
      %dma_wait3A_1505 = arith.constant 0 : i32
      %dma_wait3A_1506 = arith.constant 0 : i32
      %dma_wait3A_1507 = tpu.memref_slice %arg3[%dma_wait3A_1505, %dma_wait3A_1506] : memref<8192x16xf32, #tpu.memory_space<hbm>> -> memref<8192x16xf32, #tpu.memory_space<hbm>>
      tpu.wait_indirect_dma semaphore(%arg9 : memref<!tpu.dma_semaphore, #tpu.memory_space<semaphore_mem>>) src(%dma_wait3A_1507 : memref<8192x16xf32, #tpu.memory_space<hbm>>) dst(%dma_wait3A_1501 : memref<64x16xf32, #tpu.memory_space<vmem>>)
      %mul3A_1508 = arith.constant 1600 : i32
      %mul3A_1509 = arith.muli %add3A_1173, %mul3A_1508 : i32
      %add3A_1510 = arith.addi %mul3A_2, %mul3A_1509 : i32
      %dma_start3A_1511 = arith.constant 3 : i32
      %dma_start3A_1512 = arith.constant 3 : i32
      %dma_start3A_1513 = arith.constant 0 : i32
      %dma_start3A_1514 = arith.constant 0 : i32
      %dma_start3A_1515 = tpu.memref_slice %arg6[%dma_start3A_1511, %dma_start3A_1513, %dma_start3A_1514] : memref<4x1600x16xf32, #tpu.memory_space<vmem>> -> memref<1x1600x16xf32, #tpu.memory_space<vmem>>
      %dma_start3A_1516 = tpu.memref_squeeze %dma_start3A_1515 : memref<1x1600x16xf32, #tpu.memory_space<vmem>> -> memref<1600x16xf32, #tpu.memory_space<vmem>>
      %dma_start3A_1517 = arith.constant 0 : i32
      %dma_start3A_1518 = tpu.memref_slice %arg4[%add3A_1510, %dma_start3A_1517] : memref<1638400x16xf32, #tpu.memory_space<hbm>> -> memref<1600x16xf32, #tpu.memory_space<hbm>>
      %dma_start3A_1519 = tpu.memref_slice %arg8[%dma_start3A_1512] : memref<4x!tpu.dma_semaphore, #tpu.memory_space<semaphore_mem>> -> memref<1x!tpu.dma_semaphore, #tpu.memory_space<semaphore_mem>>
      %dma_start3A_1520 = tpu.memref_squeeze %dma_start3A_1519 : memref<1x!tpu.dma_semaphore, #tpu.memory_space<semaphore_mem>> -> memref<!tpu.dma_semaphore, #tpu.memory_space<semaphore_mem>>
      %dma_start3A_1521 = arith.constant 0 : i32
      %dma_start3A_1522 = tpu.memref_slice %arg4[%add3A_1510, %dma_start3A_1521] : memref<1638400x16xf32, #tpu.memory_space<hbm>> -> memref<1600x16xf32, #tpu.memory_space<hbm>>
      %dma_start3A_1523 = arith.constant 0 : i32
      %dma_start3A_1524 = arith.constant 0 : i32
      %dma_start3A_1525 = tpu.memref_slice %arg6[%dma_start3A_1511, %dma_start3A_1523, %dma_start3A_1524] : memref<4x1600x16xf32, #tpu.memory_space<vmem>> -> memref<1x1600x16xf32, #tpu.memory_space<vmem>>
      %dma_start3A_1526 = tpu.memref_squeeze %dma_start3A_1525 : memref<1x1600x16xf32, #tpu.memory_space<vmem>> -> memref<1600x16xf32, #tpu.memory_space<vmem>>
      tpu.enqueue_dma source(%dma_start3A_1526 : memref<1600x16xf32, #tpu.memory_space<vmem>>) target(%dma_start3A_1522 : memref<1600x16xf32, #tpu.memory_space<hbm>>) target_semaphore(%dma_start3A_1520 : memref<!tpu.dma_semaphore, #tpu.memory_space<semaphore_mem>>)
    }
    %scan3A_33 = arith.constant 8 : i32
    %add3A_34 = arith.constant 44800 : i32
    %add3A_35 = arith.addi %mul3A_2, %add3A_34 : i32
    %dma_wait3A = arith.constant 0 : i32
    %dma_wait3A_36 = arith.constant 0 : i32
    %dma_wait3A_37 = arith.constant 0 : i32
    %dma_wait3A_38 = arith.constant 0 : i32
    %dma_wait3A_39 = tpu.memref_slice %arg6[%dma_wait3A, %dma_wait3A_37, %dma_wait3A_38] : memref<4x1600x16xf32, #tpu.memory_space<vmem>> -> memref<1x1600x16xf32, #tpu.memory_space<vmem>>
    %dma_wait3A_40 = tpu.memref_squeeze %dma_wait3A_39 : memref<1x1600x16xf32, #tpu.memory_space<vmem>> -> memref<1600x16xf32, #tpu.memory_space<vmem>>
    %dma_wait3A_41 = arith.constant 0 : i32
    %dma_wait3A_42 = tpu.memref_slice %arg4[%add3A_35, %dma_wait3A_41] : memref<1638400x16xf32, #tpu.memory_space<hbm>> -> memref<1600x16xf32, #tpu.memory_space<hbm>>
    %dma_wait3A_43 = tpu.memref_slice %arg8[%dma_wait3A_36] : memref<4x!tpu.dma_semaphore, #tpu.memory_space<semaphore_mem>> -> memref<1x!tpu.dma_semaphore, #tpu.memory_space<semaphore_mem>>
    %dma_wait3A_44 = tpu.memref_squeeze %dma_wait3A_43 : memref<1x!tpu.dma_semaphore, #tpu.memory_space<semaphore_mem>> -> memref<!tpu.dma_semaphore, #tpu.memory_space<semaphore_mem>>
    %dma_wait3A_45 = arith.constant 0 : i32
    %dma_wait3A_46 = tpu.memref_slice %arg4[%add3A_35, %dma_wait3A_45] : memref<1638400x16xf32, #tpu.memory_space<hbm>> -> memref<1600x16xf32, #tpu.memory_space<hbm>>
    %dma_wait3A_47 = arith.constant 0 : i32
    %dma_wait3A_48 = arith.constant 0 : i32
    %dma_wait3A_49 = tpu.memref_slice %arg6[%dma_wait3A, %dma_wait3A_47, %dma_wait3A_48] : memref<4x1600x16xf32, #tpu.memory_space<vmem>> -> memref<1x1600x16xf32, #tpu.memory_space<vmem>>
    %dma_wait3A_50 = tpu.memref_squeeze %dma_wait3A_49 : memref<1x1600x16xf32, #tpu.memory_space<vmem>> -> memref<1600x16xf32, #tpu.memory_space<vmem>>
    tpu.wait_dma2 semaphore(%dma_wait3A_44 : memref<!tpu.dma_semaphore, #tpu.memory_space<semaphore_mem>>) src(%dma_wait3A_50 : memref<1600x16xf32, #tpu.memory_space<vmem>>) dst(%dma_wait3A_46 : memref<1600x16xf32, #tpu.memory_space<hbm>>)
    %add3A_51 = arith.constant 46400 : i32
    %add3A_52 = arith.addi %mul3A_2, %add3A_51 : i32
    %dma_wait3A_53 = arith.constant 1 : i32
    %dma_wait3A_54 = arith.constant 1 : i32
    %dma_wait3A_55 = arith.constant 0 : i32
    %dma_wait3A_56 = arith.constant 0 : i32
    %dma_wait3A_57 = tpu.memref_slice %arg6[%dma_wait3A_53, %dma_wait3A_55, %dma_wait3A_56] : memref<4x1600x16xf32, #tpu.memory_space<vmem>> -> memref<1x1600x16xf32, #tpu.memory_space<vmem>>
    %dma_wait3A_58 = tpu.memref_squeeze %dma_wait3A_57 : memref<1x1600x16xf32, #tpu.memory_space<vmem>> -> memref<1600x16xf32, #tpu.memory_space<vmem>>
    %dma_wait3A_59 = arith.constant 0 : i32
    %dma_wait3A_60 = tpu.memref_slice %arg4[%add3A_52, %dma_wait3A_59] : memref<1638400x16xf32, #tpu.memory_space<hbm>> -> memref<1600x16xf32, #tpu.memory_space<hbm>>
    %dma_wait3A_61 = tpu.memref_slice %arg8[%dma_wait3A_54] : memref<4x!tpu.dma_semaphore, #tpu.memory_space<semaphore_mem>> -> memref<1x!tpu.dma_semaphore, #tpu.memory_space<semaphore_mem>>
    %dma_wait3A_62 = tpu.memref_squeeze %dma_wait3A_61 : memref<1x!tpu.dma_semaphore, #tpu.memory_space<semaphore_mem>> -> memref<!tpu.dma_semaphore, #tpu.memory_space<semaphore_mem>>
    %dma_wait3A_63 = arith.constant 0 : i32
    %dma_wait3A_64 = tpu.memref_slice %arg4[%add3A_52, %dma_wait3A_63] : memref<1638400x16xf32, #tpu.memory_space<hbm>> -> memref<1600x16xf32, #tpu.memory_space<hbm>>
    %dma_wait3A_65 = arith.constant 0 : i32
    %dma_wait3A_66 = arith.constant 0 : i32
    %dma_wait3A_67 = tpu.memref_slice %arg6[%dma_wait3A_53, %dma_wait3A_65, %dma_wait3A_66] : memref<4x1600x16xf32, #tpu.memory_space<vmem>> -> memref<1x1600x16xf32, #tpu.memory_space<vmem>>
    %dma_wait3A_68 = tpu.memref_squeeze %dma_wait3A_67 : memref<1x1600x16xf32, #tpu.memory_space<vmem>> -> memref<1600x16xf32, #tpu.memory_space<vmem>>
    tpu.wait_dma2 semaphore(%dma_wait3A_62 : memref<!tpu.dma_semaphore, #tpu.memory_space<semaphore_mem>>) src(%dma_wait3A_68 : memref<1600x16xf32, #tpu.memory_space<vmem>>) dst(%dma_wait3A_64 : memref<1600x16xf32, #tpu.memory_space<hbm>>)
    %add3A_69 = arith.constant 48000 : i32
    %add3A_70 = arith.addi %mul3A_2, %add3A_69 : i32
    %dma_wait3A_71 = arith.constant 2 : i32
    %dma_wait3A_72 = arith.constant 2 : i32
    %dma_wait3A_73 = arith.constant 0 : i32
    %dma_wait3A_74 = arith.constant 0 : i32
    %dma_wait3A_75 = tpu.memref_slice %arg6[%dma_wait3A_71, %dma_wait3A_73, %dma_wait3A_74] : memref<4x1600x16xf32, #tpu.memory_space<vmem>> -> memref<1x1600x16xf32, #tpu.memory_space<vmem>>
    %dma_wait3A_76 = tpu.memref_squeeze %dma_wait3A_75 : memref<1x1600x16xf32, #tpu.memory_space<vmem>> -> memref<1600x16xf32, #tpu.memory_space<vmem>>
    %dma_wait3A_77 = arith.constant 0 : i32
    %dma_wait3A_78 = tpu.memref_slice %arg4[%add3A_70, %dma_wait3A_77] : memref<1638400x16xf32, #tpu.memory_space<hbm>> -> memref<1600x16xf32, #tpu.memory_space<hbm>>
    %dma_wait3A_79 = tpu.memref_slice %arg8[%dma_wait3A_72] : memref<4x!tpu.dma_semaphore, #tpu.memory_space<semaphore_mem>> -> memref<1x!tpu.dma_semaphore, #tpu.memory_space<semaphore_mem>>
    %dma_wait3A_80 = tpu.memref_squeeze %dma_wait3A_79 : memref<1x!tpu.dma_semaphore, #tpu.memory_space<semaphore_mem>> -> memref<!tpu.dma_semaphore, #tpu.memory_space<semaphore_mem>>
    %dma_wait3A_81 = arith.constant 0 : i32
    %dma_wait3A_82 = tpu.memref_slice %arg4[%add3A_70, %dma_wait3A_81] : memref<1638400x16xf32, #tpu.memory_space<hbm>> -> memref<1600x16xf32, #tpu.memory_space<hbm>>
    %dma_wait3A_83 = arith.constant 0 : i32
    %dma_wait3A_84 = arith.constant 0 : i32
    %dma_wait3A_85 = tpu.memref_slice %arg6[%dma_wait3A_71, %dma_wait3A_83, %dma_wait3A_84] : memref<4x1600x16xf32, #tpu.memory_space<vmem>> -> memref<1x1600x16xf32, #tpu.memory_space<vmem>>
    %dma_wait3A_86 = tpu.memref_squeeze %dma_wait3A_85 : memref<1x1600x16xf32, #tpu.memory_space<vmem>> -> memref<1600x16xf32, #tpu.memory_space<vmem>>
    tpu.wait_dma2 semaphore(%dma_wait3A_80 : memref<!tpu.dma_semaphore, #tpu.memory_space<semaphore_mem>>) src(%dma_wait3A_86 : memref<1600x16xf32, #tpu.memory_space<vmem>>) dst(%dma_wait3A_82 : memref<1600x16xf32, #tpu.memory_space<hbm>>)
    %add3A_87 = arith.constant 49600 : i32
    %add3A_88 = arith.addi %mul3A_2, %add3A_87 : i32
    %dma_wait3A_89 = arith.constant 3 : i32
    %dma_wait3A_90 = arith.constant 3 : i32
    %dma_wait3A_91 = arith.constant 0 : i32
    %dma_wait3A_92 = arith.constant 0 : i32
    %dma_wait3A_93 = tpu.memref_slice %arg6[%dma_wait3A_89, %dma_wait3A_91, %dma_wait3A_92] : memref<4x1600x16xf32, #tpu.memory_space<vmem>> -> memref<1x1600x16xf32, #tpu.memory_space<vmem>>
    %dma_wait3A_94 = tpu.memref_squeeze %dma_wait3A_93 : memref<1x1600x16xf32, #tpu.memory_space<vmem>> -> memref<1600x16xf32, #tpu.memory_space<vmem>>
    %dma_wait3A_95 = arith.constant 0 : i32
    %dma_wait3A_96 = tpu.memref_slice %arg4[%add3A_88, %dma_wait3A_95] : memref<1638400x16xf32, #tpu.memory_space<hbm>> -> memref<1600x16xf32, #tpu.memory_space<hbm>>
    %dma_wait3A_97 = tpu.memref_slice %arg8[%dma_wait3A_90] : memref<4x!tpu.dma_semaphore, #tpu.memory_space<semaphore_mem>> -> memref<1x!tpu.dma_semaphore, #tpu.memory_space<semaphore_mem>>
    %dma_wait3A_98 = tpu.memref_squeeze %dma_wait3A_97 : memref<1x!tpu.dma_semaphore, #tpu.memory_space<semaphore_mem>> -> memref<!tpu.dma_semaphore, #tpu.memory_space<semaphore_mem>>
    %dma_wait3A_99 = arith.constant 0 : i32
    %dma_wait3A_100 = tpu.memref_slice %arg4[%add3A_88, %dma_wait3A_99] : memref<1638400x16xf32, #tpu.memory_space<hbm>> -> memref<1600x16xf32, #tpu.memory_space<hbm>>
    %dma_wait3A_101 = arith.constant 0 : i32
    %dma_wait3A_102 = arith.constant 0 : i32
    %dma_wait3A_103 = tpu.memref_slice %arg6[%dma_wait3A_89, %dma_wait3A_101, %dma_wait3A_102] : memref<4x1600x16xf32, #tpu.memory_space<vmem>> -> memref<1x1600x16xf32, #tpu.memory_space<vmem>>
    %dma_wait3A_104 = tpu.memref_squeeze %dma_wait3A_103 : memref<1x1600x16xf32, #tpu.memory_space<vmem>> -> memref<1600x16xf32, #tpu.memory_space<vmem>>
    tpu.wait_dma2 semaphore(%dma_wait3A_98 : memref<!tpu.dma_semaphore, #tpu.memory_space<semaphore_mem>>) src(%dma_wait3A_104 : memref<1600x16xf32, #tpu.memory_space<vmem>>) dst(%dma_wait3A_100 : memref<1600x16xf32, #tpu.memory_space<hbm>>)
    return
  }
}

</mosaic_0001>

<sc_bundles>
// kernel: _run.4.cloned.1.call-start
scs
__scs_entry_jumppad:
0x0: {  	(pc) =	sbr.rel $0x88, $3  }
0x1: {  	(tag) =	ssettag $0x0;
	lr =	simm.s32 $0x1  }
0x2: {  	[smem:$0x3F9E] =	sst lr;
	_ =	strace $0xD0000000  }
0x3: {  	_ = 	snop  }
0x4: {  	_ = 	snop  }
0x5: {  	_ = 	snop  }
0x6: {  	_ = 	snop  }
0x7: {  	_ = 	snop  }
__scs_overlays_trampoline_lowered:
0x8: {  	[smem:$0x3FAD] =	sst s0  }
0x9: {  	[smem:$0x3FAE] =	sst s1  }
0xa: {  	[smem:$0x3FAF] =	sst s2  }
0xb: {  	[smem:$0x3FB0] =	sst s3  }
0xc: {  	[smem:$0x3FB1] =	sst s4  }
0xd: {  	[smem:$0x3FB2] =	sst s5  }
0xe: {  	[smem:$0x3FB3] =	sst s6  }
0xf: {  	[smem:$0x3FB4] =	sst s7  }
0x10: {  	[smem:$0x3FB5] =	sst s8  }
0x11: {  	[smem:$0x3FB6] =	sst s9;
	s0 =	simm.s32 @!p0 $0x0  }
0x12: {  	s1 =	sld [smem:$0x3F9C];
	s0 =	simm.s32 @p0 $0x1  }
0x13: {  	[smem:$0x3FB7] =	sst s0;
	s0 =	simm.s32 @!p1 $0x0  }
0x14: {  	s2 =	sld [smem:$0x3F9B];
	s0 =	simm.s32 @p1 $0x1  }
0x15: {  	[smem:$0x3FB8] =	sst s0;
	s0 =	simm.s32 @!p2 $0x0  }
0x16: {  	s3 =	sld [smem:$0x3FDB];
	s0 =	simm.s32 @p2 $0x1  }
0x17: {  	s4 =	simm.s32 $0x1BF5;
	[smem:$0x3FBA] =	sst s0  }
0x18: {  	s0 =	sld [smem:$0x3F9D];
	_ =	swait.ge [sflag:s4], $0x0  }
0x19: {  	s7 =	sld [smem:$0x3F9E]  }
0x1a: {  	s8 =	sadd.s32 $0xFFFFE003, lr  }
0x1b: {  	s9 =	sadd.s32 $0xFFFFFEF7, lr;
	s5 =	simm.s32 $0xFFFFFFFF;
	p2 =	slt.u32 s8, $0xFFFFF086  }
0x1c: {  	p1 =	slt.u32 s9, $0xF7A;
	s5 =	simm.s32 @!p2 $0x0  }
0x1d: {  	s5 =	simm.s32 @p1 $0x1;
	p0 =	seq.s32 s7, s2  }
0x1e: {  	s7 =	smul.u32 @!p0 $0xF7A, s2;
	p2 =	seq.s32 @!p0 s5, $0x0  }
0x1f: {  	s9 =	smul.u32 $0xF7A, s1;
	s8 =	simm.s32 @!p0 $0x1BF5;
	p2 =	por !p2, p0  }
0x20: {  	[sflag:s8] =	ssyncset.s32 @!p0 $0xFFFFF086;
	s6 =	sadd.s32 @!p0 s3, s7;
	s7 =	simm.s32 @!p0 $0x108  }
0x21: {  	s3 =	sadd.s32 s3, s9;
	s6 =	sadd.s32 @!p0 $0x88, s6;
	s7 =	simm.s32 @p2 $0x1082  }
0x22: {  	[simem:s7], [sflag:s8] =	dma.local @!p0 [hbm:s6], $0xF7A  }
0x23: {  	s9 =	sor.u32 $0xD0000000, s2;
	s6 =	simm.s32 $0x108;
	_ =	swait.ge @!p0 [sflag:s8], $0x0  }
0x24: {  	s3 =	sadd.s32 $0x88, s3;
	s6 =	simm.s32 @!p1 $0x1082;
	[sflag:s4] =	ssyncset.s32 $0xFFFFF086  }
0x25: {  	[simem:s6], [sflag:s4] =	dma.local [hbm:s3], $0xF7A  }
0x26: {  	[smem:$0x3F9E] =	sst s1;
	(tag) =	ssettag s2;
	_ =	strace s9  }
0x27: {  	s1 =	sld [smem:$0x3FAE]  }
0x28: {  	s2 =	sld [smem:$0x3FAF]  }
0x29: {  	s4 =	sld [smem:$0x3FB1]  }
0x2a: {  	p0 =	seq.s32 s5, $0x0;
	s5 =	sld [smem:$0x3FB2]  }
0x2b: {  	s6 =	sld [smem:$0x3FB3]  }
0x2c: {  	s7 =	sld [smem:$0x3FB4]  }
0x2d: {  	s3 =	simm.s32 $0x108;
	s8 =	sld [smem:$0x3FB5]  }
0x2e: {  	s3 =	simm.s32 @!p0 $0x1082;
	s9 =	sld [smem:$0x3FB6]  }
0x2f: {  	lr =	sadd.s32 s0, s3;
	s0 =	sld [smem:$0x3FAD]  }
0x30: {  	s3 =	sld [smem:$0x3FB0]  }
0x31: {  	[smem:$0x3FB9] =	sst s10  }
0x32: {  	s10 =	sld [smem:$0x3FB7];
	_ =	sdelay $0x3  }
0x33: {  	p0 =	seq.s32 s10, $0x1;
	s10 =	sld [smem:$0x3FB9];
	_ =	sdelay $0x3  }
0x34: {  	[smem:$0x3FB9] =	sst s10  }
0x35: {  	s10 =	sld [smem:$0x3FB8];
	_ =	sdelay $0x3  }
0x36: {  	p1 =	seq.s32 s10, $0x1;
	s10 =	sld [smem:$0x3FB9];
	_ =	sdelay $0x3  }
0x37: {  	[smem:$0x3FB9] =	sst s10  }
0x38: {  	s10 =	sld [smem:$0x3FBA]  }
0x39: {  	_ = 	snop;
	(pc) =	sbr.ind lr, $3  }
0x3a: {  	_ = 	snop  }
0x3b: {  	_ = 	snop  }
0x3c: {  	p2 =	seq.s32 s10, $0x1;
	s10 =	sld [smem:$0x3FB9]  }
0x3d: {  	_ =	shalt  }
0x3e: {  	_ =	shalt  }
0x3f: {  	_ =	shalt  }
0x40: {  	_ =	shalt  }
0x41: {  	_ =	shalt  }
0x42: {  	_ =	shalt  }
0x43: {  	_ =	shalt  }
0x44: {  	_ =	shalt  }
0x45: {  	_ =	shalt  }
0x46: {  	_ =	shalt  }
0x47: {  	_ =	shalt  }
0x48: {  	_ =	shalt  }
0x49: {  	_ =	shalt  }
0x4a: {  	_ =	shalt  }
0x4b: {  	_ =	shalt  }
0x4c: {  	_ =	shalt  }
0x4d: {  	_ =	shalt  }
0x4e: {  	_ =	shalt  }
0x4f: {  	_ =	shalt  }
0x50: {  	_ =	shalt  }
0x51: {  	_ =	shalt  }
0x52: {  	_ =	shalt  }
0x53: {  	_ =	shalt  }
0x54: {  	_ =	shalt  }
0x55: {  	_ =	shalt  }
0x56: {  	_ =	shalt  }
0x57: {  	_ =	shalt  }
0x58: {  	_ =	shalt  }
0x59: {  	_ =	shalt  }
0x5a: {  	_ =	shalt  }
0x5b: {  	_ =	shalt  }
0x5c: {  	_ =	shalt  }
0x5d: {  	_ =	shalt  }
0x5e: {  	_ =	shalt  }
0x5f: {  	_ =	shalt  }
0x60: {  	_ =	shalt  }
0x61: {  	_ =	shalt  }
0x62: {  	_ =	shalt  }
0x63: {  	_ =	shalt  }
0x64: {  	_ =	shalt  }
0x65: {  	_ =	shalt  }
0x66: {  	_ =	shalt  }
0x67: {  	_ =	shalt  }
0x68: {  	_ =	shalt  }
0x69: {  	_ =	shalt  }
0x6a: {  	_ =	shalt  }
0x6b: {  	_ =	shalt  }
0x6c: {  	_ =	shalt  }
0x6d: {  	_ =	shalt  }
0x6e: {  	_ =	shalt  }
0x6f: {  	_ =	shalt  }
0x70: {  	_ =	shalt  }
0x71: {  	_ =	shalt  }
0x72: {  	_ =	shalt  }
0x73: {  	_ =	shalt  }
0x74: {  	_ =	shalt  }
0x75: {  	_ =	shalt  }
0x76: {  	_ =	shalt  }
0x77: {  	_ =	shalt  }
0x78: {  	_ =	shalt  }
0x79: {  	_ =	shalt  }
0x7a: {  	_ =	shalt  }
0x7b: {  	_ =	shalt  }
0x7c: {  	_ =	shalt  }
0x7d: {  	_ =	shalt  }
0x7e: {  	_ =	shalt  }
0x7f: {  	_ =	shalt  }
0x80: {  	_ =	shalt  }
0x81: {  	_ =	shalt  }
0x82: {  	_ =	shalt  }
0x83: {  	_ =	shalt  }
0x84: {  	_ =	shalt  }
0x85: {  	_ =	shalt  }
0x86: {  	_ =	shalt  }
0x87: {  	_ =	shalt  }
.Lfunc_end0:
.L_simem_size_0:
called_computation_lowered:
.L_overlay_start_0:
0x88: {  	s2 =	sld [smem:$0x3FD9]  }
0x89: {  	s3 =	sld [smem:$0x3FFE];
	_ =	sdelay $0x1  }
0x8a: {  	s1 =	srdreg.scid  }
0x8b: {  	s0 =	sand.u32 $0x1, s1  }
0x8c: {  	s17 =	sshll.u32 s0, $0xA;
	s2 =	sadd.s32 s3, s2  }
0x8d: {  	s2 =	sadd.s32 s2, s17  }
0x8e: {  	[smem:$0x3FC5] =	sst s2  }
0x8f: {  	_ = 	snop  }
0x90: {  	(tm) =	ssettm $0x1  }
0x91: {  	s18 =	sld [smem:$0x3FFB];
	_ =	sdelay $0x3  }
0x92: {  	_ =	strace s18  }
0x93: {  	s2 =	sld [smem:$0x3FFC];
	_ =	sdelay $0x3  }
0x94: {  	_ =	strace s2  }
0x95: {  	s2 =	sld [smem:$0x3FFD];
	_ =	sdelay $0x3  }
0x96: {  	_ =	strace s2  }
0x97: {  	_ =	strace $0x8FFFFFFF  }
0x98: {  	s19 =	sld [smem:$0x3FDB];
	_ =	sdelay $0x1  }
0x99: {  	s20 =	simm.s32 $_scs_section_size  }
0x9a: {  	s4 =	simm.s32 $_size__tile_overlayer_lowered;
	s5 =	simm.s32 $_tile_overlayer_lowered  }
0x9b: {  	s6 =	simm.s32 $0x1BFF;
	s21 =	sshll.u32 s5, $0x1;
	s3 =	sadd.s32 s20, s19  }
0x9c: {  	s22 =	simm.s32 $0x0;
	s4 =	sshll.u32 s4, $0x1;
	s5 =	sadd.s32 s21, s3  }
0x9d: {  	[timem:s22], [sflag:s6] =	dma.local [hbm:s5], s4  }
0x9e: {  	_ =	swait.ge [sflag:s6], s4  }
0x9f: {  	s4 =	ssub.s32 $0x0, s4;
	[sflag:s6] =	ssyncset.done $0x0  }
0xa0: {  	[sflag:s6] =	ssyncadd.s32 s4;
	_ =	sdelay $0x1  }
0xa1: {  	s23 =	simm.s32 $0x1B8B  }
0xa2: {  	_ =	swait.ge [sflag:s23], $0x1  }
0xa3: {  	[sflag:s23] =	ssyncset.done $0x0  }
0xa4: {  	[sflag:s23] =	ssyncadd.s32 $0xFFFFFFFF  }
0xa5: {  	s4 =	sld [smem:$0x0]  }
0xa6: {  	s5 =	sand.u32 $0xFFFFFFFE, s1  }
0xa7: {  	p0 =	sne.s32 s1, s5  }
0xa8: {  	s5 =	sshll.u32 @p0 s5, $0xE  }
0xa9: {  	s5 =	sadd.s32 @p0 $0x11B8D, s5;
	s6 =	sshll.u32 @p0 s4, $0x11  }
0xaa: {  	s5 =	sor.u32 @p0 s6, s5  }
0xab: {  	[sflag:s5] =	ssyncadd.remote.s32 @p0 $0x1;
	_ =	sdelay $0x1  }
0xac: {  	s5 =	simm.s32 @p0 $0x1B8D  }
0xad: {  	_ =	swait.eq @p0 [sflag:s5], $0x1  }
0xae: {  	[sflag:s5] =	ssyncadd.s32 @p0 $0xFFFFFFFF  }
0xaf: {  	s6 =	sshll.u32 @!p0 s1, $0xE  }
0xb0: {  	s6 =	sor.u32 @!p0 $0x4000, s6;
	s5 =	simm.s32 @!p0 $0x1B8D  }
0xb1: {  	s4 =	sshll.u32 @!p0 s4, $0x11;
	s6 =	sadd.s32 @!p0 $0x11B8D, s6;
	_ =	swait.eq @!p0 [sflag:s5], $0x1  }
0xb2: {  	s4 =	sor.u32 @!p0 s4, s6;
	[sflag:s5] =	ssyncadd.s32 @!p0 $0xFFFFFFFF  }
0xb3: {  	s25 =	simm.s32 $0x1B8E;
	s24 =	sld [smem:$0x3FFE];
	[sflag:s4] =	ssyncadd.remote.s32 @!p0 $0x1  }
0xb4: {  	s26 =	simm.s32 $execute0_lowered;
	[smem:$0x3FD2] =	sst s25  }
0xb5: {  	s5 =	sshll.u32 s26, $0x1;
	_ =	strace $0x80000049;
	[dreg:$0x1] =	wrdreg $0xFFFFFFFF  }
0xb6: {  	s28 =	simm.s32 $_size_execute0_lowered;
	s3 =	sadd.s32 s3, s5;
	[dreg:$0x0] =	wrdreg $0x0  }
0xb7: {  	s5 =	sshll.u32 s28, $0x1;
	[dreg:$0x2] =	wrdreg s3  }
0xb8: {  	[dreg:$0x3] =	wrdreg s5  }
0xb9: {  	[dreg:$0x4] =	wrdreg $0xC0  }
0xba: {  	_ =	task [dreg:s22], $0x5FFFF  }
0xbb: {  	[dreg:$0x1] =	wrdreg $0xFFFFFFFF  }
0xbc: {  	[dreg:$0x0] =	wrdreg $0x60  }
0xbd: {  	[dreg:$0x2] =	wrdreg s24  }
0xbe: {  	[dreg:$0x3] =	wrdreg $0x9  }
0xbf: {  	_ =	task.clear_ibuf [dreg:s22], $0x4FFFF;
	_ =	strace $0x90000049  }
0xc0: {  	s29 =	simm.s32 $0x9;
	_ =	strace $0x8000004B  }
0xc1: {  	_ =	swait.ge [sflag:s29], $0x1  }
0xc2: {  	[sflag:s29] =	ssyncadd.s32 $0xFFFFFFFF  }
0xc3: {  	_ =	strace $0x9000004B  }
0xc4: {  	_ =	sfence  }
0xc5: {  	s30 =	sld [smem:$0x0];
	_ =	sdelay $0x2  }
0xc6: {  	s31 =	sshll.u32 s1, $0xD;
	s1 =	sshrl.u32 s1, $0x2  }
0xc7: {  	s4 =	sand.u32 $0x4000, s31;
	s1 =	sadd.s32 s1, s30  }
0xc8: {  	s0 =	sor.u32 s4, s0;
	s1 =	sshll.u32 s1, $0x11  }
0xc9: {  	s0 =	sor.u32 s1, s0  }
0xca: {  	s0 =	sadd.s32 $0x8F2B, s0  }
0xcb: {  	[sflag:s0] =	ssyncadd.remote.s32 $0x1  }
0xcc: {  	_ =	sfence.sel $0xFFFF  }
0xcd: {  	[dreg:$0x0] =	wrdreg $0xFFFFFFFF;
	(pc) =	sbr.abs _section_cstart, $3  }
0xce: {  	[dreg:$0x1] =	wrdreg $0xFFFFFFFF  }
0xcf: {  	_ =	task.clear_ibuf [dreg:s22], $0x2FFFF;
	_ =	strace $0x9FFFFFFF  }
0xd0: {  	(tm) =	ssettm $0x7FFFFFFF  }
0xd1: {  	_ =	shalt  }
tec
execute0_lowered:
.L_overlay_start_1:
0x0: {  	(tag) =	ssettag $0x1  }
0x1: {  	s4 =	rddreg [dreg:$0x0];
	s2 =	simm.s32 $0x0  }
0x2: {  	s22 =	simm.s32 $0x2100;
	[smem:$0x7FF] =	sst s2  }
0x3: {  	s23 =	simm.s32 $0x100;
	_ =	strace $0x8000004A;
	[dreg:$0x6] =	wrdreg s22  }
0x4: {  	s24 =	simm.s32 $0x2900;
	[dreg:$0x7] =	wrdreg s23  }
0x5: {  	s25 =	simm.s32 $0x180;
	[dreg:$0x8] =	wrdreg s24  }
0x6: {  	s26 =	simm.s32 $0x3100;
	[dreg:$0x9] =	wrdreg s25  }
0x7: {  	s9 =	simm.s32 $0x280;
	[dreg:$0xa] =	wrdreg s26  }
0x8: {  	s11 =	simm.s32 $0x4100;
	[dreg:$0xd] =	wrdreg s9  }
0x9: {  	s12 =	simm.s32 $0x300;
	[dreg:$0xe] =	wrdreg s11  }
0xa: {  	s13 =	simm.s32 $0x4900;
	[dreg:$0xf] =	wrdreg s12  }
0xb: {  	s14 =	simm.s32 $0x380;
	[dreg:$0x10] =	wrdreg s13  }
0xc: {  	s15 =	simm.s32 $0x5100;
	[dreg:$0x11] =	wrdreg s14  }
0xd: {  	s16 =	simm.s32 $0x400;
	[dreg:$0x12] =	wrdreg s15  }
0xe: {  	[dreg:$0x13] =	wrdreg s16;
	s22 =	simm.s32 $0x580  }
0xf: {  	s23 =	simm.s32 $0x7100;
	[dreg:$0x19] =	wrdreg s22  }
0x10: {  	s24 =	simm.s32 $0x600;
	[dreg:$0x1a] =	wrdreg s23  }
0x11: {  	s25 =	simm.s32 $0x7900;
	[dreg:$0x1b] =	wrdreg s24  }
0x12: {  	s26 =	simm.s32 $0x6C0;
	[dreg:$0x1c] =	wrdreg s25  }
0x13: {  	s9 =	simm.s32 $0x8D00;
	[dreg:$0x1d] =	wrdreg s26  }
0x14: {  	s11 =	simm.s32 $0x7C0;
	[smem:$0x7B2] =	sst s9  }
0x15: {  	s12 =	simm.s32 $0x9500;
	[smem:$0x7B3] =	sst s11  }
0x16: {  	s13 =	simm.s32 $0x840;
	[smem:$0x7B4] =	sst s12  }
0x17: {  	s14 =	simm.s32 $0x9D00;
	[smem:$0x7B5] =	sst s13  }
0x18: {  	s15 =	simm.s32 $0x8C0;
	[smem:$0x7B6] =	sst s14  }
0x19: {  	s16 =	simm.s32 $0xA500;
	[smem:$0x7B7] =	sst s15  }
0x1a: {  	[smem:$0x7B8] =	sst s16;
	s22 =	simm.s32 $0xBD00  }
0x1b: {  	s23 =	simm.s32 $0xAC0;
	[smem:$0x7BE] =	sst s22  }
0x1c: {  	s24 =	simm.s32 $0xC500;
	[smem:$0x7BF] =	sst s23  }
0x1d: {  	s0 =	srdreg.scid;
	s25 =	simm.s32 $0xB40;
	[smem:$0x7C0] =	sst s24  }
0x1e: {  	s10 =	stileid.u32;
	s26 =	simm.s32 $0xCD00;
	[smem:$0x7C1] =	sst s25  }
0x1f: {  	s6 =	sand.u32 $0x1, s0;
	s9 =	simm.s32 $0xC40;
	[smem:$0x7C2] =	sst s26  }
0x20: {  	s17 =	smul.u32 $0x19000, s10;
	s11 =	simm.s32 $0xDD00;
	[smem:$0x7C5] =	sst s9  }
0x21: {  	s3 =	sadd.s32 $0x388C00, s4;
	s12 =	simm.s32 $0xD00;
	[smem:$0x7C6] =	sst s11  }
0x22: {  	s7 =	smul.u32 $0x32000, s10;
	s13 =	simm.s32 $0xE900;
	[smem:$0x7C7] =	sst s12  }
0x23: {  	s1 =	smul.u32 $0xC800, s6;
	s14 =	simm.s32 $0xD80;
	[smem:$0x7C8] =	sst s13  }
0x24: {  	s8 =	smul.u32 $0x19000, s6;
	s15 =	simm.s32 $0xF100;
	[smem:$0x7C9] =	sst s14  }
0x25: {  	s19 =	sadd.s32 s7, s3;
	s16 =	simm.s32 $0xE00;
	[smem:$0x7CA] =	sst s15  }
0x26: {  	s8 =	sadd.s32 s8, s19;
	[smem:$0x7CB] =	sst s16  }
0x27: {  	s0 =	sadd.s32 s1, s17;
	s17 =	simm.s32 $0x5900;
	[dreg:$0x3] =	wrdreg s8  }
0x28: {  	s19 =	simm.s32 $0x6100;
	[dreg:$0x14] =	wrdreg s17  }
0x29: {  	s22 =	simm.s32 $0xF80;
	[dreg:$0x16] =	wrdreg s19  }
0x2a: {  	s23 =	simm.s32 $0x11100;
	[smem:$0x7D1] =	sst s22  }
0x2b: {  	s24 =	simm.s32 $0x1000;
	[smem:$0x7D2] =	sst s23  }
0x2c: {  	s25 =	simm.s32 $0x11900;
	[smem:$0x7D3] =	sst s24  }
0x2d: {  	s26 =	simm.s32 $0x1080;
	[smem:$0x7D4] =	sst s25  }
0x2e: {  	s9 =	simm.s32 $0x12900;
	[smem:$0x7D5] =	sst s26  }
0x2f: {  	s11 =	simm.s32 $0x1180;
	[smem:$0x7D8] =	sst s9  }
0x30: {  	s13 =	simm.s32 $0x13100;
	[smem:$0x7D9] =	sst s11  }
0x31: {  	s14 =	simm.s32 $0x1200;
	[smem:$0x7DA] =	sst s13  }
0x32: {  	s10 =	sshll.u32 s10, $0x1;
	s15 =	simm.s32 $0x13900;
	[smem:$0x7DB] =	sst s14  }
0x33: {  	s12 =	ssub.s32 $0x2, s6;
	s16 =	simm.s32 $0x1280;
	[smem:$0x7DC] =	sst s15  }
0x34: {  	s6 =	sor.u32 s6, s10;
	s10 =	simm.s32 $0x1540;
	[smem:$0x7DD] =	sst s16  }
0x35: {  	s8 =	simm.s32 $0x3900;
	[smem:$0x7EC] =	sst s10  }
0x36: {  	s17 =	simm.s32 $0x940;
	[dreg:$0xc] =	wrdreg s8  }
0x37: {  	s19 =	simm.s32 $0x9C0;
	[smem:$0x7B9] =	sst s17  }
0x38: {  	s23 =	simm.s32 $0x15500;
	[smem:$0x7BB] =	sst s19  }
0x39: {  	s25 =	simm.s32 $0x1440;
	[smem:$0x7E5] =	sst s23  }
0x3a: {  	s26 =	simm.s32 $0x15D00;
	[smem:$0x7E6] =	sst s25  }
0x3b: {  	s11 =	simm.s32 $0x16D00;
	[smem:$0x7E8] =	sst s26  }
0x3c: {  	s13 =	simm.s32 $0x17500;
	[smem:$0x7EE] =	sst s11  }
0x3d: {  	s15 =	simm.s32 $0x1640;
	[smem:$0x7F1] =	sst s13  }
0x3e: {  	s20 =	sshll.u32 s0, $0x1;
	s16 =	simm.s32 $0x17D00;
	[smem:$0x7F2] =	sst s15  }
0x3f: {  	s7 =	sadd.s32 s20, s3;
	s20 =	simm.s32 $0x500;
	[smem:$0x7F3] =	sst s16  }
0x40: {  	s8 =	simm.s32 $0x740;
	[dreg:$0x17] =	wrdreg s20  }
0x41: {  	s17 =	simm.s32 $0xF900;
	[dreg:$0x1f] =	wrdreg s8  }
0x42: {  	s19 =	simm.s32 $0x10100;
	[smem:$0x7CC] =	sst s17  }
0x43: {  	s23 =	simm.s32 $0x1840;
	[smem:$0x7CE] =	sst s19  }
0x44: {  	s5 =	sadd.s32 $0x12C0, s0;
	s25 =	simm.s32 $0x18C0;
	[smem:$0x7FA] =	sst s23  }
0x45: {  	s18 =	sshll.u32 s5, $0x1;
	s26 =	simm.s32 $0x1A500;
	[smem:$0x7FC] =	sst s25  }
0x46: {  	s1 =	sadd.s32 s18, s3;
	[smem:$0x7FD] =	sst s26  }
0x47: {  	s7 =	sadd.s32 $0xC80, s7;
	[dreg:$0x2] =	wrdreg s1  }
0x48: {  	s18 =	simm.s32 $0x480;
	[dreg:$0x4] =	wrdreg s7  }
0x49: {  	s20 =	simm.s32 $0xB500;
	[dreg:$0x15] =	wrdreg s18  }
0x4a: {  	s8 =	simm.s32 $0xD500;
	[smem:$0x7BC] =	sst s20  }
0x4b: {  	s17 =	simm.s32 $0x14100;
	[smem:$0x7C4] =	sst s8  }
0x4c: {  	s19 =	simm.s32 $0x14D00;
	[smem:$0x7DE] =	sst s17  }
0x4d: {  	s7 =	simm.s32 $0x200;
	[smem:$0x7E0] =	sst s19  }
0x4e: {  	s18 =	simm.s32 $0xAD00;
	[dreg:$0xb] =	wrdreg s7  }
0x4f: {  	s20 =	simm.s32 $0xF00;
	[smem:$0x7BA] =	sst s18  }
0x50: {  	s28 =	simm.s32 $0x6;
	s8 =	simm.s32 $0x1100;
	[smem:$0x7CF] =	sst s20  }
0x51: {  	s29 =	simm.s32 $0x7;
	s17 =	simm.s32 $0x16C0;
	[smem:$0x7D7] =	sst s8  }
0x52: {  	s30 =	simm.s32 $0x8;
	s19 =	simm.s32 $0x1740;
	[smem:$0x7F4] =	sst s17  }
0x53: {  	s9 =	sshrl.u32 s12, $0x1;
	s7 =	simm.s32 $0x8500;
	[smem:$0x7F6] =	sst s19  }
0x54: {  	s1 =	sadd.s32 $0xC80, s0;
	s18 =	simm.s32 $0xE80;
	[dreg:$0x1e] =	wrdreg s7  }
0x55: {  	s8 =	ssub.s32 s12, s9;
	s9 =	simm.s32 $0x16500;
	[smem:$0x7CD] =	sst s18  }
0x56: {  	s21 =	sshll.u32 s1, $0x1;
	s12 =	simm.s32 $0x15C0;
	[smem:$0x7EB] =	sst s9  }
0x57: {  	s31 =	simm.s32 $0x0;
	s3 =	sadd.s32 s21, s3;
	[smem:$0x7EF] =	sst s12  }
0x58: {  	s6 =	smul.u32 $0xC800, s6;
	s21 =	simm.s32 $0x6900;
	[dreg:$0x5] =	wrdreg s3  }
0x59: {  	s5 =	sshrl.u32 s5, $0x3;
	s7 =	simm.s32 $0xBC0;
	[dreg:$0x18] =	wrdreg s21  }
0x5a: {  	s13 =	simm.s32 $0xC80;
	s18 =	simm.s32 $0x1340;
	[smem:$0x7C3] =	sst s7  }
0x5b: {  	s15 =	simm.s32 $0x80;
	s24 =	smax.u32 s8, $0x1;
	[smem:$0x7DF] =	sst s18  }
0x5c: {  	s16 =	simm.s32 $0x1900;
	s8 =	sadd.s32 $0x1900, s0;
	[smem:$0x7E4] =	sst s24  }
0x5d: {  	s6 =	sshrl.u32 s6, $0x3;
	s21 =	simm.s32 $0xA40;
	[smem:$0x7E9] =	sst s8  }
0x5e: {  	s23 =	simm.s32 $0xE100;
	s7 =	simm.s32 $0x12100;
	[smem:$0x7BD] =	sst s21  }
0x5f: {  	s25 =	simm.s32 $0x14500;
	s18 =	simm.s32 $0x18500;
	[smem:$0x7D6] =	sst s7  }
0x60: {  	s1 =	sshrl.u32 s1, $0x3;
	s24 =	simm.s32 $0x19D00;
	[smem:$0x7F5] =	sst s18  }
0x61: {  	s3 =	sadd.s32 $0x356C00, s4;
	s21 =	simm.s32 $0x10900;
	[smem:$0x7FB] =	sst s24  }
0x62: {  	s17 =	simm.s32 $0x40;
	s20 =	sadd.s32 s3, s6;
	[smem:$0x7D0] =	sst s21  }
0x63: {  	s0 =	sadd.s32 $0x1F40, s0;
	s5 =	sadd.s32 s5, s3;
	[smem:$0x7E1] =	sst s20  }
0x64: {  	s0 =	sshrl.u32 s0, $0x3;
	s7 =	simm.s32 $0x14C0;
	[smem:$0x7E7] =	sst s5  }
0x65: {  	s19 =	simm.s32 $0x12C0;
	s0 =	sadd.s32 s0, s3;
	[smem:$0x7EA] =	sst s7  }
0x66: {  	s12 =	simm.s32 $0x640;
	s14 =	sadd.s32 s1, s3;
	[smem:$0x7ED] =	sst s0  }
0x67: {  	s4 =	sadd.s32 $0xC00, s4;
	s22 =	sadd.s32 $0xC8, s20;
	[smem:$0x7F0] =	sst s14  }
0x68: {  	s18 =	simm.s32 $0x9;
	s21 =	simm.s32 $0x13C0;
	[smem:$0x7E2] =	sst s22  }
0x69: {  	s24 =	simm.s32 $0x4;
	s20 =	simm.s32 $0x18D00;
	[smem:$0x7E3] =	sst s21  }
0x6a: {  	s14 =	simm.s32 $0x1;
	[smem:$0x7F7] =	sst s20;
	s21 =	simm.s32 $0x17C0  }
0x6b: {  	s22 =	simm.s32 $0x19500;
	s20 =	simm.s32 $0x2;
	[smem:$0x7F8] =	sst s21  }
0x6c: {  	[smem:$0x7F9] =	sst s22;
	s21 =	simm.s32 $0x7D00;
	s22 =	simm.s32 $0x3  }
.LBB2_1:
0x6d: {  	s0 =	sld [smem:$0x7E1]  }
0x6e: {  	s26 =	sld [smem:$0x7E2]  }
0x6f: {  	s11 =	sld [smem:$0x7F0]  }
0x70: {  	s10 =	sld [smem:$0x7ED]  }
0x71: {  	s9 =	sld [smem:$0x7E9]  }
0x72: {  	[tilespmem:s2], [sflag:$0x1] =	stream.linear.gather [hbm4b:s0+s2], $0x640, $0x38;
	[tilespmem:$0x1A900] =	vst v63  }
0x73: {  	s8 =	sld [smem:$0x7E7];
	s5 =	simm.s32 $0x0  }
0x74: {  	[tilespmem:s12], [sflag:$0x2] =	stream.linear.gather [hbm4b:s26+s2], $0x640, $0x38;
	[tilespmem:$0x1A900] =	vst v63  }
.LBB2_2:
0x75: {  	p0 =	seq.s32 s5, $0x0  }
0x76: {  	s7 =	simm.s32 @!p0 $0x7  }
0x77: {  	_ =	swait.ge @!p0 [sflag:s7], $0x6400  }
0x78: {  	[sflag:s7] =	ssyncset.done @!p0 $0x0  }
0x79: {  	[sflag:s7] =	ssyncadd.s32 @!p0 $0xFFFF9C00  }
0x7a: {  	[tilespmem:s13], [sflag:$0x3] =	stream.linear.gather [hbm4b:s11+s2], $0x640, $0x38;
	[tilespmem:$0x1A900] =	vst v63  }
0x7b: {  	_ =	swait.ge [sflag:s14], $0x640  }
0x7c: {  	s1 =	rddreg [dreg:$0x6]  }
0x7d: {  	s6 =	rddreg [dreg:$0x7]  }
0x7e: {  	[sflag:s14] =	ssyncset.done $0x0;
	s0 =	rddreg [dreg:$0x8]  }
0x7f: {  	s7 =	rddreg [dreg:$0xa];
	[sflag:s14] =	ssyncadd.s32 $0xFFFFF9C0  }
0x80: {  	[tilespmem:s16], [sflag:$0x9] =	stream.indirect.gather [hbm4b:s4+s15], $0x10, s2, s15, $0xb8;
	[tilespmem:$0x1A900] =	vst v63  }
0x81: {  	s26 =	rddreg [dreg:$0xb]  }
0x82: {  	[tilespmem:s1], [sflag:$0x9] =	stream.indirect.gather [hbm4b:s4+s15], $0x10, s15, s15, $0xb8;
	[tilespmem:$0x1A900] =	vst v63  }
0x83: {  	s1 =	rddreg [dreg:$0xc]  }
0x84: {  	[tilespmem:s0], [sflag:$0x9] =	stream.indirect.gather [hbm4b:s4+s15], $0x10, s6, s15, $0xb8;
	[tilespmem:$0x1A900] =	vst v63  }
0x85: {  	s6 =	rddreg [dreg:$0x9]  }
0x86: {  	[tilespmem:s7], [sflag:$0x9] =	stream.indirect.gather [hbm4b:s4+s15], $0x10, s6, s15, $0xb8;
	[tilespmem:$0x1A900] =	vst v63  }
0x87: {  	s6 =	rddreg [dreg:$0xe]  }
0x88: {  	s7 =	rddreg [dreg:$0xf]  }
0x89: {  	[tilespmem:s1], [sflag:$0x9] =	stream.indirect.gather [hbm4b:s4+s15], $0x10, s26, s15, $0xb8;
	[tilespmem:$0x1A900] =	vst v63  }
0x8a: {  	s1 =	rddreg [dreg:$0xd]  }
0x8b: {  	s26 =	rddreg [dreg:$0x10]  }
0x8c: {  	[tilespmem:s6], [sflag:$0x9] =	stream.indirect.gather [hbm4b:s4+s15], $0x10, s1, s15, $0xb8;
	[tilespmem:$0x1A900] =	vst v63  }
0x8d: {  	s1 =	rddreg [dreg:$0x11]  }
0x8e: {  	s6 =	rddreg [dreg:$0x12]  }
0x8f: {  	[tilespmem:s26], [sflag:$0x9] =	stream.indirect.gather [hbm4b:s4+s15], $0x10, s7, s15, $0xb8;
	[tilespmem:$0x1A900] =	vst v63  }
0x90: {  	s7 =	rddreg [dreg:$0x13]  }
0x91: {  	s26 =	rddreg [dreg:$0x14]  }
0x92: {  	[tilespmem:s6], [sflag:$0x9] =	stream.indirect.gather [hbm4b:s4+s15], $0x10, s1, s15, $0xb8;
	[tilespmem:$0x1A900] =	vst v63  }
0x93: {  	s1 =	rddreg [dreg:$0x15]  }
0x94: {  	s6 =	rddreg [dreg:$0x16]  }
0x95: {  	[tilespmem:s26], [sflag:$0x9] =	stream.indirect.gather [hbm4b:s4+s15], $0x10, s7, s15, $0xb8;
	[tilespmem:$0x1A900] =	vst v63  }
0x96: {  	s7 =	rddreg [dreg:$0x17]  }
0x97: {  	s26 =	rddreg [dreg:$0x18]  }
0x98: {  	[tilespmem:s6], [sflag:$0x9] =	stream.indirect.gather [hbm4b:s4+s15], $0x10, s1, s15, $0xb8;
	[tilespmem:$0x1A900] =	vst v63  }
0x99: {  	s1 =	rddreg [dreg:$0x19]  }
0x9a: {  	s6 =	rddreg [dreg:$0x1a]  }
0x9b: {  	[tilespmem:s26], [sflag:$0x9] =	stream.indirect.gather [hbm4b:s4+s15], $0x10, s7, s15, $0xb8;
	[tilespmem:$0x1A900] =	vst v63  }
0x9c: {  	s7 =	rddreg [dreg:$0x1b]  }
0x9d: {  	[tilespmem:s6], [sflag:$0x9] =	stream.indirect.gather [hbm4b:s4+s15], $0x10, s1, s15, $0xb8;
	[tilespmem:$0x1A900] =	vst v63  }
0x9e: {  	s26 =	rddreg [dreg:$0x1c]  }
0x9f: {  	[tilespmem:s26], [sflag:$0x9] =	stream.indirect.gather [hbm4b:s4+s17], $0x10, s7, s17, $0xb8;
	[tilespmem:$0x1A900] =	vst v63  }
0xa0: {  	_ =	swait.ge [sflag:s18], $0x800  }
0xa1: {  	[sflag:s18] =	ssyncset.done $0x0  }
0xa2: {  	[sflag:s18] =	ssyncadd.s32 $0xFFFFF800  }
0xa3: {  	_ =	swait.ge [sflag:s18], $0x800  }
0xa4: {  	[sflag:s18] =	ssyncset.done $0x0  }
0xa5: {  	[sflag:s18] =	ssyncadd.s32 $0xFFFFF800  }
0xa6: {  	_ =	swait.ge [sflag:s18], $0x800  }
0xa7: {  	[sflag:s18] =	ssyncset.done $0x0  }
0xa8: {  	[sflag:s18] =	ssyncadd.s32 $0xFFFFF800  }
0xa9: {  	_ =	swait.ge [sflag:s18], $0x800  }
0xaa: {  	[sflag:s18] =	ssyncset.done $0x0  }
0xab: {  	[sflag:s18] =	ssyncadd.s32 $0xFFFFF800  }
0xac: {  	_ =	swait.ge [sflag:s18], $0x800  }
0xad: {  	[sflag:s18] =	ssyncset.done $0x0  }
0xae: {  	[sflag:s18] =	ssyncadd.s32 $0xFFFFF800  }
0xaf: {  	_ =	swait.ge [sflag:s18], $0x800  }
0xb0: {  	[sflag:s18] =	ssyncset.done $0x0  }
0xb1: {  	[sflag:s18] =	ssyncadd.s32 $0xFFFFF800  }
0xb2: {  	_ =	swait.ge [sflag:s18], $0x800  }
0xb3: {  	[sflag:s18] =	ssyncset.done $0x0  }
0xb4: {  	[sflag:s18] =	ssyncadd.s32 $0xFFFFF800  }
0xb5: {  	_ =	swait.ge [sflag:s18], $0x800  }
0xb6: {  	[sflag:s18] =	ssyncset.done $0x0  }
0xb7: {  	[sflag:s18] =	ssyncadd.s32 $0xFFFFF800  }
0xb8: {  	_ =	swait.ge [sflag:s18], $0x800  }
0xb9: {  	[sflag:s18] =	ssyncset.done $0x0  }
0xba: {  	[sflag:s18] =	ssyncadd.s32 $0xFFFFF800  }
0xbb: {  	_ =	swait.ge [sflag:s18], $0x800  }
0xbc: {  	[sflag:s18] =	ssyncset.done $0x0  }
0xbd: {  	[sflag:s18] =	ssyncadd.s32 $0xFFFFF800  }
0xbe: {  	_ =	swait.ge [sflag:s18], $0x800  }
0xbf: {  	[sflag:s18] =	ssyncset.done $0x0  }
0xc0: {  	[sflag:s18] =	ssyncadd.s32 $0xFFFFF800  }
0xc1: {  	_ =	swait.ge [sflag:s18], $0x800  }
0xc2: {  	[sflag:s18] =	ssyncset.done $0x0  }
0xc3: {  	[sflag:s18] =	ssyncadd.s32 $0xFFFFF800  }
0xc4: {  	_ =	swait.ge [sflag:s18], $0x400  }
0xc5: {  	s26 =	rddreg [dreg:$0x3];
	[sflag:s18] =	ssyncset.done $0x0  }
0xc6: {  	[sflag:s18] =	ssyncadd.s32 $0xFFFFFC00;
	s0 =	sadd.s32 s5, s26  }
0xc7: {  	[hbm4b:s0+s2] =	stream.linear.scatter [tilespmem:s16], [sflag:$0x5], $0x6400, $0x38;
	[tilespmem:$0x1A900] =	vst v63  }
0xc8: {  	s0 =	simm.s32 @!p0 $0x8  }
0xc9: {  	_ =	swait.ge @!p0 [sflag:s0], $0x6400  }
0xca: {  	[sflag:s0] =	ssyncset.done @!p0 $0x0  }
0xcb: {  	[sflag:s0] =	ssyncadd.s32 @!p0 $0xFFFF9C00  }
0xcc: {  	[tilespmem:s19], [sflag:$0x4] =	stream.linear.gather [hbm4b:s8+s2], $0x640, $0x38;
	[tilespmem:$0x1A900] =	vst v63  }
0xcd: {  	_ =	swait.ge [sflag:s20], $0x640  }
0xce: {  	s1 =	rddreg [dreg:$0x1d]  }
0xcf: {  	[sflag:s20] =	ssyncset.done $0x0;
	s6 =	rddreg [dreg:$0x1e]  }
0xd0: {  	s7 =	rddreg [dreg:$0x1f];
	[sflag:s20] =	ssyncadd.s32 $0xFFFFF9C0  }
0xd1: {  	[tilespmem:s21], [sflag:$0x9] =	stream.indirect.gather [hbm4b:s4+s15], $0x10, s12, s15, $0xb8;
	[tilespmem:$0x1A900] =	vst v63  }
0xd2: {  	s26 =	sld [smem:$0x7B2]  }
0xd3: {  	[tilespmem:s6], [sflag:$0x9] =	stream.indirect.gather [hbm4b:s4+s15], $0x10, s1, s15, $0xb8;
	[tilespmem:$0x1A900] =	vst v63  }
0xd4: {  	s1 =	sld [smem:$0x7B3]  }
0xd5: {  	s6 =	sld [smem:$0x7B4]  }
0xd6: {  	[tilespmem:s26], [sflag:$0x9] =	stream.indirect.gather [hbm4b:s4+s15], $0x10, s7, s15, $0xb8;
	[tilespmem:$0x1A900] =	vst v63  }
0xd7: {  	s7 =	sld [smem:$0x7B5]  }
0xd8: {  	s26 =	sld [smem:$0x7B6]  }
0xd9: {  	[tilespmem:s6], [sflag:$0x9] =	stream.indirect.gather [hbm4b:s4+s15], $0x10, s1, s15, $0xb8;
	[tilespmem:$0x1A900] =	vst v63  }
0xda: {  	s1 =	sld [smem:$0x7B7]  }
0xdb: {  	s6 =	sld [smem:$0x7B8]  }
0xdc: {  	[tilespmem:s26], [sflag:$0x9] =	stream.indirect.gather [hbm4b:s4+s15], $0x10, s7, s15, $0xb8;
	[tilespmem:$0x1A900] =	vst v63  }
0xdd: {  	s7 =	sld [smem:$0x7B9]  }
0xde: {  	s26 =	sld [smem:$0x7BA]  }
0xdf: {  	[tilespmem:s6], [sflag:$0x9] =	stream.indirect.gather [hbm4b:s4+s15], $0x10, s1, s15, $0xb8;
	[tilespmem:$0x1A900] =	vst v63  }
0xe0: {  	s1 =	sld [smem:$0x7BB]  }
0xe1: {  	s6 =	sld [smem:$0x7BC]  }
0xe2: {  	[tilespmem:s26], [sflag:$0x9] =	stream.indirect.gather [hbm4b:s4+s15], $0x10, s7, s15, $0xb8;
	[tilespmem:$0x1A900] =	vst v63  }
0xe3: {  	s7 =	sld [smem:$0x7BD]  }
0xe4: {  	s26 =	sld [smem:$0x7BE]  }
0xe5: {  	[tilespmem:s6], [sflag:$0x9] =	stream.indirect.gather [hbm4b:s4+s15], $0x10, s1, s15, $0xb8;
	[tilespmem:$0x1A900] =	vst v63  }
0xe6: {  	s1 =	sld [smem:$0x7BF]  }
0xe7: {  	s6 =	sld [smem:$0x7C0]  }
0xe8: {  	[tilespmem:s26], [sflag:$0x9] =	stream.indirect.gather [hbm4b:s4+s15], $0x10, s7, s15, $0xb8;
	[tilespmem:$0x1A900] =	vst v63  }
0xe9: {  	s7 =	sld [smem:$0x7C1]  }
0xea: {  	s26 =	sld [smem:$0x7C2]  }
0xeb: {  	[tilespmem:s6], [sflag:$0x9] =	stream.indirect.gather [hbm4b:s4+s15], $0x10, s1, s15, $0xb8;
	[tilespmem:$0x1A900] =	vst v63  }
0xec: {  	s1 =	sld [smem:$0x7C3]  }
0xed: {  	s6 =	sld [smem:$0x7C4]  }
0xee: {  	[tilespmem:s26], [sflag:$0x9] =	stream.indirect.gather [hbm4b:s4+s15], $0x10, s7, s15, $0xb8;
	[tilespmem:$0x1A900] =	vst v63  }
0xef: {  	s7 =	sld [smem:$0x7C5]  }
0xf0: {  	s26 =	sld [smem:$0x7C6]  }
0xf1: {  	[tilespmem:s6], [sflag:$0x9] =	stream.indirect.gather [hbm4b:s4+s15], $0x10, s1, s15, $0xb8;
	[tilespmem:$0x1A900] =	vst v63  }
0xf2: {  	_ = 	snop  }
0xf3: {  	[tilespmem:s26], [sflag:$0x9] =	stream.indirect.gather [hbm4b:s4+s17], $0x10, s7, s17, $0xb8;
	[tilespmem:$0x1A900] =	vst v63  }
0xf4: {  	_ =	swait.ge [sflag:s18], $0x800  }
0xf5: {  	[sflag:s18] =	ssyncset.done $0x0  }
0xf6: {  	[sflag:s18] =	ssyncadd.s32 $0xFFFFF800  }
0xf7: {  	_ =	swait.ge [sflag:s18], $0x800  }
0xf8: {  	[sflag:s18] =	ssyncset.done $0x0  }
0xf9: {  	[sflag:s18] =	ssyncadd.s32 $0xFFFFF800  }
0xfa: {  	_ =	swait.ge [sflag:s18], $0x800  }
0xfb: {  	[sflag:s18] =	ssyncset.done $0x0  }
0xfc: {  	[sflag:s18] =	ssyncadd.s32 $0xFFFFF800  }
0xfd: {  	_ =	swait.ge [sflag:s18], $0x800  }
0xfe: {  	[sflag:s18] =	ssyncset.done $0x0  }
0xff: {  	[sflag:s18] =	ssyncadd.s32 $0xFFFFF800  }
0x100: {  	_ =	swait.ge [sflag:s18], $0x800  }
0x101: {  	[sflag:s18] =	ssyncset.done $0x0  }
0x102: {  	[sflag:s18] =	ssyncadd.s32 $0xFFFFF800  }
0x103: {  	_ =	swait.ge [sflag:s18], $0x800  }
0x104: {  	[sflag:s18] =	ssyncset.done $0x0  }
0x105: {  	[sflag:s18] =	ssyncadd.s32 $0xFFFFF800  }
0x106: {  	_ =	swait.ge [sflag:s18], $0x800  }
0x107: {  	[sflag:s18] =	ssyncset.done $0x0  }
0x108: {  	[sflag:s18] =	ssyncadd.s32 $0xFFFFF800  }
0x109: {  	_ =	swait.ge [sflag:s18], $0x800  }
0x10a: {  	[sflag:s18] =	ssyncset.done $0x0  }
0x10b: {  	[sflag:s18] =	ssyncadd.s32 $0xFFFFF800  }
0x10c: {  	_ =	swait.ge [sflag:s18], $0x800  }
0x10d: {  	[sflag:s18] =	ssyncset.done $0x0  }
0x10e: {  	[sflag:s18] =	ssyncadd.s32 $0xFFFFF800  }
0x10f: {  	_ =	swait.ge [sflag:s18], $0x800  }
0x110: {  	[sflag:s18] =	ssyncset.done $0x0  }
0x111: {  	[sflag:s18] =	ssyncadd.s32 $0xFFFFF800  }
0x112: {  	_ =	swait.ge [sflag:s18], $0x800  }
0x113: {  	[sflag:s18] =	ssyncset.done $0x0  }
0x114: {  	[sflag:s18] =	ssyncadd.s32 $0xFFFFF800  }
0x115: {  	_ =	swait.ge [sflag:s18], $0x800  }
0x116: {  	[sflag:s18] =	ssyncset.done $0x0  }
0x117: {  	[sflag:s18] =	ssyncadd.s32 $0xFFFFF800  }
0x118: {  	_ =	swait.ge [sflag:s18], $0x400  }
0x119: {  	s7 =	rddreg [dreg:$0x4];
	[sflag:s18] =	ssyncset.done $0x0  }
0x11a: {  	p0 =	seq.s32 s5, $0x15E00;
	[sflag:s18] =	ssyncadd.s32 $0xFFFFFC00;
	s0 =	sadd.s32 s5, s7  }
0x11b: {  	[hbm4b:s0+s2] =	stream.linear.scatter [tilespmem:s21], [sflag:$0x6], $0x6400, $0x38;
	[tilespmem:$0x1A900] =	vst v63  }
0x11c: {  	s0 =	simm.s32 @!p0 $0x5  }
0x11d: {  	_ =	swait.ge @!p0 [sflag:s0], $0x6400  }
0x11e: {  	s1 =	sshrl.u32 @!p0 s9, $0x3;
	[sflag:s0] =	ssyncset.done @!p0 $0x0  }
0x11f: {  	s7 =	simm.s32 @!p0 $0x0;
	[sflag:s0] =	ssyncadd.s32 @!p0 $0xFFFF9C00;
	s0 =	sadd.s32 @!p0 s3, s1  }
0x120: {  	[tilespmem:s7], [sflag:$0x1] =	stream.linear.gather @!p0 [hbm4b:s0+s7], $0x640, $0x38;
	[tilespmem:$0x1A900] =	vst v63  }
0x121: {  	_ =	swait.ge [sflag:s22], $0x640  }
0x122: {  	s0 =	sld [smem:$0x7C7]  }
0x123: {  	[sflag:s22] =	ssyncset.done $0x0;
	s1 =	sld [smem:$0x7C8]  }
0x124: {  	s6 =	sld [smem:$0x7C9];
	[sflag:s22] =	ssyncadd.s32 $0xFFFFF9C0  }
0x125: {  	[tilespmem:s23], [sflag:$0x9] =	stream.indirect.gather [hbm4b:s4+s15], $0x10, s13, s15, $0xb8;
	[tilespmem:$0x1A900] =	vst v63  }
0x126: {  	s26 =	sld [smem:$0x7CA]  }
0x127: {  	[tilespmem:s1], [sflag:$0x9] =	stream.indirect.gather [hbm4b:s4+s15], $0x10, s0, s15, $0xb8;
	[tilespmem:$0x1A900] =	vst v63  }
0x128: {  	s0 =	sld [smem:$0x7CB]  }
0x129: {  	s1 =	sld [smem:$0x7CC]  }
0x12a: {  	[tilespmem:s26], [sflag:$0x9] =	stream.indirect.gather [hbm4b:s4+s15], $0x10, s6, s15, $0xb8;
	[tilespmem:$0x1A900] =	vst v63  }
0x12b: {  	s6 =	sld [smem:$0x7CD]  }
0x12c: {  	s26 =	sld [smem:$0x7CE]  }
0x12d: {  	[tilespmem:s1], [sflag:$0x9] =	stream.indirect.gather [hbm4b:s4+s15], $0x10, s0, s15, $0xb8;
	[tilespmem:$0x1A900] =	vst v63  }
0x12e: {  	s0 =	sld [smem:$0x7CF]  }
0x12f: {  	s1 =	sld [smem:$0x7D0]  }
0x130: {  	[tilespmem:s26], [sflag:$0x9] =	stream.indirect.gather [hbm4b:s4+s15], $0x10, s6, s15, $0xb8;
	[tilespmem:$0x1A900] =	vst v63  }
0x131: {  	s6 =	sld [smem:$0x7D1]  }
0x132: {  	s26 =	sld [smem:$0x7D2]  }
0x133: {  	[tilespmem:s1], [sflag:$0x9] =	stream.indirect.gather [hbm4b:s4+s15], $0x10, s0, s15, $0xb8;
	[tilespmem:$0x1A900] =	vst v63  }
0x134: {  	s0 =	sld [smem:$0x7D3]  }
0x135: {  	s1 =	sld [smem:$0x7D4]  }
0x136: {  	[tilespmem:s26], [sflag:$0x9] =	stream.indirect.gather [hbm4b:s4+s15], $0x10, s6, s15, $0xb8;
	[tilespmem:$0x1A900] =	vst v63  }
0x137: {  	s6 =	sld [smem:$0x7D5]  }
0x138: {  	s26 =	sld [smem:$0x7D6]  }
0x139: {  	[tilespmem:s1], [sflag:$0x9] =	stream.indirect.gather [hbm4b:s4+s15], $0x10, s0, s15, $0xb8;
	[tilespmem:$0x1A900] =	vst v63  }
0x13a: {  	s0 =	sld [smem:$0x7D7]  }
0x13b: {  	s1 =	sld [smem:$0x7D8]  }
0x13c: {  	[tilespmem:s26], [sflag:$0x9] =	stream.indirect.gather [hbm4b:s4+s15], $0x10, s6, s15, $0xb8;
	[tilespmem:$0x1A900] =	vst v63  }
0x13d: {  	s6 =	sld [smem:$0x7D9]  }
0x13e: {  	s26 =	sld [smem:$0x7DA]  }
0x13f: {  	[tilespmem:s1], [sflag:$0x9] =	stream.indirect.gather [hbm4b:s4+s15], $0x10, s0, s15, $0xb8;
	[tilespmem:$0x1A900] =	vst v63  }
0x140: {  	s0 =	sld [smem:$0x7DB]  }
0x141: {  	s1 =	sld [smem:$0x7DC]  }
0x142: {  	[tilespmem:s26], [sflag:$0x9] =	stream.indirect.gather [hbm4b:s4+s15], $0x10, s6, s15, $0xb8;
	[tilespmem:$0x1A900] =	vst v63  }
0x143: {  	s6 =	sld [smem:$0x7DD]  }
0x144: {  	s26 =	sld [smem:$0x7DE]  }
0x145: {  	[tilespmem:s1], [sflag:$0x9] =	stream.indirect.gather [hbm4b:s4+s15], $0x10, s0, s15, $0xb8;
	[tilespmem:$0x1A900] =	vst v63  }
0x146: {  	_ = 	snop  }
0x147: {  	[tilespmem:s26], [sflag:$0x9] =	stream.indirect.gather [hbm4b:s4+s17], $0x10, s6, s17, $0xb8;
	[tilespmem:$0x1A900] =	vst v63  }
0x148: {  	_ =	swait.ge [sflag:s18], $0x800  }
0x149: {  	[sflag:s18] =	ssyncset.done $0x0  }
0x14a: {  	[sflag:s18] =	ssyncadd.s32 $0xFFFFF800  }
0x14b: {  	_ =	swait.ge [sflag:s18], $0x800  }
0x14c: {  	[sflag:s18] =	ssyncset.done $0x0  }
0x14d: {  	[sflag:s18] =	ssyncadd.s32 $0xFFFFF800  }
0x14e: {  	_ =	swait.ge [sflag:s18], $0x800  }
0x14f: {  	[sflag:s18] =	ssyncset.done $0x0  }
0x150: {  	[sflag:s18] =	ssyncadd.s32 $0xFFFFF800  }
0x151: {  	_ =	swait.ge [sflag:s18], $0x800  }
0x152: {  	[sflag:s18] =	ssyncset.done $0x0  }
0x153: {  	[sflag:s18] =	ssyncadd.s32 $0xFFFFF800  }
0x154: {  	_ =	swait.ge [sflag:s18], $0x800  }
0x155: {  	[sflag:s18] =	ssyncset.done $0x0  }
0x156: {  	[sflag:s18] =	ssyncadd.s32 $0xFFFFF800  }
0x157: {  	_ =	swait.ge [sflag:s18], $0x800  }
0x158: {  	[sflag:s18] =	ssyncset.done $0x0  }
0x159: {  	[sflag:s18] =	ssyncadd.s32 $0xFFFFF800  }
0x15a: {  	_ =	swait.ge [sflag:s18], $0x800  }
0x15b: {  	[sflag:s18] =	ssyncset.done $0x0  }
0x15c: {  	[sflag:s18] =	ssyncadd.s32 $0xFFFFF800  }
0x15d: {  	_ =	swait.ge [sflag:s18], $0x800  }
0x15e: {  	[sflag:s18] =	ssyncset.done $0x0  }
0x15f: {  	[sflag:s18] =	ssyncadd.s32 $0xFFFFF800  }
0x160: {  	_ =	swait.ge [sflag:s18], $0x800  }
0x161: {  	[sflag:s18] =	ssyncset.done $0x0  }
0x162: {  	[sflag:s18] =	ssyncadd.s32 $0xFFFFF800  }
0x163: {  	_ =	swait.ge [sflag:s18], $0x800  }
0x164: {  	[sflag:s18] =	ssyncset.done $0x0  }
0x165: {  	[sflag:s18] =	ssyncadd.s32 $0xFFFFF800  }
0x166: {  	_ =	swait.ge [sflag:s18], $0x800  }
0x167: {  	[sflag:s18] =	ssyncset.done $0x0  }
0x168: {  	[sflag:s18] =	ssyncadd.s32 $0xFFFFF800  }
0x169: {  	_ =	swait.ge [sflag:s18], $0x800  }
0x16a: {  	[sflag:s18] =	ssyncset.done $0x0  }
0x16b: {  	[sflag:s18] =	ssyncadd.s32 $0xFFFFF800  }
0x16c: {  	_ =	swait.ge [sflag:s18], $0x400  }
0x16d: {  	s26 =	rddreg [dreg:$0x5];
	[sflag:s18] =	ssyncset.done $0x0  }
0x16e: {  	[sflag:s18] =	ssyncadd.s32 $0xFFFFFC00;
	s0 =	sadd.s32 s5, s26  }
0x16f: {  	[hbm4b:s0+s2] =	stream.linear.scatter [tilespmem:s23], [sflag:$0x7], $0x6400, $0x38;
	[tilespmem:$0x1A900] =	vst v63  }
0x170: {  	s0 =	simm.s32 @!p0 $0x6  }
0x171: {  	_ =	swait.ge @!p0 [sflag:s0], $0x6400  }
0x172: {  	[sflag:s0] =	ssyncset.done @!p0 $0x0  }
0x173: {  	[sflag:s0] =	ssyncadd.s32 @!p0 $0xFFFF9C00;
	s0 =	simm.s32 @!p0 $0x640  }
0x174: {  	[tilespmem:s0], [sflag:$0x2] =	stream.linear.gather @!p0 [hbm4b:s10+s7], $0x640, $0x38;
	[tilespmem:$0x1A900] =	vst v63  }
0x175: {  	_ =	swait.ge [sflag:s24], $0x640  }
0x176: {  	s1 =	sld [smem:$0x7DF]  }
0x177: {  	[sflag:s24] =	ssyncset.done $0x0;
	s6 =	sld [smem:$0x7E0]  }
0x178: {  	s7 =	sld [smem:$0x7E3];
	[sflag:s24] =	ssyncadd.s32 $0xFFFFF9C0  }
0x179: {  	[tilespmem:s25], [sflag:$0x9] =	stream.indirect.gather [hbm4b:s4+s15], $0x10, s19, s15, $0xb8;
	[tilespmem:$0x1A900] =	vst v63  }
0x17a: {  	s26 =	sld [smem:$0x7E5]  }
0x17b: {  	[tilespmem:s6], [sflag:$0x9] =	stream.indirect.gather [hbm4b:s4+s15], $0x10, s1, s15, $0xb8;
	[tilespmem:$0x1A900] =	vst v63  }
0x17c: {  	s1 =	sld [smem:$0x7E6]  }
0x17d: {  	s6 =	sld [smem:$0x7E8]  }
0x17e: {  	[tilespmem:s26], [sflag:$0x9] =	stream.indirect.gather [hbm4b:s4+s15], $0x10, s7, s15, $0xb8;
	[tilespmem:$0x1A900] =	vst v63  }
0x17f: {  	s7 =	sld [smem:$0x7EA]  }
0x180: {  	s26 =	sld [smem:$0x7EB]  }
0x181: {  	[tilespmem:s6], [sflag:$0x9] =	stream.indirect.gather [hbm4b:s4+s15], $0x10, s1, s15, $0xb8;
	[tilespmem:$0x1A900] =	vst v63  }
0x182: {  	s1 =	sld [smem:$0x7EC]  }
0x183: {  	s6 =	sld [smem:$0x7EE]  }
0x184: {  	[tilespmem:s26], [sflag:$0x9] =	stream.indirect.gather [hbm4b:s4+s15], $0x10, s7, s15, $0xb8;
	[tilespmem:$0x1A900] =	vst v63  }
0x185: {  	s7 =	sld [smem:$0x7EF]  }
0x186: {  	s26 =	sld [smem:$0x7F1]  }
0x187: {  	[tilespmem:s6], [sflag:$0x9] =	stream.indirect.gather [hbm4b:s4+s15], $0x10, s1, s15, $0xb8;
	[tilespmem:$0x1A900] =	vst v63  }
0x188: {  	s1 =	sld [smem:$0x7F2]  }
0x189: {  	s6 =	sld [smem:$0x7F3]  }
0x18a: {  	[tilespmem:s26], [sflag:$0x9] =	stream.indirect.gather [hbm4b:s4+s15], $0x10, s7, s15, $0xb8;
	[tilespmem:$0x1A900] =	vst v63  }
0x18b: {  	s7 =	sld [smem:$0x7F4]  }
0x18c: {  	s26 =	sld [smem:$0x7F5]  }
0x18d: {  	[tilespmem:s6], [sflag:$0x9] =	stream.indirect.gather [hbm4b:s4+s15], $0x10, s1, s15, $0xb8;
	[tilespmem:$0x1A900] =	vst v63  }
0x18e: {  	s1 =	sld [smem:$0x7F6]  }
0x18f: {  	s6 =	sld [smem:$0x7F7]  }
0x190: {  	[tilespmem:s26], [sflag:$0x9] =	stream.indirect.gather [hbm4b:s4+s15], $0x10, s7, s15, $0xb8;
	[tilespmem:$0x1A900] =	vst v63  }
0x191: {  	s7 =	sld [smem:$0x7F8]  }
0x192: {  	s26 =	sld [smem:$0x7F9]  }
0x193: {  	[tilespmem:s6], [sflag:$0x9] =	stream.indirect.gather [hbm4b:s4+s15], $0x10, s1, s15, $0xb8;
	[tilespmem:$0x1A900] =	vst v63  }
0x194: {  	s1 =	sld [smem:$0x7FA]  }
0x195: {  	s6 =	sld [smem:$0x7FB]  }
0x196: {  	[tilespmem:s26], [sflag:$0x9] =	stream.indirect.gather [hbm4b:s4+s15], $0x10, s7, s15, $0xb8;
	[tilespmem:$0x1A900] =	vst v63  }
0x197: {  	s7 =	sld [smem:$0x7FC]  }
0x198: {  	s26 =	sld [smem:$0x7FD]  }
0x199: {  	[tilespmem:s6], [sflag:$0x9] =	stream.indirect.gather [hbm4b:s4+s15], $0x10, s1, s15, $0xb8;
	[tilespmem:$0x1A900] =	vst v63  }
0x19a: {  	_ = 	snop  }
0x19b: {  	[tilespmem:s26], [sflag:$0x9] =	stream.indirect.gather [hbm4b:s4+s17], $0x10, s7, s17, $0xb8;
	[tilespmem:$0x1A900] =	vst v63  }
0x19c: {  	_ =	swait.ge [sflag:s18], $0x800  }
0x19d: {  	[sflag:s18] =	ssyncset.done $0x0  }
0x19e: {  	[sflag:s18] =	ssyncadd.s32 $0xFFFFF800  }
0x19f: {  	_ =	swait.ge [sflag:s18], $0x800  }
0x1a0: {  	[sflag:s18] =	ssyncset.done $0x0  }
0x1a1: {  	[sflag:s18] =	ssyncadd.s32 $0xFFFFF800  }
0x1a2: {  	_ =	swait.ge [sflag:s18], $0x800  }
0x1a3: {  	[sflag:s18] =	ssyncset.done $0x0  }
0x1a4: {  	[sflag:s18] =	ssyncadd.s32 $0xFFFFF800  }
0x1a5: {  	_ =	swait.ge [sflag:s18], $0x800  }
0x1a6: {  	[sflag:s18] =	ssyncset.done $0x0  }
0x1a7: {  	[sflag:s18] =	ssyncadd.s32 $0xFFFFF800  }
0x1a8: {  	_ =	swait.ge [sflag:s18], $0x800  }
0x1a9: {  	[sflag:s18] =	ssyncset.done $0x0  }
0x1aa: {  	[sflag:s18] =	ssyncadd.s32 $0xFFFFF800  }
0x1ab: {  	_ =	swait.ge [sflag:s18], $0x800  }
0x1ac: {  	[sflag:s18] =	ssyncset.done $0x0  }
0x1ad: {  	[sflag:s18] =	ssyncadd.s32 $0xFFFFF800  }
0x1ae: {  	_ =	swait.ge [sflag:s18], $0x800  }
0x1af: {  	[sflag:s18] =	ssyncset.done $0x0  }
0x1b0: {  	[sflag:s18] =	ssyncadd.s32 $0xFFFFF800  }
0x1b1: {  	_ =	swait.ge [sflag:s18], $0x800  }
0x1b2: {  	[sflag:s18] =	ssyncset.done $0x0  }
0x1b3: {  	[sflag:s18] =	ssyncadd.s32 $0xFFFFF800  }
0x1b4: {  	_ =	swait.ge [sflag:s18], $0x800  }
0x1b5: {  	[sflag:s18] =	ssyncset.done $0x0  }
0x1b6: {  	[sflag:s18] =	ssyncadd.s32 $0xFFFFF800  }
0x1b7: {  	_ =	swait.ge [sflag:s18], $0x800  }
0x1b8: {  	[sflag:s18] =	ssyncset.done $0x0  }
0x1b9: {  	[sflag:s18] =	ssyncadd.s32 $0xFFFFF800  }
0x1ba: {  	_ =	swait.ge [sflag:s18], $0x800  }
0x1bb: {  	[sflag:s18] =	ssyncset.done $0x0  }
0x1bc: {  	[sflag:s18] =	ssyncadd.s32 $0xFFFFF800  }
0x1bd: {  	_ =	swait.ge [sflag:s18], $0x800  }
0x1be: {  	[sflag:s18] =	ssyncset.done $0x0  }
0x1bf: {  	[sflag:s18] =	ssyncadd.s32 $0xFFFFF800  }
0x1c0: {  	_ =	swait.ge [sflag:s18], $0x400  }
0x1c1: {  	s26 =	rddreg [dreg:$0x2]  }
0x1c2: {  	s0 =	sadd.s32 s5, s26;
	s5 =	sadd.s32 $0x3200, s5  }
0x1c3: {  	p0 =	sne.s32 s5, $0x19000  }
.Ltmp0:
0x1c4: {  	_ = 	snop;
	(pc) =	sbr.rel @p0 .LBB2_2-.Ltmp0, $4  }
0x1c5: {  	_ = 	snop  }
0x1c6: {  	s11 =	sadd.s32 $0x320, s11;
	s8 =	sadd.s32 $0x320, s8;
	[sflag:s18] =	ssyncset.done $0x0  }
0x1c7: {  	s9 =	sadd.s32 $0x1900, s9;
	s10 =	sadd.s32 $0x320, s10;
	[sflag:s18] =	ssyncadd.s32 $0xFFFFFC00  }
0x1c8: {  	[hbm4b:s0+s2] =	stream.linear.scatter [tilespmem:s25], [sflag:$0x8], $0x6400, $0x38;
	[tilespmem:$0x1A900] =	vst v63  }
0x1c9: {  	s0 =	simm.s32 $0x5  }
0x1ca: {  	_ =	swait.ge [sflag:s0], $0x6400  }
0x1cb: {  	[sflag:s0] =	ssyncset.done $0x0  }
0x1cc: {  	[sflag:s0] =	ssyncadd.s32 $0xFFFF9C00  }
0x1cd: {  	_ =	swait.ge [sflag:s28], $0x6400  }
0x1ce: {  	[sflag:s28] =	ssyncset.done $0x0  }
0x1cf: {  	[sflag:s28] =	ssyncadd.s32 $0xFFFF9C00  }
0x1d0: {  	_ =	swait.ge [sflag:s29], $0x6400  }
0x1d1: {  	[sflag:s29] =	ssyncset.done $0x0  }
0x1d2: {  	[sflag:s29] =	ssyncadd.s32 $0xFFFF9C00  }
0x1d3: {  	_ =	swait.ge [sflag:s30], $0x6400  }
0x1d4: {  	s26 =	sld [smem:$0x7E4];
	_ =	sdelay $0x1  }
0x1d5: {  	s31 =	sadd.s32 $0x1, s31  }
0x1d6: {  	p0 =	sne.s32 s31, s26  }
.Ltmp1:
0x1d7: {  	_ = 	snop;
	(pc) =	sbr.rel @p0 .LBB2_1-.Ltmp1, $3  }
0x1d8: {  	_ =	sdelay $0x1  }
0x1d9: {  	[sflag:s30] =	ssyncset.done $0x0  }
0x1da: {  	[sflag:s30] =	ssyncadd.s32 $0xFFFF9C00  }
0x1db: {  	_ =	sfence.sel $0x180000  }
0x1dc: {  	[bflag:$0x0] =	sbarrier.arrive $0xFFFF  }
0x1dd: {  	_ =	strace $0x9000004A  }
0x1de: {  	s0 =	stileid.u32;
	[bflag:$0x2] =	sbarrier.arrive $0xFFFF  }
0x1df: {  	p0 =	sne.s32 s0, $0x0;
	s0 =	rddreg [dreg:$0x1]  }
0x1e0: {  	s0 =	sadd.s32 @!p0 $0x100000, s0  }
0x1e1: {  	[sflag:s0] =	ssyncadd.tile.s32 @!p0 $0x1;
	_ =	shalt  }
.Lfunc_end2:
_tile_overlayer_lowered:
.L_overlay_start_2:
0x1e2: {  	(tag) =	ssettag $0x2  }
0x1e3: {  	s0 =	rddreg [dreg:$0x0];
	s2 =	stileid.u32  }
0x1e4: {  	s1 =	rddreg [dreg:$0x1];
	p0 =	sne.s32 s2, $0x0  }
0x1e5: {  	s3 =	rddreg [dreg:$0x2];
	[bflag:$0x3] =	sbarrier.arrive $0xFFFF;
	s2 =	simm.s32 @!p0 $0x1C0A  }
0x1e6: {  	[timem:s3], [sflag:s2] =	dma.local @!p0 [hbm:s0], s1  }
0x1e7: {  	s0 =	simm.s32 @!p0 $0xA  }
0x1e8: {  	_ =	swait.ge @!p0 [sflag:s0], s1  }
0x1e9: {  	s1 =	ssub.s32 @!p0 $0x0, s1;
	[sflag:s0] =	ssyncset.done @!p0 $0x0  }
0x1ea: {  	[sflag:s0] =	ssyncadd.s32 @!p0 s1  }
0x1eb: {  	[bflag:$0x3] =	sbarrier.arrive $0xFFFF  }
0x1ec: {  	_ =	shalt  }

// kernel: _run.7.cloned.1.call-start
scs
__scs_entry_jumppad:
0x0: {  	(pc) =	sbr.rel $0x88, $3  }
0x1: {  	(tag) =	ssettag $0x0;
	lr =	simm.s32 $0x1  }
0x2: {  	[smem:$0x3F9E] =	sst lr;
	_ =	strace $0xD0000000  }
0x3: {  	_ = 	snop  }
0x4: {  	_ = 	snop  }
0x5: {  	_ = 	snop  }
0x6: {  	_ = 	snop  }
0x7: {  	_ = 	snop  }
__scs_overlays_trampoline_lowered:
0x8: {  	[smem:$0x3FAD] =	sst s0  }
0x9: {  	[smem:$0x3FAE] =	sst s1  }
0xa: {  	[smem:$0x3FAF] =	sst s2  }
0xb: {  	[smem:$0x3FB0] =	sst s3  }
0xc: {  	[smem:$0x3FB1] =	sst s4  }
0xd: {  	[smem:$0x3FB2] =	sst s5  }
0xe: {  	[smem:$0x3FB3] =	sst s6  }
0xf: {  	[smem:$0x3FB4] =	sst s7  }
0x10: {  	[smem:$0x3FB5] =	sst s8  }
0x11: {  	[smem:$0x3FB6] =	sst s9;
	s0 =	simm.s32 @!p0 $0x0  }
0x12: {  	s1 =	sld [smem:$0x3F9C];
	s0 =	simm.s32 @p0 $0x1  }
0x13: {  	[smem:$0x3FB7] =	sst s0;
	s0 =	simm.s32 @!p1 $0x0  }
0x14: {  	s2 =	sld [smem:$0x3F9B];
	s0 =	simm.s32 @p1 $0x1  }
0x15: {  	[smem:$0x3FB8] =	sst s0;
	s0 =	simm.s32 @!p2 $0x0  }
0x16: {  	s3 =	sld [smem:$0x3FDB];
	s0 =	simm.s32 @p2 $0x1  }
0x17: {  	s4 =	simm.s32 $0x1BF5;
	[smem:$0x3FBA] =	sst s0  }
0x18: {  	s0 =	sld [smem:$0x3F9D];
	_ =	swait.ge [sflag:s4], $0x0  }
0x19: {  	s7 =	sld [smem:$0x3F9E]  }
0x1a: {  	s8 =	sadd.s32 $0xFFFFE003, lr  }
0x1b: {  	s9 =	sadd.s32 $0xFFFFFEF7, lr;
	s5 =	simm.s32 $0xFFFFFFFF;
	p2 =	slt.u32 s8, $0xFFFFF086  }
0x1c: {  	p1 =	slt.u32 s9, $0xF7A;
	s5 =	simm.s32 @!p2 $0x0  }
0x1d: {  	s5 =	simm.s32 @p1 $0x1;
	p0 =	seq.s32 s7, s2  }
0x1e: {  	s7 =	smul.u32 @!p0 $0xF7A, s2;
	p2 =	seq.s32 @!p0 s5, $0x0  }
0x1f: {  	s9 =	smul.u32 $0xF7A, s1;
	s8 =	simm.s32 @!p0 $0x1BF5;
	p2 =	por !p2, p0  }
0x20: {  	[sflag:s8] =	ssyncset.s32 @!p0 $0xFFFFF086;
	s6 =	sadd.s32 @!p0 s3, s7;
	s7 =	simm.s32 @!p0 $0x108  }
0x21: {  	s3 =	sadd.s32 s3, s9;
	s6 =	sadd.s32 @!p0 $0x88, s6;
	s7 =	simm.s32 @p2 $0x1082  }
0x22: {  	[simem:s7], [sflag:s8] =	dma.local @!p0 [hbm:s6], $0xF7A  }
0x23: {  	s9 =	sor.u32 $0xD0000000, s2;
	s6 =	simm.s32 $0x108;
	_ =	swait.ge @!p0 [sflag:s8], $0x0  }
0x24: {  	s3 =	sadd.s32 $0x88, s3;
	s6 =	simm.s32 @!p1 $0x1082;
	[sflag:s4] =	ssyncset.s32 $0xFFFFF086  }
0x25: {  	[simem:s6], [sflag:s4] =	dma.local [hbm:s3], $0xF7A  }
0x26: {  	[smem:$0x3F9E] =	sst s1;
	(tag) =	ssettag s2;
	_ =	strace s9  }
0x27: {  	s1 =	sld [smem:$0x3FAE]  }
0x28: {  	s2 =	sld [smem:$0x3FAF]  }
0x29: {  	s4 =	sld [smem:$0x3FB1]  }
0x2a: {  	p0 =	seq.s32 s5, $0x0;
	s5 =	sld [smem:$0x3FB2]  }
0x2b: {  	s6 =	sld [smem:$0x3FB3]  }
0x2c: {  	s7 =	sld [smem:$0x3FB4]  }
0x2d: {  	s3 =	simm.s32 $0x108;
	s8 =	sld [smem:$0x3FB5]  }
0x2e: {  	s3 =	simm.s32 @!p0 $0x1082;
	s9 =	sld [smem:$0x3FB6]  }
0x2f: {  	lr =	sadd.s32 s0, s3;
	s0 =	sld [smem:$0x3FAD]  }
0x30: {  	s3 =	sld [smem:$0x3FB0]  }
0x31: {  	[smem:$0x3FB9] =	sst s10  }
0x32: {  	s10 =	sld [smem:$0x3FB7];
	_ =	sdelay $0x3  }
0x33: {  	p0 =	seq.s32 s10, $0x1;
	s10 =	sld [smem:$0x3FB9];
	_ =	sdelay $0x3  }
0x34: {  	[smem:$0x3FB9] =	sst s10  }
0x35: {  	s10 =	sld [smem:$0x3FB8];
	_ =	sdelay $0x3  }
0x36: {  	p1 =	seq.s32 s10, $0x1;
	s10 =	sld [smem:$0x3FB9];
	_ =	sdelay $0x3  }
0x37: {  	[smem:$0x3FB9] =	sst s10  }
0x38: {  	s10 =	sld [smem:$0x3FBA]  }
0x39: {  	_ = 	snop;
	(pc) =	sbr.ind lr, $3  }
0x3a: {  	_ = 	snop  }
0x3b: {  	_ = 	snop  }
0x3c: {  	p2 =	seq.s32 s10, $0x1;
	s10 =	sld [smem:$0x3FB9]  }
0x3d: {  	_ =	shalt  }
0x3e: {  	_ =	shalt  }
0x3f: {  	_ =	shalt  }
0x40: {  	_ =	shalt  }
0x41: {  	_ =	shalt  }
0x42: {  	_ =	shalt  }
0x43: {  	_ =	shalt  }
0x44: {  	_ =	shalt  }
0x45: {  	_ =	shalt  }
0x46: {  	_ =	shalt  }
0x47: {  	_ =	shalt  }
0x48: {  	_ =	shalt  }
0x49: {  	_ =	shalt  }
0x4a: {  	_ =	shalt  }
0x4b: {  	_ =	shalt  }
0x4c: {  	_ =	shalt  }
0x4d: {  	_ =	shalt  }
0x4e: {  	_ =	shalt  }
0x4f: {  	_ =	shalt  }
0x50: {  	_ =	shalt  }
0x51: {  	_ =	shalt  }
0x52: {  	_ =	shalt  }
0x53: {  	_ =	shalt  }
0x54: {  	_ =	shalt  }
0x55: {  	_ =	shalt  }
0x56: {  	_ =	shalt  }
0x57: {  	_ =	shalt  }
0x58: {  	_ =	shalt  }
0x59: {  	_ =	shalt  }
0x5a: {  	_ =	shalt  }
0x5b: {  	_ =	shalt  }
0x5c: {  	_ =	shalt  }
0x5d: {  	_ =	shalt  }
0x5e: {  	_ =	shalt  }
0x5f: {  	_ =	shalt  }
0x60: {  	_ =	shalt  }
0x61: {  	_ =	shalt  }
0x62: {  	_ =	shalt  }
0x63: {  	_ =	shalt  }
0x64: {  	_ =	shalt  }
0x65: {  	_ =	shalt  }
0x66: {  	_ =	shalt  }
0x67: {  	_ =	shalt  }
0x68: {  	_ =	shalt  }
0x69: {  	_ =	shalt  }
0x6a: {  	_ =	shalt  }
0x6b: {  	_ =	shalt  }
0x6c: {  	_ =	shalt  }
0x6d: {  	_ =	shalt  }
0x6e: {  	_ =	shalt  }
0x6f: {  	_ =	shalt  }
0x70: {  	_ =	shalt  }
0x71: {  	_ =	shalt  }
0x72: {  	_ =	shalt  }
0x73: {  	_ =	shalt  }
0x74: {  	_ =	shalt  }
0x75: {  	_ =	shalt  }
0x76: {  	_ =	shalt  }
0x77: {  	_ =	shalt  }
0x78: {  	_ =	shalt  }
0x79: {  	_ =	shalt  }
0x7a: {  	_ =	shalt  }
0x7b: {  	_ =	shalt  }
0x7c: {  	_ =	shalt  }
0x7d: {  	_ =	shalt  }
0x7e: {  	_ =	shalt  }
0x7f: {  	_ =	shalt  }
0x80: {  	_ =	shalt  }
0x81: {  	_ =	shalt  }
0x82: {  	_ =	shalt  }
0x83: {  	_ =	shalt  }
0x84: {  	_ =	shalt  }
0x85: {  	_ =	shalt  }
0x86: {  	_ =	shalt  }
0x87: {  	_ =	shalt  }
.Lfunc_end0:
.L_simem_size_0:
called_computation.1_lowered:
.L_overlay_start_0:
0x88: {  	s2 =	sld [smem:$0x3FD9]  }
0x89: {  	s3 =	sld [smem:$0x3FFE];
	_ =	sdelay $0x1  }
0x8a: {  	s1 =	srdreg.scid  }
0x8b: {  	s0 =	sand.u32 $0x1, s1  }
0x8c: {  	s16 =	sshll.u32 s0, $0xA;
	s2 =	sadd.s32 s3, s2  }
0x8d: {  	s2 =	sadd.s32 s2, s16  }
0x8e: {  	[smem:$0x3FC5] =	sst s2  }
0x8f: {  	_ = 	snop  }
0x90: {  	(tm) =	ssettm $0x1  }
0x91: {  	s17 =	sld [smem:$0x3FFB];
	_ =	sdelay $0x3  }
0x92: {  	_ =	strace s17  }
0x93: {  	s2 =	sld [smem:$0x3FFC];
	_ =	sdelay $0x3  }
0x94: {  	_ =	strace s2  }
0x95: {  	s2 =	sld [smem:$0x3FFD];
	_ =	sdelay $0x3  }
0x96: {  	_ =	strace s2  }
0x97: {  	_ =	strace $0x8FFFFFFF  }
0x98: {  	s18 =	sld [smem:$0x3FDB];
	_ =	sdelay $0x1  }
0x99: {  	s19 =	simm.s32 $_scs_section_size  }
0x9a: {  	s4 =	simm.s32 $_size__tile_overlayer_lowered;
	s5 =	simm.s32 $_tile_overlayer_lowered  }
0x9b: {  	s22 =	simm.s32 $0x1BFF;
	s21 =	sshll.u32 s5, $0x1;
	s2 =	sadd.s32 s19, s18  }
0x9c: {  	s6 =	simm.s32 $0x0;
	s20 =	sshll.u32 s4, $0x1;
	s4 =	sadd.s32 s21, s2  }
0x9d: {  	[timem:s6], [sflag:s22] =	dma.local [hbm:s4], s20  }
0x9e: {  	_ =	swait.ge [sflag:s22], s20  }
0x9f: {  	s3 =	ssub.s32 $0x0, s20;
	[sflag:s22] =	ssyncset.done $0x0  }
0xa0: {  	[sflag:s22] =	ssyncadd.s32 s3;
	_ =	sdelay $0x1  }
0xa1: {  	s23 =	simm.s32 $0x1B8B  }
0xa2: {  	_ =	swait.ge [sflag:s23], $0x1  }
0xa3: {  	[sflag:s23] =	ssyncset.done $0x0  }
0xa4: {  	s25 =	simm.s32 $0x1B8E;
	s24 =	sld [smem:$0x3FFE];
	[sflag:s23] =	ssyncadd.s32 $0xFFFFFFFF  }
0xa5: {  	s26 =	simm.s32 $execute0_lowered;
	[smem:$0x3FD2] =	sst s25  }
0xa6: {  	s4 =	sshll.u32 s26, $0x1;
	_ =	strace $0x80000046;
	[dreg:$0x1] =	wrdreg $0xFFFFFFFF  }
0xa7: {  	s28 =	simm.s32 $_size_execute0_lowered;
	s2 =	sadd.s32 s2, s4;
	[dreg:$0x0] =	wrdreg $0x0  }
0xa8: {  	s4 =	sshll.u32 s28, $0x1;
	[dreg:$0x2] =	wrdreg s2  }
0xa9: {  	[dreg:$0x3] =	wrdreg s4  }
0xaa: {  	[dreg:$0x4] =	wrdreg $0xC0  }
0xab: {  	_ =	task [dreg:s6], $0x5FFFF  }
0xac: {  	[dreg:$0x1] =	wrdreg $0xFFFFFFFF  }
0xad: {  	[dreg:$0x0] =	wrdreg $0x60  }
0xae: {  	[dreg:$0x2] =	wrdreg s24  }
0xaf: {  	[dreg:$0x3] =	wrdreg $0xA  }
0xb0: {  	_ =	task.clear_ibuf [dreg:s6], $0x4FFFF;
	_ =	strace $0x90000046  }
0xb1: {  	s29 =	simm.s32 $0xA;
	_ =	strace $0x80000048  }
0xb2: {  	_ =	swait.ge [sflag:s29], $0x1  }
0xb3: {  	[sflag:s29] =	ssyncadd.s32 $0xFFFFFFFF  }
0xb4: {  	_ =	strace $0x90000048  }
0xb5: {  	_ =	sfence  }
0xb6: {  	s30 =	sld [smem:$0x0];
	_ =	sdelay $0x2  }
0xb7: {  	s31 =	sshll.u32 s1, $0xD;
	s1 =	sshrl.u32 s1, $0x2  }
0xb8: {  	s3 =	sand.u32 $0x4000, s31;
	s1 =	sadd.s32 s1, s30  }
0xb9: {  	s0 =	sor.u32 s3, s0;
	s1 =	sshll.u32 s1, $0x11  }
0xba: {  	s0 =	sor.u32 s1, s0  }
0xbb: {  	s0 =	sadd.s32 $0x8F2B, s0  }
0xbc: {  	[sflag:s0] =	ssyncadd.remote.s32 $0x1  }
0xbd: {  	_ =	sfence.sel $0xFFFF  }
0xbe: {  	[dreg:$0x0] =	wrdreg $0xFFFFFFFF;
	(pc) =	sbr.abs _section_cstart, $3  }
0xbf: {  	[dreg:$0x1] =	wrdreg $0xFFFFFFFF  }
0xc0: {  	_ =	task.clear_ibuf [dreg:s6], $0x2FFFF;
	_ =	strace $0x9FFFFFFF  }
0xc1: {  	(tm) =	ssettm $0x7FFFFFFF  }
tec
execute0_lowered:
.L_overlay_start_1:
0x0: {  	(tag) =	ssettag $0x1  }
0x1: {  	s4 =	rddreg [dreg:$0x0];
	s2 =	simm.s32 $0x0  }
0x2: {  	s22 =	simm.s32 $0x2100;
	[smem:$0x7FF] =	sst s2  }
0x3: {  	s23 =	simm.s32 $0x100;
	_ =	strace $0x80000047;
	[dreg:$0x6] =	wrdreg s22  }
0x4: {  	s24 =	simm.s32 $0x2900;
	[dreg:$0x7] =	wrdreg s23  }
0x5: {  	s25 =	simm.s32 $0x180;
	[dreg:$0x8] =	wrdreg s24  }
0x6: {  	s26 =	simm.s32 $0x3100;
	[dreg:$0x9] =	wrdreg s25  }
0x7: {  	s9 =	simm.s32 $0x280;
	[dreg:$0xa] =	wrdreg s26  }
0x8: {  	s11 =	simm.s32 $0x4100;
	[dreg:$0xd] =	wrdreg s9  }
0x9: {  	s12 =	simm.s32 $0x300;
	[dreg:$0xe] =	wrdreg s11  }
0xa: {  	s13 =	simm.s32 $0x4900;
	[dreg:$0xf] =	wrdreg s12  }
0xb: {  	s14 =	simm.s32 $0x380;
	[dreg:$0x10] =	wrdreg s13  }
0xc: {  	s15 =	simm.s32 $0x5100;
	[dreg:$0x11] =	wrdreg s14  }
0xd: {  	s16 =	simm.s32 $0x400;
	[dreg:$0x12] =	wrdreg s15  }
0xe: {  	[dreg:$0x13] =	wrdreg s16;
	s22 =	simm.s32 $0x580  }
0xf: {  	s23 =	simm.s32 $0x7100;
	[dreg:$0x19] =	wrdreg s22  }
0x10: {  	s24 =	simm.s32 $0x600;
	[dreg:$0x1a] =	wrdreg s23  }
0x11: {  	s25 =	simm.s32 $0x7900;
	[dreg:$0x1b] =	wrdreg s24  }
0x12: {  	s26 =	simm.s32 $0x6C0;
	[dreg:$0x1c] =	wrdreg s25  }
0x13: {  	s9 =	simm.s32 $0x8D00;
	[dreg:$0x1d] =	wrdreg s26  }
0x14: {  	s11 =	simm.s32 $0x7C0;
	[smem:$0x7B2] =	sst s9  }
0x15: {  	s12 =	simm.s32 $0x9500;
	[smem:$0x7B3] =	sst s11  }
0x16: {  	s13 =	simm.s32 $0x840;
	[smem:$0x7B4] =	sst s12  }
0x17: {  	s14 =	simm.s32 $0x9D00;
	[smem:$0x7B5] =	sst s13  }
0x18: {  	s15 =	simm.s32 $0x8C0;
	[smem:$0x7B6] =	sst s14  }
0x19: {  	s16 =	simm.s32 $0xA500;
	[smem:$0x7B7] =	sst s15  }
0x1a: {  	[smem:$0x7B8] =	sst s16;
	s22 =	simm.s32 $0xBD00  }
0x1b: {  	s23 =	simm.s32 $0xAC0;
	[smem:$0x7BE] =	sst s22  }
0x1c: {  	s24 =	simm.s32 $0xC500;
	[smem:$0x7BF] =	sst s23  }
0x1d: {  	s0 =	srdreg.scid;
	s25 =	simm.s32 $0xB40;
	[smem:$0x7C0] =	sst s24  }
0x1e: {  	s10 =	stileid.u32;
	s26 =	simm.s32 $0xCD00;
	[smem:$0x7C1] =	sst s25  }
0x1f: {  	s6 =	sand.u32 $0x1, s0;
	s9 =	simm.s32 $0xC40;
	[smem:$0x7C2] =	sst s26  }
0x20: {  	s17 =	smul.u32 $0x19000, s10;
	s11 =	simm.s32 $0xDD00;
	[smem:$0x7C5] =	sst s9  }
0x21: {  	s3 =	sadd.s32 $0x36C00, s4;
	s12 =	simm.s32 $0xD00;
	[smem:$0x7C6] =	sst s11  }
0x22: {  	s7 =	smul.u32 $0x32000, s10;
	s13 =	simm.s32 $0xE900;
	[smem:$0x7C7] =	sst s12  }
0x23: {  	s1 =	smul.u32 $0xC800, s6;
	s14 =	simm.s32 $0xD80;
	[smem:$0x7C8] =	sst s13  }
0x24: {  	s8 =	smul.u32 $0x19000, s6;
	s15 =	simm.s32 $0xF100;
	[smem:$0x7C9] =	sst s14  }
0x25: {  	s19 =	sadd.s32 s7, s3;
	s16 =	simm.s32 $0xE00;
	[smem:$0x7CA] =	sst s15  }
0x26: {  	s8 =	sadd.s32 s8, s19;
	[smem:$0x7CB] =	sst s16  }
0x27: {  	s0 =	sadd.s32 s1, s17;
	s17 =	simm.s32 $0x5900;
	[dreg:$0x3] =	wrdreg s8  }
0x28: {  	s19 =	simm.s32 $0x6100;
	[dreg:$0x14] =	wrdreg s17  }
0x29: {  	s22 =	simm.s32 $0xF80;
	[dreg:$0x16] =	wrdreg s19  }
0x2a: {  	s23 =	simm.s32 $0x11100;
	[smem:$0x7D1] =	sst s22  }
0x2b: {  	s24 =	simm.s32 $0x1000;
	[smem:$0x7D2] =	sst s23  }
0x2c: {  	s25 =	simm.s32 $0x11900;
	[smem:$0x7D3] =	sst s24  }
0x2d: {  	s26 =	simm.s32 $0x1080;
	[smem:$0x7D4] =	sst s25  }
0x2e: {  	s9 =	simm.s32 $0x12900;
	[smem:$0x7D5] =	sst s26  }
0x2f: {  	s11 =	simm.s32 $0x1180;
	[smem:$0x7D8] =	sst s9  }
0x30: {  	s13 =	simm.s32 $0x13100;
	[smem:$0x7D9] =	sst s11  }
0x31: {  	s14 =	simm.s32 $0x1200;
	[smem:$0x7DA] =	sst s13  }
0x32: {  	s10 =	sshll.u32 s10, $0x1;
	s15 =	simm.s32 $0x13900;
	[smem:$0x7DB] =	sst s14  }
0x33: {  	s12 =	ssub.s32 $0x2, s6;
	s16 =	simm.s32 $0x1280;
	[smem:$0x7DC] =	sst s15  }
0x34: {  	s6 =	sor.u32 s6, s10;
	s10 =	simm.s32 $0x1540;
	[smem:$0x7DD] =	sst s16  }
0x35: {  	s8 =	simm.s32 $0x3900;
	[smem:$0x7EC] =	sst s10  }
0x36: {  	s17 =	simm.s32 $0x940;
	[dreg:$0xc] =	wrdreg s8  }
0x37: {  	s19 =	simm.s32 $0x9C0;
	[smem:$0x7B9] =	sst s17  }
0x38: {  	s23 =	simm.s32 $0x15500;
	[smem:$0x7BB] =	sst s19  }
0x39: {  	s25 =	simm.s32 $0x1440;
	[smem:$0x7E5] =	sst s23  }
0x3a: {  	s26 =	simm.s32 $0x15D00;
	[smem:$0x7E6] =	sst s25  }
0x3b: {  	s11 =	simm.s32 $0x16D00;
	[smem:$0x7E8] =	sst s26  }
0x3c: {  	s13 =	simm.s32 $0x17500;
	[smem:$0x7EE] =	sst s11  }
0x3d: {  	s15 =	simm.s32 $0x1640;
	[smem:$0x7F1] =	sst s13  }
0x3e: {  	s20 =	sshll.u32 s0, $0x1;
	s16 =	simm.s32 $0x17D00;
	[smem:$0x7F2] =	sst s15  }
0x3f: {  	s7 =	sadd.s32 s20, s3;
	s20 =	simm.s32 $0x500;
	[smem:$0x7F3] =	sst s16  }
0x40: {  	s8 =	simm.s32 $0x740;
	[dreg:$0x17] =	wrdreg s20  }
0x41: {  	s17 =	simm.s32 $0xF900;
	[dreg:$0x1f] =	wrdreg s8  }
0x42: {  	s19 =	simm.s32 $0x10100;
	[smem:$0x7CC] =	sst s17  }
0x43: {  	s23 =	simm.s32 $0x1840;
	[smem:$0x7CE] =	sst s19  }
0x44: {  	s5 =	sadd.s32 $0x12C0, s0;
	s25 =	simm.s32 $0x18C0;
	[smem:$0x7FA] =	sst s23  }
0x45: {  	s18 =	sshll.u32 s5, $0x1;
	s26 =	simm.s32 $0x1A500;
	[smem:$0x7FC] =	sst s25  }
0x46: {  	s1 =	sadd.s32 s18, s3;
	[smem:$0x7FD] =	sst s26  }
0x47: {  	s7 =	sadd.s32 $0xC80, s7;
	[dreg:$0x2] =	wrdreg s1  }
0x48: {  	s18 =	simm.s32 $0x480;
	[dreg:$0x4] =	wrdreg s7  }
0x49: {  	s20 =	simm.s32 $0xB500;
	[dreg:$0x15] =	wrdreg s18  }
0x4a: {  	s8 =	simm.s32 $0xD500;
	[smem:$0x7BC] =	sst s20  }
0x4b: {  	s17 =	simm.s32 $0x14100;
	[smem:$0x7C4] =	sst s8  }
0x4c: {  	s19 =	simm.s32 $0x14D00;
	[smem:$0x7DE] =	sst s17  }
0x4d: {  	s7 =	simm.s32 $0x200;
	[smem:$0x7E0] =	sst s19  }
0x4e: {  	s18 =	simm.s32 $0xAD00;
	[dreg:$0xb] =	wrdreg s7  }
0x4f: {  	s20 =	simm.s32 $0xF00;
	[smem:$0x7BA] =	sst s18  }
0x50: {  	s28 =	simm.s32 $0x6;
	s8 =	simm.s32 $0x1100;
	[smem:$0x7CF] =	sst s20  }
0x51: {  	s29 =	simm.s32 $0x7;
	s17 =	simm.s32 $0x16C0;
	[smem:$0x7D7] =	sst s8  }
0x52: {  	s30 =	simm.s32 $0x8;
	s19 =	simm.s32 $0x1740;
	[smem:$0x7F4] =	sst s17  }
0x53: {  	s9 =	sshrl.u32 s12, $0x1;
	s7 =	simm.s32 $0x8500;
	[smem:$0x7F6] =	sst s19  }
0x54: {  	s1 =	sadd.s32 $0xC80, s0;
	s18 =	simm.s32 $0xE80;
	[dreg:$0x1e] =	wrdreg s7  }
0x55: {  	s8 =	ssub.s32 s12, s9;
	s9 =	simm.s32 $0x16500;
	[smem:$0x7CD] =	sst s18  }
0x56: {  	s21 =	sshll.u32 s1, $0x1;
	s12 =	simm.s32 $0x15C0;
	[smem:$0x7EB] =	sst s9  }
0x57: {  	s31 =	simm.s32 $0x0;
	s3 =	sadd.s32 s21, s3;
	[smem:$0x7EF] =	sst s12  }
0x58: {  	s6 =	smul.u32 $0xC800, s6;
	s21 =	simm.s32 $0x6900;
	[dreg:$0x5] =	wrdreg s3  }
0x59: {  	s5 =	sshrl.u32 s5, $0x3;
	s7 =	simm.s32 $0xBC0;
	[dreg:$0x18] =	wrdreg s21  }
0x5a: {  	s13 =	simm.s32 $0xC80;
	s18 =	simm.s32 $0x1340;
	[smem:$0x7C3] =	sst s7  }
0x5b: {  	s15 =	simm.s32 $0x80;
	s24 =	smax.u32 s8, $0x1;
	[smem:$0x7DF] =	sst s18  }
0x5c: {  	s16 =	simm.s32 $0x1900;
	s8 =	sadd.s32 $0x1900, s0;
	[smem:$0x7E4] =	sst s24  }
0x5d: {  	s6 =	sshrl.u32 s6, $0x3;
	s21 =	simm.s32 $0xA40;
	[smem:$0x7E9] =	sst s8  }
0x5e: {  	s23 =	simm.s32 $0xE100;
	s7 =	simm.s32 $0x12100;
	[smem:$0x7BD] =	sst s21  }
0x5f: {  	s25 =	simm.s32 $0x14500;
	s18 =	simm.s32 $0x18500;
	[smem:$0x7D6] =	sst s7  }
0x60: {  	s1 =	sshrl.u32 s1, $0x3;
	s24 =	simm.s32 $0x19D00;
	[smem:$0x7F5] =	sst s18  }
0x61: {  	s3 =	sadd.s32 $0x4C00, s4;
	s21 =	simm.s32 $0x10900;
	[smem:$0x7FB] =	sst s24  }
0x62: {  	s17 =	simm.s32 $0x40;
	s20 =	sadd.s32 s3, s6;
	[smem:$0x7D0] =	sst s21  }
0x63: {  	s0 =	sadd.s32 $0x1F40, s0;
	s5 =	sadd.s32 s5, s3;
	[smem:$0x7E1] =	sst s20  }
0x64: {  	s0 =	sshrl.u32 s0, $0x3;
	s7 =	simm.s32 $0x14C0;
	[smem:$0x7E7] =	sst s5  }
0x65: {  	s19 =	simm.s32 $0x12C0;
	s0 =	sadd.s32 s0, s3;
	[smem:$0x7EA] =	sst s7  }
0x66: {  	s12 =	simm.s32 $0x640;
	s14 =	sadd.s32 s1, s3;
	[smem:$0x7ED] =	sst s0  }
0x67: {  	s4 =	sadd.s32 $0xC00, s4;
	s22 =	sadd.s32 $0xC8, s20;
	[smem:$0x7F0] =	sst s14  }
0x68: {  	s18 =	simm.s32 $0x9;
	s21 =	simm.s32 $0x13C0;
	[smem:$0x7E2] =	sst s22  }
0x69: {  	s24 =	simm.s32 $0x4;
	s20 =	simm.s32 $0x18D00;
	[smem:$0x7E3] =	sst s21  }
0x6a: {  	s14 =	simm.s32 $0x1;
	[smem:$0x7F7] =	sst s20;
	s21 =	simm.s32 $0x17C0  }
0x6b: {  	s22 =	simm.s32 $0x19500;
	s20 =	simm.s32 $0x2;
	[smem:$0x7F8] =	sst s21  }
0x6c: {  	[smem:$0x7F9] =	sst s22;
	s21 =	simm.s32 $0x7D00;
	s22 =	simm.s32 $0x3  }
.LBB2_1:
0x6d: {  	s0 =	sld [smem:$0x7E1]  }
0x6e: {  	s26 =	sld [smem:$0x7E2]  }
0x6f: {  	s11 =	sld [smem:$0x7F0]  }
0x70: {  	s10 =	sld [smem:$0x7ED]  }
0x71: {  	s9 =	sld [smem:$0x7E9]  }
0x72: {  	[tilespmem:s2], [sflag:$0x1] =	stream.linear.gather [hbm4b:s0+s2], $0x640, $0x38;
	[tilespmem:$0x1A900] =	vst v63  }
0x73: {  	s8 =	sld [smem:$0x7E7];
	s5 =	simm.s32 $0x0  }
0x74: {  	[tilespmem:s12], [sflag:$0x2] =	stream.linear.gather [hbm4b:s26+s2], $0x640, $0x38;
	[tilespmem:$0x1A900] =	vst v63  }
.LBB2_2:
0x75: {  	p0 =	seq.s32 s5, $0x0  }
0x76: {  	s7 =	simm.s32 @!p0 $0x7  }
0x77: {  	_ =	swait.ge @!p0 [sflag:s7], $0x6400  }
0x78: {  	[sflag:s7] =	ssyncset.done @!p0 $0x0  }
0x79: {  	[sflag:s7] =	ssyncadd.s32 @!p0 $0xFFFF9C00  }
0x7a: {  	[tilespmem:s13], [sflag:$0x3] =	stream.linear.gather [hbm4b:s11+s2], $0x640, $0x38;
	[tilespmem:$0x1A900] =	vst v63  }
0x7b: {  	_ =	swait.ge [sflag:s14], $0x640  }
0x7c: {  	s1 =	rddreg [dreg:$0x6]  }
0x7d: {  	s6 =	rddreg [dreg:$0x7]  }
0x7e: {  	[sflag:s14] =	ssyncset.done $0x0;
	s0 =	rddreg [dreg:$0x8]  }
0x7f: {  	s7 =	rddreg [dreg:$0xa];
	[sflag:s14] =	ssyncadd.s32 $0xFFFFF9C0  }
0x80: {  	[tilespmem:s16], [sflag:$0x9] =	stream.indirect.gather [hbm4b:s4+s15], $0x10, s2, s15, $0xb8;
	[tilespmem:$0x1A900] =	vst v63  }
0x81: {  	s26 =	rddreg [dreg:$0xb]  }
0x82: {  	[tilespmem:s1], [sflag:$0x9] =	stream.indirect.gather [hbm4b:s4+s15], $0x10, s15, s15, $0xb8;
	[tilespmem:$0x1A900] =	vst v63  }
0x83: {  	s1 =	rddreg [dreg:$0xc]  }
0x84: {  	[tilespmem:s0], [sflag:$0x9] =	stream.indirect.gather [hbm4b:s4+s15], $0x10, s6, s15, $0xb8;
	[tilespmem:$0x1A900] =	vst v63  }
0x85: {  	s6 =	rddreg [dreg:$0x9]  }
0x86: {  	[tilespmem:s7], [sflag:$0x9] =	stream.indirect.gather [hbm4b:s4+s15], $0x10, s6, s15, $0xb8;
	[tilespmem:$0x1A900] =	vst v63  }
0x87: {  	s6 =	rddreg [dreg:$0xe]  }
0x88: {  	s7 =	rddreg [dreg:$0xf]  }
0x89: {  	[tilespmem:s1], [sflag:$0x9] =	stream.indirect.gather [hbm4b:s4+s15], $0x10, s26, s15, $0xb8;
	[tilespmem:$0x1A900] =	vst v63  }
0x8a: {  	s1 =	rddreg [dreg:$0xd]  }
0x8b: {  	s26 =	rddreg [dreg:$0x10]  }
0x8c: {  	[tilespmem:s6], [sflag:$0x9] =	stream.indirect.gather [hbm4b:s4+s15], $0x10, s1, s15, $0xb8;
	[tilespmem:$0x1A900] =	vst v63  }
0x8d: {  	s1 =	rddreg [dreg:$0x11]  }
0x8e: {  	s6 =	rddreg [dreg:$0x12]  }
0x8f: {  	[tilespmem:s26], [sflag:$0x9] =	stream.indirect.gather [hbm4b:s4+s15], $0x10, s7, s15, $0xb8;
	[tilespmem:$0x1A900] =	vst v63  }
0x90: {  	s7 =	rddreg [dreg:$0x13]  }
0x91: {  	s26 =	rddreg [dreg:$0x14]  }
0x92: {  	[tilespmem:s6], [sflag:$0x9] =	stream.indirect.gather [hbm4b:s4+s15], $0x10, s1, s15, $0xb8;
	[tilespmem:$0x1A900] =	vst v63  }
0x93: {  	s1 =	rddreg [dreg:$0x15]  }
0x94: {  	s6 =	rddreg [dreg:$0x16]  }
0x95: {  	[tilespmem:s26], [sflag:$0x9] =	stream.indirect.gather [hbm4b:s4+s15], $0x10, s7, s15, $0xb8;
	[tilespmem:$0x1A900] =	vst v63  }
0x96: {  	s7 =	rddreg [dreg:$0x17]  }
0x97: {  	s26 =	rddreg [dreg:$0x18]  }
0x98: {  	[tilespmem:s6], [sflag:$0x9] =	stream.indirect.gather [hbm4b:s4+s15], $0x10, s1, s15, $0xb8;
	[tilespmem:$0x1A900] =	vst v63  }
0x99: {  	s1 =	rddreg [dreg:$0x19]  }
0x9a: {  	s6 =	rddreg [dreg:$0x1a]  }
0x9b: {  	[tilespmem:s26], [sflag:$0x9] =	stream.indirect.gather [hbm4b:s4+s15], $0x10, s7, s15, $0xb8;
	[tilespmem:$0x1A900] =	vst v63  }
0x9c: {  	s7 =	rddreg [dreg:$0x1b]  }
0x9d: {  	[tilespmem:s6], [sflag:$0x9] =	stream.indirect.gather [hbm4b:s4+s15], $0x10, s1, s15, $0xb8;
	[tilespmem:$0x1A900] =	vst v63  }
0x9e: {  	s26 =	rddreg [dreg:$0x1c]  }
0x9f: {  	[tilespmem:s26], [sflag:$0x9] =	stream.indirect.gather [hbm4b:s4+s17], $0x10, s7, s17, $0xb8;
	[tilespmem:$0x1A900] =	vst v63  }
0xa0: {  	_ =	swait.ge [sflag:s18], $0x800  }
0xa1: {  	[sflag:s18] =	ssyncset.done $0x0  }
0xa2: {  	[sflag:s18] =	ssyncadd.s32 $0xFFFFF800  }
0xa3: {  	_ =	swait.ge [sflag:s18], $0x800  }
0xa4: {  	[sflag:s18] =	ssyncset.done $0x0  }
0xa5: {  	[sflag:s18] =	ssyncadd.s32 $0xFFFFF800  }
0xa6: {  	_ =	swait.ge [sflag:s18], $0x800  }
0xa7: {  	[sflag:s18] =	ssyncset.done $0x0  }
0xa8: {  	[sflag:s18] =	ssyncadd.s32 $0xFFFFF800  }
0xa9: {  	_ =	swait.ge [sflag:s18], $0x800  }
0xaa: {  	[sflag:s18] =	ssyncset.done $0x0  }
0xab: {  	[sflag:s18] =	ssyncadd.s32 $0xFFFFF800  }
0xac: {  	_ =	swait.ge [sflag:s18], $0x800  }
0xad: {  	[sflag:s18] =	ssyncset.done $0x0  }
0xae: {  	[sflag:s18] =	ssyncadd.s32 $0xFFFFF800  }
0xaf: {  	_ =	swait.ge [sflag:s18], $0x800  }
0xb0: {  	[sflag:s18] =	ssyncset.done $0x0  }
0xb1: {  	[sflag:s18] =	ssyncadd.s32 $0xFFFFF800  }
0xb2: {  	_ =	swait.ge [sflag:s18], $0x800  }
0xb3: {  	[sflag:s18] =	ssyncset.done $0x0  }
0xb4: {  	[sflag:s18] =	ssyncadd.s32 $0xFFFFF800  }
0xb5: {  	_ =	swait.ge [sflag:s18], $0x800  }
0xb6: {  	[sflag:s18] =	ssyncset.done $0x0  }
0xb7: {  	[sflag:s18] =	ssyncadd.s32 $0xFFFFF800  }
0xb8: {  	_ =	swait.ge [sflag:s18], $0x800  }
0xb9: {  	[sflag:s18] =	ssyncset.done $0x0  }
0xba: {  	[sflag:s18] =	ssyncadd.s32 $0xFFFFF800  }
0xbb: {  	_ =	swait.ge [sflag:s18], $0x800  }
0xbc: {  	[sflag:s18] =	ssyncset.done $0x0  }
0xbd: {  	[sflag:s18] =	ssyncadd.s32 $0xFFFFF800  }
0xbe: {  	_ =	swait.ge [sflag:s18], $0x800  }
0xbf: {  	[sflag:s18] =	ssyncset.done $0x0  }
0xc0: {  	[sflag:s18] =	ssyncadd.s32 $0xFFFFF800  }
0xc1: {  	_ =	swait.ge [sflag:s18], $0x800  }
0xc2: {  	[sflag:s18] =	ssyncset.done $0x0  }
0xc3: {  	[sflag:s18] =	ssyncadd.s32 $0xFFFFF800  }
0xc4: {  	_ =	swait.ge [sflag:s18], $0x400  }
0xc5: {  	s26 =	rddreg [dreg:$0x3];
	[sflag:s18] =	ssyncset.done $0x0  }
0xc6: {  	[sflag:s18] =	ssyncadd.s32 $0xFFFFFC00;
	s0 =	sadd.s32 s5, s26  }
0xc7: {  	[hbm4b:s0+s2] =	stream.linear.scatter [tilespmem:s16], [sflag:$0x5], $0x6400, $0x38;
	[tilespmem:$0x1A900] =	vst v63  }
0xc8: {  	s0 =	simm.s32 @!p0 $0x8  }
0xc9: {  	_ =	swait.ge @!p0 [sflag:s0], $0x6400  }
0xca: {  	[sflag:s0] =	ssyncset.done @!p0 $0x0  }
0xcb: {  	[sflag:s0] =	ssyncadd.s32 @!p0 $0xFFFF9C00  }
0xcc: {  	[tilespmem:s19], [sflag:$0x4] =	stream.linear.gather [hbm4b:s8+s2], $0x640, $0x38;
	[tilespmem:$0x1A900] =	vst v63  }
0xcd: {  	_ =	swait.ge [sflag:s20], $0x640  }
0xce: {  	s1 =	rddreg [dreg:$0x1d]  }
0xcf: {  	[sflag:s20] =	ssyncset.done $0x0;
	s6 =	rddreg [dreg:$0x1e]  }
0xd0: {  	s7 =	rddreg [dreg:$0x1f];
	[sflag:s20] =	ssyncadd.s32 $0xFFFFF9C0  }
0xd1: {  	[tilespmem:s21], [sflag:$0x9] =	stream.indirect.gather [hbm4b:s4+s15], $0x10, s12, s15, $0xb8;
	[tilespmem:$0x1A900] =	vst v63  }
0xd2: {  	s26 =	sld [smem:$0x7B2]  }
0xd3: {  	[tilespmem:s6], [sflag:$0x9] =	stream.indirect.gather [hbm4b:s4+s15], $0x10, s1, s15, $0xb8;
	[tilespmem:$0x1A900] =	vst v63  }
0xd4: {  	s1 =	sld [smem:$0x7B3]  }
0xd5: {  	s6 =	sld [smem:$0x7B4]  }
0xd6: {  	[tilespmem:s26], [sflag:$0x9] =	stream.indirect.gather [hbm4b:s4+s15], $0x10, s7, s15, $0xb8;
	[tilespmem:$0x1A900] =	vst v63  }
0xd7: {  	s7 =	sld [smem:$0x7B5]  }
0xd8: {  	s26 =	sld [smem:$0x7B6]  }
0xd9: {  	[tilespmem:s6], [sflag:$0x9] =	stream.indirect.gather [hbm4b:s4+s15], $0x10, s1, s15, $0xb8;
	[tilespmem:$0x1A900] =	vst v63  }
0xda: {  	s1 =	sld [smem:$0x7B7]  }
0xdb: {  	s6 =	sld [smem:$0x7B8]  }
0xdc: {  	[tilespmem:s26], [sflag:$0x9] =	stream.indirect.gather [hbm4b:s4+s15], $0x10, s7, s15, $0xb8;
	[tilespmem:$0x1A900] =	vst v63  }
0xdd: {  	s7 =	sld [smem:$0x7B9]  }
0xde: {  	s26 =	sld [smem:$0x7BA]  }
0xdf: {  	[tilespmem:s6], [sflag:$0x9] =	stream.indirect.gather [hbm4b:s4+s15], $0x10, s1, s15, $0xb8;
	[tilespmem:$0x1A900] =	vst v63  }
0xe0: {  	s1 =	sld [smem:$0x7BB]  }
0xe1: {  	s6 =	sld [smem:$0x7BC]  }
0xe2: {  	[tilespmem:s26], [sflag:$0x9] =	stream.indirect.gather [hbm4b:s4+s15], $0x10, s7, s15, $0xb8;
	[tilespmem:$0x1A900] =	vst v63  }
0xe3: {  	s7 =	sld [smem:$0x7BD]  }
0xe4: {  	s26 =	sld [smem:$0x7BE]  }
0xe5: {  	[tilespmem:s6], [sflag:$0x9] =	stream.indirect.gather [hbm4b:s4+s15], $0x10, s1, s15, $0xb8;
	[tilespmem:$0x1A900] =	vst v63  }
0xe6: {  	s1 =	sld [smem:$0x7BF]  }
0xe7: {  	s6 =	sld [smem:$0x7C0]  }
0xe8: {  	[tilespmem:s26], [sflag:$0x9] =	stream.indirect.gather [hbm4b:s4+s15], $0x10, s7, s15, $0xb8;
	[tilespmem:$0x1A900] =	vst v63  }
0xe9: {  	s7 =	sld [smem:$0x7C1]  }
0xea: {  	s26 =	sld [smem:$0x7C2]  }
0xeb: {  	[tilespmem:s6], [sflag:$0x9] =	stream.indirect.gather [hbm4b:s4+s15], $0x10, s1, s15, $0xb8;
	[tilespmem:$0x1A900] =	vst v63  }
0xec: {  	s1 =	sld [smem:$0x7C3]  }
0xed: {  	s6 =	sld [smem:$0x7C4]  }
0xee: {  	[tilespmem:s26], [sflag:$0x9] =	stream.indirect.gather [hbm4b:s4+s15], $0x10, s7, s15, $0xb8;
	[tilespmem:$0x1A900] =	vst v63  }
0xef: {  	s7 =	sld [smem:$0x7C5]  }
0xf0: {  	s26 =	sld [smem:$0x7C6]  }
0xf1: {  	[tilespmem:s6], [sflag:$0x9] =	stream.indirect.gather [hbm4b:s4+s15], $0x10, s1, s15, $0xb8;
	[tilespmem:$0x1A900] =	vst v63  }
0xf2: {  	_ = 	snop  }
0xf3: {  	[tilespmem:s26], [sflag:$0x9] =	stream.indirect.gather [hbm4b:s4+s17], $0x10, s7, s17, $0xb8;
	[tilespmem:$0x1A900] =	vst v63  }
0xf4: {  	_ =	swait.ge [sflag:s18], $0x800  }
0xf5: {  	[sflag:s18] =	ssyncset.done $0x0  }
0xf6: {  	[sflag:s18] =	ssyncadd.s32 $0xFFFFF800  }
0xf7: {  	_ =	swait.ge [sflag:s18], $0x800  }
0xf8: {  	[sflag:s18] =	ssyncset.done $0x0  }
0xf9: {  	[sflag:s18] =	ssyncadd.s32 $0xFFFFF800  }
0xfa: {  	_ =	swait.ge [sflag:s18], $0x800  }
0xfb: {  	[sflag:s18] =	ssyncset.done $0x0  }
0xfc: {  	[sflag:s18] =	ssyncadd.s32 $0xFFFFF800  }
0xfd: {  	_ =	swait.ge [sflag:s18], $0x800  }
0xfe: {  	[sflag:s18] =	ssyncset.done $0x0  }
0xff: {  	[sflag:s18] =	ssyncadd.s32 $0xFFFFF800  }
0x100: {  	_ =	swait.ge [sflag:s18], $0x800  }
0x101: {  	[sflag:s18] =	ssyncset.done $0x0  }
0x102: {  	[sflag:s18] =	ssyncadd.s32 $0xFFFFF800  }
0x103: {  	_ =	swait.ge [sflag:s18], $0x800  }
0x104: {  	[sflag:s18] =	ssyncset.done $0x0  }
0x105: {  	[sflag:s18] =	ssyncadd.s32 $0xFFFFF800  }
0x106: {  	_ =	swait.ge [sflag:s18], $0x800  }
0x107: {  	[sflag:s18] =	ssyncset.done $0x0  }
0x108: {  	[sflag:s18] =	ssyncadd.s32 $0xFFFFF800  }
0x109: {  	_ =	swait.ge [sflag:s18], $0x800  }
0x10a: {  	[sflag:s18] =	ssyncset.done $0x0  }
0x10b: {  	[sflag:s18] =	ssyncadd.s32 $0xFFFFF800  }
0x10c: {  	_ =	swait.ge [sflag:s18], $0x800  }
0x10d: {  	[sflag:s18] =	ssyncset.done $0x0  }
0x10e: {  	[sflag:s18] =	ssyncadd.s32 $0xFFFFF800  }
0x10f: {  	_ =	swait.ge [sflag:s18], $0x800  }
0x110: {  	[sflag:s18] =	ssyncset.done $0x0  }
0x111: {  	[sflag:s18] =	ssyncadd.s32 $0xFFFFF800  }
0x112: {  	_ =	swait.ge [sflag:s18], $0x800  }
0x113: {  	[sflag:s18] =	ssyncset.done $0x0  }
0x114: {  	[sflag:s18] =	ssyncadd.s32 $0xFFFFF800  }
0x115: {  	_ =	swait.ge [sflag:s18], $0x800  }
0x116: {  	[sflag:s18] =	ssyncset.done $0x0  }
0x117: {  	[sflag:s18] =	ssyncadd.s32 $0xFFFFF800  }
0x118: {  	_ =	swait.ge [sflag:s18], $0x400  }
0x119: {  	s7 =	rddreg [dreg:$0x4];
	[sflag:s18] =	ssyncset.done $0x0  }
0x11a: {  	p0 =	seq.s32 s5, $0x15E00;
	[sflag:s18] =	ssyncadd.s32 $0xFFFFFC00;
	s0 =	sadd.s32 s5, s7  }
0x11b: {  	[hbm4b:s0+s2] =	stream.linear.scatter [tilespmem:s21], [sflag:$0x6], $0x6400, $0x38;
	[tilespmem:$0x1A900] =	vst v63  }
0x11c: {  	s0 =	simm.s32 @!p0 $0x5  }
0x11d: {  	_ =	swait.ge @!p0 [sflag:s0], $0x6400  }
0x11e: {  	s1 =	sshrl.u32 @!p0 s9, $0x3;
	[sflag:s0] =	ssyncset.done @!p0 $0x0  }
0x11f: {  	s7 =	simm.s32 @!p0 $0x0;
	[sflag:s0] =	ssyncadd.s32 @!p0 $0xFFFF9C00;
	s0 =	sadd.s32 @!p0 s3, s1  }
0x120: {  	[tilespmem:s7], [sflag:$0x1] =	stream.linear.gather @!p0 [hbm4b:s0+s7], $0x640, $0x38;
	[tilespmem:$0x1A900] =	vst v63  }
0x121: {  	_ =	swait.ge [sflag:s22], $0x640  }
0x122: {  	s0 =	sld [smem:$0x7C7]  }
0x123: {  	[sflag:s22] =	ssyncset.done $0x0;
	s1 =	sld [smem:$0x7C8]  }
0x124: {  	s6 =	sld [smem:$0x7C9];
	[sflag:s22] =	ssyncadd.s32 $0xFFFFF9C0  }
0x125: {  	[tilespmem:s23], [sflag:$0x9] =	stream.indirect.gather [hbm4b:s4+s15], $0x10, s13, s15, $0xb8;
	[tilespmem:$0x1A900] =	vst v63  }
0x126: {  	s26 =	sld [smem:$0x7CA]  }
0x127: {  	[tilespmem:s1], [sflag:$0x9] =	stream.indirect.gather [hbm4b:s4+s15], $0x10, s0, s15, $0xb8;
	[tilespmem:$0x1A900] =	vst v63  }
0x128: {  	s0 =	sld [smem:$0x7CB]  }
0x129: {  	s1 =	sld [smem:$0x7CC]  }
0x12a: {  	[tilespmem:s26], [sflag:$0x9] =	stream.indirect.gather [hbm4b:s4+s15], $0x10, s6, s15, $0xb8;
	[tilespmem:$0x1A900] =	vst v63  }
0x12b: {  	s6 =	sld [smem:$0x7CD]  }
0x12c: {  	s26 =	sld [smem:$0x7CE]  }
0x12d: {  	[tilespmem:s1], [sflag:$0x9] =	stream.indirect.gather [hbm4b:s4+s15], $0x10, s0, s15, $0xb8;
	[tilespmem:$0x1A900] =	vst v63  }
0x12e: {  	s0 =	sld [smem:$0x7CF]  }
0x12f: {  	s1 =	sld [smem:$0x7D0]  }
0x130: {  	[tilespmem:s26], [sflag:$0x9] =	stream.indirect.gather [hbm4b:s4+s15], $0x10, s6, s15, $0xb8;
	[tilespmem:$0x1A900] =	vst v63  }
0x131: {  	s6 =	sld [smem:$0x7D1]  }
0x132: {  	s26 =	sld [smem:$0x7D2]  }
0x133: {  	[tilespmem:s1], [sflag:$0x9] =	stream.indirect.gather [hbm4b:s4+s15], $0x10, s0, s15, $0xb8;
	[tilespmem:$0x1A900] =	vst v63  }
0x134: {  	s0 =	sld [smem:$0x7D3]  }
0x135: {  	s1 =	sld [smem:$0x7D4]  }
0x136: {  	[tilespmem:s26], [sflag:$0x9] =	stream.indirect.gather [hbm4b:s4+s15], $0x10, s6, s15, $0xb8;
	[tilespmem:$0x1A900] =	vst v63  }
0x137: {  	s6 =	sld [smem:$0x7D5]  }
0x138: {  	s26 =	sld [smem:$0x7D6]  }
0x139: {  	[tilespmem:s1], [sflag:$0x9] =	stream.indirect.gather [hbm4b:s4+s15], $0x10, s0, s15, $0xb8;
	[tilespmem:$0x1A900] =	vst v63  }
0x13a: {  	s0 =	sld [smem:$0x7D7]  }
0x13b: {  	s1 =	sld [smem:$0x7D8]  }
0x13c: {  	[tilespmem:s26], [sflag:$0x9] =	stream.indirect.gather [hbm4b:s4+s15], $0x10, s6, s15, $0xb8;
	[tilespmem:$0x1A900] =	vst v63  }
0x13d: {  	s6 =	sld [smem:$0x7D9]  }
0x13e: {  	s26 =	sld [smem:$0x7DA]  }
0x13f: {  	[tilespmem:s1], [sflag:$0x9] =	stream.indirect.gather [hbm4b:s4+s15], $0x10, s0, s15, $0xb8;
	[tilespmem:$0x1A900] =	vst v63  }
0x140: {  	s0 =	sld [smem:$0x7DB]  }
0x141: {  	s1 =	sld [smem:$0x7DC]  }
0x142: {  	[tilespmem:s26], [sflag:$0x9] =	stream.indirect.gather [hbm4b:s4+s15], $0x10, s6, s15, $0xb8;
	[tilespmem:$0x1A900] =	vst v63  }
0x143: {  	s6 =	sld [smem:$0x7DD]  }
0x144: {  	s26 =	sld [smem:$0x7DE]  }
0x145: {  	[tilespmem:s1], [sflag:$0x9] =	stream.indirect.gather [hbm4b:s4+s15], $0x10, s0, s15, $0xb8;
	[tilespmem:$0x1A900] =	vst v63  }
0x146: {  	_ = 	snop  }
0x147: {  	[tilespmem:s26], [sflag:$0x9] =	stream.indirect.gather [hbm4b:s4+s17], $0x10, s6, s17, $0xb8;
	[tilespmem:$0x1A900] =	vst v63  }
0x148: {  	_ =	swait.ge [sflag:s18], $0x800  }
0x149: {  	[sflag:s18] =	ssyncset.done $0x0  }
0x14a: {  	[sflag:s18] =	ssyncadd.s32 $0xFFFFF800  }
0x14b: {  	_ =	swait.ge [sflag:s18], $0x800  }
0x14c: {  	[sflag:s18] =	ssyncset.done $0x0  }
0x14d: {  	[sflag:s18] =	ssyncadd.s32 $0xFFFFF800  }
0x14e: {  	_ =	swait.ge [sflag:s18], $0x800  }
0x14f: {  	[sflag:s18] =	ssyncset.done $0x0  }
0x150: {  	[sflag:s18] =	ssyncadd.s32 $0xFFFFF800  }
0x151: {  	_ =	swait.ge [sflag:s18], $0x800  }
0x152: {  	[sflag:s18] =	ssyncset.done $0x0  }
0x153: {  	[sflag:s18] =	ssyncadd.s32 $0xFFFFF800  }
0x154: {  	_ =	swait.ge [sflag:s18], $0x800  }
0x155: {  	[sflag:s18] =	ssyncset.done $0x0  }
0x156: {  	[sflag:s18] =	ssyncadd.s32 $0xFFFFF800  }
0x157: {  	_ =	swait.ge [sflag:s18], $0x800  }
0x158: {  	[sflag:s18] =	ssyncset.done $0x0  }
0x159: {  	[sflag:s18] =	ssyncadd.s32 $0xFFFFF800  }
0x15a: {  	_ =	swait.ge [sflag:s18], $0x800  }
0x15b: {  	[sflag:s18] =	ssyncset.done $0x0  }
0x15c: {  	[sflag:s18] =	ssyncadd.s32 $0xFFFFF800  }
0x15d: {  	_ =	swait.ge [sflag:s18], $0x800  }
0x15e: {  	[sflag:s18] =	ssyncset.done $0x0  }
0x15f: {  	[sflag:s18] =	ssyncadd.s32 $0xFFFFF800  }
0x160: {  	_ =	swait.ge [sflag:s18], $0x800  }
0x161: {  	[sflag:s18] =	ssyncset.done $0x0  }
0x162: {  	[sflag:s18] =	ssyncadd.s32 $0xFFFFF800  }
0x163: {  	_ =	swait.ge [sflag:s18], $0x800  }
0x164: {  	[sflag:s18] =	ssyncset.done $0x0  }
0x165: {  	[sflag:s18] =	ssyncadd.s32 $0xFFFFF800  }
0x166: {  	_ =	swait.ge [sflag:s18], $0x800  }
0x167: {  	[sflag:s18] =	ssyncset.done $0x0  }
0x168: {  	[sflag:s18] =	ssyncadd.s32 $0xFFFFF800  }
0x169: {  	_ =	swait.ge [sflag:s18], $0x800  }
0x16a: {  	[sflag:s18] =	ssyncset.done $0x0  }
0x16b: {  	[sflag:s18] =	ssyncadd.s32 $0xFFFFF800  }
0x16c: {  	_ =	swait.ge [sflag:s18], $0x400  }
0x16d: {  	s26 =	rddreg [dreg:$0x5];
	[sflag:s18] =	ssyncset.done $0x0  }
0x16e: {  	[sflag:s18] =	ssyncadd.s32 $0xFFFFFC00;
	s0 =	sadd.s32 s5, s26  }
0x16f: {  	[hbm4b:s0+s2] =	stream.linear.scatter [tilespmem:s23], [sflag:$0x7], $0x6400, $0x38;
	[tilespmem:$0x1A900] =	vst v63  }
0x170: {  	s0 =	simm.s32 @!p0 $0x6  }
0x171: {  	_ =	swait.ge @!p0 [sflag:s0], $0x6400  }
0x172: {  	[sflag:s0] =	ssyncset.done @!p0 $0x0  }
0x173: {  	[sflag:s0] =	ssyncadd.s32 @!p0 $0xFFFF9C00;
	s0 =	simm.s32 @!p0 $0x640  }
0x174: {  	[tilespmem:s0], [sflag:$0x2] =	stream.linear.gather @!p0 [hbm4b:s10+s7], $0x640, $0x38;
	[tilespmem:$0x1A900] =	vst v63  }
0x175: {  	_ =	swait.ge [sflag:s24], $0x640  }
0x176: {  	s1 =	sld [smem:$0x7DF]  }
0x177: {  	[sflag:s24] =	ssyncset.done $0x0;
	s6 =	sld [smem:$0x7E0]  }
0x178: {  	s7 =	sld [smem:$0x7E3];
	[sflag:s24] =	ssyncadd.s32 $0xFFFFF9C0  }
0x179: {  	[tilespmem:s25], [sflag:$0x9] =	stream.indirect.gather [hbm4b:s4+s15], $0x10, s19, s15, $0xb8;
	[tilespmem:$0x1A900] =	vst v63  }
0x17a: {  	s26 =	sld [smem:$0x7E5]  }
0x17b: {  	[tilespmem:s6], [sflag:$0x9] =	stream.indirect.gather [hbm4b:s4+s15], $0x10, s1, s15, $0xb8;
	[tilespmem:$0x1A900] =	vst v63  }
0x17c: {  	s1 =	sld [smem:$0x7E6]  }
0x17d: {  	s6 =	sld [smem:$0x7E8]  }
0x17e: {  	[tilespmem:s26], [sflag:$0x9] =	stream.indirect.gather [hbm4b:s4+s15], $0x10, s7, s15, $0xb8;
	[tilespmem:$0x1A900] =	vst v63  }
0x17f: {  	s7 =	sld [smem:$0x7EA]  }
0x180: {  	s26 =	sld [smem:$0x7EB]  }
0x181: {  	[tilespmem:s6], [sflag:$0x9] =	stream.indirect.gather [hbm4b:s4+s15], $0x10, s1, s15, $0xb8;
	[tilespmem:$0x1A900] =	vst v63  }
0x182: {  	s1 =	sld [smem:$0x7EC]  }
0x183: {  	s6 =	sld [smem:$0x7EE]  }
0x184: {  	[tilespmem:s26], [sflag:$0x9] =	stream.indirect.gather [hbm4b:s4+s15], $0x10, s7, s15, $0xb8;
	[tilespmem:$0x1A900] =	vst v63  }
0x185: {  	s7 =	sld [smem:$0x7EF]  }
0x186: {  	s26 =	sld [smem:$0x7F1]  }
0x187: {  	[tilespmem:s6], [sflag:$0x9] =	stream.indirect.gather [hbm4b:s4+s15], $0x10, s1, s15, $0xb8;
	[tilespmem:$0x1A900] =	vst v63  }
0x188: {  	s1 =	sld [smem:$0x7F2]  }
0x189: {  	s6 =	sld [smem:$0x7F3]  }
0x18a: {  	[tilespmem:s26], [sflag:$0x9] =	stream.indirect.gather [hbm4b:s4+s15], $0x10, s7, s15, $0xb8;
	[tilespmem:$0x1A900] =	vst v63  }
0x18b: {  	s7 =	sld [smem:$0x7F4]  }
0x18c: {  	s26 =	sld [smem:$0x7F5]  }
0x18d: {  	[tilespmem:s6], [sflag:$0x9] =	stream.indirect.gather [hbm4b:s4+s15], $0x10, s1, s15, $0xb8;
	[tilespmem:$0x1A900] =	vst v63  }
0x18e: {  	s1 =	sld [smem:$0x7F6]  }
0x18f: {  	s6 =	sld [smem:$0x7F7]  }
0x190: {  	[tilespmem:s26], [sflag:$0x9] =	stream.indirect.gather [hbm4b:s4+s15], $0x10, s7, s15, $0xb8;
	[tilespmem:$0x1A900] =	vst v63  }
0x191: {  	s7 =	sld [smem:$0x7F8]  }
0x192: {  	s26 =	sld [smem:$0x7F9]  }
0x193: {  	[tilespmem:s6], [sflag:$0x9] =	stream.indirect.gather [hbm4b:s4+s15], $0x10, s1, s15, $0xb8;
	[tilespmem:$0x1A900] =	vst v63  }
0x194: {  	s1 =	sld [smem:$0x7FA]  }
0x195: {  	s6 =	sld [smem:$0x7FB]  }
0x196: {  	[tilespmem:s26], [sflag:$0x9] =	stream.indirect.gather [hbm4b:s4+s15], $0x10, s7, s15, $0xb8;
	[tilespmem:$0x1A900] =	vst v63  }
0x197: {  	s7 =	sld [smem:$0x7FC]  }
0x198: {  	s26 =	sld [smem:$0x7FD]  }
0x199: {  	[tilespmem:s6], [sflag:$0x9] =	stream.indirect.gather [hbm4b:s4+s15], $0x10, s1, s15, $0xb8;
	[tilespmem:$0x1A900] =	vst v63  }
0x19a: {  	_ = 	snop  }
0x19b: {  	[tilespmem:s26], [sflag:$0x9] =	stream.indirect.gather [hbm4b:s4+s17], $0x10, s7, s17, $0xb8;
	[tilespmem:$0x1A900] =	vst v63  }
0x19c: {  	_ =	swait.ge [sflag:s18], $0x800  }
0x19d: {  	[sflag:s18] =	ssyncset.done $0x0  }
0x19e: {  	[sflag:s18] =	ssyncadd.s32 $0xFFFFF800  }
0x19f: {  	_ =	swait.ge [sflag:s18], $0x800  }
0x1a0: {  	[sflag:s18] =	ssyncset.done $0x0  }
0x1a1: {  	[sflag:s18] =	ssyncadd.s32 $0xFFFFF800  }
0x1a2: {  	_ =	swait.ge [sflag:s18], $0x800  }
0x1a3: {  	[sflag:s18] =	ssyncset.done $0x0  }
0x1a4: {  	[sflag:s18] =	ssyncadd.s32 $0xFFFFF800  }
0x1a5: {  	_ =	swait.ge [sflag:s18], $0x800  }
0x1a6: {  	[sflag:s18] =	ssyncset.done $0x0  }
0x1a7: {  	[sflag:s18] =	ssyncadd.s32 $0xFFFFF800  }
0x1a8: {  	_ =	swait.ge [sflag:s18], $0x800  }
0x1a9: {  	[sflag:s18] =	ssyncset.done $0x0  }
0x1aa: {  	[sflag:s18] =	ssyncadd.s32 $0xFFFFF800  }
0x1ab: {  	_ =	swait.ge [sflag:s18], $0x800  }
0x1ac: {  	[sflag:s18] =	ssyncset.done $0x0  }
0x1ad: {  	[sflag:s18] =	ssyncadd.s32 $0xFFFFF800  }
0x1ae: {  	_ =	swait.ge [sflag:s18], $0x800  }
0x1af: {  	[sflag:s18] =	ssyncset.done $0x0  }
0x1b0: {  	[sflag:s18] =	ssyncadd.s32 $0xFFFFF800  }
0x1b1: {  	_ =	swait.ge [sflag:s18], $0x800  }
0x1b2: {  	[sflag:s18] =	ssyncset.done $0x0  }
0x1b3: {  	[sflag:s18] =	ssyncadd.s32 $0xFFFFF800  }
0x1b4: {  	_ =	swait.ge [sflag:s18], $0x800  }
0x1b5: {  	[sflag:s18] =	ssyncset.done $0x0  }
0x1b6: {  	[sflag:s18] =	ssyncadd.s32 $0xFFFFF800  }
0x1b7: {  	_ =	swait.ge [sflag:s18], $0x800  }
0x1b8: {  	[sflag:s18] =	ssyncset.done $0x0  }
0x1b9: {  	[sflag:s18] =	ssyncadd.s32 $0xFFFFF800  }
0x1ba: {  	_ =	swait.ge [sflag:s18], $0x800  }
0x1bb: {  	[sflag:s18] =	ssyncset.done $0x0  }
0x1bc: {  	[sflag:s18] =	ssyncadd.s32 $0xFFFFF800  }
0x1bd: {  	_ =	swait.ge [sflag:s18], $0x800  }
0x1be: {  	[sflag:s18] =	ssyncset.done $0x0  }
0x1bf: {  	[sflag:s18] =	ssyncadd.s32 $0xFFFFF800  }
0x1c0: {  	_ =	swait.ge [sflag:s18], $0x400  }
0x1c1: {  	s26 =	rddreg [dreg:$0x2]  }
0x1c2: {  	s0 =	sadd.s32 s5, s26;
	s5 =	sadd.s32 $0x3200, s5  }
0x1c3: {  	p0 =	sne.s32 s5, $0x19000  }
.Ltmp0:
0x1c4: {  	_ = 	snop;
	(pc) =	sbr.rel @p0 .LBB2_2-.Ltmp0, $4  }
0x1c5: {  	_ = 	snop  }
0x1c6: {  	s11 =	sadd.s32 $0x320, s11;
	s8 =	sadd.s32 $0x320, s8;
	[sflag:s18] =	ssyncset.done $0x0  }
0x1c7: {  	s9 =	sadd.s32 $0x1900, s9;
	s10 =	sadd.s32 $0x320, s10;
	[sflag:s18] =	ssyncadd.s32 $0xFFFFFC00  }
0x1c8: {  	[hbm4b:s0+s2] =	stream.linear.scatter [tilespmem:s25], [sflag:$0x8], $0x6400, $0x38;
	[tilespmem:$0x1A900] =	vst v63  }
0x1c9: {  	s0 =	simm.s32 $0x5  }
0x1ca: {  	_ =	swait.ge [sflag:s0], $0x6400  }
0x1cb: {  	[sflag:s0] =	ssyncset.done $0x0  }
0x1cc: {  	[sflag:s0] =	ssyncadd.s32 $0xFFFF9C00  }
0x1cd: {  	_ =	swait.ge [sflag:s28], $0x6400  }
0x1ce: {  	[sflag:s28] =	ssyncset.done $0x0  }
0x1cf: {  	[sflag:s28] =	ssyncadd.s32 $0xFFFF9C00  }
0x1d0: {  	_ =	swait.ge [sflag:s29], $0x6400  }
0x1d1: {  	[sflag:s29] =	ssyncset.done $0x0  }
0x1d2: {  	[sflag:s29] =	ssyncadd.s32 $0xFFFF9C00  }
0x1d3: {  	_ =	swait.ge [sflag:s30], $0x6400  }
0x1d4: {  	s26 =	sld [smem:$0x7E4];
	_ =	sdelay $0x1  }
0x1d5: {  	s31 =	sadd.s32 $0x1, s31  }
0x1d6: {  	p0 =	sne.s32 s31, s26  }
.Ltmp1:
0x1d7: {  	_ = 	snop;
	(pc) =	sbr.rel @p0 .LBB2_1-.Ltmp1, $3  }
0x1d8: {  	_ =	sdelay $0x1  }
0x1d9: {  	[sflag:s30] =	ssyncset.done $0x0  }
0x1da: {  	[sflag:s30] =	ssyncadd.s32 $0xFFFF9C00  }
0x1db: {  	_ =	sfence.sel $0x180000  }
0x1dc: {  	[bflag:$0x0] =	sbarrier.arrive $0xFFFF  }
0x1dd: {  	_ =	strace $0x90000047  }
0x1de: {  	s0 =	stileid.u32;
	[bflag:$0x2] =	sbarrier.arrive $0xFFFF  }
0x1df: {  	p0 =	sne.s32 s0, $0x0;
	s0 =	rddreg [dreg:$0x1]  }
0x1e0: {  	s0 =	sadd.s32 @!p0 $0x100000, s0  }
0x1e1: {  	[sflag:s0] =	ssyncadd.tile.s32 @!p0 $0x1;
	_ =	shalt  }
.Lfunc_end2:
_tile_overlayer_lowered:
.L_overlay_start_2:
0x1e2: {  	(tag) =	ssettag $0x2  }
0x1e3: {  	s0 =	rddreg [dreg:$0x0];
	s2 =	stileid.u32  }
0x1e4: {  	s1 =	rddreg [dreg:$0x1];
	p0 =	sne.s32 s2, $0x0  }
0x1e5: {  	s3 =	rddreg [dreg:$0x2];
	[bflag:$0x3] =	sbarrier.arrive $0xFFFF;
	s2 =	simm.s32 @!p0 $0x1C0A  }
0x1e6: {  	[timem:s3], [sflag:s2] =	dma.local @!p0 [hbm:s0], s1  }
0x1e7: {  	s0 =	simm.s32 @!p0 $0xA  }
0x1e8: {  	_ =	swait.ge @!p0 [sflag:s0], s1  }
0x1e9: {  	s1 =	ssub.s32 @!p0 $0x0, s1;
	[sflag:s0] =	ssyncset.done @!p0 $0x0  }
0x1ea: {  	[sflag:s0] =	ssyncadd.s32 @!p0 s1  }
0x1eb: {  	[bflag:$0x3] =	sbarrier.arrive $0xFFFF  }
0x1ec: {  	_ =	shalt  }

</sc_bundles>
